<compile_context>
chip_gen: v7x
topology: tpu7x:2x2x1
jax: 0.10.2.dev20260603
libtpu: 0.0.44.dev20260713+nightly
codegen_flags: <defaults>
</compile_context>

<pallas_src>
import dataclasses

import jax
import jax.numpy as jnp
from jax import lax
from jax.experimental import pallas as pl
from jax.experimental.pallas import tpu as pltpu
from jax.experimental.pallas import tpu_sc as plsc

N = 10000
E = 160000
D = 384
H = 2
DH = D // H
FF = 2 * D
QW = DH + 16
AW = 16

R = 400
NB = N // R

NSUB = 16
B = 48
EPT = E // NSUB
EPTP = 10032
PAD = EPTP - EPT
NBATCH = EPTP // B
NROW = N + 16
ZR = 16
NZCHUNK = NROW // ZR
NCCHUNK = N // ZR

_HIGH = lax.Precision.HIGHEST


def _dot3(a, b):
    f = jnp.float32
    ah = a.astype(jnp.bfloat16)
    al = (a - ah.astype(f)).astype(jnp.bfloat16)
    bh = b.astype(jnp.bfloat16)
    bl = (b - bh.astype(f)).astype(jnp.bfloat16)
    return (jnp.dot(ah, bh, preferred_element_type=f)
            + (jnp.dot(ah, bl, preferred_element_type=f)
               + jnp.dot(al, bh, preferred_element_type=f)))


def _qkv_body(emb, wq, bq, wk, bk, wv, bv, we, be, q_ref, k_ref, v_ref):
    x = emb[...]
    q = _dot3(x, wq[...]) + bq[...]
    k = _dot3(x, wk[...]) + bk[...]
    v = _dot3(x, wv[...]) + bv[...]
    wer = we[...]
    ber = be[...]
    for h in range(H):
        sl = slice(h * DH, (h + 1) * DH)
        qh = q[:, sl]
        qwe = jnp.sum(qh * wer[:, sl], axis=1, keepdims=True)
        qbe = jnp.sum(qh * ber[:, sl], axis=1, keepdims=True)
        pad = jnp.zeros((qh.shape[0], QW - DH - 2), jnp.float32)
        q_ref[h] = jnp.concatenate([qh, qwe, qbe, pad], axis=1)
        k_ref[h] = k[:, sl]
        v_ref[h] = v[:, sl].astype(jnp.bfloat16)


def _qkv(embeddings, WQ, bq, WK, bk, WV, bv, WE, be):
    full = lambda shape: pl.BlockSpec(shape, lambda i: (0,) * len(shape))
    return pl.pallas_call(
        _qkv_body,
        grid=(NB,),
        in_specs=[
            pl.BlockSpec((R, D), lambda i: (i, 0)),
            full((D, D)), full((1, D)),
            full((D, D)), full((1, D)),
            full((D, D)), full((1, D)),
            full((1, D)), full((1, D)),
        ],
        out_specs=[
            pl.BlockSpec((H, R, QW), lambda i: (0, i, 0)),
            pl.BlockSpec((H, R, DH), lambda i: (0, i, 0)),
            pl.BlockSpec((H, R, DH), lambda i: (0, i, 0)),
        ],
        out_shape=[
            jax.ShapeDtypeStruct((H, N, QW), jnp.float32),
            jax.ShapeDtypeStruct((H, N, DH), jnp.float32),
            jax.ShapeDtypeStruct((H, N, DH), jnp.bfloat16),
        ],
    )(embeddings, WQ, bq.reshape(1, D), WK, bk.reshape(1, D),
      WV, bv.reshape(1, D), WE, be.reshape(1, D))


def _edge_body(qtab, ktab, vtab, edges_hbm,
               numer_hbm, aux_hbm,
               ib0, ib1, dst0, dst1, srcq0, srcq1, dstq0, dstq1,
               ea0, ea1, qb0, qb1, kb0, kb1, vb0, vb1, ab0, ab1,
               dots, ex_v, zn, za, num_sh, aux_sh,
               gs0, gs1, is0, is1, ss0, ss1):
    c = lax.axis_index("c")
    s = lax.axis_index("s")
    zero16 = jnp.zeros((16,), jnp.float32)
    iota16 = lax.iota(jnp.int32, 16)
    zero32b = jnp.zeros((32,), jnp.bfloat16)
    inv = jnp.float32(1.0 / (DH ** 0.5))
    c_off = c * N
    base_b = s * NBATCH

    S0 = (ib0, dst0, srcq0, dstq0, qb0, kb0, vb0, ab0, gs0, is0, ss0, ea0)
    S1 = (ib1, dst1, srcq1, dstq1, qb1, kb1, vb1, ab1, gs1, is1, ss1, ea1)

    @pl.loop(0, ZR)
    def _zn_loop(i):
        for t in range(DH // 32):
            zn[i, pl.ds(t * 32, 32)] = zero32b
        za[i, pl.ds(0, 16)] = zero16

    @pl.loop(0, B)
    def _zb_loop(i):
        ab0[i, pl.ds(0, 16)] = zero16
        ab1[i, pl.ds(0, 16)] = zero16
        for t in range(DH // 32):
            vb1[i, pl.ds(t * 32, 32)] = zero32b

    for g in range(B // 16):
        dst1[pl.ds(g * 16, 16)] = jnp.zeros((16,), jnp.int32)

    @pl.loop(0, (NZCHUNK + NSUB - 1) // NSUB)
    def _zfill(i):
        ck = i * NSUB + s

        @pl.when(ck < NZCHUNK)
        def _():
            pltpu.sync_copy(zn, num_sh.at[pl.ds(ck * ZR, ZR)])
            pltpu.sync_copy(za, aux_sh.at[pl.ds(ck * ZR, ZR)])

    def fire_idx(b, S):
        ib, isem = S[0], S[9]
        pltpu.async_copy(
            edges_hbm.at[pl.ds((base_b + b) * (3 * B), 3 * B)], ib, isem)

    def wait_idx(S):
        ib, isem = S[0], S[9]
        pltpu.make_async_copy(edges_hbm.at[pl.ds(0, 3 * B)], ib, isem).wait()

    def unpack_idx(S):
        ib, dst_v, srcq, dstq, ea_v = S[0], S[1], S[2], S[3], S[11]
        nclamp = jnp.full((16,), N - 1, jnp.int32)
        for g in range(B // 16):
            sl = pl.ds(g * 16, 16)
            srcq[sl] = ib[pl.ds(g * 16, 16)] + c_off
            d = ib[pl.ds(B + g * 16, 16)]
            dst_v[sl] = d
            dstq[sl] = jnp.minimum(d, nclamp) + c_off
            ea_v[sl] = plsc.bitcast(ib[pl.ds(2 * B + g * 16, 16)],
                                    jnp.float32)

    def fire_gathers(S):
        srcq, dstq, qb, kb, vb, gsem = S[2], S[3], S[4], S[5], S[6], S[8]
        pltpu.async_copy(qtab.at[dstq], qb, gsem)
        pltpu.async_copy(ktab.at[srcq], kb, gsem)
        pltpu.async_copy(vtab.at[srcq], vb, gsem)

    def wait_gathers(S):
        qb, kb, vb, gsem = S[4], S[5], S[6], S[8]
        pltpu.make_async_copy(qtab.at[pl.ds(0, B)], qb, gsem).wait()
        pltpu.make_async_copy(ktab.at[pl.ds(0, B)], kb, gsem).wait()
        pltpu.make_async_copy(vtab.at[pl.ds(0, B)], vb, gsem).wait()

    def fire_scatter(S):
        dst_v, vb, ab, ssem = S[1], S[6], S[7], S[10]
        pltpu.async_copy(vb, num_sh.at[dst_v], ssem, add=True)
        pltpu.async_copy(ab, aux_sh.at[dst_v], ssem, add=True)

    def drain_scatter(S):
        vb, ab, ssem = S[6], S[7], S[10]
        pltpu.make_async_copy(numer_hbm.at[pl.ds(0, B)], vb, ssem).wait()
        pltpu.make_async_copy(aux_hbm.at[pl.ds(0, B)], ab, ssem).wait()

    def compute(S):
        qb, kb, vb, ab, ea_v = S[4], S[5], S[6], S[7], S[11]

        @plsc.parallel_loop(0, B, unroll=2)
        def _dots(row):
            acc = qb[row, pl.ds(0, 16)] * kb[row, pl.ds(0, 16)]
            for t in range(1, DH // 16):
                acc = acc + (qb[row, pl.ds(t * 16, 16)]
                             * kb[row, pl.ds(t * 16, 16)])
            dots[row, pl.ds(0, 16)] = acc

        @plsc.parallel_loop(0, B // 16)
        def _softmax(g):
            gb = g * 16
            grows = iota16 + gb
            zi = jnp.zeros((16,), jnp.int32)
            tot = plsc.load_gather(dots, [grows, zi])
            for dcol in range(1, 16):
                tot = tot + plsc.load_gather(
                    dots, [grows, jnp.full((16,), dcol, jnp.int32)])
            qwe = plsc.load_gather(qb, [grows, jnp.full((16,), DH, jnp.int32)])
            qbe = plsc.load_gather(qb, [grows,
                                        jnp.full((16,), DH + 1, jnp.int32)])
            eag = ea_v[pl.ds(gb, 16)]
            ex = jnp.exp((tot + eag * qwe + qbe) * inv)
            ex_v[pl.ds(gb, 16)] = ex
            plsc.store_scatter(ab, [grows, zi], ex)
            plsc.store_scatter(ab, [grows, jnp.full((16,), 1, jnp.int32)],
                               ex * eag)

        @plsc.parallel_loop(0, B, unroll=2)
        def _scale(row):
            exb = plsc.load_gather(ex_v, [jnp.zeros((16,), jnp.int32) + row])
            for t in range(DH // 32):
                va, vb_ = plsc.unpack(vb[row, pl.ds(t * 32, 32)],
                                      format=plsc.PackFormat.INTERLEAVED)
                vb[row, pl.ds(t * 32, 32)] = plsc.pack(
                    va * exb, vb_ * exb, format=plsc.PackFormat.INTERLEAVED)

    fire_idx(0, S0)
    wait_idx(S0)
    unpack_idx(S0)
    fire_gathers(S0)
    fire_idx(1, S1)
    fire_scatter(S1)

    plsc.subcore_barrier()

    def stage(b, cur, nxt):
        @pl.when(b + 1 < NBATCH)
        def _():
            wait_idx(nxt)
            drain_scatter(nxt)
            unpack_idx(nxt)
            fire_gathers(nxt)

        @pl.when(b + 2 < NBATCH)
        def _():
            fire_idx(b + 2, cur)

        wait_gathers(cur)
        compute(cur)
        fire_scatter(cur)

    stage(0, S0, S1)

    @pl.loop(0, (NBATCH - 1) // 2)
    def _main(i):
        b = 2 * i + 1
        stage(b, S1, S0)
        stage(b + 1, S0, S1)

    drain_scatter(S0)
    drain_scatter(S1)

    plsc.subcore_barrier()

    @pl.loop(0, (NCCHUNK + NSUB - 1) // NSUB)
    def _copyout(i):
        ck = i * NSUB + s

        @pl.when(ck < NCCHUNK)
        def _():
            pltpu.sync_copy(num_sh.at[pl.ds(ck * ZR, ZR)],
                            numer_hbm.at[pl.ds(c_off + ck * ZR, ZR)])
            pltpu.sync_copy(aux_sh.at[pl.ds(ck * ZR, ZR)],
                            aux_hbm.at[pl.ds(c_off + ck * ZR, ZR)])


def _edge(qtab, ktab, vtab, edges):
    mesh = plsc.VectorSubcoreMesh(core_axis_name="c", subcore_axis_name="s",
                                  num_cores=H, num_subcores=NSUB)
    cp = pltpu.CompilerParams()
    if "needs_layout_passes" in pltpu.CompilerParams.__dataclass_fields__:
        cp = dataclasses.replace(cp, needs_layout_passes=False)
    if "use_tc_tiling_on_sc" in pltpu.CompilerParams.__dataclass_fields__:
        cp = dataclasses.replace(cp, use_tc_tiling_on_sc=False)
    kern = pl.kernel(
        _edge_body,
        mesh=mesh,
        out_type=[
            jax.ShapeDtypeStruct((H * N, DH), jnp.bfloat16),
            jax.ShapeDtypeStruct((H * N, AW), jnp.float32),
        ],
        scratch_types=[
            pltpu.VMEM((3 * B,), jnp.int32),
            pltpu.VMEM((3 * B,), jnp.int32),
            pltpu.VMEM((B,), jnp.int32),
            pltpu.VMEM((B,), jnp.int32),
            pltpu.VMEM((B,), jnp.int32),
            pltpu.VMEM((B,), jnp.int32),
            pltpu.VMEM((B,), jnp.int32),
            pltpu.VMEM((B,), jnp.int32),
            pltpu.VMEM((B,), jnp.float32),
            pltpu.VMEM((B,), jnp.float32),
            pltpu.VMEM((B, QW), jnp.float32),
            pltpu.VMEM((B, QW), jnp.float32),
            pltpu.VMEM((B, DH), jnp.float32),
            pltpu.VMEM((B, DH), jnp.float32),
            pltpu.VMEM((B, DH), jnp.bfloat16),
            pltpu.VMEM((B, DH), jnp.bfloat16),
            pltpu.VMEM((B, AW), jnp.float32),
            pltpu.VMEM((B, AW), jnp.float32),
            pltpu.VMEM((B, 16), jnp.float32),
            pltpu.VMEM((B,), jnp.float32),
            pltpu.VMEM((ZR, DH), jnp.bfloat16),
            pltpu.VMEM((ZR, AW), jnp.float32),
            pltpu.VMEM_SHARED((NROW, DH), jnp.bfloat16),
            pltpu.VMEM_SHARED((NROW, AW), jnp.float32),
            pltpu.SemaphoreType.DMA,
            pltpu.SemaphoreType.DMA,
            pltpu.SemaphoreType.DMA,
            pltpu.SemaphoreType.DMA,
            pltpu.SemaphoreType.DMA,
            pltpu.SemaphoreType.DMA,
        ],
        compiler_params=cp,
    )
    return kern(qtab, ktab, vtab, edges)


def _ln(x, g, b):
    m = jnp.mean(x, axis=-1, keepdims=True)
    v = jnp.mean((x - m) ** 2, axis=-1, keepdims=True)
    return g * (x - m) / jnp.sqrt(v + 1e-5) + b


def _epi_body(num, aux, emb, we, be, wo, bo, g1, b1n, w1, bf1, w2, bf2,
              g2, b2n, out):
    wer = we[...]
    ber = be[...]
    parts = []
    for h in range(H):
        sl = slice(h * DH, (h + 1) * DH)
        denom = aux[h][:, 0:1]
        eacc = aux[h][:, 1:2]
        parts.append((num[h].astype(jnp.float32) + eacc * wer[:, sl]
                      + denom * ber[:, sl]) / (denom + 1e-16))
    agg = jnp.concatenate(parts, axis=1)
    hcur = emb[...] + _dot3(agg, wo[...]) + bo[...]
    hcur = _ln(hcur, g1[...], b1n[...])
    h2 = _dot3(jax.nn.relu(_dot3(hcur, w1[...]) + bf1[...]),
               w2[...]) + bf2[...]
    out[...] = _ln(hcur + h2, g2[...], b2n[...])


def _epilogue(numer, aux, embeddings, WE, be, WO, bo, ln1_g, ln1_b,
              W1, b1, W2, b2, ln2_g, ln2_b):
    full = lambda shape: pl.BlockSpec(shape, lambda i: (0,) * len(shape))
    return pl.pallas_call(
        _epi_body,
        grid=(NB,),
        in_specs=[
            pl.BlockSpec((H, R, DH), lambda i: (0, i, 0)),
            pl.BlockSpec((H, R, AW), lambda i: (0, i, 0)),
            pl.BlockSpec((R, D), lambda i: (i, 0)),
            full((1, D)), full((1, D)),
            full((D, D)), full((1, D)),
            full((1, D)), full((1, D)),
            full((D, FF)), full((1, FF)),
            full((FF, D)), full((1, D)),
            full((1, D)), full((1, D)),
        ],
        out_specs=pl.BlockSpec((R, D), lambda i: (i, 0)),
        out_shape=jax.ShapeDtypeStruct((N, D), jnp.float32),
    )(numer, aux, embeddings, WE, be.reshape(1, D), WO, bo.reshape(1, D),
      ln1_g.reshape(1, D), ln1_b.reshape(1, D), W1, b1.reshape(1, FF),
      W2, b2.reshape(1, D), ln2_g.reshape(1, D), ln2_b.reshape(1, D))


def kernel(embeddings, edge_index, edge_attr, WQ, bq, WK, bk, WV, bv,
           WE, be, WO, bo, ln1_g, ln1_b, W1, b1, W2, b2, ln2_g, ln2_b):
    qtab, ktab, vtab = _qkv(embeddings, WQ, bq, WK, bk, WV, bv, WE, be)

    src_t = edge_index[0].reshape(NSUB, EPT)
    dst_t = edge_index[1].reshape(NSUB, EPT)
    ea_bits = lax.bitcast_convert_type(
        edge_attr.reshape(E), jnp.int32).reshape(NSUB, EPT)
    src_p = jnp.pad(src_t, ((0, 0), (0, PAD)))
    dst_p = jnp.pad(dst_t, ((0, 0), (0, PAD)), constant_values=N)
    ea_p = jnp.pad(ea_bits, ((0, 0), (0, PAD)))
    edges = jnp.stack([src_p, dst_p, ea_p], axis=1)
    edges = (edges.reshape(NSUB, 3, NBATCH, B)
             .transpose(0, 2, 1, 3).reshape(NSUB * NBATCH * 3 * B))

    numer, aux = _edge(qtab.reshape(H * N, QW), ktab.reshape(H * N, DH),
                       vtab.reshape(H * N, DH), edges)
    return _epilogue(numer.reshape(H, N, DH), aux.reshape(H, N, AW),
                     embeddings, WE, be, WO, bo, ln1_g, ln1_b,
                     W1, b1, W2, b2, ln2_g, ln2_b)

# --- scband reference (transcript-rebuilt; emitter-appended) ---
"""Pipeline reference for scband-custom-gnn-3831110828329 (READ-ONLY COPY).

The authoritative reference and input builder live on the scoring server;
editing this copy changes nothing except your own understanding.
"""

import jax, jax.numpy as jnp
import numpy as np

N = 10000
E = 160000
D = 384
H = 2
DH = D // H
FF = 2 * D


def _layer_norm(x, g, b):
    m = jnp.mean(x, axis=-1, keepdims=True)
    v = jnp.mean((x - m) ** 2, axis=-1, keepdims=True)
    return g * (x - m) / jnp.sqrt(v + 1e-5) + b


def setup_inputs(seed: int = 0) -> dict:
    key = jax.random.key(seed)
    ks = jax.random.split(key, 24)
    inp = {}
    inp["embeddings"] = jax.random.normal(ks[0], (N, D), dtype=jnp.float32)
    inp["edge_index"] = jax.random.randint(ks[1], (2, E), 0, N, dtype=jnp.int32)
    inp["edge_attr"] = 0.1 * jax.random.normal(ks[2], (E, 1), dtype=jnp.float32)
    s = 1.0 / np.sqrt(D)
    inp["WQ"] = s * jax.random.normal(ks[3], (D, D), dtype=jnp.float32)
    inp["bq"] = jnp.zeros((D,), dtype=jnp.float32)
    inp["WK"] = s * jax.random.normal(ks[4], (D, D), dtype=jnp.float32)
    inp["bk"] = jnp.zeros((D,), dtype=jnp.float32)
    inp["WV"] = s * jax.random.normal(ks[5], (D, D), dtype=jnp.float32)
    inp["bv"] = jnp.zeros((D,), dtype=jnp.float32)
    inp["WE"] = jax.random.normal(ks[6], (1, D), dtype=jnp.float32)
    inp["be"] = jnp.zeros((D,), dtype=jnp.float32)
    inp["WO"] = s * jax.random.normal(ks[7], (D, D), dtype=jnp.float32)
    inp["bo"] = jnp.zeros((D,), dtype=jnp.float32)
    inp["ln1_g"] = jnp.ones((D,), dtype=jnp.float32)
    inp["ln1_b"] = jnp.zeros((D,), dtype=jnp.float32)
    inp["W1"] = s * jax.random.normal(ks[8], (D, FF), dtype=jnp.float32)
    inp["b1"] = jnp.zeros((FF,), dtype=jnp.float32)
    inp["W2"] = (1.0 / np.sqrt(FF)) * jax.random.normal(ks[9], (FF, D), dtype=jnp.float32)
    inp["b2"] = jnp.zeros((D,), dtype=jnp.float32)
    inp["ln2_g"] = jnp.ones((D,), dtype=jnp.float32)
    inp["ln2_b"] = jnp.zeros((D,), dtype=jnp.float32)
    return inp


def reference(embeddings, edge_index, edge_attr, WQ, bq, WK, bk, WV, bv, WE, be, WO, bo,
              ln1_g, ln1_b, W1, b1, W2, b2, ln2_g, ln2_b):
    src = edge_index[0]
    dst = edge_index[1]
    q = (embeddings @ WQ + bq).reshape(N, H, DH)
    k = (embeddings @ WK + bk).reshape(N, H, DH)
    v = (embeddings @ WV + bv).reshape(N, H, DH)
    e = (edge_attr @ WE + be).reshape(E, H, DH)
    k_e = k[src] + e
    v_e = v[src] + e
    scores = jnp.sum(q[dst] * k_e, axis=-1) / jnp.sqrt(jnp.float32(DH))  # [E, H]
    m = jax.ops.segment_max(scores, dst, num_segments=N)
    m = jnp.where(jnp.isfinite(m), m, 0.0)
    ex = jnp.exp(scores - m[dst])
    denom = jax.ops.segment_sum(ex, dst, num_segments=N)
    alpha = ex / (denom[dst] + 1e-16)  # [E, H]
    agg = jax.ops.segment_sum(alpha[..., None] * v_e, dst, num_segments=N)  # [N, H, DH]
    agg = agg.reshape(N, D)
    h = embeddings + (agg @ WO + bo)
    h = _layer_norm(h, ln1_g, ln1_b)
    h2 = jax.nn.relu(h @ W1 + b1) @ W2 + b2
    out = _layer_norm(h + h2, ln2_g, ln2_b)
    return out

if __name__ == "__main__":
    import jax
    _d = setup_inputs()
    print(jax.jit(kernel)(*tuple(_d.values())))

</pallas_src>

<mosaic_0001>
#map = affine_map<(d0, d1) -> (0, 0)>
#map1 = affine_map<(d0, d1) -> (0)>
module attributes {stable_mosaic.version = 14 : i64} {
  func.func @_edge_body(%arg0: i32, %arg1: i32, %arg2: memref<20000x208xf32, #tpu.memory_space<hbm>>, %arg3: memref<20000x192xf32, #tpu.memory_space<hbm>>, %arg4: memref<20000x192xbf16, #tpu.memory_space<hbm>>, %arg5: memref<481536xi32, #tpu.memory_space<hbm>>, %arg6: memref<20000x192xbf16, #tpu.memory_space<hbm>>, %arg7: memref<20000x16xf32, #tpu.memory_space<hbm>>, %arg8: memref<144xi32, #tpu.memory_space<vmem>>, %arg9: memref<144xi32, #tpu.memory_space<vmem>>, %arg10: memref<48xi32, #tpu.memory_space<vmem>>, %arg11: memref<48xi32, #tpu.memory_space<vmem>>, %arg12: memref<48xi32, #tpu.memory_space<vmem>>, %arg13: memref<48xi32, #tpu.memory_space<vmem>>, %arg14: memref<48xi32, #tpu.memory_space<vmem>>, %arg15: memref<48xi32, #tpu.memory_space<vmem>>, %arg16: memref<48xf32, #tpu.memory_space<vmem>>, %arg17: memref<48xf32, #tpu.memory_space<vmem>>, %arg18: memref<48x208xf32, #tpu.memory_space<vmem>>, %arg19: memref<48x208xf32, #tpu.memory_space<vmem>>, %arg20: memref<48x192xf32, #tpu.memory_space<vmem>>, %arg21: memref<48x192xf32, #tpu.memory_space<vmem>>, %arg22: memref<48x192xbf16, #tpu.memory_space<vmem>>, %arg23: memref<48x192xbf16, #tpu.memory_space<vmem>>, %arg24: memref<48x16xf32, #tpu.memory_space<vmem>>, %arg25: memref<48x16xf32, #tpu.memory_space<vmem>>, %arg26: memref<48x16xf32, #tpu.memory_space<vmem>>, %arg27: memref<48xf32, #tpu.memory_space<vmem>>, %arg28: memref<16x192xbf16, #tpu.memory_space<vmem>>, %arg29: memref<16x16xf32, #tpu.memory_space<vmem>>, %arg30: memref<10016x192xbf16, #tpu.memory_space<vmem_shared>>, %arg31: memref<10016x16xf32, #tpu.memory_space<vmem_shared>>, %arg32: memref<!tpu.dma_semaphore, #tpu.memory_space<semaphore_mem>>, %arg33: memref<!tpu.dma_semaphore, #tpu.memory_space<semaphore_mem>>, %arg34: memref<!tpu.dma_semaphore, #tpu.memory_space<semaphore_mem>>, %arg35: memref<!tpu.dma_semaphore, #tpu.memory_space<semaphore_mem>>, %arg36: memref<!tpu.dma_semaphore, #tpu.memory_space<semaphore_mem>>, %arg37: memref<!tpu.dma_semaphore, #tpu.memory_space<semaphore_mem>>) attributes {dimension_semantics = [#tpu.dimension_semantics<core_parallel>, #tpu.dimension_semantics<subcore_parallel>], iteration_bounds = array<i64: 2, 16>, scalar_prefetch = 0 : i64, scratch_operands = 30 : i64, tpu.core_type = #tpu.core_type<sc_vector_subcore>, window_params = [{transform_indices = #map}, {transform_indices = #map}, {transform_indices = #map}, {transform_indices = #map1}, {transform_indices = #map}, {transform_indices = #map}]} {
    %broadcast_in_dim3A = arith.constant 0.000000e+00 : f32
    %broadcast_in_dim3A_0 = vector.broadcast %broadcast_in_dim3A : f32 to vector<16xf32>
    %iota3A = tpu.iota {dimensions = array<i32: 0>} : vector<16xi32>
    %broadcast_in_dim3A_1 = arith.constant 0.000000e+00 : bf16
    %broadcast_in_dim3A_2 = vector.broadcast %broadcast_in_dim3A_1 : bf16 to vector<32xbf16>
    %mul3A = arith.constant 10000 : i32
    %mul3A_3 = arith.muli %arg0, %mul3A : i32
    %mul3A_4 = arith.constant 209 : i32
    %mul3A_5 = arith.muli %arg1, %mul3A_4 : i32
    %scan3A = arith.constant 0 : i32
    %scan3A_6 = arith.constant 16 : i32
    %scan3A_7 = arith.addi %scan3A, %scan3A_6 : i32
    %scan3A_8 = arith.constant 1 : i32
    scf.for %scan3A_280 = %scan3A to %scan3A_7 step %scan3A_8  : i32 {
      %mul3A_281 = arith.constant 1 : i32
      %mul3A_282 = arith.muli %scan3A_280, %mul3A_281 : i32
      %add3A_283 = arith.constant 0 : i32
      %add3A_284 = arith.addi %add3A_283, %mul3A_282 : i32
      %swap3A_285 = arith.index_cast %add3A_284 : i32 to index
      %swap3A_286 = arith.constant 0 : index
      %swap3A_287 = tpu.vector_load %arg28[%swap3A_285, %swap3A_286] {strides = array<i32>} : memref<16x192xbf16, #tpu.memory_space<vmem>>, vector<32xbf16>,
      tpu.vector_store %arg28[%swap3A_285, %swap3A_286], %broadcast_in_dim3A_2 {strides = array<i32>} : memref<16x192xbf16, #tpu.memory_space<vmem>>, vector<32xbf16>,
      %swap3A_288 = arith.index_cast %add3A_284 : i32 to index
      %swap3A_289 = arith.constant 32 : index
      %swap3A_290 = tpu.vector_load %arg28[%swap3A_288, %swap3A_289] {strides = array<i32>} : memref<16x192xbf16, #tpu.memory_space<vmem>>, vector<32xbf16>,
      tpu.vector_store %arg28[%swap3A_288, %swap3A_289], %broadcast_in_dim3A_2 {strides = array<i32>} : memref<16x192xbf16, #tpu.memory_space<vmem>>, vector<32xbf16>,
      %swap3A_291 = arith.index_cast %add3A_284 : i32 to index
      %swap3A_292 = arith.constant 64 : index
      %swap3A_293 = tpu.vector_load %arg28[%swap3A_291, %swap3A_292] {strides = array<i32>} : memref<16x192xbf16, #tpu.memory_space<vmem>>, vector<32xbf16>,
      tpu.vector_store %arg28[%swap3A_291, %swap3A_292], %broadcast_in_dim3A_2 {strides = array<i32>} : memref<16x192xbf16, #tpu.memory_space<vmem>>, vector<32xbf16>,
      %swap3A_294 = arith.index_cast %add3A_284 : i32 to index
      %swap3A_295 = arith.constant 96 : index
      %swap3A_296 = tpu.vector_load %arg28[%swap3A_294, %swap3A_295] {strides = array<i32>} : memref<16x192xbf16, #tpu.memory_space<vmem>>, vector<32xbf16>,
      tpu.vector_store %arg28[%swap3A_294, %swap3A_295], %broadcast_in_dim3A_2 {strides = array<i32>} : memref<16x192xbf16, #tpu.memory_space<vmem>>, vector<32xbf16>,
      %swap3A_297 = arith.index_cast %add3A_284 : i32 to index
      %swap3A_298 = arith.constant 128 : index
      %swap3A_299 = tpu.vector_load %arg28[%swap3A_297, %swap3A_298] {strides = array<i32>} : memref<16x192xbf16, #tpu.memory_space<vmem>>, vector<32xbf16>,
      tpu.vector_store %arg28[%swap3A_297, %swap3A_298], %broadcast_in_dim3A_2 {strides = array<i32>} : memref<16x192xbf16, #tpu.memory_space<vmem>>, vector<32xbf16>,
      %swap3A_300 = arith.index_cast %add3A_284 : i32 to index
      %swap3A_301 = arith.constant 160 : index
      %swap3A_302 = tpu.vector_load %arg28[%swap3A_300, %swap3A_301] {strides = array<i32>} : memref<16x192xbf16, #tpu.memory_space<vmem>>, vector<32xbf16>,
      tpu.vector_store %arg28[%swap3A_300, %swap3A_301], %broadcast_in_dim3A_2 {strides = array<i32>} : memref<16x192xbf16, #tpu.memory_space<vmem>>, vector<32xbf16>,
      %swap3A_303 = arith.index_cast %add3A_284 : i32 to index
      %swap3A_304 = arith.constant 0 : index
      %swap3A_305 = tpu.vector_load %arg29[%swap3A_303, %swap3A_304] {strides = array<i32>} : memref<16x16xf32, #tpu.memory_space<vmem>>, vector<16xf32>,
      tpu.vector_store %arg29[%swap3A_303, %swap3A_304], %broadcast_in_dim3A_0 {strides = array<i32>} : memref<16x16xf32, #tpu.memory_space<vmem>>, vector<16xf32>,
    }
    %scan3A_9 = arith.constant 16 : i32
    %scan3A_10 = arith.constant 0 : i32
    %scan3A_11 = arith.constant 48 : i32
    %scan3A_12 = arith.addi %scan3A_10, %scan3A_11 : i32
    %scan3A_13 = arith.constant 1 : i32
    scf.for %scan3A_280 = %scan3A_10 to %scan3A_12 step %scan3A_13  : i32 {
      %mul3A_281 = arith.constant 1 : i32
      %mul3A_282 = arith.muli %scan3A_280, %mul3A_281 : i32
      %add3A_283 = arith.constant 0 : i32
      %add3A_284 = arith.addi %add3A_283, %mul3A_282 : i32
      %swap3A_285 = arith.index_cast %add3A_284 : i32 to index
      %swap3A_286 = arith.constant 0 : index
      %swap3A_287 = tpu.vector_load %arg24[%swap3A_285, %swap3A_286] {strides = array<i32>} : memref<48x16xf32, #tpu.memory_space<vmem>>, vector<16xf32>,
      tpu.vector_store %arg24[%swap3A_285, %swap3A_286], %broadcast_in_dim3A_0 {strides = array<i32>} : memref<48x16xf32, #tpu.memory_space<vmem>>, vector<16xf32>,
      %swap3A_288 = arith.index_cast %add3A_284 : i32 to index
      %swap3A_289 = arith.constant 0 : index
      %swap3A_290 = tpu.vector_load %arg25[%swap3A_288, %swap3A_289] {strides = array<i32>} : memref<48x16xf32, #tpu.memory_space<vmem>>, vector<16xf32>,
      tpu.vector_store %arg25[%swap3A_288, %swap3A_289], %broadcast_in_dim3A_0 {strides = array<i32>} : memref<48x16xf32, #tpu.memory_space<vmem>>, vector<16xf32>,
      %swap3A_291 = arith.index_cast %add3A_284 : i32 to index
      %swap3A_292 = arith.constant 0 : index
      %swap3A_293 = tpu.vector_load %arg23[%swap3A_291, %swap3A_292] {strides = array<i32>} : memref<48x192xbf16, #tpu.memory_space<vmem>>, vector<32xbf16>,
      tpu.vector_store %arg23[%swap3A_291, %swap3A_292], %broadcast_in_dim3A_2 {strides = array<i32>} : memref<48x192xbf16, #tpu.memory_space<vmem>>, vector<32xbf16>,
      %swap3A_294 = arith.index_cast %add3A_284 : i32 to index
      %swap3A_295 = arith.constant 32 : index
      %swap3A_296 = tpu.vector_load %arg23[%swap3A_294, %swap3A_295] {strides = array<i32>} : memref<48x192xbf16, #tpu.memory_space<vmem>>, vector<32xbf16>,
      tpu.vector_store %arg23[%swap3A_294, %swap3A_295], %broadcast_in_dim3A_2 {strides = array<i32>} : memref<48x192xbf16, #tpu.memory_space<vmem>>, vector<32xbf16>,
      %swap3A_297 = arith.index_cast %add3A_284 : i32 to index
      %swap3A_298 = arith.constant 64 : index
      %swap3A_299 = tpu.vector_load %arg23[%swap3A_297, %swap3A_298] {strides = array<i32>} : memref<48x192xbf16, #tpu.memory_space<vmem>>, vector<32xbf16>,
      tpu.vector_store %arg23[%swap3A_297, %swap3A_298], %broadcast_in_dim3A_2 {strides = array<i32>} : memref<48x192xbf16, #tpu.memory_space<vmem>>, vector<32xbf16>,
      %swap3A_300 = arith.index_cast %add3A_284 : i32 to index
      %swap3A_301 = arith.constant 96 : index
      %swap3A_302 = tpu.vector_load %arg23[%swap3A_300, %swap3A_301] {strides = array<i32>} : memref<48x192xbf16, #tpu.memory_space<vmem>>, vector<32xbf16>,
      tpu.vector_store %arg23[%swap3A_300, %swap3A_301], %broadcast_in_dim3A_2 {strides = array<i32>} : memref<48x192xbf16, #tpu.memory_space<vmem>>, vector<32xbf16>,
      %swap3A_303 = arith.index_cast %add3A_284 : i32 to index
      %swap3A_304 = arith.constant 128 : index
      %swap3A_305 = tpu.vector_load %arg23[%swap3A_303, %swap3A_304] {strides = array<i32>} : memref<48x192xbf16, #tpu.memory_space<vmem>>, vector<32xbf16>,
      tpu.vector_store %arg23[%swap3A_303, %swap3A_304], %broadcast_in_dim3A_2 {strides = array<i32>} : memref<48x192xbf16, #tpu.memory_space<vmem>>, vector<32xbf16>,
      %swap3A_306 = arith.index_cast %add3A_284 : i32 to index
      %swap3A_307 = arith.constant 160 : index
      %swap3A_308 = tpu.vector_load %arg23[%swap3A_306, %swap3A_307] {strides = array<i32>} : memref<48x192xbf16, #tpu.memory_space<vmem>>, vector<32xbf16>,
      tpu.vector_store %arg23[%swap3A_306, %swap3A_307], %broadcast_in_dim3A_2 {strides = array<i32>} : memref<48x192xbf16, #tpu.memory_space<vmem>>, vector<32xbf16>,
    }
    %scan3A_14 = arith.constant 48 : i32
    %broadcast_in_dim3A_15 = arith.constant 0 : i32
    %broadcast_in_dim3A_16 = vector.broadcast %broadcast_in_dim3A_15 : i32 to vector<16xi32>
    %swap3A = arith.constant 0 : index
    %swap3A_17 = tpu.vector_load %arg11[%swap3A] {strides = array<i32>} : memref<48xi32, #tpu.memory_space<vmem>>, vector<16xi32>,
    tpu.vector_store %arg11[%swap3A], %broadcast_in_dim3A_16 {strides = array<i32>} : memref<48xi32, #tpu.memory_space<vmem>>, vector<16xi32>,
    %broadcast_in_dim3A_18 = arith.constant 0 : i32
    %broadcast_in_dim3A_19 = vector.broadcast %broadcast_in_dim3A_18 : i32 to vector<16xi32>
    %swap3A_20 = arith.constant 16 : index
    %swap3A_21 = tpu.vector_load %arg11[%swap3A_20] {strides = array<i32>} : memref<48xi32, #tpu.memory_space<vmem>>, vector<16xi32>,
    tpu.vector_store %arg11[%swap3A_20], %broadcast_in_dim3A_19 {strides = array<i32>} : memref<48xi32, #tpu.memory_space<vmem>>, vector<16xi32>,
    %broadcast_in_dim3A_22 = arith.constant 0 : i32
    %broadcast_in_dim3A_23 = vector.broadcast %broadcast_in_dim3A_22 : i32 to vector<16xi32>
    %swap3A_24 = arith.constant 32 : index
    %swap3A_25 = tpu.vector_load %arg11[%swap3A_24] {strides = array<i32>} : memref<48xi32, #tpu.memory_space<vmem>>, vector<16xi32>,
    tpu.vector_store %arg11[%swap3A_24], %broadcast_in_dim3A_23 {strides = array<i32>} : memref<48xi32, #tpu.memory_space<vmem>>, vector<16xi32>,
    %scan3A_26 = arith.constant 0 : i32
    %scan3A_27 = arith.constant 40 : i32
    %scan3A_28 = arith.addi %scan3A_26, %scan3A_27 : i32
    %scan3A_29 = arith.constant 1 : i32
    scf.for %scan3A_280 = %scan3A_26 to %scan3A_28 step %scan3A_29  : i32 {
      %mul3A_281 = arith.constant 1 : i32
      %mul3A_282 = arith.muli %scan3A_280, %mul3A_281 : i32
      %add3A_283 = arith.constant 0 : i32
      %add3A_284 = arith.addi %add3A_283, %mul3A_282 : i32
      %mul3A_285 = arith.constant 16 : i32
      %mul3A_286 = arith.muli %add3A_284, %mul3A_285 : i32
      %add3A_287 = arith.addi %mul3A_286, %arg1 : i32
      %lt3A = arith.constant 626 : i32
      %lt3A_288 = arith.cmpi slt, %add3A_287, %lt3A : i32
      %convert_element_type3A = arith.extui %lt3A_288 : i1 to i32
      %cond3A = arith.constant 0 : i32
      %cond3A_289 = arith.cmpi ne, %convert_element_type3A, %cond3A : i32
      scf.if %cond3A_289 {
        %mul3A_290 = arith.constant 16 : i32
        %mul3A_291 = arith.muli %add3A_287, %mul3A_290 : i32
        "tpu.region"() ({
          %run_scoped3A = tpu.sem_alloc : memref<!tpu.dma_semaphore, #tpu.memory_space<semaphore_mem>>
          %dma_start3A_294 = arith.constant 0 : i32
          %dma_start3A_295 = tpu.memref_slice %arg30[%mul3A_291, %dma_start3A_294] : memref<10016x192xbf16, #tpu.memory_space<vmem_shared>> -> memref<16x192xbf16, #tpu.memory_space<vmem_shared>>
          %dma_start3A_296 = arith.constant 0 : i32
          %dma_start3A_297 = tpu.memref_slice %arg30[%mul3A_291, %dma_start3A_296] : memref<10016x192xbf16, #tpu.memory_space<vmem_shared>> -> memref<16x192xbf16, #tpu.memory_space<vmem_shared>>
          tpu.enqueue_dma source(%arg28 : memref<16x192xbf16, #tpu.memory_space<vmem>>) target(%dma_start3A_297 : memref<16x192xbf16, #tpu.memory_space<vmem_shared>>) target_semaphore(%run_scoped3A : memref<!tpu.dma_semaphore, #tpu.memory_space<semaphore_mem>>)
          %dma_wait3A_298 = arith.constant 0 : i32
          %dma_wait3A_299 = tpu.memref_slice %arg30[%mul3A_291, %dma_wait3A_298] : memref<10016x192xbf16, #tpu.memory_space<vmem_shared>> -> memref<16x192xbf16, #tpu.memory_space<vmem_shared>>
          %dma_wait3A_300 = arith.constant 0 : i32
          %dma_wait3A_301 = tpu.memref_slice %arg30[%mul3A_291, %dma_wait3A_300] : memref<10016x192xbf16, #tpu.memory_space<vmem_shared>> -> memref<16x192xbf16, #tpu.memory_space<vmem_shared>>
          tpu.wait_dma2 semaphore(%run_scoped3A : memref<!tpu.dma_semaphore, #tpu.memory_space<semaphore_mem>>) src(%arg28 : memref<16x192xbf16, #tpu.memory_space<vmem>>) dst(%dma_wait3A_301 : memref<16x192xbf16, #tpu.memory_space<vmem_shared>>)
          tpu.yield
        }) : () -> ()
        %mul3A_292 = arith.constant 16 : i32
        %mul3A_293 = arith.muli %add3A_287, %mul3A_292 : i32
        "tpu.region"() ({
          %run_scoped3A = tpu.sem_alloc : memref<!tpu.dma_semaphore, #tpu.memory_space<semaphore_mem>>
          %dma_start3A_294 = arith.constant 0 : i32
          %dma_start3A_295 = tpu.memref_slice %arg31[%mul3A_293, %dma_start3A_294] : memref<10016x16xf32, #tpu.memory_space<vmem_shared>> -> memref<16x16xf32, #tpu.memory_space<vmem_shared>>
          %dma_start3A_296 = arith.constant 0 : i32
          %dma_start3A_297 = tpu.memref_slice %arg31[%mul3A_293, %dma_start3A_296] : memref<10016x16xf32, #tpu.memory_space<vmem_shared>> -> memref<16x16xf32, #tpu.memory_space<vmem_shared>>
          tpu.enqueue_dma source(%arg29 : memref<16x16xf32, #tpu.memory_space<vmem>>) target(%dma_start3A_297 : memref<16x16xf32, #tpu.memory_space<vmem_shared>>) target_semaphore(%run_scoped3A : memref<!tpu.dma_semaphore, #tpu.memory_space<semaphore_mem>>)
          %dma_wait3A_298 = arith.constant 0 : i32
          %dma_wait3A_299 = tpu.memref_slice %arg31[%mul3A_293, %dma_wait3A_298] : memref<10016x16xf32, #tpu.memory_space<vmem_shared>> -> memref<16x16xf32, #tpu.memory_space<vmem_shared>>
          %dma_wait3A_300 = arith.constant 0 : i32
          %dma_wait3A_301 = tpu.memref_slice %arg31[%mul3A_293, %dma_wait3A_300] : memref<10016x16xf32, #tpu.memory_space<vmem_shared>> -> memref<16x16xf32, #tpu.memory_space<vmem_shared>>
          tpu.wait_dma2 semaphore(%run_scoped3A : memref<!tpu.dma_semaphore, #tpu.memory_space<semaphore_mem>>) src(%arg29 : memref<16x16xf32, #tpu.memory_space<vmem>>) dst(%dma_wait3A_301 : memref<16x16xf32, #tpu.memory_space<vmem_shared>>)
          tpu.yield
        }) : () -> ()
      } else {
      }
    }
    %scan3A_30 = arith.constant 40 : i32
    %add3A = arith.constant 0 : i32
    %add3A_31 = arith.addi %mul3A_5, %add3A : i32
    %mul3A_32 = arith.constant 144 : i32
    %mul3A_33 = arith.muli %add3A_31, %mul3A_32 : i32
    %dma_start3A = tpu.memref_slice %arg5[%mul3A_33] : memref<481536xi32, #tpu.memory_space<hbm>> -> memref<144xi32, #tpu.memory_space<hbm>>
    %dma_start3A_34 = tpu.memref_slice %arg5[%mul3A_33] : memref<481536xi32, #tpu.memory_space<hbm>> -> memref<144xi32, #tpu.memory_space<hbm>>
    tpu.enqueue_dma source(%dma_start3A_34 : memref<144xi32, #tpu.memory_space<hbm>>) target(%arg8 : memref<144xi32, #tpu.memory_space<vmem>>) target_semaphore(%arg34 : memref<!tpu.dma_semaphore, #tpu.memory_space<semaphore_mem>>)
    %dma_wait3A = arith.constant 0 : i32
    %dma_wait3A_35 = tpu.memref_slice %arg5[%dma_wait3A] : memref<481536xi32, #tpu.memory_space<hbm>> -> memref<144xi32, #tpu.memory_space<hbm>>
    %dma_wait3A_36 = arith.constant 0 : i32
    %dma_wait3A_37 = tpu.memref_slice %arg5[%dma_wait3A_36] : memref<481536xi32, #tpu.memory_space<hbm>> -> memref<144xi32, #tpu.memory_space<hbm>>
    tpu.wait_dma2 semaphore(%arg34 : memref<!tpu.dma_semaphore, #tpu.memory_space<semaphore_mem>>) src(%dma_wait3A_37 : memref<144xi32, #tpu.memory_space<hbm>>) dst(%arg8 : memref<144xi32, #tpu.memory_space<vmem>>)
    %broadcast_in_dim3A_38 = arith.constant 9999 : i32
    %broadcast_in_dim3A_39 = vector.broadcast %broadcast_in_dim3A_38 : i32 to vector<16xi32>
    %get3A = arith.constant 0 : index
    %get3A_40 = tpu.vector_load %arg8[%get3A] {strides = array<i32>} : memref<144xi32, #tpu.memory_space<vmem>>, vector<16xi32>,
    %add3A_41 = vector.broadcast %mul3A_3 : i32 to vector<16xi32>
    %add3A_42 = arith.addi %get3A_40, %add3A_41 : vector<16xi32>
    %swap3A_43 = arith.constant 0 : index
    %swap3A_44 = tpu.vector_load %arg12[%swap3A_43] {strides = array<i32>} : memref<48xi32, #tpu.memory_space<vmem>>, vector<16xi32>,
    tpu.vector_store %arg12[%swap3A_43], %add3A_42 {strides = array<i32>} : memref<48xi32, #tpu.memory_space<vmem>>, vector<16xi32>,
    %get3A_45 = arith.constant 48 : index
    %get3A_46 = tpu.vector_load %arg8[%get3A_45] {strides = array<i32>} : memref<144xi32, #tpu.memory_space<vmem>>, vector<16xi32>,
    %swap3A_47 = arith.constant 0 : index
    %swap3A_48 = tpu.vector_load %arg10[%swap3A_47] {strides = array<i32>} : memref<48xi32, #tpu.memory_space<vmem>>, vector<16xi32>,
    tpu.vector_store %arg10[%swap3A_47], %get3A_46 {strides = array<i32>} : memref<48xi32, #tpu.memory_space<vmem>>, vector<16xi32>,
    %min3A = arith.minsi %get3A_46, %broadcast_in_dim3A_39 : vector<16xi32>
    %add3A_49 = vector.broadcast %mul3A_3 : i32 to vector<16xi32>
    %add3A_50 = arith.addi %min3A, %add3A_49 : vector<16xi32>
    %swap3A_51 = arith.constant 0 : index
    %swap3A_52 = tpu.vector_load %arg14[%swap3A_51] {strides = array<i32>} : memref<48xi32, #tpu.memory_space<vmem>>, vector<16xi32>,
    tpu.vector_store %arg14[%swap3A_51], %add3A_50 {strides = array<i32>} : memref<48xi32, #tpu.memory_space<vmem>>, vector<16xi32>,
    %get3A_53 = arith.constant 96 : index
    %get3A_54 = tpu.vector_load %arg8[%get3A_53] {strides = array<i32>} : memref<144xi32, #tpu.memory_space<vmem>>, vector<16xi32>,
    %bitcast3A = vector.bitcast %get3A_54 : vector<16xi32> to vector<16xf32>
    %swap3A_55 = arith.constant 0 : index
    %swap3A_56 = tpu.vector_load %arg16[%swap3A_55] {strides = array<i32>} : memref<48xf32, #tpu.memory_space<vmem>>, vector<16xf32>,
    tpu.vector_store %arg16[%swap3A_55], %bitcast3A {strides = array<i32>} : memref<48xf32, #tpu.memory_space<vmem>>, vector<16xf32>,
    %get3A_57 = arith.constant 16 : index
    %get3A_58 = tpu.vector_load %arg8[%get3A_57] {strides = array<i32>} : memref<144xi32, #tpu.memory_space<vmem>>, vector<16xi32>,
    %add3A_59 = vector.broadcast %mul3A_3 : i32 to vector<16xi32>
    %add3A_60 = arith.addi %get3A_58, %add3A_59 : vector<16xi32>
    %swap3A_61 = arith.constant 16 : index
    %swap3A_62 = tpu.vector_load %arg12[%swap3A_61] {strides = array<i32>} : memref<48xi32, #tpu.memory_space<vmem>>, vector<16xi32>,
    tpu.vector_store %arg12[%swap3A_61], %add3A_60 {strides = array<i32>} : memref<48xi32, #tpu.memory_space<vmem>>, vector<16xi32>,
    %get3A_63 = arith.constant 64 : index
    %get3A_64 = tpu.vector_load %arg8[%get3A_63] {strides = array<i32>} : memref<144xi32, #tpu.memory_space<vmem>>, vector<16xi32>,
    %swap3A_65 = arith.constant 16 : index
    %swap3A_66 = tpu.vector_load %arg10[%swap3A_65] {strides = array<i32>} : memref<48xi32, #tpu.memory_space<vmem>>, vector<16xi32>,
    tpu.vector_store %arg10[%swap3A_65], %get3A_64 {strides = array<i32>} : memref<48xi32, #tpu.memory_space<vmem>>, vector<16xi32>,
    %min3A_67 = arith.minsi %get3A_64, %broadcast_in_dim3A_39 : vector<16xi32>
    %add3A_68 = vector.broadcast %mul3A_3 : i32 to vector<16xi32>
    %add3A_69 = arith.addi %min3A_67, %add3A_68 : vector<16xi32>
    %swap3A_70 = arith.constant 16 : index
    %swap3A_71 = tpu.vector_load %arg14[%swap3A_70] {strides = array<i32>} : memref<48xi32, #tpu.memory_space<vmem>>, vector<16xi32>,
    tpu.vector_store %arg14[%swap3A_70], %add3A_69 {strides = array<i32>} : memref<48xi32, #tpu.memory_space<vmem>>, vector<16xi32>,
    %get3A_72 = arith.constant 112 : index
    %get3A_73 = tpu.vector_load %arg8[%get3A_72] {strides = array<i32>} : memref<144xi32, #tpu.memory_space<vmem>>, vector<16xi32>,
    %bitcast3A_74 = vector.bitcast %get3A_73 : vector<16xi32> to vector<16xf32>
    %swap3A_75 = arith.constant 16 : index
    %swap3A_76 = tpu.vector_load %arg16[%swap3A_75] {strides = array<i32>} : memref<48xf32, #tpu.memory_space<vmem>>, vector<16xf32>,
    tpu.vector_store %arg16[%swap3A_75], %bitcast3A_74 {strides = array<i32>} : memref<48xf32, #tpu.memory_space<vmem>>, vector<16xf32>,
    %get3A_77 = arith.constant 32 : index
    %get3A_78 = tpu.vector_load %arg8[%get3A_77] {strides = array<i32>} : memref<144xi32, #tpu.memory_space<vmem>>, vector<16xi32>,
    %add3A_79 = vector.broadcast %mul3A_3 : i32 to vector<16xi32>
    %add3A_80 = arith.addi %get3A_78, %add3A_79 : vector<16xi32>
    %swap3A_81 = arith.constant 32 : index
    %swap3A_82 = tpu.vector_load %arg12[%swap3A_81] {strides = array<i32>} : memref<48xi32, #tpu.memory_space<vmem>>, vector<16xi32>,
    tpu.vector_store %arg12[%swap3A_81], %add3A_80 {strides = array<i32>} : memref<48xi32, #tpu.memory_space<vmem>>, vector<16xi32>,
    %get3A_83 = arith.constant 80 : index
    %get3A_84 = tpu.vector_load %arg8[%get3A_83] {strides = array<i32>} : memref<144xi32, #tpu.memory_space<vmem>>, vector<16xi32>,
    %swap3A_85 = arith.constant 32 : index
    %swap3A_86 = tpu.vector_load %arg10[%swap3A_85] {strides = array<i32>} : memref<48xi32, #tpu.memory_space<vmem>>, vector<16xi32>,
    tpu.vector_store %arg10[%swap3A_85], %get3A_84 {strides = array<i32>} : memref<48xi32, #tpu.memory_space<vmem>>, vector<16xi32>,
    %min3A_87 = arith.minsi %get3A_84, %broadcast_in_dim3A_39 : vector<16xi32>
    %add3A_88 = vector.broadcast %mul3A_3 : i32 to vector<16xi32>
    %add3A_89 = arith.addi %min3A_87, %add3A_88 : vector<16xi32>
    %swap3A_90 = arith.constant 32 : index
    %swap3A_91 = tpu.vector_load %arg14[%swap3A_90] {strides = array<i32>} : memref<48xi32, #tpu.memory_space<vmem>>, vector<16xi32>,
    tpu.vector_store %arg14[%swap3A_90], %add3A_89 {strides = array<i32>} : memref<48xi32, #tpu.memory_space<vmem>>, vector<16xi32>,
    %get3A_92 = arith.constant 128 : index
    %get3A_93 = tpu.vector_load %arg8[%get3A_92] {strides = array<i32>} : memref<144xi32, #tpu.memory_space<vmem>>, vector<16xi32>,
    %bitcast3A_94 = vector.bitcast %get3A_93 : vector<16xi32> to vector<16xf32>
    %swap3A_95 = arith.constant 32 : index
    %swap3A_96 = tpu.vector_load %arg16[%swap3A_95] {strides = array<i32>} : memref<48xf32, #tpu.memory_space<vmem>>, vector<16xf32>,
    tpu.vector_store %arg16[%swap3A_95], %bitcast3A_94 {strides = array<i32>} : memref<48xf32, #tpu.memory_space<vmem>>, vector<16xf32>,
    %dma_start3A_97 = arith.constant 0 : i32
    %dma_start3A_98 = arith.constant 0 : i32
    %dma_start3A_99 = tpu.memref_slice %arg2[%dma_start3A_97, %dma_start3A_98] : memref<20000x208xf32, #tpu.memory_space<hbm>> -> memref<20000x208xf32, #tpu.memory_space<hbm>>
    tpu.enqueue_indirect_dma source(%dma_start3A_99 : memref<20000x208xf32, #tpu.memory_space<hbm>>) target(%arg18 : memref<48x208xf32, #tpu.memory_space<vmem>>) offsets(%arg14 : memref<48xi32, #tpu.memory_space<vmem>>) semaphore(%arg32 : memref<!tpu.dma_semaphore, #tpu.memory_space<semaphore_mem>>)
    %dma_start3A_100 = arith.constant 0 : i32
    %dma_start3A_101 = arith.constant 0 : i32
    %dma_start3A_102 = tpu.memref_slice %arg3[%dma_start3A_100, %dma_start3A_101] : memref<20000x192xf32, #tpu.memory_space<hbm>> -> memref<20000x192xf32, #tpu.memory_space<hbm>>
    tpu.enqueue_indirect_dma source(%dma_start3A_102 : memref<20000x192xf32, #tpu.memory_space<hbm>>) target(%arg20 : memref<48x192xf32, #tpu.memory_space<vmem>>) offsets(%arg12 : memref<48xi32, #tpu.memory_space<vmem>>) semaphore(%arg32 : memref<!tpu.dma_semaphore, #tpu.memory_space<semaphore_mem>>)
    %dma_start3A_103 = arith.constant 0 : i32
    %dma_start3A_104 = arith.constant 0 : i32
    %dma_start3A_105 = tpu.memref_slice %arg4[%dma_start3A_103, %dma_start3A_104] : memref<20000x192xbf16, #tpu.memory_space<hbm>> -> memref<20000x192xbf16, #tpu.memory_space<hbm>>
    tpu.enqueue_indirect_dma source(%dma_start3A_105 : memref<20000x192xbf16, #tpu.memory_space<hbm>>) target(%arg22 : memref<48x192xbf16, #tpu.memory_space<vmem>>) offsets(%arg12 : memref<48xi32, #tpu.memory_space<vmem>>) semaphore(%arg32 : memref<!tpu.dma_semaphore, #tpu.memory_space<semaphore_mem>>)
    %add3A_106 = arith.constant 1 : i32
    %add3A_107 = arith.addi %mul3A_5, %add3A_106 : i32
    %mul3A_108 = arith.constant 144 : i32
    %mul3A_109 = arith.muli %add3A_107, %mul3A_108 : i32
    %dma_start3A_110 = tpu.memref_slice %arg5[%mul3A_109] : memref<481536xi32, #tpu.memory_space<hbm>> -> memref<144xi32, #tpu.memory_space<hbm>>
    %dma_start3A_111 = tpu.memref_slice %arg5[%mul3A_109] : memref<481536xi32, #tpu.memory_space<hbm>> -> memref<144xi32, #tpu.memory_space<hbm>>
    tpu.enqueue_dma source(%dma_start3A_111 : memref<144xi32, #tpu.memory_space<hbm>>) target(%arg9 : memref<144xi32, #tpu.memory_space<vmem>>) target_semaphore(%arg35 : memref<!tpu.dma_semaphore, #tpu.memory_space<semaphore_mem>>)
    %dma_start3A_112 = arith.constant 0 : i32
    %dma_start3A_113 = arith.constant 0 : i32
    %dma_start3A_114 = tpu.memref_slice %arg30[%dma_start3A_112, %dma_start3A_113] : memref<10016x192xbf16, #tpu.memory_space<vmem_shared>> -> memref<10016x192xbf16, #tpu.memory_space<vmem_shared>>
    tpu.enqueue_indirect_dma source(%arg23 : memref<48x192xbf16, #tpu.memory_space<vmem>>) target(%dma_start3A_114 : memref<10016x192xbf16, #tpu.memory_space<vmem_shared>>) offsets(%arg11 : memref<48xi32, #tpu.memory_space<vmem>>) semaphore(%arg37 : memref<!tpu.dma_semaphore, #tpu.memory_space<semaphore_mem>>) {add = true}
    %dma_start3A_115 = arith.constant 0 : i32
    %dma_start3A_116 = arith.constant 0 : i32
    %dma_start3A_117 = tpu.memref_slice %arg31[%dma_start3A_115, %dma_start3A_116] : memref<10016x16xf32, #tpu.memory_space<vmem_shared>> -> memref<10016x16xf32, #tpu.memory_space<vmem_shared>>
    tpu.enqueue_indirect_dma source(%arg25 : memref<48x16xf32, #tpu.memory_space<vmem>>) target(%dma_start3A_117 : memref<10016x16xf32, #tpu.memory_space<vmem_shared>>) offsets(%arg11 : memref<48xi32, #tpu.memory_space<vmem>>) semaphore(%arg37 : memref<!tpu.dma_semaphore, #tpu.memory_space<semaphore_mem>>) {add = true}
    %barrier3A = arith.constant 0 : index
    tpu.barrier barrier_id(%barrier3A)
    %dma_wait3A_118 = arith.constant 0 : i32
    %dma_wait3A_119 = tpu.memref_slice %arg5[%dma_wait3A_118] : memref<481536xi32, #tpu.memory_space<hbm>> -> memref<144xi32, #tpu.memory_space<hbm>>
    %dma_wait3A_120 = arith.constant 0 : i32
    %dma_wait3A_121 = tpu.memref_slice %arg5[%dma_wait3A_120] : memref<481536xi32, #tpu.memory_space<hbm>> -> memref<144xi32, #tpu.memory_space<hbm>>
    tpu.wait_dma2 semaphore(%arg35 : memref<!tpu.dma_semaphore, #tpu.memory_space<semaphore_mem>>) src(%dma_wait3A_121 : memref<144xi32, #tpu.memory_space<hbm>>) dst(%arg9 : memref<144xi32, #tpu.memory_space<vmem>>)
    %dma_wait3A_122 = arith.constant 0 : i32
    %dma_wait3A_123 = arith.constant 0 : i32
    %dma_wait3A_124 = tpu.memref_slice %arg6[%dma_wait3A_122, %dma_wait3A_123] : memref<20000x192xbf16, #tpu.memory_space<hbm>> -> memref<48x192xbf16, #tpu.memory_space<hbm>>
    %dma_wait3A_125 = arith.constant 0 : i32
    %dma_wait3A_126 = arith.constant 0 : i32
    %dma_wait3A_127 = tpu.memref_slice %arg6[%dma_wait3A_125, %dma_wait3A_126] : memref<20000x192xbf16, #tpu.memory_space<hbm>> -> memref<48x192xbf16, #tpu.memory_space<hbm>>
    tpu.wait_dma2 semaphore(%arg37 : memref<!tpu.dma_semaphore, #tpu.memory_space<semaphore_mem>>) src(%dma_wait3A_127 : memref<48x192xbf16, #tpu.memory_space<hbm>>) dst(%arg23 : memref<48x192xbf16, #tpu.memory_space<vmem>>)
    %dma_wait3A_128 = arith.constant 0 : i32
    %dma_wait3A_129 = arith.constant 0 : i32
    %dma_wait3A_130 = tpu.memref_slice %arg7[%dma_wait3A_128, %dma_wait3A_129] : memref<20000x16xf32, #tpu.memory_space<hbm>> -> memref<48x16xf32, #tpu.memory_space<hbm>>
    %dma_wait3A_131 = arith.constant 0 : i32
    %dma_wait3A_132 = arith.constant 0 : i32
    %dma_wait3A_133 = tpu.memref_slice %arg7[%dma_wait3A_131, %dma_wait3A_132] : memref<20000x16xf32, #tpu.memory_space<hbm>> -> memref<48x16xf32, #tpu.memory_space<hbm>>
    tpu.wait_dma2 semaphore(%arg37 : memref<!tpu.dma_semaphore, #tpu.memory_space<semaphore_mem>>) src(%dma_wait3A_133 : memref<48x16xf32, #tpu.memory_space<hbm>>) dst(%arg25 : memref<48x16xf32, #tpu.memory_space<vmem>>)
    %broadcast_in_dim3A_134 = arith.constant 9999 : i32
    %broadcast_in_dim3A_135 = vector.broadcast %broadcast_in_dim3A_134 : i32 to vector<16xi32>
    %get3A_136 = arith.constant 0 : index
    %get3A_137 = tpu.vector_load %arg9[%get3A_136] {strides = array<i32>} : memref<144xi32, #tpu.memory_space<vmem>>, vector<16xi32>,
    %add3A_138 = vector.broadcast %mul3A_3 : i32 to vector<16xi32>
    %add3A_139 = arith.addi %get3A_137, %add3A_138 : vector<16xi32>
    %swap3A_140 = arith.constant 0 : index
    %swap3A_141 = tpu.vector_load %arg13[%swap3A_140] {strides = array<i32>} : memref<48xi32, #tpu.memory_space<vmem>>, vector<16xi32>,
    tpu.vector_store %arg13[%swap3A_140], %add3A_139 {strides = array<i32>} : memref<48xi32, #tpu.memory_space<vmem>>, vector<16xi32>,
    %get3A_142 = arith.constant 48 : index
    %get3A_143 = tpu.vector_load %arg9[%get3A_142] {strides = array<i32>} : memref<144xi32, #tpu.memory_space<vmem>>, vector<16xi32>,
    %swap3A_144 = arith.constant 0 : index
    %swap3A_145 = tpu.vector_load %arg11[%swap3A_144] {strides = array<i32>} : memref<48xi32, #tpu.memory_space<vmem>>, vector<16xi32>,
    tpu.vector_store %arg11[%swap3A_144], %get3A_143 {strides = array<i32>} : memref<48xi32, #tpu.memory_space<vmem>>, vector<16xi32>,
    %min3A_146 = arith.minsi %get3A_143, %broadcast_in_dim3A_135 : vector<16xi32>
    %add3A_147 = vector.broadcast %mul3A_3 : i32 to vector<16xi32>
    %add3A_148 = arith.addi %min3A_146, %add3A_147 : vector<16xi32>
    %swap3A_149 = arith.constant 0 : index
    %swap3A_150 = tpu.vector_load %arg15[%swap3A_149] {strides = array<i32>} : memref<48xi32, #tpu.memory_space<vmem>>, vector<16xi32>,
    tpu.vector_store %arg15[%swap3A_149], %add3A_148 {strides = array<i32>} : memref<48xi32, #tpu.memory_space<vmem>>, vector<16xi32>,
    %get3A_151 = arith.constant 96 : index
    %get3A_152 = tpu.vector_load %arg9[%get3A_151] {strides = array<i32>} : memref<144xi32, #tpu.memory_space<vmem>>, vector<16xi32>,
    %bitcast3A_153 = vector.bitcast %get3A_152 : vector<16xi32> to vector<16xf32>
    %swap3A_154 = arith.constant 0 : index
    %swap3A_155 = tpu.vector_load %arg17[%swap3A_154] {strides = array<i32>} : memref<48xf32, #tpu.memory_space<vmem>>, vector<16xf32>,
    tpu.vector_store %arg17[%swap3A_154], %bitcast3A_153 {strides = array<i32>} : memref<48xf32, #tpu.memory_space<vmem>>, vector<16xf32>,
    %get3A_156 = arith.constant 16 : index
    %get3A_157 = tpu.vector_load %arg9[%get3A_156] {strides = array<i32>} : memref<144xi32, #tpu.memory_space<vmem>>, vector<16xi32>,
    %add3A_158 = vector.broadcast %mul3A_3 : i32 to vector<16xi32>
    %add3A_159 = arith.addi %get3A_157, %add3A_158 : vector<16xi32>
    %swap3A_160 = arith.constant 16 : index
    %swap3A_161 = tpu.vector_load %arg13[%swap3A_160] {strides = array<i32>} : memref<48xi32, #tpu.memory_space<vmem>>, vector<16xi32>,
    tpu.vector_store %arg13[%swap3A_160], %add3A_159 {strides = array<i32>} : memref<48xi32, #tpu.memory_space<vmem>>, vector<16xi32>,
    %get3A_162 = arith.constant 64 : index
    %get3A_163 = tpu.vector_load %arg9[%get3A_162] {strides = array<i32>} : memref<144xi32, #tpu.memory_space<vmem>>, vector<16xi32>,
    %swap3A_164 = arith.constant 16 : index
    %swap3A_165 = tpu.vector_load %arg11[%swap3A_164] {strides = array<i32>} : memref<48xi32, #tpu.memory_space<vmem>>, vector<16xi32>,
    tpu.vector_store %arg11[%swap3A_164], %get3A_163 {strides = array<i32>} : memref<48xi32, #tpu.memory_space<vmem>>, vector<16xi32>,
    %min3A_166 = arith.minsi %get3A_163, %broadcast_in_dim3A_135 : vector<16xi32>
    %add3A_167 = vector.broadcast %mul3A_3 : i32 to vector<16xi32>
    %add3A_168 = arith.addi %min3A_166, %add3A_167 : vector<16xi32>
    %swap3A_169 = arith.constant 16 : index
    %swap3A_170 = tpu.vector_load %arg15[%swap3A_169] {strides = array<i32>} : memref<48xi32, #tpu.memory_space<vmem>>, vector<16xi32>,
    tpu.vector_store %arg15[%swap3A_169], %add3A_168 {strides = array<i32>} : memref<48xi32, #tpu.memory_space<vmem>>, vector<16xi32>,
    %get3A_171 = arith.constant 112 : index
    %get3A_172 = tpu.vector_load %arg9[%get3A_171] {strides = array<i32>} : memref<144xi32, #tpu.memory_space<vmem>>, vector<16xi32>,
    %bitcast3A_173 = vector.bitcast %get3A_172 : vector<16xi32> to vector<16xf32>
    %swap3A_174 = arith.constant 16 : index
    %swap3A_175 = tpu.vector_load %arg17[%swap3A_174] {strides = array<i32>} : memref<48xf32, #tpu.memory_space<vmem>>, vector<16xf32>,
    tpu.vector_store %arg17[%swap3A_174], %bitcast3A_173 {strides = array<i32>} : memref<48xf32, #tpu.memory_space<vmem>>, vector<16xf32>,
    %get3A_176 = arith.constant 32 : index
    %get3A_177 = tpu.vector_load %arg9[%get3A_176] {strides = array<i32>} : memref<144xi32, #tpu.memory_space<vmem>>, vector<16xi32>,
    %add3A_178 = vector.broadcast %mul3A_3 : i32 to vector<16xi32>
    %add3A_179 = arith.addi %get3A_177, %add3A_178 : vector<16xi32>
    %swap3A_180 = arith.constant 32 : index
    %swap3A_181 = tpu.vector_load %arg13[%swap3A_180] {strides = array<i32>} : memref<48xi32, #tpu.memory_space<vmem>>, vector<16xi32>,
    tpu.vector_store %arg13[%swap3A_180], %add3A_179 {strides = array<i32>} : memref<48xi32, #tpu.memory_space<vmem>>, vector<16xi32>,
    %get3A_182 = arith.constant 80 : index
    %get3A_183 = tpu.vector_load %arg9[%get3A_182] {strides = array<i32>} : memref<144xi32, #tpu.memory_space<vmem>>, vector<16xi32>,
    %swap3A_184 = arith.constant 32 : index
    %swap3A_185 = tpu.vector_load %arg11[%swap3A_184] {strides = array<i32>} : memref<48xi32, #tpu.memory_space<vmem>>, vector<16xi32>,
    tpu.vector_store %arg11[%swap3A_184], %get3A_183 {strides = array<i32>} : memref<48xi32, #tpu.memory_space<vmem>>, vector<16xi32>,
    %min3A_186 = arith.minsi %get3A_183, %broadcast_in_dim3A_135 : vector<16xi32>
    %add3A_187 = vector.broadcast %mul3A_3 : i32 to vector<16xi32>
    %add3A_188 = arith.addi %min3A_186, %add3A_187 : vector<16xi32>
    %swap3A_189 = arith.constant 32 : index
    %swap3A_190 = tpu.vector_load %arg15[%swap3A_189] {strides = array<i32>} : memref<48xi32, #tpu.memory_space<vmem>>, vector<16xi32>,
    tpu.vector_store %arg15[%swap3A_189], %add3A_188 {strides = array<i32>} : memref<48xi32, #tpu.memory_space<vmem>>, vector<16xi32>,
    %get3A_191 = arith.constant 128 : index
    %get3A_192 = tpu.vector_load %arg9[%get3A_191] {strides = array<i32>} : memref<144xi32, #tpu.memory_space<vmem>>, vector<16xi32>,
    %bitcast3A_193 = vector.bitcast %get3A_192 : vector<16xi32> to vector<16xf32>
    %swap3A_194 = arith.constant 32 : index
    %swap3A_195 = tpu.vector_load %arg17[%swap3A_194] {strides = array<i32>} : memref<48xf32, #tpu.memory_space<vmem>>, vector<16xf32>,
    tpu.vector_store %arg17[%swap3A_194], %bitcast3A_193 {strides = array<i32>} : memref<48xf32, #tpu.memory_space<vmem>>, vector<16xf32>,
    %dma_start3A_196 = arith.constant 0 : i32
    %dma_start3A_197 = arith.constant 0 : i32
    %dma_start3A_198 = tpu.memref_slice %arg2[%dma_start3A_196, %dma_start3A_197] : memref<20000x208xf32, #tpu.memory_space<hbm>> -> memref<20000x208xf32, #tpu.memory_space<hbm>>
    tpu.enqueue_indirect_dma source(%dma_start3A_198 : memref<20000x208xf32, #tpu.memory_space<hbm>>) target(%arg19 : memref<48x208xf32, #tpu.memory_space<vmem>>) offsets(%arg15 : memref<48xi32, #tpu.memory_space<vmem>>) semaphore(%arg33 : memref<!tpu.dma_semaphore, #tpu.memory_space<semaphore_mem>>)
    %dma_start3A_199 = arith.constant 0 : i32
    %dma_start3A_200 = arith.constant 0 : i32
    %dma_start3A_201 = tpu.memref_slice %arg3[%dma_start3A_199, %dma_start3A_200] : memref<20000x192xf32, #tpu.memory_space<hbm>> -> memref<20000x192xf32, #tpu.memory_space<hbm>>
    tpu.enqueue_indirect_dma source(%dma_start3A_201 : memref<20000x192xf32, #tpu.memory_space<hbm>>) target(%arg21 : memref<48x192xf32, #tpu.memory_space<vmem>>) offsets(%arg13 : memref<48xi32, #tpu.memory_space<vmem>>) semaphore(%arg33 : memref<!tpu.dma_semaphore, #tpu.memory_space<semaphore_mem>>)
    %dma_start3A_202 = arith.constant 0 : i32
    %dma_start3A_203 = arith.constant 0 : i32
    %dma_start3A_204 = tpu.memref_slice %arg4[%dma_start3A_202, %dma_start3A_203] : memref<20000x192xbf16, #tpu.memory_space<hbm>> -> memref<20000x192xbf16, #tpu.memory_space<hbm>>
    tpu.enqueue_indirect_dma source(%dma_start3A_204 : memref<20000x192xbf16, #tpu.memory_space<hbm>>) target(%arg23 : memref<48x192xbf16, #tpu.memory_space<vmem>>) offsets(%arg13 : memref<48xi32, #tpu.memory_space<vmem>>) semaphore(%arg33 : memref<!tpu.dma_semaphore, #tpu.memory_space<semaphore_mem>>)
    %add3A_205 = arith.constant 2 : i32
    %add3A_206 = arith.addi %mul3A_5, %add3A_205 : i32
    %mul3A_207 = arith.constant 144 : i32
    %mul3A_208 = arith.muli %add3A_206, %mul3A_207 : i32
    %dma_start3A_209 = tpu.memref_slice %arg5[%mul3A_208] : memref<481536xi32, #tpu.memory_space<hbm>> -> memref<144xi32, #tpu.memory_space<hbm>>
    %dma_start3A_210 = tpu.memref_slice %arg5[%mul3A_208] : memref<481536xi32, #tpu.memory_space<hbm>> -> memref<144xi32, #tpu.memory_space<hbm>>
    tpu.enqueue_dma source(%dma_start3A_210 : memref<144xi32, #tpu.memory_space<hbm>>) target(%arg8 : memref<144xi32, #tpu.memory_space<vmem>>) target_semaphore(%arg34 : memref<!tpu.dma_semaphore, #tpu.memory_space<semaphore_mem>>)
    %dma_wait3A_211 = arith.constant 0 : i32
    %dma_wait3A_212 = arith.constant 0 : i32
    %dma_wait3A_213 = tpu.memref_slice %arg2[%dma_wait3A_211, %dma_wait3A_212] : memref<20000x208xf32, #tpu.memory_space<hbm>> -> memref<48x208xf32, #tpu.memory_space<hbm>>
    %dma_wait3A_214 = arith.constant 0 : i32
    %dma_wait3A_215 = arith.constant 0 : i32
    %dma_wait3A_216 = tpu.memref_slice %arg2[%dma_wait3A_214, %dma_wait3A_215] : memref<20000x208xf32, #tpu.memory_space<hbm>> -> memref<48x208xf32, #tpu.memory_space<hbm>>
    tpu.wait_dma2 semaphore(%arg32 : memref<!tpu.dma_semaphore, #tpu.memory_space<semaphore_mem>>) src(%dma_wait3A_216 : memref<48x208xf32, #tpu.memory_space<hbm>>) dst(%arg18 : memref<48x208xf32, #tpu.memory_space<vmem>>)
    %dma_wait3A_217 = arith.constant 0 : i32
    %dma_wait3A_218 = arith.constant 0 : i32
    %dma_wait3A_219 = tpu.memref_slice %arg3[%dma_wait3A_217, %dma_wait3A_218] : memref<20000x192xf32, #tpu.memory_space<hbm>> -> memref<48x192xf32, #tpu.memory_space<hbm>>
    %dma_wait3A_220 = arith.constant 0 : i32
    %dma_wait3A_221 = arith.constant 0 : i32
    %dma_wait3A_222 = tpu.memref_slice %arg3[%dma_wait3A_220, %dma_wait3A_221] : memref<20000x192xf32, #tpu.memory_space<hbm>> -> memref<48x192xf32, #tpu.memory_space<hbm>>
    tpu.wait_dma2 semaphore(%arg32 : memref<!tpu.dma_semaphore, #tpu.memory_space<semaphore_mem>>) src(%dma_wait3A_222 : memref<48x192xf32, #tpu.memory_space<hbm>>) dst(%arg20 : memref<48x192xf32, #tpu.memory_space<vmem>>)
    %dma_wait3A_223 = arith.constant 0 : i32
    %dma_wait3A_224 = arith.constant 0 : i32
    %dma_wait3A_225 = tpu.memref_slice %arg4[%dma_wait3A_223, %dma_wait3A_224] : memref<20000x192xbf16, #tpu.memory_space<hbm>> -> memref<48x192xbf16, #tpu.memory_space<hbm>>
    %dma_wait3A_226 = arith.constant 0 : i32
    %dma_wait3A_227 = arith.constant 0 : i32
    %dma_wait3A_228 = tpu.memref_slice %arg4[%dma_wait3A_226, %dma_wait3A_227] : memref<20000x192xbf16, #tpu.memory_space<hbm>> -> memref<48x192xbf16, #tpu.memory_space<hbm>>
    tpu.wait_dma2 semaphore(%arg32 : memref<!tpu.dma_semaphore, #tpu.memory_space<semaphore_mem>>) src(%dma_wait3A_228 : memref<48x192xbf16, #tpu.memory_space<hbm>>) dst(%arg22 : memref<48x192xbf16, #tpu.memory_space<vmem>>)
    %parallel_loop3A = arith.constant 0 : i32
    %parallel_loop3A_229 = arith.constant 48 : i32
    %parallel_loop3A_230 = arith.constant 1 : i32
    scf.for %parallel_loop3A_280 = %parallel_loop3A to %parallel_loop3A_229 step %parallel_loop3A_230  : i32 {
      %parallel_loop3A_281 = arith.index_cast %parallel_loop3A_280 : i32 to index
      %parallel_loop3A_282 = arith.constant 0 : index
      %parallel_loop3A_283 = tpu.vector_load %arg18[%parallel_loop3A_281, %parallel_loop3A_282] {strides = array<i32>} : memref<48x208xf32, #tpu.memory_space<vmem>>, vector<16xf32>,
      %parallel_loop3A_284 = arith.index_cast %parallel_loop3A_280 : i32 to index
      %parallel_loop3A_285 = arith.constant 0 : index
      %parallel_loop3A_286 = tpu.vector_load %arg20[%parallel_loop3A_284, %parallel_loop3A_285] {strides = array<i32>} : memref<48x192xf32, #tpu.memory_space<vmem>>, vector<16xf32>,
      %parallel_loop3A_287 = arith.mulf %parallel_loop3A_283, %parallel_loop3A_286 : vector<16xf32>
      %parallel_loop3A_288 = arith.index_cast %parallel_loop3A_280 : i32 to index
      %parallel_loop3A_289 = arith.constant 16 : index
      %parallel_loop3A_290 = tpu.vector_load %arg18[%parallel_loop3A_288, %parallel_loop3A_289] {strides = array<i32>} : memref<48x208xf32, #tpu.memory_space<vmem>>, vector<16xf32>,
      %parallel_loop3A_291 = arith.index_cast %parallel_loop3A_280 : i32 to index
      %parallel_loop3A_292 = arith.constant 16 : index
      %parallel_loop3A_293 = tpu.vector_load %arg20[%parallel_loop3A_291, %parallel_loop3A_292] {strides = array<i32>} : memref<48x192xf32, #tpu.memory_space<vmem>>, vector<16xf32>,
      %parallel_loop3A_294 = arith.mulf %parallel_loop3A_290, %parallel_loop3A_293 : vector<16xf32>
      %parallel_loop3A_295 = arith.addf %parallel_loop3A_287, %parallel_loop3A_294 : vector<16xf32>
      %parallel_loop3A_296 = arith.index_cast %parallel_loop3A_280 : i32 to index
      %parallel_loop3A_297 = arith.constant 32 : index
      %parallel_loop3A_298 = tpu.vector_load %arg18[%parallel_loop3A_296, %parallel_loop3A_297] {strides = array<i32>} : memref<48x208xf32, #tpu.memory_space<vmem>>, vector<16xf32>,
      %parallel_loop3A_299 = arith.index_cast %parallel_loop3A_280 : i32 to index
      %parallel_loop3A_300 = arith.constant 32 : index
      %parallel_loop3A_301 = tpu.vector_load %arg20[%parallel_loop3A_299, %parallel_loop3A_300] {strides = array<i32>} : memref<48x192xf32, #tpu.memory_space<vmem>>, vector<16xf32>,
      %parallel_loop3A_302 = arith.mulf %parallel_loop3A_298, %parallel_loop3A_301 : vector<16xf32>
      %parallel_loop3A_303 = arith.addf %parallel_loop3A_295, %parallel_loop3A_302 : vector<16xf32>
      %parallel_loop3A_304 = arith.index_cast %parallel_loop3A_280 : i32 to index
      %parallel_loop3A_305 = arith.constant 48 : index
      %parallel_loop3A_306 = tpu.vector_load %arg18[%parallel_loop3A_304, %parallel_loop3A_305] {strides = array<i32>} : memref<48x208xf32, #tpu.memory_space<vmem>>, vector<16xf32>,
      %parallel_loop3A_307 = arith.index_cast %parallel_loop3A_280 : i32 to index
      %parallel_loop3A_308 = arith.constant 48 : index
      %parallel_loop3A_309 = tpu.vector_load %arg20[%parallel_loop3A_307, %parallel_loop3A_308] {strides = array<i32>} : memref<48x192xf32, #tpu.memory_space<vmem>>, vector<16xf32>,
      %parallel_loop3A_310 = arith.mulf %parallel_loop3A_306, %parallel_loop3A_309 : vector<16xf32>
      %parallel_loop3A_311 = arith.addf %parallel_loop3A_303, %parallel_loop3A_310 : vector<16xf32>
      %parallel_loop3A_312 = arith.index_cast %parallel_loop3A_280 : i32 to index
      %parallel_loop3A_313 = arith.constant 64 : index
      %parallel_loop3A_314 = tpu.vector_load %arg18[%parallel_loop3A_312, %parallel_loop3A_313] {strides = array<i32>} : memref<48x208xf32, #tpu.memory_space<vmem>>, vector<16xf32>,
      %parallel_loop3A_315 = arith.index_cast %parallel_loop3A_280 : i32 to index
      %parallel_loop3A_316 = arith.constant 64 : index
      %parallel_loop3A_317 = tpu.vector_load %arg20[%parallel_loop3A_315, %parallel_loop3A_316] {strides = array<i32>} : memref<48x192xf32, #tpu.memory_space<vmem>>, vector<16xf32>,
      %parallel_loop3A_318 = arith.mulf %parallel_loop3A_314, %parallel_loop3A_317 : vector<16xf32>
      %parallel_loop3A_319 = arith.addf %parallel_loop3A_311, %parallel_loop3A_318 : vector<16xf32>
      %parallel_loop3A_320 = arith.index_cast %parallel_loop3A_280 : i32 to index
      %parallel_loop3A_321 = arith.constant 80 : index
      %parallel_loop3A_322 = tpu.vector_load %arg18[%parallel_loop3A_320, %parallel_loop3A_321] {strides = array<i32>} : memref<48x208xf32, #tpu.memory_space<vmem>>, vector<16xf32>,
      %parallel_loop3A_323 = arith.index_cast %parallel_loop3A_280 : i32 to index
      %parallel_loop3A_324 = arith.constant 80 : index
      %parallel_loop3A_325 = tpu.vector_load %arg20[%parallel_loop3A_323, %parallel_loop3A_324] {strides = array<i32>} : memref<48x192xf32, #tpu.memory_space<vmem>>, vector<16xf32>,
      %parallel_loop3A_326 = arith.mulf %parallel_loop3A_322, %parallel_loop3A_325 : vector<16xf32>
      %parallel_loop3A_327 = arith.addf %parallel_loop3A_319, %parallel_loop3A_326 : vector<16xf32>
      %parallel_loop3A_328 = arith.index_cast %parallel_loop3A_280 : i32 to index
      %parallel_loop3A_329 = arith.constant 96 : index
      %parallel_loop3A_330 = tpu.vector_load %arg18[%parallel_loop3A_328, %parallel_loop3A_329] {strides = array<i32>} : memref<48x208xf32, #tpu.memory_space<vmem>>, vector<16xf32>,
      %parallel_loop3A_331 = arith.index_cast %parallel_loop3A_280 : i32 to index
      %parallel_loop3A_332 = arith.constant 96 : index
      %parallel_loop3A_333 = tpu.vector_load %arg20[%parallel_loop3A_331, %parallel_loop3A_332] {strides = array<i32>} : memref<48x192xf32, #tpu.memory_space<vmem>>, vector<16xf32>,
      %parallel_loop3A_334 = arith.mulf %parallel_loop3A_330, %parallel_loop3A_333 : vector<16xf32>
      %parallel_loop3A_335 = arith.addf %parallel_loop3A_327, %parallel_loop3A_334 : vector<16xf32>
      %parallel_loop3A_336 = arith.index_cast %parallel_loop3A_280 : i32 to index
      %parallel_loop3A_337 = arith.constant 112 : index
      %parallel_loop3A_338 = tpu.vector_load %arg18[%parallel_loop3A_336, %parallel_loop3A_337] {strides = array<i32>} : memref<48x208xf32, #tpu.memory_space<vmem>>, vector<16xf32>,
      %parallel_loop3A_339 = arith.index_cast %parallel_loop3A_280 : i32 to index
      %parallel_loop3A_340 = arith.constant 112 : index
      %parallel_loop3A_341 = tpu.vector_load %arg20[%parallel_loop3A_339, %parallel_loop3A_340] {strides = array<i32>} : memref<48x192xf32, #tpu.memory_space<vmem>>, vector<16xf32>,
      %parallel_loop3A_342 = arith.mulf %parallel_loop3A_338, %parallel_loop3A_341 : vector<16xf32>
      %parallel_loop3A_343 = arith.addf %parallel_loop3A_335, %parallel_loop3A_342 : vector<16xf32>
      %parallel_loop3A_344 = arith.index_cast %parallel_loop3A_280 : i32 to index
      %parallel_loop3A_345 = arith.constant 128 : index
      %parallel_loop3A_346 = tpu.vector_load %arg18[%parallel_loop3A_344, %parallel_loop3A_345] {strides = array<i32>} : memref<48x208xf32, #tpu.memory_space<vmem>>, vector<16xf32>,
      %parallel_loop3A_347 = arith.index_cast %parallel_loop3A_280 : i32 to index
      %parallel_loop3A_348 = arith.constant 128 : index
      %parallel_loop3A_349 = tpu.vector_load %arg20[%parallel_loop3A_347, %parallel_loop3A_348] {strides = array<i32>} : memref<48x192xf32, #tpu.memory_space<vmem>>, vector<16xf32>,
      %parallel_loop3A_350 = arith.mulf %parallel_loop3A_346, %parallel_loop3A_349 : vector<16xf32>
      %parallel_loop3A_351 = arith.addf %parallel_loop3A_343, %parallel_loop3A_350 : vector<16xf32>
      %parallel_loop3A_352 = arith.index_cast %parallel_loop3A_280 : i32 to index
      %parallel_loop3A_353 = arith.constant 144 : index
      %parallel_loop3A_354 = tpu.vector_load %arg18[%parallel_loop3A_352, %parallel_loop3A_353] {strides = array<i32>} : memref<48x208xf32, #tpu.memory_space<vmem>>, vector<16xf32>,
      %parallel_loop3A_355 = arith.index_cast %parallel_loop3A_280 : i32 to index
      %parallel_loop3A_356 = arith.constant 144 : index
      %parallel_loop3A_357 = tpu.vector_load %arg20[%parallel_loop3A_355, %parallel_loop3A_356] {strides = array<i32>} : memref<48x192xf32, #tpu.memory_space<vmem>>, vector<16xf32>,
      %parallel_loop3A_358 = arith.mulf %parallel_loop3A_354, %parallel_loop3A_357 : vector<16xf32>
      %parallel_loop3A_359 = arith.addf %parallel_loop3A_351, %parallel_loop3A_358 : vector<16xf32>
      %parallel_loop3A_360 = arith.index_cast %parallel_loop3A_280 : i32 to index
      %parallel_loop3A_361 = arith.constant 160 : index
      %parallel_loop3A_362 = tpu.vector_load %arg18[%parallel_loop3A_360, %parallel_loop3A_361] {strides = array<i32>} : memref<48x208xf32, #tpu.memory_space<vmem>>, vector<16xf32>,
      %parallel_loop3A_363 = arith.index_cast %parallel_loop3A_280 : i32 to index
      %parallel_loop3A_364 = arith.constant 160 : index
      %parallel_loop3A_365 = tpu.vector_load %arg20[%parallel_loop3A_363, %parallel_loop3A_364] {strides = array<i32>} : memref<48x192xf32, #tpu.memory_space<vmem>>, vector<16xf32>,
      %parallel_loop3A_366 = arith.mulf %parallel_loop3A_362, %parallel_loop3A_365 : vector<16xf32>
      %parallel_loop3A_367 = arith.addf %parallel_loop3A_359, %parallel_loop3A_366 : vector<16xf32>
      %parallel_loop3A_368 = arith.index_cast %parallel_loop3A_280 : i32 to index
      %parallel_loop3A_369 = arith.constant 176 : index
      %parallel_loop3A_370 = tpu.vector_load %arg18[%parallel_loop3A_368, %parallel_loop3A_369] {strides = array<i32>} : memref<48x208xf32, #tpu.memory_space<vmem>>, vector<16xf32>,
      %parallel_loop3A_371 = arith.index_cast %parallel_loop3A_280 : i32 to index
      %parallel_loop3A_372 = arith.constant 176 : index
      %parallel_loop3A_373 = tpu.vector_load %arg20[%parallel_loop3A_371, %parallel_loop3A_372] {strides = array<i32>} : memref<48x192xf32, #tpu.memory_space<vmem>>, vector<16xf32>,
      %parallel_loop3A_374 = arith.mulf %parallel_loop3A_370, %parallel_loop3A_373 : vector<16xf32>
      %parallel_loop3A_375 = arith.addf %parallel_loop3A_367, %parallel_loop3A_374 : vector<16xf32>
      %parallel_loop3A_376 = arith.index_cast %parallel_loop3A_280 : i32 to index
      %parallel_loop3A_377 = arith.constant 0 : index
      %parallel_loop3A_378 = tpu.vector_load %arg26[%parallel_loop3A_376, %parallel_loop3A_377] {strides = array<i32>} : memref<48x16xf32, #tpu.memory_space<vmem>>, vector<16xf32>,
      tpu.vector_store %arg26[%parallel_loop3A_376, %parallel_loop3A_377], %parallel_loop3A_375 {strides = array<i32>} : memref<48x16xf32, #tpu.memory_space<vmem>>, vector<16xf32>,
    } {sc.loop_unroll_factor = 2 : i64, sc.parallel_access}
    %parallel_loop3A_231 = arith.constant 0 : i32
    %parallel_loop3A_232 = arith.constant 3 : i32
    %parallel_loop3A_233 = arith.constant 1 : i32
    %parallel_loop3A_234 = arith.constant 0.0721687824 : f32
    scf.for %parallel_loop3A_280 = %parallel_loop3A_231 to %parallel_loop3A_232 step %parallel_loop3A_233  : i32 {
      %parallel_loop3A_281 = arith.constant 16 : i32
      %parallel_loop3A_282 = arith.muli %parallel_loop3A_280, %parallel_loop3A_281 : i32
      %parallel_loop3A_283 = vector.broadcast %parallel_loop3A_282 : i32 to vector<16xi32>
      %parallel_loop3A_284 = arith.addi %iota3A, %parallel_loop3A_283 : vector<16xi32>
      %parallel_loop3A_285 = arith.constant 0 : i32
      %parallel_loop3A_286 = vector.broadcast %parallel_loop3A_285 : i32 to vector<16xi32>
      %parallel_loop3A_287 = tpu.vector_load_idx %arg26[%parallel_loop3A_284, %parallel_loop3A_286] : memref<48x16xf32, #tpu.memory_space<vmem>>[vector<16xi32>, vector<16xi32>], vector<16xf32>,
      %parallel_loop3A_288 = arith.constant 1 : i32
      %parallel_loop3A_289 = vector.broadcast %parallel_loop3A_288 : i32 to vector<16xi32>
      %parallel_loop3A_290 = tpu.vector_load_idx %arg26[%parallel_loop3A_284, %parallel_loop3A_289] : memref<48x16xf32, #tpu.memory_space<vmem>>[vector<16xi32>, vector<16xi32>], vector<16xf32>,
      %parallel_loop3A_291 = arith.addf %parallel_loop3A_287, %parallel_loop3A_290 : vector<16xf32>
      %parallel_loop3A_292 = arith.constant 2 : i32
      %parallel_loop3A_293 = vector.broadcast %parallel_loop3A_292 : i32 to vector<16xi32>
      %parallel_loop3A_294 = tpu.vector_load_idx %arg26[%parallel_loop3A_284, %parallel_loop3A_293] : memref<48x16xf32, #tpu.memory_space<vmem>>[vector<16xi32>, vector<16xi32>], vector<16xf32>,
      %parallel_loop3A_295 = arith.addf %parallel_loop3A_291, %parallel_loop3A_294 : vector<16xf32>
      %parallel_loop3A_296 = arith.constant 3 : i32
      %parallel_loop3A_297 = vector.broadcast %parallel_loop3A_296 : i32 to vector<16xi32>
      %parallel_loop3A_298 = tpu.vector_load_idx %arg26[%parallel_loop3A_284, %parallel_loop3A_297] : memref<48x16xf32, #tpu.memory_space<vmem>>[vector<16xi32>, vector<16xi32>], vector<16xf32>,
      %parallel_loop3A_299 = arith.addf %parallel_loop3A_295, %parallel_loop3A_298 : vector<16xf32>
      %parallel_loop3A_300 = arith.constant 4 : i32
      %parallel_loop3A_301 = vector.broadcast %parallel_loop3A_300 : i32 to vector<16xi32>
      %parallel_loop3A_302 = tpu.vector_load_idx %arg26[%parallel_loop3A_284, %parallel_loop3A_301] : memref<48x16xf32, #tpu.memory_space<vmem>>[vector<16xi32>, vector<16xi32>], vector<16xf32>,
      %parallel_loop3A_303 = arith.addf %parallel_loop3A_299, %parallel_loop3A_302 : vector<16xf32>
      %parallel_loop3A_304 = arith.constant 5 : i32
      %parallel_loop3A_305 = vector.broadcast %parallel_loop3A_304 : i32 to vector<16xi32>
      %parallel_loop3A_306 = tpu.vector_load_idx %arg26[%parallel_loop3A_284, %parallel_loop3A_305] : memref<48x16xf32, #tpu.memory_space<vmem>>[vector<16xi32>, vector<16xi32>], vector<16xf32>,
      %parallel_loop3A_307 = arith.addf %parallel_loop3A_303, %parallel_loop3A_306 : vector<16xf32>
      %parallel_loop3A_308 = arith.constant 6 : i32
      %parallel_loop3A_309 = vector.broadcast %parallel_loop3A_308 : i32 to vector<16xi32>
      %parallel_loop3A_310 = tpu.vector_load_idx %arg26[%parallel_loop3A_284, %parallel_loop3A_309] : memref<48x16xf32, #tpu.memory_space<vmem>>[vector<16xi32>, vector<16xi32>], vector<16xf32>,
      %parallel_loop3A_311 = arith.addf %parallel_loop3A_307, %parallel_loop3A_310 : vector<16xf32>
      %parallel_loop3A_312 = arith.constant 7 : i32
      %parallel_loop3A_313 = vector.broadcast %parallel_loop3A_312 : i32 to vector<16xi32>
      %parallel_loop3A_314 = tpu.vector_load_idx %arg26[%parallel_loop3A_284, %parallel_loop3A_313] : memref<48x16xf32, #tpu.memory_space<vmem>>[vector<16xi32>, vector<16xi32>], vector<16xf32>,
      %parallel_loop3A_315 = arith.addf %parallel_loop3A_311, %parallel_loop3A_314 : vector<16xf32>
      %parallel_loop3A_316 = arith.constant 8 : i32
      %parallel_loop3A_317 = vector.broadcast %parallel_loop3A_316 : i32 to vector<16xi32>
      %parallel_loop3A_318 = tpu.vector_load_idx %arg26[%parallel_loop3A_284, %parallel_loop3A_317] : memref<48x16xf32, #tpu.memory_space<vmem>>[vector<16xi32>, vector<16xi32>], vector<16xf32>,
      %parallel_loop3A_319 = arith.addf %parallel_loop3A_315, %parallel_loop3A_318 : vector<16xf32>
      %parallel_loop3A_320 = arith.constant 9 : i32
      %parallel_loop3A_321 = vector.broadcast %parallel_loop3A_320 : i32 to vector<16xi32>
      %parallel_loop3A_322 = tpu.vector_load_idx %arg26[%parallel_loop3A_284, %parallel_loop3A_321] : memref<48x16xf32, #tpu.memory_space<vmem>>[vector<16xi32>, vector<16xi32>], vector<16xf32>,
      %parallel_loop3A_323 = arith.addf %parallel_loop3A_319, %parallel_loop3A_322 : vector<16xf32>
      %parallel_loop3A_324 = arith.constant 10 : i32
      %parallel_loop3A_325 = vector.broadcast %parallel_loop3A_324 : i32 to vector<16xi32>
      %parallel_loop3A_326 = tpu.vector_load_idx %arg26[%parallel_loop3A_284, %parallel_loop3A_325] : memref<48x16xf32, #tpu.memory_space<vmem>>[vector<16xi32>, vector<16xi32>], vector<16xf32>,
      %parallel_loop3A_327 = arith.addf %parallel_loop3A_323, %parallel_loop3A_326 : vector<16xf32>
      %parallel_loop3A_328 = arith.constant 11 : i32
      %parallel_loop3A_329 = vector.broadcast %parallel_loop3A_328 : i32 to vector<16xi32>
      %parallel_loop3A_330 = tpu.vector_load_idx %arg26[%parallel_loop3A_284, %parallel_loop3A_329] : memref<48x16xf32, #tpu.memory_space<vmem>>[vector<16xi32>, vector<16xi32>], vector<16xf32>,
      %parallel_loop3A_331 = arith.addf %parallel_loop3A_327, %parallel_loop3A_330 : vector<16xf32>
      %parallel_loop3A_332 = arith.constant 12 : i32
      %parallel_loop3A_333 = vector.broadcast %parallel_loop3A_332 : i32 to vector<16xi32>
      %parallel_loop3A_334 = tpu.vector_load_idx %arg26[%parallel_loop3A_284, %parallel_loop3A_333] : memref<48x16xf32, #tpu.memory_space<vmem>>[vector<16xi32>, vector<16xi32>], vector<16xf32>,
      %parallel_loop3A_335 = arith.addf %parallel_loop3A_331, %parallel_loop3A_334 : vector<16xf32>
      %parallel_loop3A_336 = arith.constant 13 : i32
      %parallel_loop3A_337 = vector.broadcast %parallel_loop3A_336 : i32 to vector<16xi32>
      %parallel_loop3A_338 = tpu.vector_load_idx %arg26[%parallel_loop3A_284, %parallel_loop3A_337] : memref<48x16xf32, #tpu.memory_space<vmem>>[vector<16xi32>, vector<16xi32>], vector<16xf32>,
      %parallel_loop3A_339 = arith.addf %parallel_loop3A_335, %parallel_loop3A_338 : vector<16xf32>
      %parallel_loop3A_340 = arith.constant 14 : i32
      %parallel_loop3A_341 = vector.broadcast %parallel_loop3A_340 : i32 to vector<16xi32>
      %parallel_loop3A_342 = tpu.vector_load_idx %arg26[%parallel_loop3A_284, %parallel_loop3A_341] : memref<48x16xf32, #tpu.memory_space<vmem>>[vector<16xi32>, vector<16xi32>], vector<16xf32>,
      %parallel_loop3A_343 = arith.addf %parallel_loop3A_339, %parallel_loop3A_342 : vector<16xf32>
      %parallel_loop3A_344 = arith.constant 15 : i32
      %parallel_loop3A_345 = vector.broadcast %parallel_loop3A_344 : i32 to vector<16xi32>
      %parallel_loop3A_346 = tpu.vector_load_idx %arg26[%parallel_loop3A_284, %parallel_loop3A_345] : memref<48x16xf32, #tpu.memory_space<vmem>>[vector<16xi32>, vector<16xi32>], vector<16xf32>,
      %parallel_loop3A_347 = arith.addf %parallel_loop3A_343, %parallel_loop3A_346 : vector<16xf32>
      %parallel_loop3A_348 = arith.constant 192 : i32
      %parallel_loop3A_349 = vector.broadcast %parallel_loop3A_348 : i32 to vector<16xi32>
      %parallel_loop3A_350 = tpu.vector_load_idx %arg18[%parallel_loop3A_284, %parallel_loop3A_349] : memref<48x208xf32, #tpu.memory_space<vmem>>[vector<16xi32>, vector<16xi32>], vector<16xf32>,
      %parallel_loop3A_351 = arith.constant 193 : i32
      %parallel_loop3A_352 = vector.broadcast %parallel_loop3A_351 : i32 to vector<16xi32>
      %parallel_loop3A_353 = tpu.vector_load_idx %arg18[%parallel_loop3A_284, %parallel_loop3A_352] : memref<48x208xf32, #tpu.memory_space<vmem>>[vector<16xi32>, vector<16xi32>], vector<16xf32>,
      %parallel_loop3A_354 = arith.index_cast %parallel_loop3A_282 : i32 to index
      %parallel_loop3A_355 = tpu.vector_load %arg16[%parallel_loop3A_354] {strides = array<i32>} : memref<48xf32, #tpu.memory_space<vmem>>, vector<16xf32>,
      %parallel_loop3A_356 = arith.mulf %parallel_loop3A_355, %parallel_loop3A_350 : vector<16xf32>
      %parallel_loop3A_357 = arith.addf %parallel_loop3A_347, %parallel_loop3A_356 : vector<16xf32>
      %parallel_loop3A_358 = arith.addf %parallel_loop3A_357, %parallel_loop3A_353 : vector<16xf32>
      %parallel_loop3A_359 = vector.broadcast %parallel_loop3A_234 : f32 to vector<16xf32>
      %parallel_loop3A_360 = arith.mulf %parallel_loop3A_358, %parallel_loop3A_359 : vector<16xf32>
      %parallel_loop3A_361 = math.exp %parallel_loop3A_360 : vector<16xf32>
      %parallel_loop3A_362 = arith.index_cast %parallel_loop3A_282 : i32 to index
      %parallel_loop3A_363 = tpu.vector_load %arg27[%parallel_loop3A_362] {strides = array<i32>} : memref<48xf32, #tpu.memory_space<vmem>>, vector<16xf32>,
      tpu.vector_store %arg27[%parallel_loop3A_362], %parallel_loop3A_361 {strides = array<i32>} : memref<48xf32, #tpu.memory_space<vmem>>, vector<16xf32>,
      tpu.vector_store_idx %arg24[%parallel_loop3A_284, %parallel_loop3A_286], %parallel_loop3A_361 : memref<48x16xf32, #tpu.memory_space<vmem>>[vector<16xi32>, vector<16xi32>], vector<16xf32>,
      %parallel_loop3A_364 = arith.constant 1 : i32
      %parallel_loop3A_365 = vector.broadcast %parallel_loop3A_364 : i32 to vector<16xi32>
      %parallel_loop3A_366 = arith.mulf %parallel_loop3A_361, %parallel_loop3A_355 : vector<16xf32>
      tpu.vector_store_idx %arg24[%parallel_loop3A_284, %parallel_loop3A_365], %parallel_loop3A_366 : memref<48x16xf32, #tpu.memory_space<vmem>>[vector<16xi32>, vector<16xi32>], vector<16xf32>,
    } {sc.loop_unroll_factor = 1 : i64, sc.parallel_access}
    %parallel_loop3A_235 = arith.constant 0 : i32
    %parallel_loop3A_236 = arith.constant 48 : i32
    %parallel_loop3A_237 = arith.constant 1 : i32
    scf.for %parallel_loop3A_280 = %parallel_loop3A_235 to %parallel_loop3A_236 step %parallel_loop3A_237  : i32 {
      %parallel_loop3A_281 = arith.constant 0 : i32
      %parallel_loop3A_282 = vector.broadcast %parallel_loop3A_281 : i32 to vector<16xi32>
      %parallel_loop3A_283 = vector.broadcast %parallel_loop3A_280 : i32 to vector<16xi32>
      %parallel_loop3A_284 = arith.addi %parallel_loop3A_282, %parallel_loop3A_283 : vector<16xi32>
      %parallel_loop3A_285 = tpu.vector_load_idx %arg27[%parallel_loop3A_284] : memref<48xf32, #tpu.memory_space<vmem>>[vector<16xi32>], vector<16xf32>,
      %parallel_loop3A_286 = arith.index_cast %parallel_loop3A_280 : i32 to index
      %parallel_loop3A_287 = arith.constant 0 : index
      %parallel_loop3A_288 = tpu.vector_load %arg22[%parallel_loop3A_286, %parallel_loop3A_287] {strides = array<i32>} : memref<48x192xbf16, #tpu.memory_space<vmem>>, vector<32xbf16>,
      %parallel_loop3A_289 = tpu.unpack_subelements %parallel_loop3A_288, 0 {pack_format = #tpu.pack_format<interleaved>} : vector<32xbf16> -> vector<16xf32>
      %parallel_loop3A_290 = tpu.unpack_subelements %parallel_loop3A_288, 1 {pack_format = #tpu.pack_format<interleaved>} : vector<32xbf16> -> vector<16xf32>
      %parallel_loop3A_291 = arith.mulf %parallel_loop3A_289, %parallel_loop3A_285 : vector<16xf32>
      %parallel_loop3A_292 = arith.mulf %parallel_loop3A_290, %parallel_loop3A_285 : vector<16xf32>
      %parallel_loop3A_293 = tpu.pack_subelements %parallel_loop3A_291, %parallel_loop3A_292 {pack_format = #tpu.pack_format<interleaved>, positions = array<i32: 0, 1>} : vector<16xf32>, vector<16xf32> -> vector<32xbf16>
      %parallel_loop3A_294 = arith.index_cast %parallel_loop3A_280 : i32 to index
      %parallel_loop3A_295 = arith.constant 0 : index
      %parallel_loop3A_296 = tpu.vector_load %arg22[%parallel_loop3A_294, %parallel_loop3A_295] {strides = array<i32>} : memref<48x192xbf16, #tpu.memory_space<vmem>>, vector<32xbf16>,
      tpu.vector_store %arg22[%parallel_loop3A_294, %parallel_loop3A_295], %parallel_loop3A_293 {strides = array<i32>} : memref<48x192xbf16, #tpu.memory_space<vmem>>, vector<32xbf16>,
      %parallel_loop3A_297 = arith.index_cast %parallel_loop3A_280 : i32 to index
      %parallel_loop3A_298 = arith.constant 32 : index
      %parallel_loop3A_299 = tpu.vector_load %arg22[%parallel_loop3A_297, %parallel_loop3A_298] {strides = array<i32>} : memref<48x192xbf16, #tpu.memory_space<vmem>>, vector<32xbf16>,
      %parallel_loop3A_300 = tpu.unpack_subelements %parallel_loop3A_299, 0 {pack_format = #tpu.pack_format<interleaved>} : vector<32xbf16> -> vector<16xf32>
      %parallel_loop3A_301 = tpu.unpack_subelements %parallel_loop3A_299, 1 {pack_format = #tpu.pack_format<interleaved>} : vector<32xbf16> -> vector<16xf32>
      %parallel_loop3A_302 = arith.mulf %parallel_loop3A_300, %parallel_loop3A_285 : vector<16xf32>
      %parallel_loop3A_303 = arith.mulf %parallel_loop3A_301, %parallel_loop3A_285 : vector<16xf32>
      %parallel_loop3A_304 = tpu.pack_subelements %parallel_loop3A_302, %parallel_loop3A_303 {pack_format = #tpu.pack_format<interleaved>, positions = array<i32: 0, 1>} : vector<16xf32>, vector<16xf32> -> vector<32xbf16>
      %parallel_loop3A_305 = arith.index_cast %parallel_loop3A_280 : i32 to index
      %parallel_loop3A_306 = arith.constant 32 : index
      %parallel_loop3A_307 = tpu.vector_load %arg22[%parallel_loop3A_305, %parallel_loop3A_306] {strides = array<i32>} : memref<48x192xbf16, #tpu.memory_space<vmem>>, vector<32xbf16>,
      tpu.vector_store %arg22[%parallel_loop3A_305, %parallel_loop3A_306], %parallel_loop3A_304 {strides = array<i32>} : memref<48x192xbf16, #tpu.memory_space<vmem>>, vector<32xbf16>,
      %parallel_loop3A_308 = arith.index_cast %parallel_loop3A_280 : i32 to index
      %parallel_loop3A_309 = arith.constant 64 : index
      %parallel_loop3A_310 = tpu.vector_load %arg22[%parallel_loop3A_308, %parallel_loop3A_309] {strides = array<i32>} : memref<48x192xbf16, #tpu.memory_space<vmem>>, vector<32xbf16>,
      %parallel_loop3A_311 = tpu.unpack_subelements %parallel_loop3A_310, 0 {pack_format = #tpu.pack_format<interleaved>} : vector<32xbf16> -> vector<16xf32>
      %parallel_loop3A_312 = tpu.unpack_subelements %parallel_loop3A_310, 1 {pack_format = #tpu.pack_format<interleaved>} : vector<32xbf16> -> vector<16xf32>
      %parallel_loop3A_313 = arith.mulf %parallel_loop3A_311, %parallel_loop3A_285 : vector<16xf32>
      %parallel_loop3A_314 = arith.mulf %parallel_loop3A_312, %parallel_loop3A_285 : vector<16xf32>
      %parallel_loop3A_315 = tpu.pack_subelements %parallel_loop3A_313, %parallel_loop3A_314 {pack_format = #tpu.pack_format<interleaved>, positions = array<i32: 0, 1>} : vector<16xf32>, vector<16xf32> -> vector<32xbf16>
      %parallel_loop3A_316 = arith.index_cast %parallel_loop3A_280 : i32 to index
      %parallel_loop3A_317 = arith.constant 64 : index
      %parallel_loop3A_318 = tpu.vector_load %arg22[%parallel_loop3A_316, %parallel_loop3A_317] {strides = array<i32>} : memref<48x192xbf16, #tpu.memory_space<vmem>>, vector<32xbf16>,
      tpu.vector_store %arg22[%parallel_loop3A_316, %parallel_loop3A_317], %parallel_loop3A_315 {strides = array<i32>} : memref<48x192xbf16, #tpu.memory_space<vmem>>, vector<32xbf16>,
      %parallel_loop3A_319 = arith.index_cast %parallel_loop3A_280 : i32 to index
      %parallel_loop3A_320 = arith.constant 96 : index
      %parallel_loop3A_321 = tpu.vector_load %arg22[%parallel_loop3A_319, %parallel_loop3A_320] {strides = array<i32>} : memref<48x192xbf16, #tpu.memory_space<vmem>>, vector<32xbf16>,
      %parallel_loop3A_322 = tpu.unpack_subelements %parallel_loop3A_321, 0 {pack_format = #tpu.pack_format<interleaved>} : vector<32xbf16> -> vector<16xf32>
      %parallel_loop3A_323 = tpu.unpack_subelements %parallel_loop3A_321, 1 {pack_format = #tpu.pack_format<interleaved>} : vector<32xbf16> -> vector<16xf32>
      %parallel_loop3A_324 = arith.mulf %parallel_loop3A_322, %parallel_loop3A_285 : vector<16xf32>
      %parallel_loop3A_325 = arith.mulf %parallel_loop3A_323, %parallel_loop3A_285 : vector<16xf32>
      %parallel_loop3A_326 = tpu.pack_subelements %parallel_loop3A_324, %parallel_loop3A_325 {pack_format = #tpu.pack_format<interleaved>, positions = array<i32: 0, 1>} : vector<16xf32>, vector<16xf32> -> vector<32xbf16>
      %parallel_loop3A_327 = arith.index_cast %parallel_loop3A_280 : i32 to index
      %parallel_loop3A_328 = arith.constant 96 : index
      %parallel_loop3A_329 = tpu.vector_load %arg22[%parallel_loop3A_327, %parallel_loop3A_328] {strides = array<i32>} : memref<48x192xbf16, #tpu.memory_space<vmem>>, vector<32xbf16>,
      tpu.vector_store %arg22[%parallel_loop3A_327, %parallel_loop3A_328], %parallel_loop3A_326 {strides = array<i32>} : memref<48x192xbf16, #tpu.memory_space<vmem>>, vector<32xbf16>,
      %parallel_loop3A_330 = arith.index_cast %parallel_loop3A_280 : i32 to index
      %parallel_loop3A_331 = arith.constant 128 : index
      %parallel_loop3A_332 = tpu.vector_load %arg22[%parallel_loop3A_330, %parallel_loop3A_331] {strides = array<i32>} : memref<48x192xbf16, #tpu.memory_space<vmem>>, vector<32xbf16>,
      %parallel_loop3A_333 = tpu.unpack_subelements %parallel_loop3A_332, 0 {pack_format = #tpu.pack_format<interleaved>} : vector<32xbf16> -> vector<16xf32>
      %parallel_loop3A_334 = tpu.unpack_subelements %parallel_loop3A_332, 1 {pack_format = #tpu.pack_format<interleaved>} : vector<32xbf16> -> vector<16xf32>
      %parallel_loop3A_335 = arith.mulf %parallel_loop3A_333, %parallel_loop3A_285 : vector<16xf32>
      %parallel_loop3A_336 = arith.mulf %parallel_loop3A_334, %parallel_loop3A_285 : vector<16xf32>
      %parallel_loop3A_337 = tpu.pack_subelements %parallel_loop3A_335, %parallel_loop3A_336 {pack_format = #tpu.pack_format<interleaved>, positions = array<i32: 0, 1>} : vector<16xf32>, vector<16xf32> -> vector<32xbf16>
      %parallel_loop3A_338 = arith.index_cast %parallel_loop3A_280 : i32 to index
      %parallel_loop3A_339 = arith.constant 128 : index
      %parallel_loop3A_340 = tpu.vector_load %arg22[%parallel_loop3A_338, %parallel_loop3A_339] {strides = array<i32>} : memref<48x192xbf16, #tpu.memory_space<vmem>>, vector<32xbf16>,
      tpu.vector_store %arg22[%parallel_loop3A_338, %parallel_loop3A_339], %parallel_loop3A_337 {strides = array<i32>} : memref<48x192xbf16, #tpu.memory_space<vmem>>, vector<32xbf16>,
      %parallel_loop3A_341 = arith.index_cast %parallel_loop3A_280 : i32 to index
      %parallel_loop3A_342 = arith.constant 160 : index
      %parallel_loop3A_343 = tpu.vector_load %arg22[%parallel_loop3A_341, %parallel_loop3A_342] {strides = array<i32>} : memref<48x192xbf16, #tpu.memory_space<vmem>>, vector<32xbf16>,
      %parallel_loop3A_344 = tpu.unpack_subelements %parallel_loop3A_343, 0 {pack_format = #tpu.pack_format<interleaved>} : vector<32xbf16> -> vector<16xf32>
      %parallel_loop3A_345 = tpu.unpack_subelements %parallel_loop3A_343, 1 {pack_format = #tpu.pack_format<interleaved>} : vector<32xbf16> -> vector<16xf32>
      %parallel_loop3A_346 = arith.mulf %parallel_loop3A_344, %parallel_loop3A_285 : vector<16xf32>
      %parallel_loop3A_347 = arith.mulf %parallel_loop3A_345, %parallel_loop3A_285 : vector<16xf32>
      %parallel_loop3A_348 = tpu.pack_subelements %parallel_loop3A_346, %parallel_loop3A_347 {pack_format = #tpu.pack_format<interleaved>, positions = array<i32: 0, 1>} : vector<16xf32>, vector<16xf32> -> vector<32xbf16>
      %parallel_loop3A_349 = arith.index_cast %parallel_loop3A_280 : i32 to index
      %parallel_loop3A_350 = arith.constant 160 : index
      %parallel_loop3A_351 = tpu.vector_load %arg22[%parallel_loop3A_349, %parallel_loop3A_350] {strides = array<i32>} : memref<48x192xbf16, #tpu.memory_space<vmem>>, vector<32xbf16>,
      tpu.vector_store %arg22[%parallel_loop3A_349, %parallel_loop3A_350], %parallel_loop3A_348 {strides = array<i32>} : memref<48x192xbf16, #tpu.memory_space<vmem>>, vector<32xbf16>,
    } {sc.loop_unroll_factor = 2 : i64, sc.parallel_access}
    %dma_start3A_238 = arith.constant 0 : i32
    %dma_start3A_239 = arith.constant 0 : i32
    %dma_start3A_240 = tpu.memref_slice %arg30[%dma_start3A_238, %dma_start3A_239] : memref<10016x192xbf16, #tpu.memory_space<vmem_shared>> -> memref<10016x192xbf16, #tpu.memory_space<vmem_shared>>
    tpu.enqueue_indirect_dma source(%arg22 : memref<48x192xbf16, #tpu.memory_space<vmem>>) target(%dma_start3A_240 : memref<10016x192xbf16, #tpu.memory_space<vmem_shared>>) offsets(%arg10 : memref<48xi32, #tpu.memory_space<vmem>>) semaphore(%arg36 : memref<!tpu.dma_semaphore, #tpu.memory_space<semaphore_mem>>) {add = true}
    %dma_start3A_241 = arith.constant 0 : i32
    %dma_start3A_242 = arith.constant 0 : i32
    %dma_start3A_243 = tpu.memref_slice %arg31[%dma_start3A_241, %dma_start3A_242] : memref<10016x16xf32, #tpu.memory_space<vmem_shared>> -> memref<10016x16xf32, #tpu.memory_space<vmem_shared>>
    tpu.enqueue_indirect_dma source(%arg24 : memref<48x16xf32, #tpu.memory_space<vmem>>) target(%dma_start3A_243 : memref<10016x16xf32, #tpu.memory_space<vmem_shared>>) offsets(%arg10 : memref<48xi32, #tpu.memory_space<vmem>>) semaphore(%arg36 : memref<!tpu.dma_semaphore, #tpu.memory_space<semaphore_mem>>) {add = true}
    %scan3A_244 = arith.constant 0.0721687824 : f32
    %scan3A_245 = arith.constant 0 : i32
    %scan3A_246 = arith.constant 104 : i32
    %scan3A_247 = arith.addi %scan3A_245, %scan3A_246 : i32
    %scan3A_248 = arith.constant 1 : i32
    scf.for %scan3A_280 = %scan3A_245 to %scan3A_247 step %scan3A_248  : i32 {
      %mul3A_281 = arith.constant 1 : i32
      %mul3A_282 = arith.muli %scan3A_280, %mul3A_281 : i32
      %add3A_283 = arith.constant 0 : i32
      %add3A_284 = arith.addi %add3A_283, %mul3A_282 : i32
      %mul3A_285 = arith.constant 2 : i32
      %mul3A_286 = arith.muli %mul3A_285, %add3A_284 : i32
      %add3A_287 = arith.constant 1 : i32
      %add3A_288 = arith.addi %mul3A_286, %add3A_287 : i32
      %add3A_289 = arith.constant 1 : i32
      %add3A_290 = arith.addi %add3A_288, %add3A_289 : i32
      %lt3A = arith.constant 209 : i32
      %lt3A_291 = arith.cmpi slt, %add3A_290, %lt3A : i32
      %convert_element_type3A = arith.extui %lt3A_291 : i1 to i32
      %cond3A = arith.constant 0 : i32
      %cond3A_292 = arith.cmpi ne, %convert_element_type3A, %cond3A : i32
      scf.if %cond3A_292 {
        %dma_wait3A_382 = arith.constant 0 : i32
        %dma_wait3A_383 = tpu.memref_slice %arg5[%dma_wait3A_382] : memref<481536xi32, #tpu.memory_space<hbm>> -> memref<144xi32, #tpu.memory_space<hbm>>
        %dma_wait3A_384 = arith.constant 0 : i32
        %dma_wait3A_385 = tpu.memref_slice %arg5[%dma_wait3A_384] : memref<481536xi32, #tpu.memory_space<hbm>> -> memref<144xi32, #tpu.memory_space<hbm>>
        tpu.wait_dma2 semaphore(%arg34 : memref<!tpu.dma_semaphore, #tpu.memory_space<semaphore_mem>>) src(%dma_wait3A_385 : memref<144xi32, #tpu.memory_space<hbm>>) dst(%arg8 : memref<144xi32, #tpu.memory_space<vmem>>)
        %dma_wait3A_386 = arith.constant 0 : i32
        %dma_wait3A_387 = arith.constant 0 : i32
        %dma_wait3A_388 = tpu.memref_slice %arg6[%dma_wait3A_386, %dma_wait3A_387] : memref<20000x192xbf16, #tpu.memory_space<hbm>> -> memref<48x192xbf16, #tpu.memory_space<hbm>>
        %dma_wait3A_389 = arith.constant 0 : i32
        %dma_wait3A_390 = arith.constant 0 : i32
        %dma_wait3A_391 = tpu.memref_slice %arg6[%dma_wait3A_389, %dma_wait3A_390] : memref<20000x192xbf16, #tpu.memory_space<hbm>> -> memref<48x192xbf16, #tpu.memory_space<hbm>>
        tpu.wait_dma2 semaphore(%arg36 : memref<!tpu.dma_semaphore, #tpu.memory_space<semaphore_mem>>) src(%dma_wait3A_391 : memref<48x192xbf16, #tpu.memory_space<hbm>>) dst(%arg22 : memref<48x192xbf16, #tpu.memory_space<vmem>>)
        %dma_wait3A_392 = arith.constant 0 : i32
        %dma_wait3A_393 = arith.constant 0 : i32
        %dma_wait3A_394 = tpu.memref_slice %arg7[%dma_wait3A_392, %dma_wait3A_393] : memref<20000x16xf32, #tpu.memory_space<hbm>> -> memref<48x16xf32, #tpu.memory_space<hbm>>
        %dma_wait3A_395 = arith.constant 0 : i32
        %dma_wait3A_396 = arith.constant 0 : i32
        %dma_wait3A_397 = tpu.memref_slice %arg7[%dma_wait3A_395, %dma_wait3A_396] : memref<20000x16xf32, #tpu.memory_space<hbm>> -> memref<48x16xf32, #tpu.memory_space<hbm>>
        tpu.wait_dma2 semaphore(%arg36 : memref<!tpu.dma_semaphore, #tpu.memory_space<semaphore_mem>>) src(%dma_wait3A_397 : memref<48x16xf32, #tpu.memory_space<hbm>>) dst(%arg24 : memref<48x16xf32, #tpu.memory_space<vmem>>)
        %broadcast_in_dim3A_398 = arith.constant 9999 : i32
        %broadcast_in_dim3A_399 = vector.broadcast %broadcast_in_dim3A_398 : i32 to vector<16xi32>
        %get3A_400 = arith.constant 0 : index
        %get3A_401 = tpu.vector_load %arg8[%get3A_400] {strides = array<i32>} : memref<144xi32, #tpu.memory_space<vmem>>, vector<16xi32>,
        %add3A_402 = vector.broadcast %mul3A_3 : i32 to vector<16xi32>
        %add3A_403 = arith.addi %get3A_401, %add3A_402 : vector<16xi32>
        %swap3A_404 = arith.constant 0 : index
        %swap3A_405 = tpu.vector_load %arg12[%swap3A_404] {strides = array<i32>} : memref<48xi32, #tpu.memory_space<vmem>>, vector<16xi32>,
        tpu.vector_store %arg12[%swap3A_404], %add3A_403 {strides = array<i32>} : memref<48xi32, #tpu.memory_space<vmem>>, vector<16xi32>,
        %get3A_406 = arith.constant 48 : index
        %get3A_407 = tpu.vector_load %arg8[%get3A_406] {strides = array<i32>} : memref<144xi32, #tpu.memory_space<vmem>>, vector<16xi32>,
        %swap3A_408 = arith.constant 0 : index
        %swap3A_409 = tpu.vector_load %arg10[%swap3A_408] {strides = array<i32>} : memref<48xi32, #tpu.memory_space<vmem>>, vector<16xi32>,
        tpu.vector_store %arg10[%swap3A_408], %get3A_407 {strides = array<i32>} : memref<48xi32, #tpu.memory_space<vmem>>, vector<16xi32>,
        %min3A_410 = arith.minsi %get3A_407, %broadcast_in_dim3A_399 : vector<16xi32>
        %add3A_411 = vector.broadcast %mul3A_3 : i32 to vector<16xi32>
        %add3A_412 = arith.addi %min3A_410, %add3A_411 : vector<16xi32>
        %swap3A_413 = arith.constant 0 : index
        %swap3A_414 = tpu.vector_load %arg14[%swap3A_413] {strides = array<i32>} : memref<48xi32, #tpu.memory_space<vmem>>, vector<16xi32>,
        tpu.vector_store %arg14[%swap3A_413], %add3A_412 {strides = array<i32>} : memref<48xi32, #tpu.memory_space<vmem>>, vector<16xi32>,
        %get3A_415 = arith.constant 96 : index
        %get3A_416 = tpu.vector_load %arg8[%get3A_415] {strides = array<i32>} : memref<144xi32, #tpu.memory_space<vmem>>, vector<16xi32>,
        %bitcast3A_417 = vector.bitcast %get3A_416 : vector<16xi32> to vector<16xf32>
        %swap3A_418 = arith.constant 0 : index
        %swap3A_419 = tpu.vector_load %arg16[%swap3A_418] {strides = array<i32>} : memref<48xf32, #tpu.memory_space<vmem>>, vector<16xf32>,
        tpu.vector_store %arg16[%swap3A_418], %bitcast3A_417 {strides = array<i32>} : memref<48xf32, #tpu.memory_space<vmem>>, vector<16xf32>,
        %get3A_420 = arith.constant 16 : index
        %get3A_421 = tpu.vector_load %arg8[%get3A_420] {strides = array<i32>} : memref<144xi32, #tpu.memory_space<vmem>>, vector<16xi32>,
        %add3A_422 = vector.broadcast %mul3A_3 : i32 to vector<16xi32>
        %add3A_423 = arith.addi %get3A_421, %add3A_422 : vector<16xi32>
        %swap3A_424 = arith.constant 16 : index
        %swap3A_425 = tpu.vector_load %arg12[%swap3A_424] {strides = array<i32>} : memref<48xi32, #tpu.memory_space<vmem>>, vector<16xi32>,
        tpu.vector_store %arg12[%swap3A_424], %add3A_423 {strides = array<i32>} : memref<48xi32, #tpu.memory_space<vmem>>, vector<16xi32>,
        %get3A_426 = arith.constant 64 : index
        %get3A_427 = tpu.vector_load %arg8[%get3A_426] {strides = array<i32>} : memref<144xi32, #tpu.memory_space<vmem>>, vector<16xi32>,
        %swap3A_428 = arith.constant 16 : index
        %swap3A_429 = tpu.vector_load %arg10[%swap3A_428] {strides = array<i32>} : memref<48xi32, #tpu.memory_space<vmem>>, vector<16xi32>,
        tpu.vector_store %arg10[%swap3A_428], %get3A_427 {strides = array<i32>} : memref<48xi32, #tpu.memory_space<vmem>>, vector<16xi32>,
        %min3A_430 = arith.minsi %get3A_427, %broadcast_in_dim3A_399 : vector<16xi32>
        %add3A_431 = vector.broadcast %mul3A_3 : i32 to vector<16xi32>
        %add3A_432 = arith.addi %min3A_430, %add3A_431 : vector<16xi32>
        %swap3A_433 = arith.constant 16 : index
        %swap3A_434 = tpu.vector_load %arg14[%swap3A_433] {strides = array<i32>} : memref<48xi32, #tpu.memory_space<vmem>>, vector<16xi32>,
        tpu.vector_store %arg14[%swap3A_433], %add3A_432 {strides = array<i32>} : memref<48xi32, #tpu.memory_space<vmem>>, vector<16xi32>,
        %get3A_435 = arith.constant 112 : index
        %get3A_436 = tpu.vector_load %arg8[%get3A_435] {strides = array<i32>} : memref<144xi32, #tpu.memory_space<vmem>>, vector<16xi32>,
        %bitcast3A_437 = vector.bitcast %get3A_436 : vector<16xi32> to vector<16xf32>
        %swap3A_438 = arith.constant 16 : index
        %swap3A_439 = tpu.vector_load %arg16[%swap3A_438] {strides = array<i32>} : memref<48xf32, #tpu.memory_space<vmem>>, vector<16xf32>,
        tpu.vector_store %arg16[%swap3A_438], %bitcast3A_437 {strides = array<i32>} : memref<48xf32, #tpu.memory_space<vmem>>, vector<16xf32>,
        %get3A_440 = arith.constant 32 : index
        %get3A_441 = tpu.vector_load %arg8[%get3A_440] {strides = array<i32>} : memref<144xi32, #tpu.memory_space<vmem>>, vector<16xi32>,
        %add3A_442 = vector.broadcast %mul3A_3 : i32 to vector<16xi32>
        %add3A_443 = arith.addi %get3A_441, %add3A_442 : vector<16xi32>
        %swap3A_444 = arith.constant 32 : index
        %swap3A_445 = tpu.vector_load %arg12[%swap3A_444] {strides = array<i32>} : memref<48xi32, #tpu.memory_space<vmem>>, vector<16xi32>,
        tpu.vector_store %arg12[%swap3A_444], %add3A_443 {strides = array<i32>} : memref<48xi32, #tpu.memory_space<vmem>>, vector<16xi32>,
        %get3A_446 = arith.constant 80 : index
        %get3A_447 = tpu.vector_load %arg8[%get3A_446] {strides = array<i32>} : memref<144xi32, #tpu.memory_space<vmem>>, vector<16xi32>,
        %swap3A_448 = arith.constant 32 : index
        %swap3A_449 = tpu.vector_load %arg10[%swap3A_448] {strides = array<i32>} : memref<48xi32, #tpu.memory_space<vmem>>, vector<16xi32>,
        tpu.vector_store %arg10[%swap3A_448], %get3A_447 {strides = array<i32>} : memref<48xi32, #tpu.memory_space<vmem>>, vector<16xi32>,
        %min3A_450 = arith.minsi %get3A_447, %broadcast_in_dim3A_399 : vector<16xi32>
        %add3A_451 = vector.broadcast %mul3A_3 : i32 to vector<16xi32>
        %add3A_452 = arith.addi %min3A_450, %add3A_451 : vector<16xi32>
        %swap3A_453 = arith.constant 32 : index
        %swap3A_454 = tpu.vector_load %arg14[%swap3A_453] {strides = array<i32>} : memref<48xi32, #tpu.memory_space<vmem>>, vector<16xi32>,
        tpu.vector_store %arg14[%swap3A_453], %add3A_452 {strides = array<i32>} : memref<48xi32, #tpu.memory_space<vmem>>, vector<16xi32>,
        %get3A_455 = arith.constant 128 : index
        %get3A_456 = tpu.vector_load %arg8[%get3A_455] {strides = array<i32>} : memref<144xi32, #tpu.memory_space<vmem>>, vector<16xi32>,
        %bitcast3A_457 = vector.bitcast %get3A_456 : vector<16xi32> to vector<16xf32>
        %swap3A_458 = arith.constant 32 : index
        %swap3A_459 = tpu.vector_load %arg16[%swap3A_458] {strides = array<i32>} : memref<48xf32, #tpu.memory_space<vmem>>, vector<16xf32>,
        tpu.vector_store %arg16[%swap3A_458], %bitcast3A_457 {strides = array<i32>} : memref<48xf32, #tpu.memory_space<vmem>>, vector<16xf32>,
        %dma_start3A_460 = arith.constant 0 : i32
        %dma_start3A_461 = arith.constant 0 : i32
        %dma_start3A_462 = tpu.memref_slice %arg2[%dma_start3A_460, %dma_start3A_461] : memref<20000x208xf32, #tpu.memory_space<hbm>> -> memref<20000x208xf32, #tpu.memory_space<hbm>>
        tpu.enqueue_indirect_dma source(%dma_start3A_462 : memref<20000x208xf32, #tpu.memory_space<hbm>>) target(%arg18 : memref<48x208xf32, #tpu.memory_space<vmem>>) offsets(%arg14 : memref<48xi32, #tpu.memory_space<vmem>>) semaphore(%arg32 : memref<!tpu.dma_semaphore, #tpu.memory_space<semaphore_mem>>)
        %dma_start3A_463 = arith.constant 0 : i32
        %dma_start3A_464 = arith.constant 0 : i32
        %dma_start3A_465 = tpu.memref_slice %arg3[%dma_start3A_463, %dma_start3A_464] : memref<20000x192xf32, #tpu.memory_space<hbm>> -> memref<20000x192xf32, #tpu.memory_space<hbm>>
        tpu.enqueue_indirect_dma source(%dma_start3A_465 : memref<20000x192xf32, #tpu.memory_space<hbm>>) target(%arg20 : memref<48x192xf32, #tpu.memory_space<vmem>>) offsets(%arg12 : memref<48xi32, #tpu.memory_space<vmem>>) semaphore(%arg32 : memref<!tpu.dma_semaphore, #tpu.memory_space<semaphore_mem>>)
        %dma_start3A_466 = arith.constant 0 : i32
        %dma_start3A_467 = arith.constant 0 : i32
        %dma_start3A_468 = tpu.memref_slice %arg4[%dma_start3A_466, %dma_start3A_467] : memref<20000x192xbf16, #tpu.memory_space<hbm>> -> memref<20000x192xbf16, #tpu.memory_space<hbm>>
        tpu.enqueue_indirect_dma source(%dma_start3A_468 : memref<20000x192xbf16, #tpu.memory_space<hbm>>) target(%arg22 : memref<48x192xbf16, #tpu.memory_space<vmem>>) offsets(%arg12 : memref<48xi32, #tpu.memory_space<vmem>>) semaphore(%arg32 : memref<!tpu.dma_semaphore, #tpu.memory_space<semaphore_mem>>)
      } else {
      }
      %add3A_293 = arith.constant 2 : i32
      %add3A_294 = arith.addi %add3A_288, %add3A_293 : i32
      %lt3A_295 = arith.constant 209 : i32
      %lt3A_296 = arith.cmpi slt, %add3A_294, %lt3A_295 : i32
      %convert_element_type3A_297 = arith.extui %lt3A_296 : i1 to i32
      %cond3A_298 = arith.constant 0 : i32
      %cond3A_299 = arith.cmpi ne, %convert_element_type3A_297, %cond3A_298 : i32
      scf.if %cond3A_299 {
        %add3A_382 = arith.constant 2 : i32
        %add3A_383 = arith.addi %add3A_288, %add3A_382 : i32
        %add3A_384 = arith.addi %mul3A_5, %add3A_383 : i32
        %mul3A_385 = arith.constant 144 : i32
        %mul3A_386 = arith.muli %add3A_384, %mul3A_385 : i32
        %dma_start3A_387 = tpu.memref_slice %arg5[%mul3A_386] : memref<481536xi32, #tpu.memory_space<hbm>> -> memref<144xi32, #tpu.memory_space<hbm>>
        %dma_start3A_388 = tpu.memref_slice %arg5[%mul3A_386] : memref<481536xi32, #tpu.memory_space<hbm>> -> memref<144xi32, #tpu.memory_space<hbm>>
        tpu.enqueue_dma source(%dma_start3A_388 : memref<144xi32, #tpu.memory_space<hbm>>) target(%arg9 : memref<144xi32, #tpu.memory_space<vmem>>) target_semaphore(%arg35 : memref<!tpu.dma_semaphore, #tpu.memory_space<semaphore_mem>>)
      } else {
      }
      %dma_wait3A_300 = arith.constant 0 : i32
      %dma_wait3A_301 = arith.constant 0 : i32
      %dma_wait3A_302 = tpu.memref_slice %arg2[%dma_wait3A_300, %dma_wait3A_301] : memref<20000x208xf32, #tpu.memory_space<hbm>> -> memref<48x208xf32, #tpu.memory_space<hbm>>
      %dma_wait3A_303 = arith.constant 0 : i32
      %dma_wait3A_304 = arith.constant 0 : i32
      %dma_wait3A_305 = tpu.memref_slice %arg2[%dma_wait3A_303, %dma_wait3A_304] : memref<20000x208xf32, #tpu.memory_space<hbm>> -> memref<48x208xf32, #tpu.memory_space<hbm>>
      tpu.wait_dma2 semaphore(%arg33 : memref<!tpu.dma_semaphore, #tpu.memory_space<semaphore_mem>>) src(%dma_wait3A_305 : memref<48x208xf32, #tpu.memory_space<hbm>>) dst(%arg19 : memref<48x208xf32, #tpu.memory_space<vmem>>)
      %dma_wait3A_306 = arith.constant 0 : i32
      %dma_wait3A_307 = arith.constant 0 : i32
      %dma_wait3A_308 = tpu.memref_slice %arg3[%dma_wait3A_306, %dma_wait3A_307] : memref<20000x192xf32, #tpu.memory_space<hbm>> -> memref<48x192xf32, #tpu.memory_space<hbm>>
      %dma_wait3A_309 = arith.constant 0 : i32
      %dma_wait3A_310 = arith.constant 0 : i32
      %dma_wait3A_311 = tpu.memref_slice %arg3[%dma_wait3A_309, %dma_wait3A_310] : memref<20000x192xf32, #tpu.memory_space<hbm>> -> memref<48x192xf32, #tpu.memory_space<hbm>>
      tpu.wait_dma2 semaphore(%arg33 : memref<!tpu.dma_semaphore, #tpu.memory_space<semaphore_mem>>) src(%dma_wait3A_311 : memref<48x192xf32, #tpu.memory_space<hbm>>) dst(%arg21 : memref<48x192xf32, #tpu.memory_space<vmem>>)
      %dma_wait3A_312 = arith.constant 0 : i32
      %dma_wait3A_313 = arith.constant 0 : i32
      %dma_wait3A_314 = tpu.memref_slice %arg4[%dma_wait3A_312, %dma_wait3A_313] : memref<20000x192xbf16, #tpu.memory_space<hbm>> -> memref<48x192xbf16, #tpu.memory_space<hbm>>
      %dma_wait3A_315 = arith.constant 0 : i32
      %dma_wait3A_316 = arith.constant 0 : i32
      %dma_wait3A_317 = tpu.memref_slice %arg4[%dma_wait3A_315, %dma_wait3A_316] : memref<20000x192xbf16, #tpu.memory_space<hbm>> -> memref<48x192xbf16, #tpu.memory_space<hbm>>
      tpu.wait_dma2 semaphore(%arg33 : memref<!tpu.dma_semaphore, #tpu.memory_space<semaphore_mem>>) src(%dma_wait3A_317 : memref<48x192xbf16, #tpu.memory_space<hbm>>) dst(%arg23 : memref<48x192xbf16, #tpu.memory_space<vmem>>)
      %parallel_loop3A_318 = arith.constant 0 : i32
      %parallel_loop3A_319 = arith.constant 48 : i32
      %parallel_loop3A_320 = arith.constant 1 : i32
      scf.for %parallel_loop3A_382 = %parallel_loop3A_318 to %parallel_loop3A_319 step %parallel_loop3A_320  : i32 {
        %parallel_loop3A_383 = arith.index_cast %parallel_loop3A_382 : i32 to index
        %parallel_loop3A_384 = arith.constant 0 : index
        %parallel_loop3A_385 = tpu.vector_load %arg19[%parallel_loop3A_383, %parallel_loop3A_384] {strides = array<i32>} : memref<48x208xf32, #tpu.memory_space<vmem>>, vector<16xf32>,
        %parallel_loop3A_386 = arith.index_cast %parallel_loop3A_382 : i32 to index
        %parallel_loop3A_387 = arith.constant 0 : index
        %parallel_loop3A_388 = tpu.vector_load %arg21[%parallel_loop3A_386, %parallel_loop3A_387] {strides = array<i32>} : memref<48x192xf32, #tpu.memory_space<vmem>>, vector<16xf32>,
        %parallel_loop3A_389 = arith.mulf %parallel_loop3A_385, %parallel_loop3A_388 : vector<16xf32>
        %parallel_loop3A_390 = arith.index_cast %parallel_loop3A_382 : i32 to index
        %parallel_loop3A_391 = arith.constant 16 : index
        %parallel_loop3A_392 = tpu.vector_load %arg19[%parallel_loop3A_390, %parallel_loop3A_391] {strides = array<i32>} : memref<48x208xf32, #tpu.memory_space<vmem>>, vector<16xf32>,
        %parallel_loop3A_393 = arith.index_cast %parallel_loop3A_382 : i32 to index
        %parallel_loop3A_394 = arith.constant 16 : index
        %parallel_loop3A_395 = tpu.vector_load %arg21[%parallel_loop3A_393, %parallel_loop3A_394] {strides = array<i32>} : memref<48x192xf32, #tpu.memory_space<vmem>>, vector<16xf32>,
        %parallel_loop3A_396 = arith.mulf %parallel_loop3A_392, %parallel_loop3A_395 : vector<16xf32>
        %parallel_loop3A_397 = arith.addf %parallel_loop3A_389, %parallel_loop3A_396 : vector<16xf32>
        %parallel_loop3A_398 = arith.index_cast %parallel_loop3A_382 : i32 to index
        %parallel_loop3A_399 = arith.constant 32 : index
        %parallel_loop3A_400 = tpu.vector_load %arg19[%parallel_loop3A_398, %parallel_loop3A_399] {strides = array<i32>} : memref<48x208xf32, #tpu.memory_space<vmem>>, vector<16xf32>,
        %parallel_loop3A_401 = arith.index_cast %parallel_loop3A_382 : i32 to index
        %parallel_loop3A_402 = arith.constant 32 : index
        %parallel_loop3A_403 = tpu.vector_load %arg21[%parallel_loop3A_401, %parallel_loop3A_402] {strides = array<i32>} : memref<48x192xf32, #tpu.memory_space<vmem>>, vector<16xf32>,
        %parallel_loop3A_404 = arith.mulf %parallel_loop3A_400, %parallel_loop3A_403 : vector<16xf32>
        %parallel_loop3A_405 = arith.addf %parallel_loop3A_397, %parallel_loop3A_404 : vector<16xf32>
        %parallel_loop3A_406 = arith.index_cast %parallel_loop3A_382 : i32 to index
        %parallel_loop3A_407 = arith.constant 48 : index
        %parallel_loop3A_408 = tpu.vector_load %arg19[%parallel_loop3A_406, %parallel_loop3A_407] {strides = array<i32>} : memref<48x208xf32, #tpu.memory_space<vmem>>, vector<16xf32>,
        %parallel_loop3A_409 = arith.index_cast %parallel_loop3A_382 : i32 to index
        %parallel_loop3A_410 = arith.constant 48 : index
        %parallel_loop3A_411 = tpu.vector_load %arg21[%parallel_loop3A_409, %parallel_loop3A_410] {strides = array<i32>} : memref<48x192xf32, #tpu.memory_space<vmem>>, vector<16xf32>,
        %parallel_loop3A_412 = arith.mulf %parallel_loop3A_408, %parallel_loop3A_411 : vector<16xf32>
        %parallel_loop3A_413 = arith.addf %parallel_loop3A_405, %parallel_loop3A_412 : vector<16xf32>
        %parallel_loop3A_414 = arith.index_cast %parallel_loop3A_382 : i32 to index
        %parallel_loop3A_415 = arith.constant 64 : index
        %parallel_loop3A_416 = tpu.vector_load %arg19[%parallel_loop3A_414, %parallel_loop3A_415] {strides = array<i32>} : memref<48x208xf32, #tpu.memory_space<vmem>>, vector<16xf32>,
        %parallel_loop3A_417 = arith.index_cast %parallel_loop3A_382 : i32 to index
        %parallel_loop3A_418 = arith.constant 64 : index
        %parallel_loop3A_419 = tpu.vector_load %arg21[%parallel_loop3A_417, %parallel_loop3A_418] {strides = array<i32>} : memref<48x192xf32, #tpu.memory_space<vmem>>, vector<16xf32>,
        %parallel_loop3A_420 = arith.mulf %parallel_loop3A_416, %parallel_loop3A_419 : vector<16xf32>
        %parallel_loop3A_421 = arith.addf %parallel_loop3A_413, %parallel_loop3A_420 : vector<16xf32>
        %parallel_loop3A_422 = arith.index_cast %parallel_loop3A_382 : i32 to index
        %parallel_loop3A_423 = arith.constant 80 : index
        %parallel_loop3A_424 = tpu.vector_load %arg19[%parallel_loop3A_422, %parallel_loop3A_423] {strides = array<i32>} : memref<48x208xf32, #tpu.memory_space<vmem>>, vector<16xf32>,
        %parallel_loop3A_425 = arith.index_cast %parallel_loop3A_382 : i32 to index
        %parallel_loop3A_426 = arith.constant 80 : index
        %parallel_loop3A_427 = tpu.vector_load %arg21[%parallel_loop3A_425, %parallel_loop3A_426] {strides = array<i32>} : memref<48x192xf32, #tpu.memory_space<vmem>>, vector<16xf32>,
        %parallel_loop3A_428 = arith.mulf %parallel_loop3A_424, %parallel_loop3A_427 : vector<16xf32>
        %parallel_loop3A_429 = arith.addf %parallel_loop3A_421, %parallel_loop3A_428 : vector<16xf32>
        %parallel_loop3A_430 = arith.index_cast %parallel_loop3A_382 : i32 to index
        %parallel_loop3A_431 = arith.constant 96 : index
        %parallel_loop3A_432 = tpu.vector_load %arg19[%parallel_loop3A_430, %parallel_loop3A_431] {strides = array<i32>} : memref<48x208xf32, #tpu.memory_space<vmem>>, vector<16xf32>,
        %parallel_loop3A_433 = arith.index_cast %parallel_loop3A_382 : i32 to index
        %parallel_loop3A_434 = arith.constant 96 : index
        %parallel_loop3A_435 = tpu.vector_load %arg21[%parallel_loop3A_433, %parallel_loop3A_434] {strides = array<i32>} : memref<48x192xf32, #tpu.memory_space<vmem>>, vector<16xf32>,
        %parallel_loop3A_436 = arith.mulf %parallel_loop3A_432, %parallel_loop3A_435 : vector<16xf32>
        %parallel_loop3A_437 = arith.addf %parallel_loop3A_429, %parallel_loop3A_436 : vector<16xf32>
        %parallel_loop3A_438 = arith.index_cast %parallel_loop3A_382 : i32 to index
        %parallel_loop3A_439 = arith.constant 112 : index
        %parallel_loop3A_440 = tpu.vector_load %arg19[%parallel_loop3A_438, %parallel_loop3A_439] {strides = array<i32>} : memref<48x208xf32, #tpu.memory_space<vmem>>, vector<16xf32>,
        %parallel_loop3A_441 = arith.index_cast %parallel_loop3A_382 : i32 to index
        %parallel_loop3A_442 = arith.constant 112 : index
        %parallel_loop3A_443 = tpu.vector_load %arg21[%parallel_loop3A_441, %parallel_loop3A_442] {strides = array<i32>} : memref<48x192xf32, #tpu.memory_space<vmem>>, vector<16xf32>,
        %parallel_loop3A_444 = arith.mulf %parallel_loop3A_440, %parallel_loop3A_443 : vector<16xf32>
        %parallel_loop3A_445 = arith.addf %parallel_loop3A_437, %parallel_loop3A_444 : vector<16xf32>
        %parallel_loop3A_446 = arith.index_cast %parallel_loop3A_382 : i32 to index
        %parallel_loop3A_447 = arith.constant 128 : index
        %parallel_loop3A_448 = tpu.vector_load %arg19[%parallel_loop3A_446, %parallel_loop3A_447] {strides = array<i32>} : memref<48x208xf32, #tpu.memory_space<vmem>>, vector<16xf32>,
        %parallel_loop3A_449 = arith.index_cast %parallel_loop3A_382 : i32 to index
        %parallel_loop3A_450 = arith.constant 128 : index
        %parallel_loop3A_451 = tpu.vector_load %arg21[%parallel_loop3A_449, %parallel_loop3A_450] {strides = array<i32>} : memref<48x192xf32, #tpu.memory_space<vmem>>, vector<16xf32>,
        %parallel_loop3A_452 = arith.mulf %parallel_loop3A_448, %parallel_loop3A_451 : vector<16xf32>
        %parallel_loop3A_453 = arith.addf %parallel_loop3A_445, %parallel_loop3A_452 : vector<16xf32>
        %parallel_loop3A_454 = arith.index_cast %parallel_loop3A_382 : i32 to index
        %parallel_loop3A_455 = arith.constant 144 : index
        %parallel_loop3A_456 = tpu.vector_load %arg19[%parallel_loop3A_454, %parallel_loop3A_455] {strides = array<i32>} : memref<48x208xf32, #tpu.memory_space<vmem>>, vector<16xf32>,
        %parallel_loop3A_457 = arith.index_cast %parallel_loop3A_382 : i32 to index
        %parallel_loop3A_458 = arith.constant 144 : index
        %parallel_loop3A_459 = tpu.vector_load %arg21[%parallel_loop3A_457, %parallel_loop3A_458] {strides = array<i32>} : memref<48x192xf32, #tpu.memory_space<vmem>>, vector<16xf32>,
        %parallel_loop3A_460 = arith.mulf %parallel_loop3A_456, %parallel_loop3A_459 : vector<16xf32>
        %parallel_loop3A_461 = arith.addf %parallel_loop3A_453, %parallel_loop3A_460 : vector<16xf32>
        %parallel_loop3A_462 = arith.index_cast %parallel_loop3A_382 : i32 to index
        %parallel_loop3A_463 = arith.constant 160 : index
        %parallel_loop3A_464 = tpu.vector_load %arg19[%parallel_loop3A_462, %parallel_loop3A_463] {strides = array<i32>} : memref<48x208xf32, #tpu.memory_space<vmem>>, vector<16xf32>,
        %parallel_loop3A_465 = arith.index_cast %parallel_loop3A_382 : i32 to index
        %parallel_loop3A_466 = arith.constant 160 : index
        %parallel_loop3A_467 = tpu.vector_load %arg21[%parallel_loop3A_465, %parallel_loop3A_466] {strides = array<i32>} : memref<48x192xf32, #tpu.memory_space<vmem>>, vector<16xf32>,
        %parallel_loop3A_468 = arith.mulf %parallel_loop3A_464, %parallel_loop3A_467 : vector<16xf32>
        %parallel_loop3A_469 = arith.addf %parallel_loop3A_461, %parallel_loop3A_468 : vector<16xf32>
        %parallel_loop3A_470 = arith.index_cast %parallel_loop3A_382 : i32 to index
        %parallel_loop3A_471 = arith.constant 176 : index
        %parallel_loop3A_472 = tpu.vector_load %arg19[%parallel_loop3A_470, %parallel_loop3A_471] {strides = array<i32>} : memref<48x208xf32, #tpu.memory_space<vmem>>, vector<16xf32>,
        %parallel_loop3A_473 = arith.index_cast %parallel_loop3A_382 : i32 to index
        %parallel_loop3A_474 = arith.constant 176 : index
        %parallel_loop3A_475 = tpu.vector_load %arg21[%parallel_loop3A_473, %parallel_loop3A_474] {strides = array<i32>} : memref<48x192xf32, #tpu.memory_space<vmem>>, vector<16xf32>,
        %parallel_loop3A_476 = arith.mulf %parallel_loop3A_472, %parallel_loop3A_475 : vector<16xf32>
        %parallel_loop3A_477 = arith.addf %parallel_loop3A_469, %parallel_loop3A_476 : vector<16xf32>
        %parallel_loop3A_478 = arith.index_cast %parallel_loop3A_382 : i32 to index
        %parallel_loop3A_479 = arith.constant 0 : index
        %parallel_loop3A_480 = tpu.vector_load %arg26[%parallel_loop3A_478, %parallel_loop3A_479] {strides = array<i32>} : memref<48x16xf32, #tpu.memory_space<vmem>>, vector<16xf32>,
        tpu.vector_store %arg26[%parallel_loop3A_478, %parallel_loop3A_479], %parallel_loop3A_477 {strides = array<i32>} : memref<48x16xf32, #tpu.memory_space<vmem>>, vector<16xf32>,
      } {sc.loop_unroll_factor = 2 : i64, sc.parallel_access}
      %parallel_loop3A_321 = arith.constant 0 : i32
      %parallel_loop3A_322 = arith.constant 3 : i32
      %parallel_loop3A_323 = arith.constant 1 : i32
      scf.for %parallel_loop3A_382 = %parallel_loop3A_321 to %parallel_loop3A_322 step %parallel_loop3A_323  : i32 {
        %parallel_loop3A_383 = arith.constant 16 : i32
        %parallel_loop3A_384 = arith.muli %parallel_loop3A_382, %parallel_loop3A_383 : i32
        %parallel_loop3A_385 = vector.broadcast %parallel_loop3A_384 : i32 to vector<16xi32>
        %parallel_loop3A_386 = arith.addi %iota3A, %parallel_loop3A_385 : vector<16xi32>
        %parallel_loop3A_387 = arith.constant 0 : i32
        %parallel_loop3A_388 = vector.broadcast %parallel_loop3A_387 : i32 to vector<16xi32>
        %parallel_loop3A_389 = tpu.vector_load_idx %arg26[%parallel_loop3A_386, %parallel_loop3A_388] : memref<48x16xf32, #tpu.memory_space<vmem>>[vector<16xi32>, vector<16xi32>], vector<16xf32>,
        %parallel_loop3A_390 = arith.constant 1 : i32
        %parallel_loop3A_391 = vector.broadcast %parallel_loop3A_390 : i32 to vector<16xi32>
        %parallel_loop3A_392 = tpu.vector_load_idx %arg26[%parallel_loop3A_386, %parallel_loop3A_391] : memref<48x16xf32, #tpu.memory_space<vmem>>[vector<16xi32>, vector<16xi32>], vector<16xf32>,
        %parallel_loop3A_393 = arith.addf %parallel_loop3A_389, %parallel_loop3A_392 : vector<16xf32>
        %parallel_loop3A_394 = arith.constant 2 : i32
        %parallel_loop3A_395 = vector.broadcast %parallel_loop3A_394 : i32 to vector<16xi32>
        %parallel_loop3A_396 = tpu.vector_load_idx %arg26[%parallel_loop3A_386, %parallel_loop3A_395] : memref<48x16xf32, #tpu.memory_space<vmem>>[vector<16xi32>, vector<16xi32>], vector<16xf32>,
        %parallel_loop3A_397 = arith.addf %parallel_loop3A_393, %parallel_loop3A_396 : vector<16xf32>
        %parallel_loop3A_398 = arith.constant 3 : i32
        %parallel_loop3A_399 = vector.broadcast %parallel_loop3A_398 : i32 to vector<16xi32>
        %parallel_loop3A_400 = tpu.vector_load_idx %arg26[%parallel_loop3A_386, %parallel_loop3A_399] : memref<48x16xf32, #tpu.memory_space<vmem>>[vector<16xi32>, vector<16xi32>], vector<16xf32>,
        %parallel_loop3A_401 = arith.addf %parallel_loop3A_397, %parallel_loop3A_400 : vector<16xf32>
        %parallel_loop3A_402 = arith.constant 4 : i32
        %parallel_loop3A_403 = vector.broadcast %parallel_loop3A_402 : i32 to vector<16xi32>
        %parallel_loop3A_404 = tpu.vector_load_idx %arg26[%parallel_loop3A_386, %parallel_loop3A_403] : memref<48x16xf32, #tpu.memory_space<vmem>>[vector<16xi32>, vector<16xi32>], vector<16xf32>,
        %parallel_loop3A_405 = arith.addf %parallel_loop3A_401, %parallel_loop3A_404 : vector<16xf32>
        %parallel_loop3A_406 = arith.constant 5 : i32
        %parallel_loop3A_407 = vector.broadcast %parallel_loop3A_406 : i32 to vector<16xi32>
        %parallel_loop3A_408 = tpu.vector_load_idx %arg26[%parallel_loop3A_386, %parallel_loop3A_407] : memref<48x16xf32, #tpu.memory_space<vmem>>[vector<16xi32>, vector<16xi32>], vector<16xf32>,
        %parallel_loop3A_409 = arith.addf %parallel_loop3A_405, %parallel_loop3A_408 : vector<16xf32>
        %parallel_loop3A_410 = arith.constant 6 : i32
        %parallel_loop3A_411 = vector.broadcast %parallel_loop3A_410 : i32 to vector<16xi32>
        %parallel_loop3A_412 = tpu.vector_load_idx %arg26[%parallel_loop3A_386, %parallel_loop3A_411] : memref<48x16xf32, #tpu.memory_space<vmem>>[vector<16xi32>, vector<16xi32>], vector<16xf32>,
        %parallel_loop3A_413 = arith.addf %parallel_loop3A_409, %parallel_loop3A_412 : vector<16xf32>
        %parallel_loop3A_414 = arith.constant 7 : i32
        %parallel_loop3A_415 = vector.broadcast %parallel_loop3A_414 : i32 to vector<16xi32>
        %parallel_loop3A_416 = tpu.vector_load_idx %arg26[%parallel_loop3A_386, %parallel_loop3A_415] : memref<48x16xf32, #tpu.memory_space<vmem>>[vector<16xi32>, vector<16xi32>], vector<16xf32>,
        %parallel_loop3A_417 = arith.addf %parallel_loop3A_413, %parallel_loop3A_416 : vector<16xf32>
        %parallel_loop3A_418 = arith.constant 8 : i32
        %parallel_loop3A_419 = vector.broadcast %parallel_loop3A_418 : i32 to vector<16xi32>
        %parallel_loop3A_420 = tpu.vector_load_idx %arg26[%parallel_loop3A_386, %parallel_loop3A_419] : memref<48x16xf32, #tpu.memory_space<vmem>>[vector<16xi32>, vector<16xi32>], vector<16xf32>,
        %parallel_loop3A_421 = arith.addf %parallel_loop3A_417, %parallel_loop3A_420 : vector<16xf32>
        %parallel_loop3A_422 = arith.constant 9 : i32
        %parallel_loop3A_423 = vector.broadcast %parallel_loop3A_422 : i32 to vector<16xi32>
        %parallel_loop3A_424 = tpu.vector_load_idx %arg26[%parallel_loop3A_386, %parallel_loop3A_423] : memref<48x16xf32, #tpu.memory_space<vmem>>[vector<16xi32>, vector<16xi32>], vector<16xf32>,
        %parallel_loop3A_425 = arith.addf %parallel_loop3A_421, %parallel_loop3A_424 : vector<16xf32>
        %parallel_loop3A_426 = arith.constant 10 : i32
        %parallel_loop3A_427 = vector.broadcast %parallel_loop3A_426 : i32 to vector<16xi32>
        %parallel_loop3A_428 = tpu.vector_load_idx %arg26[%parallel_loop3A_386, %parallel_loop3A_427] : memref<48x16xf32, #tpu.memory_space<vmem>>[vector<16xi32>, vector<16xi32>], vector<16xf32>,
        %parallel_loop3A_429 = arith.addf %parallel_loop3A_425, %parallel_loop3A_428 : vector<16xf32>
        %parallel_loop3A_430 = arith.constant 11 : i32
        %parallel_loop3A_431 = vector.broadcast %parallel_loop3A_430 : i32 to vector<16xi32>
        %parallel_loop3A_432 = tpu.vector_load_idx %arg26[%parallel_loop3A_386, %parallel_loop3A_431] : memref<48x16xf32, #tpu.memory_space<vmem>>[vector<16xi32>, vector<16xi32>], vector<16xf32>,
        %parallel_loop3A_433 = arith.addf %parallel_loop3A_429, %parallel_loop3A_432 : vector<16xf32>
        %parallel_loop3A_434 = arith.constant 12 : i32
        %parallel_loop3A_435 = vector.broadcast %parallel_loop3A_434 : i32 to vector<16xi32>
        %parallel_loop3A_436 = tpu.vector_load_idx %arg26[%parallel_loop3A_386, %parallel_loop3A_435] : memref<48x16xf32, #tpu.memory_space<vmem>>[vector<16xi32>, vector<16xi32>], vector<16xf32>,
        %parallel_loop3A_437 = arith.addf %parallel_loop3A_433, %parallel_loop3A_436 : vector<16xf32>
        %parallel_loop3A_438 = arith.constant 13 : i32
        %parallel_loop3A_439 = vector.broadcast %parallel_loop3A_438 : i32 to vector<16xi32>
        %parallel_loop3A_440 = tpu.vector_load_idx %arg26[%parallel_loop3A_386, %parallel_loop3A_439] : memref<48x16xf32, #tpu.memory_space<vmem>>[vector<16xi32>, vector<16xi32>], vector<16xf32>,
        %parallel_loop3A_441 = arith.addf %parallel_loop3A_437, %parallel_loop3A_440 : vector<16xf32>
        %parallel_loop3A_442 = arith.constant 14 : i32
        %parallel_loop3A_443 = vector.broadcast %parallel_loop3A_442 : i32 to vector<16xi32>
        %parallel_loop3A_444 = tpu.vector_load_idx %arg26[%parallel_loop3A_386, %parallel_loop3A_443] : memref<48x16xf32, #tpu.memory_space<vmem>>[vector<16xi32>, vector<16xi32>], vector<16xf32>,
        %parallel_loop3A_445 = arith.addf %parallel_loop3A_441, %parallel_loop3A_444 : vector<16xf32>
        %parallel_loop3A_446 = arith.constant 15 : i32
        %parallel_loop3A_447 = vector.broadcast %parallel_loop3A_446 : i32 to vector<16xi32>
        %parallel_loop3A_448 = tpu.vector_load_idx %arg26[%parallel_loop3A_386, %parallel_loop3A_447] : memref<48x16xf32, #tpu.memory_space<vmem>>[vector<16xi32>, vector<16xi32>], vector<16xf32>,
        %parallel_loop3A_449 = arith.addf %parallel_loop3A_445, %parallel_loop3A_448 : vector<16xf32>
        %parallel_loop3A_450 = arith.constant 192 : i32
        %parallel_loop3A_451 = vector.broadcast %parallel_loop3A_450 : i32 to vector<16xi32>
        %parallel_loop3A_452 = tpu.vector_load_idx %arg19[%parallel_loop3A_386, %parallel_loop3A_451] : memref<48x208xf32, #tpu.memory_space<vmem>>[vector<16xi32>, vector<16xi32>], vector<16xf32>,
        %parallel_loop3A_453 = arith.constant 193 : i32
        %parallel_loop3A_454 = vector.broadcast %parallel_loop3A_453 : i32 to vector<16xi32>
        %parallel_loop3A_455 = tpu.vector_load_idx %arg19[%parallel_loop3A_386, %parallel_loop3A_454] : memref<48x208xf32, #tpu.memory_space<vmem>>[vector<16xi32>, vector<16xi32>], vector<16xf32>,
        %parallel_loop3A_456 = arith.index_cast %parallel_loop3A_384 : i32 to index
        %parallel_loop3A_457 = tpu.vector_load %arg17[%parallel_loop3A_456] {strides = array<i32>} : memref<48xf32, #tpu.memory_space<vmem>>, vector<16xf32>,
        %parallel_loop3A_458 = arith.mulf %parallel_loop3A_457, %parallel_loop3A_452 : vector<16xf32>
        %parallel_loop3A_459 = arith.addf %parallel_loop3A_449, %parallel_loop3A_458 : vector<16xf32>
        %parallel_loop3A_460 = arith.addf %parallel_loop3A_459, %parallel_loop3A_455 : vector<16xf32>
        %parallel_loop3A_461 = vector.broadcast %scan3A_244 : f32 to vector<16xf32>
        %parallel_loop3A_462 = arith.mulf %parallel_loop3A_460, %parallel_loop3A_461 : vector<16xf32>
        %parallel_loop3A_463 = math.exp %parallel_loop3A_462 : vector<16xf32>
        %parallel_loop3A_464 = arith.index_cast %parallel_loop3A_384 : i32 to index
        %parallel_loop3A_465 = tpu.vector_load %arg27[%parallel_loop3A_464] {strides = array<i32>} : memref<48xf32, #tpu.memory_space<vmem>>, vector<16xf32>,
        tpu.vector_store %arg27[%parallel_loop3A_464], %parallel_loop3A_463 {strides = array<i32>} : memref<48xf32, #tpu.memory_space<vmem>>, vector<16xf32>,
        tpu.vector_store_idx %arg25[%parallel_loop3A_386, %parallel_loop3A_388], %parallel_loop3A_463 : memref<48x16xf32, #tpu.memory_space<vmem>>[vector<16xi32>, vector<16xi32>], vector<16xf32>,
        %parallel_loop3A_466 = arith.constant 1 : i32
        %parallel_loop3A_467 = vector.broadcast %parallel_loop3A_466 : i32 to vector<16xi32>
        %parallel_loop3A_468 = arith.mulf %parallel_loop3A_463, %parallel_loop3A_457 : vector<16xf32>
        tpu.vector_store_idx %arg25[%parallel_loop3A_386, %parallel_loop3A_467], %parallel_loop3A_468 : memref<48x16xf32, #tpu.memory_space<vmem>>[vector<16xi32>, vector<16xi32>], vector<16xf32>,
      } {sc.loop_unroll_factor = 1 : i64, sc.parallel_access}
      %parallel_loop3A_324 = arith.constant 0 : i32
      %parallel_loop3A_325 = arith.constant 48 : i32
      %parallel_loop3A_326 = arith.constant 1 : i32
      scf.for %parallel_loop3A_382 = %parallel_loop3A_324 to %parallel_loop3A_325 step %parallel_loop3A_326  : i32 {
        %parallel_loop3A_383 = arith.constant 0 : i32
        %parallel_loop3A_384 = vector.broadcast %parallel_loop3A_383 : i32 to vector<16xi32>
        %parallel_loop3A_385 = vector.broadcast %parallel_loop3A_382 : i32 to vector<16xi32>
        %parallel_loop3A_386 = arith.addi %parallel_loop3A_384, %parallel_loop3A_385 : vector<16xi32>
        %parallel_loop3A_387 = tpu.vector_load_idx %arg27[%parallel_loop3A_386] : memref<48xf32, #tpu.memory_space<vmem>>[vector<16xi32>], vector<16xf32>,
        %parallel_loop3A_388 = arith.index_cast %parallel_loop3A_382 : i32 to index
        %parallel_loop3A_389 = arith.constant 0 : index
        %parallel_loop3A_390 = tpu.vector_load %arg23[%parallel_loop3A_388, %parallel_loop3A_389] {strides = array<i32>} : memref<48x192xbf16, #tpu.memory_space<vmem>>, vector<32xbf16>,
        %parallel_loop3A_391 = tpu.unpack_subelements %parallel_loop3A_390, 0 {pack_format = #tpu.pack_format<interleaved>} : vector<32xbf16> -> vector<16xf32>
        %parallel_loop3A_392 = tpu.unpack_subelements %parallel_loop3A_390, 1 {pack_format = #tpu.pack_format<interleaved>} : vector<32xbf16> -> vector<16xf32>
        %parallel_loop3A_393 = arith.mulf %parallel_loop3A_391, %parallel_loop3A_387 : vector<16xf32>
        %parallel_loop3A_394 = arith.mulf %parallel_loop3A_392, %parallel_loop3A_387 : vector<16xf32>
        %parallel_loop3A_395 = tpu.pack_subelements %parallel_loop3A_393, %parallel_loop3A_394 {pack_format = #tpu.pack_format<interleaved>, positions = array<i32: 0, 1>} : vector<16xf32>, vector<16xf32> -> vector<32xbf16>
        %parallel_loop3A_396 = arith.index_cast %parallel_loop3A_382 : i32 to index
        %parallel_loop3A_397 = arith.constant 0 : index
        %parallel_loop3A_398 = tpu.vector_load %arg23[%parallel_loop3A_396, %parallel_loop3A_397] {strides = array<i32>} : memref<48x192xbf16, #tpu.memory_space<vmem>>, vector<32xbf16>,
        tpu.vector_store %arg23[%parallel_loop3A_396, %parallel_loop3A_397], %parallel_loop3A_395 {strides = array<i32>} : memref<48x192xbf16, #tpu.memory_space<vmem>>, vector<32xbf16>,
        %parallel_loop3A_399 = arith.index_cast %parallel_loop3A_382 : i32 to index
        %parallel_loop3A_400 = arith.constant 32 : index
        %parallel_loop3A_401 = tpu.vector_load %arg23[%parallel_loop3A_399, %parallel_loop3A_400] {strides = array<i32>} : memref<48x192xbf16, #tpu.memory_space<vmem>>, vector<32xbf16>,
        %parallel_loop3A_402 = tpu.unpack_subelements %parallel_loop3A_401, 0 {pack_format = #tpu.pack_format<interleaved>} : vector<32xbf16> -> vector<16xf32>
        %parallel_loop3A_403 = tpu.unpack_subelements %parallel_loop3A_401, 1 {pack_format = #tpu.pack_format<interleaved>} : vector<32xbf16> -> vector<16xf32>
        %parallel_loop3A_404 = arith.mulf %parallel_loop3A_402, %parallel_loop3A_387 : vector<16xf32>
        %parallel_loop3A_405 = arith.mulf %parallel_loop3A_403, %parallel_loop3A_387 : vector<16xf32>
        %parallel_loop3A_406 = tpu.pack_subelements %parallel_loop3A_404, %parallel_loop3A_405 {pack_format = #tpu.pack_format<interleaved>, positions = array<i32: 0, 1>} : vector<16xf32>, vector<16xf32> -> vector<32xbf16>
        %parallel_loop3A_407 = arith.index_cast %parallel_loop3A_382 : i32 to index
        %parallel_loop3A_408 = arith.constant 32 : index
        %parallel_loop3A_409 = tpu.vector_load %arg23[%parallel_loop3A_407, %parallel_loop3A_408] {strides = array<i32>} : memref<48x192xbf16, #tpu.memory_space<vmem>>, vector<32xbf16>,
        tpu.vector_store %arg23[%parallel_loop3A_407, %parallel_loop3A_408], %parallel_loop3A_406 {strides = array<i32>} : memref<48x192xbf16, #tpu.memory_space<vmem>>, vector<32xbf16>,
        %parallel_loop3A_410 = arith.index_cast %parallel_loop3A_382 : i32 to index
        %parallel_loop3A_411 = arith.constant 64 : index
        %parallel_loop3A_412 = tpu.vector_load %arg23[%parallel_loop3A_410, %parallel_loop3A_411] {strides = array<i32>} : memref<48x192xbf16, #tpu.memory_space<vmem>>, vector<32xbf16>,
        %parallel_loop3A_413 = tpu.unpack_subelements %parallel_loop3A_412, 0 {pack_format = #tpu.pack_format<interleaved>} : vector<32xbf16> -> vector<16xf32>
        %parallel_loop3A_414 = tpu.unpack_subelements %parallel_loop3A_412, 1 {pack_format = #tpu.pack_format<interleaved>} : vector<32xbf16> -> vector<16xf32>
        %parallel_loop3A_415 = arith.mulf %parallel_loop3A_413, %parallel_loop3A_387 : vector<16xf32>
        %parallel_loop3A_416 = arith.mulf %parallel_loop3A_414, %parallel_loop3A_387 : vector<16xf32>
        %parallel_loop3A_417 = tpu.pack_subelements %parallel_loop3A_415, %parallel_loop3A_416 {pack_format = #tpu.pack_format<interleaved>, positions = array<i32: 0, 1>} : vector<16xf32>, vector<16xf32> -> vector<32xbf16>
        %parallel_loop3A_418 = arith.index_cast %parallel_loop3A_382 : i32 to index
        %parallel_loop3A_419 = arith.constant 64 : index
        %parallel_loop3A_420 = tpu.vector_load %arg23[%parallel_loop3A_418, %parallel_loop3A_419] {strides = array<i32>} : memref<48x192xbf16, #tpu.memory_space<vmem>>, vector<32xbf16>,
        tpu.vector_store %arg23[%parallel_loop3A_418, %parallel_loop3A_419], %parallel_loop3A_417 {strides = array<i32>} : memref<48x192xbf16, #tpu.memory_space<vmem>>, vector<32xbf16>,
        %parallel_loop3A_421 = arith.index_cast %parallel_loop3A_382 : i32 to index
        %parallel_loop3A_422 = arith.constant 96 : index
        %parallel_loop3A_423 = tpu.vector_load %arg23[%parallel_loop3A_421, %parallel_loop3A_422] {strides = array<i32>} : memref<48x192xbf16, #tpu.memory_space<vmem>>, vector<32xbf16>,
        %parallel_loop3A_424 = tpu.unpack_subelements %parallel_loop3A_423, 0 {pack_format = #tpu.pack_format<interleaved>} : vector<32xbf16> -> vector<16xf32>
        %parallel_loop3A_425 = tpu.unpack_subelements %parallel_loop3A_423, 1 {pack_format = #tpu.pack_format<interleaved>} : vector<32xbf16> -> vector<16xf32>
        %parallel_loop3A_426 = arith.mulf %parallel_loop3A_424, %parallel_loop3A_387 : vector<16xf32>
        %parallel_loop3A_427 = arith.mulf %parallel_loop3A_425, %parallel_loop3A_387 : vector<16xf32>
        %parallel_loop3A_428 = tpu.pack_subelements %parallel_loop3A_426, %parallel_loop3A_427 {pack_format = #tpu.pack_format<interleaved>, positions = array<i32: 0, 1>} : vector<16xf32>, vector<16xf32> -> vector<32xbf16>
        %parallel_loop3A_429 = arith.index_cast %parallel_loop3A_382 : i32 to index
        %parallel_loop3A_430 = arith.constant 96 : index
        %parallel_loop3A_431 = tpu.vector_load %arg23[%parallel_loop3A_429, %parallel_loop3A_430] {strides = array<i32>} : memref<48x192xbf16, #tpu.memory_space<vmem>>, vector<32xbf16>,
        tpu.vector_store %arg23[%parallel_loop3A_429, %parallel_loop3A_430], %parallel_loop3A_428 {strides = array<i32>} : memref<48x192xbf16, #tpu.memory_space<vmem>>, vector<32xbf16>,
        %parallel_loop3A_432 = arith.index_cast %parallel_loop3A_382 : i32 to index
        %parallel_loop3A_433 = arith.constant 128 : index
        %parallel_loop3A_434 = tpu.vector_load %arg23[%parallel_loop3A_432, %parallel_loop3A_433] {strides = array<i32>} : memref<48x192xbf16, #tpu.memory_space<vmem>>, vector<32xbf16>,
        %parallel_loop3A_435 = tpu.unpack_subelements %parallel_loop3A_434, 0 {pack_format = #tpu.pack_format<interleaved>} : vector<32xbf16> -> vector<16xf32>
        %parallel_loop3A_436 = tpu.unpack_subelements %parallel_loop3A_434, 1 {pack_format = #tpu.pack_format<interleaved>} : vector<32xbf16> -> vector<16xf32>
        %parallel_loop3A_437 = arith.mulf %parallel_loop3A_435, %parallel_loop3A_387 : vector<16xf32>
        %parallel_loop3A_438 = arith.mulf %parallel_loop3A_436, %parallel_loop3A_387 : vector<16xf32>
        %parallel_loop3A_439 = tpu.pack_subelements %parallel_loop3A_437, %parallel_loop3A_438 {pack_format = #tpu.pack_format<interleaved>, positions = array<i32: 0, 1>} : vector<16xf32>, vector<16xf32> -> vector<32xbf16>
        %parallel_loop3A_440 = arith.index_cast %parallel_loop3A_382 : i32 to index
        %parallel_loop3A_441 = arith.constant 128 : index
        %parallel_loop3A_442 = tpu.vector_load %arg23[%parallel_loop3A_440, %parallel_loop3A_441] {strides = array<i32>} : memref<48x192xbf16, #tpu.memory_space<vmem>>, vector<32xbf16>,
        tpu.vector_store %arg23[%parallel_loop3A_440, %parallel_loop3A_441], %parallel_loop3A_439 {strides = array<i32>} : memref<48x192xbf16, #tpu.memory_space<vmem>>, vector<32xbf16>,
        %parallel_loop3A_443 = arith.index_cast %parallel_loop3A_382 : i32 to index
        %parallel_loop3A_444 = arith.constant 160 : index
        %parallel_loop3A_445 = tpu.vector_load %arg23[%parallel_loop3A_443, %parallel_loop3A_444] {strides = array<i32>} : memref<48x192xbf16, #tpu.memory_space<vmem>>, vector<32xbf16>,
        %parallel_loop3A_446 = tpu.unpack_subelements %parallel_loop3A_445, 0 {pack_format = #tpu.pack_format<interleaved>} : vector<32xbf16> -> vector<16xf32>
        %parallel_loop3A_447 = tpu.unpack_subelements %parallel_loop3A_445, 1 {pack_format = #tpu.pack_format<interleaved>} : vector<32xbf16> -> vector<16xf32>
        %parallel_loop3A_448 = arith.mulf %parallel_loop3A_446, %parallel_loop3A_387 : vector<16xf32>
        %parallel_loop3A_449 = arith.mulf %parallel_loop3A_447, %parallel_loop3A_387 : vector<16xf32>
        %parallel_loop3A_450 = tpu.pack_subelements %parallel_loop3A_448, %parallel_loop3A_449 {pack_format = #tpu.pack_format<interleaved>, positions = array<i32: 0, 1>} : vector<16xf32>, vector<16xf32> -> vector<32xbf16>
        %parallel_loop3A_451 = arith.index_cast %parallel_loop3A_382 : i32 to index
        %parallel_loop3A_452 = arith.constant 160 : index
        %parallel_loop3A_453 = tpu.vector_load %arg23[%parallel_loop3A_451, %parallel_loop3A_452] {strides = array<i32>} : memref<48x192xbf16, #tpu.memory_space<vmem>>, vector<32xbf16>,
        tpu.vector_store %arg23[%parallel_loop3A_451, %parallel_loop3A_452], %parallel_loop3A_450 {strides = array<i32>} : memref<48x192xbf16, #tpu.memory_space<vmem>>, vector<32xbf16>,
      } {sc.loop_unroll_factor = 2 : i64, sc.parallel_access}
      %dma_start3A_327 = arith.constant 0 : i32
      %dma_start3A_328 = arith.constant 0 : i32
      %dma_start3A_329 = tpu.memref_slice %arg30[%dma_start3A_327, %dma_start3A_328] : memref<10016x192xbf16, #tpu.memory_space<vmem_shared>> -> memref<10016x192xbf16, #tpu.memory_space<vmem_shared>>
      tpu.enqueue_indirect_dma source(%arg23 : memref<48x192xbf16, #tpu.memory_space<vmem>>) target(%dma_start3A_329 : memref<10016x192xbf16, #tpu.memory_space<vmem_shared>>) offsets(%arg11 : memref<48xi32, #tpu.memory_space<vmem>>) semaphore(%arg37 : memref<!tpu.dma_semaphore, #tpu.memory_space<semaphore_mem>>) {add = true}
      %dma_start3A_330 = arith.constant 0 : i32
      %dma_start3A_331 = arith.constant 0 : i32
      %dma_start3A_332 = tpu.memref_slice %arg31[%dma_start3A_330, %dma_start3A_331] : memref<10016x16xf32, #tpu.memory_space<vmem_shared>> -> memref<10016x16xf32, #tpu.memory_space<vmem_shared>>
      tpu.enqueue_indirect_dma source(%arg25 : memref<48x16xf32, #tpu.memory_space<vmem>>) target(%dma_start3A_332 : memref<10016x16xf32, #tpu.memory_space<vmem_shared>>) offsets(%arg11 : memref<48xi32, #tpu.memory_space<vmem>>) semaphore(%arg37 : memref<!tpu.dma_semaphore, #tpu.memory_space<semaphore_mem>>) {add = true}
      %add3A_333 = arith.constant 1 : i32
      %add3A_334 = arith.addi %add3A_288, %add3A_333 : i32
      %add3A_335 = arith.constant 1 : i32
      %add3A_336 = arith.addi %add3A_334, %add3A_335 : i32
      %lt3A_337 = arith.constant 209 : i32
      %lt3A_338 = arith.cmpi slt, %add3A_336, %lt3A_337 : i32
      %convert_element_type3A_339 = arith.extui %lt3A_338 : i1 to i32
      %cond3A_340 = arith.constant 0 : i32
      %cond3A_341 = arith.cmpi ne, %convert_element_type3A_339, %cond3A_340 : i32
      scf.if %cond3A_341 {
        %dma_wait3A_382 = arith.constant 0 : i32
        %dma_wait3A_383 = tpu.memref_slice %arg5[%dma_wait3A_382] : memref<481536xi32, #tpu.memory_space<hbm>> -> memref<144xi32, #tpu.memory_space<hbm>>
        %dma_wait3A_384 = arith.constant 0 : i32
        %dma_wait3A_385 = tpu.memref_slice %arg5[%dma_wait3A_384] : memref<481536xi32, #tpu.memory_space<hbm>> -> memref<144xi32, #tpu.memory_space<hbm>>
        tpu.wait_dma2 semaphore(%arg35 : memref<!tpu.dma_semaphore, #tpu.memory_space<semaphore_mem>>) src(%dma_wait3A_385 : memref<144xi32, #tpu.memory_space<hbm>>) dst(%arg9 : memref<144xi32, #tpu.memory_space<vmem>>)
        %dma_wait3A_386 = arith.constant 0 : i32
        %dma_wait3A_387 = arith.constant 0 : i32
        %dma_wait3A_388 = tpu.memref_slice %arg6[%dma_wait3A_386, %dma_wait3A_387] : memref<20000x192xbf16, #tpu.memory_space<hbm>> -> memref<48x192xbf16, #tpu.memory_space<hbm>>
        %dma_wait3A_389 = arith.constant 0 : i32
        %dma_wait3A_390 = arith.constant 0 : i32
        %dma_wait3A_391 = tpu.memref_slice %arg6[%dma_wait3A_389, %dma_wait3A_390] : memref<20000x192xbf16, #tpu.memory_space<hbm>> -> memref<48x192xbf16, #tpu.memory_space<hbm>>
        tpu.wait_dma2 semaphore(%arg37 : memref<!tpu.dma_semaphore, #tpu.memory_space<semaphore_mem>>) src(%dma_wait3A_391 : memref<48x192xbf16, #tpu.memory_space<hbm>>) dst(%arg23 : memref<48x192xbf16, #tpu.memory_space<vmem>>)
        %dma_wait3A_392 = arith.constant 0 : i32
        %dma_wait3A_393 = arith.constant 0 : i32
        %dma_wait3A_394 = tpu.memref_slice %arg7[%dma_wait3A_392, %dma_wait3A_393] : memref<20000x16xf32, #tpu.memory_space<hbm>> -> memref<48x16xf32, #tpu.memory_space<hbm>>
        %dma_wait3A_395 = arith.constant 0 : i32
        %dma_wait3A_396 = arith.constant 0 : i32
        %dma_wait3A_397 = tpu.memref_slice %arg7[%dma_wait3A_395, %dma_wait3A_396] : memref<20000x16xf32, #tpu.memory_space<hbm>> -> memref<48x16xf32, #tpu.memory_space<hbm>>
        tpu.wait_dma2 semaphore(%arg37 : memref<!tpu.dma_semaphore, #tpu.memory_space<semaphore_mem>>) src(%dma_wait3A_397 : memref<48x16xf32, #tpu.memory_space<hbm>>) dst(%arg25 : memref<48x16xf32, #tpu.memory_space<vmem>>)
        %broadcast_in_dim3A_398 = arith.constant 9999 : i32
        %broadcast_in_dim3A_399 = vector.broadcast %broadcast_in_dim3A_398 : i32 to vector<16xi32>
        %get3A_400 = arith.constant 0 : index
        %get3A_401 = tpu.vector_load %arg9[%get3A_400] {strides = array<i32>} : memref<144xi32, #tpu.memory_space<vmem>>, vector<16xi32>,
        %add3A_402 = vector.broadcast %mul3A_3 : i32 to vector<16xi32>
        %add3A_403 = arith.addi %get3A_401, %add3A_402 : vector<16xi32>
        %swap3A_404 = arith.constant 0 : index
        %swap3A_405 = tpu.vector_load %arg13[%swap3A_404] {strides = array<i32>} : memref<48xi32, #tpu.memory_space<vmem>>, vector<16xi32>,
        tpu.vector_store %arg13[%swap3A_404], %add3A_403 {strides = array<i32>} : memref<48xi32, #tpu.memory_space<vmem>>, vector<16xi32>,
        %get3A_406 = arith.constant 48 : index
        %get3A_407 = tpu.vector_load %arg9[%get3A_406] {strides = array<i32>} : memref<144xi32, #tpu.memory_space<vmem>>, vector<16xi32>,
        %swap3A_408 = arith.constant 0 : index
        %swap3A_409 = tpu.vector_load %arg11[%swap3A_408] {strides = array<i32>} : memref<48xi32, #tpu.memory_space<vmem>>, vector<16xi32>,
        tpu.vector_store %arg11[%swap3A_408], %get3A_407 {strides = array<i32>} : memref<48xi32, #tpu.memory_space<vmem>>, vector<16xi32>,
        %min3A_410 = arith.minsi %get3A_407, %broadcast_in_dim3A_399 : vector<16xi32>
        %add3A_411 = vector.broadcast %mul3A_3 : i32 to vector<16xi32>
        %add3A_412 = arith.addi %min3A_410, %add3A_411 : vector<16xi32>
        %swap3A_413 = arith.constant 0 : index
        %swap3A_414 = tpu.vector_load %arg15[%swap3A_413] {strides = array<i32>} : memref<48xi32, #tpu.memory_space<vmem>>, vector<16xi32>,
        tpu.vector_store %arg15[%swap3A_413], %add3A_412 {strides = array<i32>} : memref<48xi32, #tpu.memory_space<vmem>>, vector<16xi32>,
        %get3A_415 = arith.constant 96 : index
        %get3A_416 = tpu.vector_load %arg9[%get3A_415] {strides = array<i32>} : memref<144xi32, #tpu.memory_space<vmem>>, vector<16xi32>,
        %bitcast3A_417 = vector.bitcast %get3A_416 : vector<16xi32> to vector<16xf32>
        %swap3A_418 = arith.constant 0 : index
        %swap3A_419 = tpu.vector_load %arg17[%swap3A_418] {strides = array<i32>} : memref<48xf32, #tpu.memory_space<vmem>>, vector<16xf32>,
        tpu.vector_store %arg17[%swap3A_418], %bitcast3A_417 {strides = array<i32>} : memref<48xf32, #tpu.memory_space<vmem>>, vector<16xf32>,
        %get3A_420 = arith.constant 16 : index
        %get3A_421 = tpu.vector_load %arg9[%get3A_420] {strides = array<i32>} : memref<144xi32, #tpu.memory_space<vmem>>, vector<16xi32>,
        %add3A_422 = vector.broadcast %mul3A_3 : i32 to vector<16xi32>
        %add3A_423 = arith.addi %get3A_421, %add3A_422 : vector<16xi32>
        %swap3A_424 = arith.constant 16 : index
        %swap3A_425 = tpu.vector_load %arg13[%swap3A_424] {strides = array<i32>} : memref<48xi32, #tpu.memory_space<vmem>>, vector<16xi32>,
        tpu.vector_store %arg13[%swap3A_424], %add3A_423 {strides = array<i32>} : memref<48xi32, #tpu.memory_space<vmem>>, vector<16xi32>,
        %get3A_426 = arith.constant 64 : index
        %get3A_427 = tpu.vector_load %arg9[%get3A_426] {strides = array<i32>} : memref<144xi32, #tpu.memory_space<vmem>>, vector<16xi32>,
        %swap3A_428 = arith.constant 16 : index
        %swap3A_429 = tpu.vector_load %arg11[%swap3A_428] {strides = array<i32>} : memref<48xi32, #tpu.memory_space<vmem>>, vector<16xi32>,
        tpu.vector_store %arg11[%swap3A_428], %get3A_427 {strides = array<i32>} : memref<48xi32, #tpu.memory_space<vmem>>, vector<16xi32>,
        %min3A_430 = arith.minsi %get3A_427, %broadcast_in_dim3A_399 : vector<16xi32>
        %add3A_431 = vector.broadcast %mul3A_3 : i32 to vector<16xi32>
        %add3A_432 = arith.addi %min3A_430, %add3A_431 : vector<16xi32>
        %swap3A_433 = arith.constant 16 : index
        %swap3A_434 = tpu.vector_load %arg15[%swap3A_433] {strides = array<i32>} : memref<48xi32, #tpu.memory_space<vmem>>, vector<16xi32>,
        tpu.vector_store %arg15[%swap3A_433], %add3A_432 {strides = array<i32>} : memref<48xi32, #tpu.memory_space<vmem>>, vector<16xi32>,
        %get3A_435 = arith.constant 112 : index
        %get3A_436 = tpu.vector_load %arg9[%get3A_435] {strides = array<i32>} : memref<144xi32, #tpu.memory_space<vmem>>, vector<16xi32>,
        %bitcast3A_437 = vector.bitcast %get3A_436 : vector<16xi32> to vector<16xf32>
        %swap3A_438 = arith.constant 16 : index
        %swap3A_439 = tpu.vector_load %arg17[%swap3A_438] {strides = array<i32>} : memref<48xf32, #tpu.memory_space<vmem>>, vector<16xf32>,
        tpu.vector_store %arg17[%swap3A_438], %bitcast3A_437 {strides = array<i32>} : memref<48xf32, #tpu.memory_space<vmem>>, vector<16xf32>,
        %get3A_440 = arith.constant 32 : index
        %get3A_441 = tpu.vector_load %arg9[%get3A_440] {strides = array<i32>} : memref<144xi32, #tpu.memory_space<vmem>>, vector<16xi32>,
        %add3A_442 = vector.broadcast %mul3A_3 : i32 to vector<16xi32>
        %add3A_443 = arith.addi %get3A_441, %add3A_442 : vector<16xi32>
        %swap3A_444 = arith.constant 32 : index
        %swap3A_445 = tpu.vector_load %arg13[%swap3A_444] {strides = array<i32>} : memref<48xi32, #tpu.memory_space<vmem>>, vector<16xi32>,
        tpu.vector_store %arg13[%swap3A_444], %add3A_443 {strides = array<i32>} : memref<48xi32, #tpu.memory_space<vmem>>, vector<16xi32>,
        %get3A_446 = arith.constant 80 : index
        %get3A_447 = tpu.vector_load %arg9[%get3A_446] {strides = array<i32>} : memref<144xi32, #tpu.memory_space<vmem>>, vector<16xi32>,
        %swap3A_448 = arith.constant 32 : index
        %swap3A_449 = tpu.vector_load %arg11[%swap3A_448] {strides = array<i32>} : memref<48xi32, #tpu.memory_space<vmem>>, vector<16xi32>,
        tpu.vector_store %arg11[%swap3A_448], %get3A_447 {strides = array<i32>} : memref<48xi32, #tpu.memory_space<vmem>>, vector<16xi32>,
        %min3A_450 = arith.minsi %get3A_447, %broadcast_in_dim3A_399 : vector<16xi32>
        %add3A_451 = vector.broadcast %mul3A_3 : i32 to vector<16xi32>
        %add3A_452 = arith.addi %min3A_450, %add3A_451 : vector<16xi32>
        %swap3A_453 = arith.constant 32 : index
        %swap3A_454 = tpu.vector_load %arg15[%swap3A_453] {strides = array<i32>} : memref<48xi32, #tpu.memory_space<vmem>>, vector<16xi32>,
        tpu.vector_store %arg15[%swap3A_453], %add3A_452 {strides = array<i32>} : memref<48xi32, #tpu.memory_space<vmem>>, vector<16xi32>,
        %get3A_455 = arith.constant 128 : index
        %get3A_456 = tpu.vector_load %arg9[%get3A_455] {strides = array<i32>} : memref<144xi32, #tpu.memory_space<vmem>>, vector<16xi32>,
        %bitcast3A_457 = vector.bitcast %get3A_456 : vector<16xi32> to vector<16xf32>
        %swap3A_458 = arith.constant 32 : index
        %swap3A_459 = tpu.vector_load %arg17[%swap3A_458] {strides = array<i32>} : memref<48xf32, #tpu.memory_space<vmem>>, vector<16xf32>,
        tpu.vector_store %arg17[%swap3A_458], %bitcast3A_457 {strides = array<i32>} : memref<48xf32, #tpu.memory_space<vmem>>, vector<16xf32>,
        %dma_start3A_460 = arith.constant 0 : i32
        %dma_start3A_461 = arith.constant 0 : i32
        %dma_start3A_462 = tpu.memref_slice %arg2[%dma_start3A_460, %dma_start3A_461] : memref<20000x208xf32, #tpu.memory_space<hbm>> -> memref<20000x208xf32, #tpu.memory_space<hbm>>
        tpu.enqueue_indirect_dma source(%dma_start3A_462 : memref<20000x208xf32, #tpu.memory_space<hbm>>) target(%arg19 : memref<48x208xf32, #tpu.memory_space<vmem>>) offsets(%arg15 : memref<48xi32, #tpu.memory_space<vmem>>) semaphore(%arg33 : memref<!tpu.dma_semaphore, #tpu.memory_space<semaphore_mem>>)
        %dma_start3A_463 = arith.constant 0 : i32
        %dma_start3A_464 = arith.constant 0 : i32
        %dma_start3A_465 = tpu.memref_slice %arg3[%dma_start3A_463, %dma_start3A_464] : memref<20000x192xf32, #tpu.memory_space<hbm>> -> memref<20000x192xf32, #tpu.memory_space<hbm>>
        tpu.enqueue_indirect_dma source(%dma_start3A_465 : memref<20000x192xf32, #tpu.memory_space<hbm>>) target(%arg21 : memref<48x192xf32, #tpu.memory_space<vmem>>) offsets(%arg13 : memref<48xi32, #tpu.memory_space<vmem>>) semaphore(%arg33 : memref<!tpu.dma_semaphore, #tpu.memory_space<semaphore_mem>>)
        %dma_start3A_466 = arith.constant 0 : i32
        %dma_start3A_467 = arith.constant 0 : i32
        %dma_start3A_468 = tpu.memref_slice %arg4[%dma_start3A_466, %dma_start3A_467] : memref<20000x192xbf16, #tpu.memory_space<hbm>> -> memref<20000x192xbf16, #tpu.memory_space<hbm>>
        tpu.enqueue_indirect_dma source(%dma_start3A_468 : memref<20000x192xbf16, #tpu.memory_space<hbm>>) target(%arg23 : memref<48x192xbf16, #tpu.memory_space<vmem>>) offsets(%arg13 : memref<48xi32, #tpu.memory_space<vmem>>) semaphore(%arg33 : memref<!tpu.dma_semaphore, #tpu.memory_space<semaphore_mem>>)
      } else {
      }
      %add3A_342 = arith.constant 2 : i32
      %add3A_343 = arith.addi %add3A_334, %add3A_342 : i32
      %lt3A_344 = arith.constant 209 : i32
      %lt3A_345 = arith.cmpi slt, %add3A_343, %lt3A_344 : i32
      %convert_element_type3A_346 = arith.extui %lt3A_345 : i1 to i32
      %cond3A_347 = arith.constant 0 : i32
      %cond3A_348 = arith.cmpi ne, %convert_element_type3A_346, %cond3A_347 : i32
      scf.if %cond3A_348 {
        %add3A_382 = arith.constant 2 : i32
        %add3A_383 = arith.addi %add3A_334, %add3A_382 : i32
        %add3A_384 = arith.addi %mul3A_5, %add3A_383 : i32
        %mul3A_385 = arith.constant 144 : i32
        %mul3A_386 = arith.muli %add3A_384, %mul3A_385 : i32
        %dma_start3A_387 = tpu.memref_slice %arg5[%mul3A_386] : memref<481536xi32, #tpu.memory_space<hbm>> -> memref<144xi32, #tpu.memory_space<hbm>>
        %dma_start3A_388 = tpu.memref_slice %arg5[%mul3A_386] : memref<481536xi32, #tpu.memory_space<hbm>> -> memref<144xi32, #tpu.memory_space<hbm>>
        tpu.enqueue_dma source(%dma_start3A_388 : memref<144xi32, #tpu.memory_space<hbm>>) target(%arg8 : memref<144xi32, #tpu.memory_space<vmem>>) target_semaphore(%arg34 : memref<!tpu.dma_semaphore, #tpu.memory_space<semaphore_mem>>)
      } else {
      }
      %dma_wait3A_349 = arith.constant 0 : i32
      %dma_wait3A_350 = arith.constant 0 : i32
      %dma_wait3A_351 = tpu.memref_slice %arg2[%dma_wait3A_349, %dma_wait3A_350] : memref<20000x208xf32, #tpu.memory_space<hbm>> -> memref<48x208xf32, #tpu.memory_space<hbm>>
      %dma_wait3A_352 = arith.constant 0 : i32
      %dma_wait3A_353 = arith.constant 0 : i32
      %dma_wait3A_354 = tpu.memref_slice %arg2[%dma_wait3A_352, %dma_wait3A_353] : memref<20000x208xf32, #tpu.memory_space<hbm>> -> memref<48x208xf32, #tpu.memory_space<hbm>>
      tpu.wait_dma2 semaphore(%arg32 : memref<!tpu.dma_semaphore, #tpu.memory_space<semaphore_mem>>) src(%dma_wait3A_354 : memref<48x208xf32, #tpu.memory_space<hbm>>) dst(%arg18 : memref<48x208xf32, #tpu.memory_space<vmem>>)
      %dma_wait3A_355 = arith.constant 0 : i32
      %dma_wait3A_356 = arith.constant 0 : i32
      %dma_wait3A_357 = tpu.memref_slice %arg3[%dma_wait3A_355, %dma_wait3A_356] : memref<20000x192xf32, #tpu.memory_space<hbm>> -> memref<48x192xf32, #tpu.memory_space<hbm>>
      %dma_wait3A_358 = arith.constant 0 : i32
      %dma_wait3A_359 = arith.constant 0 : i32
      %dma_wait3A_360 = tpu.memref_slice %arg3[%dma_wait3A_358, %dma_wait3A_359] : memref<20000x192xf32, #tpu.memory_space<hbm>> -> memref<48x192xf32, #tpu.memory_space<hbm>>
      tpu.wait_dma2 semaphore(%arg32 : memref<!tpu.dma_semaphore, #tpu.memory_space<semaphore_mem>>) src(%dma_wait3A_360 : memref<48x192xf32, #tpu.memory_space<hbm>>) dst(%arg20 : memref<48x192xf32, #tpu.memory_space<vmem>>)
      %dma_wait3A_361 = arith.constant 0 : i32
      %dma_wait3A_362 = arith.constant 0 : i32
      %dma_wait3A_363 = tpu.memref_slice %arg4[%dma_wait3A_361, %dma_wait3A_362] : memref<20000x192xbf16, #tpu.memory_space<hbm>> -> memref<48x192xbf16, #tpu.memory_space<hbm>>
      %dma_wait3A_364 = arith.constant 0 : i32
      %dma_wait3A_365 = arith.constant 0 : i32
      %dma_wait3A_366 = tpu.memref_slice %arg4[%dma_wait3A_364, %dma_wait3A_365] : memref<20000x192xbf16, #tpu.memory_space<hbm>> -> memref<48x192xbf16, #tpu.memory_space<hbm>>
      tpu.wait_dma2 semaphore(%arg32 : memref<!tpu.dma_semaphore, #tpu.memory_space<semaphore_mem>>) src(%dma_wait3A_366 : memref<48x192xbf16, #tpu.memory_space<hbm>>) dst(%arg22 : memref<48x192xbf16, #tpu.memory_space<vmem>>)
      %parallel_loop3A_367 = arith.constant 0 : i32
      %parallel_loop3A_368 = arith.constant 48 : i32
      %parallel_loop3A_369 = arith.constant 1 : i32
      scf.for %parallel_loop3A_382 = %parallel_loop3A_367 to %parallel_loop3A_368 step %parallel_loop3A_369  : i32 {
        %parallel_loop3A_383 = arith.index_cast %parallel_loop3A_382 : i32 to index
        %parallel_loop3A_384 = arith.constant 0 : index
        %parallel_loop3A_385 = tpu.vector_load %arg18[%parallel_loop3A_383, %parallel_loop3A_384] {strides = array<i32>} : memref<48x208xf32, #tpu.memory_space<vmem>>, vector<16xf32>,
        %parallel_loop3A_386 = arith.index_cast %parallel_loop3A_382 : i32 to index
        %parallel_loop3A_387 = arith.constant 0 : index
        %parallel_loop3A_388 = tpu.vector_load %arg20[%parallel_loop3A_386, %parallel_loop3A_387] {strides = array<i32>} : memref<48x192xf32, #tpu.memory_space<vmem>>, vector<16xf32>,
        %parallel_loop3A_389 = arith.mulf %parallel_loop3A_385, %parallel_loop3A_388 : vector<16xf32>
        %parallel_loop3A_390 = arith.index_cast %parallel_loop3A_382 : i32 to index
        %parallel_loop3A_391 = arith.constant 16 : index
        %parallel_loop3A_392 = tpu.vector_load %arg18[%parallel_loop3A_390, %parallel_loop3A_391] {strides = array<i32>} : memref<48x208xf32, #tpu.memory_space<vmem>>, vector<16xf32>,
        %parallel_loop3A_393 = arith.index_cast %parallel_loop3A_382 : i32 to index
        %parallel_loop3A_394 = arith.constant 16 : index
        %parallel_loop3A_395 = tpu.vector_load %arg20[%parallel_loop3A_393, %parallel_loop3A_394] {strides = array<i32>} : memref<48x192xf32, #tpu.memory_space<vmem>>, vector<16xf32>,
        %parallel_loop3A_396 = arith.mulf %parallel_loop3A_392, %parallel_loop3A_395 : vector<16xf32>
        %parallel_loop3A_397 = arith.addf %parallel_loop3A_389, %parallel_loop3A_396 : vector<16xf32>
        %parallel_loop3A_398 = arith.index_cast %parallel_loop3A_382 : i32 to index
        %parallel_loop3A_399 = arith.constant 32 : index
        %parallel_loop3A_400 = tpu.vector_load %arg18[%parallel_loop3A_398, %parallel_loop3A_399] {strides = array<i32>} : memref<48x208xf32, #tpu.memory_space<vmem>>, vector<16xf32>,
        %parallel_loop3A_401 = arith.index_cast %parallel_loop3A_382 : i32 to index
        %parallel_loop3A_402 = arith.constant 32 : index
        %parallel_loop3A_403 = tpu.vector_load %arg20[%parallel_loop3A_401, %parallel_loop3A_402] {strides = array<i32>} : memref<48x192xf32, #tpu.memory_space<vmem>>, vector<16xf32>,
        %parallel_loop3A_404 = arith.mulf %parallel_loop3A_400, %parallel_loop3A_403 : vector<16xf32>
        %parallel_loop3A_405 = arith.addf %parallel_loop3A_397, %parallel_loop3A_404 : vector<16xf32>
        %parallel_loop3A_406 = arith.index_cast %parallel_loop3A_382 : i32 to index
        %parallel_loop3A_407 = arith.constant 48 : index
        %parallel_loop3A_408 = tpu.vector_load %arg18[%parallel_loop3A_406, %parallel_loop3A_407] {strides = array<i32>} : memref<48x208xf32, #tpu.memory_space<vmem>>, vector<16xf32>,
        %parallel_loop3A_409 = arith.index_cast %parallel_loop3A_382 : i32 to index
        %parallel_loop3A_410 = arith.constant 48 : index
        %parallel_loop3A_411 = tpu.vector_load %arg20[%parallel_loop3A_409, %parallel_loop3A_410] {strides = array<i32>} : memref<48x192xf32, #tpu.memory_space<vmem>>, vector<16xf32>,
        %parallel_loop3A_412 = arith.mulf %parallel_loop3A_408, %parallel_loop3A_411 : vector<16xf32>
        %parallel_loop3A_413 = arith.addf %parallel_loop3A_405, %parallel_loop3A_412 : vector<16xf32>
        %parallel_loop3A_414 = arith.index_cast %parallel_loop3A_382 : i32 to index
        %parallel_loop3A_415 = arith.constant 64 : index
        %parallel_loop3A_416 = tpu.vector_load %arg18[%parallel_loop3A_414, %parallel_loop3A_415] {strides = array<i32>} : memref<48x208xf32, #tpu.memory_space<vmem>>, vector<16xf32>,
        %parallel_loop3A_417 = arith.index_cast %parallel_loop3A_382 : i32 to index
        %parallel_loop3A_418 = arith.constant 64 : index
        %parallel_loop3A_419 = tpu.vector_load %arg20[%parallel_loop3A_417, %parallel_loop3A_418] {strides = array<i32>} : memref<48x192xf32, #tpu.memory_space<vmem>>, vector<16xf32>,
        %parallel_loop3A_420 = arith.mulf %parallel_loop3A_416, %parallel_loop3A_419 : vector<16xf32>
        %parallel_loop3A_421 = arith.addf %parallel_loop3A_413, %parallel_loop3A_420 : vector<16xf32>
        %parallel_loop3A_422 = arith.index_cast %parallel_loop3A_382 : i32 to index
        %parallel_loop3A_423 = arith.constant 80 : index
        %parallel_loop3A_424 = tpu.vector_load %arg18[%parallel_loop3A_422, %parallel_loop3A_423] {strides = array<i32>} : memref<48x208xf32, #tpu.memory_space<vmem>>, vector<16xf32>,
        %parallel_loop3A_425 = arith.index_cast %parallel_loop3A_382 : i32 to index
        %parallel_loop3A_426 = arith.constant 80 : index
        %parallel_loop3A_427 = tpu.vector_load %arg20[%parallel_loop3A_425, %parallel_loop3A_426] {strides = array<i32>} : memref<48x192xf32, #tpu.memory_space<vmem>>, vector<16xf32>,
        %parallel_loop3A_428 = arith.mulf %parallel_loop3A_424, %parallel_loop3A_427 : vector<16xf32>
        %parallel_loop3A_429 = arith.addf %parallel_loop3A_421, %parallel_loop3A_428 : vector<16xf32>
        %parallel_loop3A_430 = arith.index_cast %parallel_loop3A_382 : i32 to index
        %parallel_loop3A_431 = arith.constant 96 : index
        %parallel_loop3A_432 = tpu.vector_load %arg18[%parallel_loop3A_430, %parallel_loop3A_431] {strides = array<i32>} : memref<48x208xf32, #tpu.memory_space<vmem>>, vector<16xf32>,
        %parallel_loop3A_433 = arith.index_cast %parallel_loop3A_382 : i32 to index
        %parallel_loop3A_434 = arith.constant 96 : index
        %parallel_loop3A_435 = tpu.vector_load %arg20[%parallel_loop3A_433, %parallel_loop3A_434] {strides = array<i32>} : memref<48x192xf32, #tpu.memory_space<vmem>>, vector<16xf32>,
        %parallel_loop3A_436 = arith.mulf %parallel_loop3A_432, %parallel_loop3A_435 : vector<16xf32>
        %parallel_loop3A_437 = arith.addf %parallel_loop3A_429, %parallel_loop3A_436 : vector<16xf32>
        %parallel_loop3A_438 = arith.index_cast %parallel_loop3A_382 : i32 to index
        %parallel_loop3A_439 = arith.constant 112 : index
        %parallel_loop3A_440 = tpu.vector_load %arg18[%parallel_loop3A_438, %parallel_loop3A_439] {strides = array<i32>} : memref<48x208xf32, #tpu.memory_space<vmem>>, vector<16xf32>,
        %parallel_loop3A_441 = arith.index_cast %parallel_loop3A_382 : i32 to index
        %parallel_loop3A_442 = arith.constant 112 : index
        %parallel_loop3A_443 = tpu.vector_load %arg20[%parallel_loop3A_441, %parallel_loop3A_442] {strides = array<i32>} : memref<48x192xf32, #tpu.memory_space<vmem>>, vector<16xf32>,
        %parallel_loop3A_444 = arith.mulf %parallel_loop3A_440, %parallel_loop3A_443 : vector<16xf32>
        %parallel_loop3A_445 = arith.addf %parallel_loop3A_437, %parallel_loop3A_444 : vector<16xf32>
        %parallel_loop3A_446 = arith.index_cast %parallel_loop3A_382 : i32 to index
        %parallel_loop3A_447 = arith.constant 128 : index
        %parallel_loop3A_448 = tpu.vector_load %arg18[%parallel_loop3A_446, %parallel_loop3A_447] {strides = array<i32>} : memref<48x208xf32, #tpu.memory_space<vmem>>, vector<16xf32>,
        %parallel_loop3A_449 = arith.index_cast %parallel_loop3A_382 : i32 to index
        %parallel_loop3A_450 = arith.constant 128 : index
        %parallel_loop3A_451 = tpu.vector_load %arg20[%parallel_loop3A_449, %parallel_loop3A_450] {strides = array<i32>} : memref<48x192xf32, #tpu.memory_space<vmem>>, vector<16xf32>,
        %parallel_loop3A_452 = arith.mulf %parallel_loop3A_448, %parallel_loop3A_451 : vector<16xf32>
        %parallel_loop3A_453 = arith.addf %parallel_loop3A_445, %parallel_loop3A_452 : vector<16xf32>
        %parallel_loop3A_454 = arith.index_cast %parallel_loop3A_382 : i32 to index
        %parallel_loop3A_455 = arith.constant 144 : index
        %parallel_loop3A_456 = tpu.vector_load %arg18[%parallel_loop3A_454, %parallel_loop3A_455] {strides = array<i32>} : memref<48x208xf32, #tpu.memory_space<vmem>>, vector<16xf32>,
        %parallel_loop3A_457 = arith.index_cast %parallel_loop3A_382 : i32 to index
        %parallel_loop3A_458 = arith.constant 144 : index
        %parallel_loop3A_459 = tpu.vector_load %arg20[%parallel_loop3A_457, %parallel_loop3A_458] {strides = array<i32>} : memref<48x192xf32, #tpu.memory_space<vmem>>, vector<16xf32>,
        %parallel_loop3A_460 = arith.mulf %parallel_loop3A_456, %parallel_loop3A_459 : vector<16xf32>
        %parallel_loop3A_461 = arith.addf %parallel_loop3A_453, %parallel_loop3A_460 : vector<16xf32>
        %parallel_loop3A_462 = arith.index_cast %parallel_loop3A_382 : i32 to index
        %parallel_loop3A_463 = arith.constant 160 : index
        %parallel_loop3A_464 = tpu.vector_load %arg18[%parallel_loop3A_462, %parallel_loop3A_463] {strides = array<i32>} : memref<48x208xf32, #tpu.memory_space<vmem>>, vector<16xf32>,
        %parallel_loop3A_465 = arith.index_cast %parallel_loop3A_382 : i32 to index
        %parallel_loop3A_466 = arith.constant 160 : index
        %parallel_loop3A_467 = tpu.vector_load %arg20[%parallel_loop3A_465, %parallel_loop3A_466] {strides = array<i32>} : memref<48x192xf32, #tpu.memory_space<vmem>>, vector<16xf32>,
        %parallel_loop3A_468 = arith.mulf %parallel_loop3A_464, %parallel_loop3A_467 : vector<16xf32>
        %parallel_loop3A_469 = arith.addf %parallel_loop3A_461, %parallel_loop3A_468 : vector<16xf32>
        %parallel_loop3A_470 = arith.index_cast %parallel_loop3A_382 : i32 to index
        %parallel_loop3A_471 = arith.constant 176 : index
        %parallel_loop3A_472 = tpu.vector_load %arg18[%parallel_loop3A_470, %parallel_loop3A_471] {strides = array<i32>} : memref<48x208xf32, #tpu.memory_space<vmem>>, vector<16xf32>,
        %parallel_loop3A_473 = arith.index_cast %parallel_loop3A_382 : i32 to index
        %parallel_loop3A_474 = arith.constant 176 : index
        %parallel_loop3A_475 = tpu.vector_load %arg20[%parallel_loop3A_473, %parallel_loop3A_474] {strides = array<i32>} : memref<48x192xf32, #tpu.memory_space<vmem>>, vector<16xf32>,
        %parallel_loop3A_476 = arith.mulf %parallel_loop3A_472, %parallel_loop3A_475 : vector<16xf32>
        %parallel_loop3A_477 = arith.addf %parallel_loop3A_469, %parallel_loop3A_476 : vector<16xf32>
        %parallel_loop3A_478 = arith.index_cast %parallel_loop3A_382 : i32 to index
        %parallel_loop3A_479 = arith.constant 0 : index
        %parallel_loop3A_480 = tpu.vector_load %arg26[%parallel_loop3A_478, %parallel_loop3A_479] {strides = array<i32>} : memref<48x16xf32, #tpu.memory_space<vmem>>, vector<16xf32>,
        tpu.vector_store %arg26[%parallel_loop3A_478, %parallel_loop3A_479], %parallel_loop3A_477 {strides = array<i32>} : memref<48x16xf32, #tpu.memory_space<vmem>>, vector<16xf32>,
      } {sc.loop_unroll_factor = 2 : i64, sc.parallel_access}
      %parallel_loop3A_370 = arith.constant 0 : i32
      %parallel_loop3A_371 = arith.constant 3 : i32
      %parallel_loop3A_372 = arith.constant 1 : i32
      scf.for %parallel_loop3A_382 = %parallel_loop3A_370 to %parallel_loop3A_371 step %parallel_loop3A_372  : i32 {
        %parallel_loop3A_383 = arith.constant 16 : i32
        %parallel_loop3A_384 = arith.muli %parallel_loop3A_382, %parallel_loop3A_383 : i32
        %parallel_loop3A_385 = vector.broadcast %parallel_loop3A_384 : i32 to vector<16xi32>
        %parallel_loop3A_386 = arith.addi %iota3A, %parallel_loop3A_385 : vector<16xi32>
        %parallel_loop3A_387 = arith.constant 0 : i32
        %parallel_loop3A_388 = vector.broadcast %parallel_loop3A_387 : i32 to vector<16xi32>
        %parallel_loop3A_389 = tpu.vector_load_idx %arg26[%parallel_loop3A_386, %parallel_loop3A_388] : memref<48x16xf32, #tpu.memory_space<vmem>>[vector<16xi32>, vector<16xi32>], vector<16xf32>,
        %parallel_loop3A_390 = arith.constant 1 : i32
        %parallel_loop3A_391 = vector.broadcast %parallel_loop3A_390 : i32 to vector<16xi32>
        %parallel_loop3A_392 = tpu.vector_load_idx %arg26[%parallel_loop3A_386, %parallel_loop3A_391] : memref<48x16xf32, #tpu.memory_space<vmem>>[vector<16xi32>, vector<16xi32>], vector<16xf32>,
        %parallel_loop3A_393 = arith.addf %parallel_loop3A_389, %parallel_loop3A_392 : vector<16xf32>
        %parallel_loop3A_394 = arith.constant 2 : i32
        %parallel_loop3A_395 = vector.broadcast %parallel_loop3A_394 : i32 to vector<16xi32>
        %parallel_loop3A_396 = tpu.vector_load_idx %arg26[%parallel_loop3A_386, %parallel_loop3A_395] : memref<48x16xf32, #tpu.memory_space<vmem>>[vector<16xi32>, vector<16xi32>], vector<16xf32>,
        %parallel_loop3A_397 = arith.addf %parallel_loop3A_393, %parallel_loop3A_396 : vector<16xf32>
        %parallel_loop3A_398 = arith.constant 3 : i32
        %parallel_loop3A_399 = vector.broadcast %parallel_loop3A_398 : i32 to vector<16xi32>
        %parallel_loop3A_400 = tpu.vector_load_idx %arg26[%parallel_loop3A_386, %parallel_loop3A_399] : memref<48x16xf32, #tpu.memory_space<vmem>>[vector<16xi32>, vector<16xi32>], vector<16xf32>,
        %parallel_loop3A_401 = arith.addf %parallel_loop3A_397, %parallel_loop3A_400 : vector<16xf32>
        %parallel_loop3A_402 = arith.constant 4 : i32
        %parallel_loop3A_403 = vector.broadcast %parallel_loop3A_402 : i32 to vector<16xi32>
        %parallel_loop3A_404 = tpu.vector_load_idx %arg26[%parallel_loop3A_386, %parallel_loop3A_403] : memref<48x16xf32, #tpu.memory_space<vmem>>[vector<16xi32>, vector<16xi32>], vector<16xf32>,
        %parallel_loop3A_405 = arith.addf %parallel_loop3A_401, %parallel_loop3A_404 : vector<16xf32>
        %parallel_loop3A_406 = arith.constant 5 : i32
        %parallel_loop3A_407 = vector.broadcast %parallel_loop3A_406 : i32 to vector<16xi32>
        %parallel_loop3A_408 = tpu.vector_load_idx %arg26[%parallel_loop3A_386, %parallel_loop3A_407] : memref<48x16xf32, #tpu.memory_space<vmem>>[vector<16xi32>, vector<16xi32>], vector<16xf32>,
        %parallel_loop3A_409 = arith.addf %parallel_loop3A_405, %parallel_loop3A_408 : vector<16xf32>
        %parallel_loop3A_410 = arith.constant 6 : i32
        %parallel_loop3A_411 = vector.broadcast %parallel_loop3A_410 : i32 to vector<16xi32>
        %parallel_loop3A_412 = tpu.vector_load_idx %arg26[%parallel_loop3A_386, %parallel_loop3A_411] : memref<48x16xf32, #tpu.memory_space<vmem>>[vector<16xi32>, vector<16xi32>], vector<16xf32>,
        %parallel_loop3A_413 = arith.addf %parallel_loop3A_409, %parallel_loop3A_412 : vector<16xf32>
        %parallel_loop3A_414 = arith.constant 7 : i32
        %parallel_loop3A_415 = vector.broadcast %parallel_loop3A_414 : i32 to vector<16xi32>
        %parallel_loop3A_416 = tpu.vector_load_idx %arg26[%parallel_loop3A_386, %parallel_loop3A_415] : memref<48x16xf32, #tpu.memory_space<vmem>>[vector<16xi32>, vector<16xi32>], vector<16xf32>,
        %parallel_loop3A_417 = arith.addf %parallel_loop3A_413, %parallel_loop3A_416 : vector<16xf32>
        %parallel_loop3A_418 = arith.constant 8 : i32
        %parallel_loop3A_419 = vector.broadcast %parallel_loop3A_418 : i32 to vector<16xi32>
        %parallel_loop3A_420 = tpu.vector_load_idx %arg26[%parallel_loop3A_386, %parallel_loop3A_419] : memref<48x16xf32, #tpu.memory_space<vmem>>[vector<16xi32>, vector<16xi32>], vector<16xf32>,
        %parallel_loop3A_421 = arith.addf %parallel_loop3A_417, %parallel_loop3A_420 : vector<16xf32>
        %parallel_loop3A_422 = arith.constant 9 : i32
        %parallel_loop3A_423 = vector.broadcast %parallel_loop3A_422 : i32 to vector<16xi32>
        %parallel_loop3A_424 = tpu.vector_load_idx %arg26[%parallel_loop3A_386, %parallel_loop3A_423] : memref<48x16xf32, #tpu.memory_space<vmem>>[vector<16xi32>, vector<16xi32>], vector<16xf32>,
        %parallel_loop3A_425 = arith.addf %parallel_loop3A_421, %parallel_loop3A_424 : vector<16xf32>
        %parallel_loop3A_426 = arith.constant 10 : i32
        %parallel_loop3A_427 = vector.broadcast %parallel_loop3A_426 : i32 to vector<16xi32>
        %parallel_loop3A_428 = tpu.vector_load_idx %arg26[%parallel_loop3A_386, %parallel_loop3A_427] : memref<48x16xf32, #tpu.memory_space<vmem>>[vector<16xi32>, vector<16xi32>], vector<16xf32>,
        %parallel_loop3A_429 = arith.addf %parallel_loop3A_425, %parallel_loop3A_428 : vector<16xf32>
        %parallel_loop3A_430 = arith.constant 11 : i32
        %parallel_loop3A_431 = vector.broadcast %parallel_loop3A_430 : i32 to vector<16xi32>
        %parallel_loop3A_432 = tpu.vector_load_idx %arg26[%parallel_loop3A_386, %parallel_loop3A_431] : memref<48x16xf32, #tpu.memory_space<vmem>>[vector<16xi32>, vector<16xi32>], vector<16xf32>,
        %parallel_loop3A_433 = arith.addf %parallel_loop3A_429, %parallel_loop3A_432 : vector<16xf32>
        %parallel_loop3A_434 = arith.constant 12 : i32
        %parallel_loop3A_435 = vector.broadcast %parallel_loop3A_434 : i32 to vector<16xi32>
        %parallel_loop3A_436 = tpu.vector_load_idx %arg26[%parallel_loop3A_386, %parallel_loop3A_435] : memref<48x16xf32, #tpu.memory_space<vmem>>[vector<16xi32>, vector<16xi32>], vector<16xf32>,
        %parallel_loop3A_437 = arith.addf %parallel_loop3A_433, %parallel_loop3A_436 : vector<16xf32>
        %parallel_loop3A_438 = arith.constant 13 : i32
        %parallel_loop3A_439 = vector.broadcast %parallel_loop3A_438 : i32 to vector<16xi32>
        %parallel_loop3A_440 = tpu.vector_load_idx %arg26[%parallel_loop3A_386, %parallel_loop3A_439] : memref<48x16xf32, #tpu.memory_space<vmem>>[vector<16xi32>, vector<16xi32>], vector<16xf32>,
        %parallel_loop3A_441 = arith.addf %parallel_loop3A_437, %parallel_loop3A_440 : vector<16xf32>
        %parallel_loop3A_442 = arith.constant 14 : i32
        %parallel_loop3A_443 = vector.broadcast %parallel_loop3A_442 : i32 to vector<16xi32>
        %parallel_loop3A_444 = tpu.vector_load_idx %arg26[%parallel_loop3A_386, %parallel_loop3A_443] : memref<48x16xf32, #tpu.memory_space<vmem>>[vector<16xi32>, vector<16xi32>], vector<16xf32>,
        %parallel_loop3A_445 = arith.addf %parallel_loop3A_441, %parallel_loop3A_444 : vector<16xf32>
        %parallel_loop3A_446 = arith.constant 15 : i32
        %parallel_loop3A_447 = vector.broadcast %parallel_loop3A_446 : i32 to vector<16xi32>
        %parallel_loop3A_448 = tpu.vector_load_idx %arg26[%parallel_loop3A_386, %parallel_loop3A_447] : memref<48x16xf32, #tpu.memory_space<vmem>>[vector<16xi32>, vector<16xi32>], vector<16xf32>,
        %parallel_loop3A_449 = arith.addf %parallel_loop3A_445, %parallel_loop3A_448 : vector<16xf32>
        %parallel_loop3A_450 = arith.constant 192 : i32
        %parallel_loop3A_451 = vector.broadcast %parallel_loop3A_450 : i32 to vector<16xi32>
        %parallel_loop3A_452 = tpu.vector_load_idx %arg18[%parallel_loop3A_386, %parallel_loop3A_451] : memref<48x208xf32, #tpu.memory_space<vmem>>[vector<16xi32>, vector<16xi32>], vector<16xf32>,
        %parallel_loop3A_453 = arith.constant 193 : i32
        %parallel_loop3A_454 = vector.broadcast %parallel_loop3A_453 : i32 to vector<16xi32>
        %parallel_loop3A_455 = tpu.vector_load_idx %arg18[%parallel_loop3A_386, %parallel_loop3A_454] : memref<48x208xf32, #tpu.memory_space<vmem>>[vector<16xi32>, vector<16xi32>], vector<16xf32>,
        %parallel_loop3A_456 = arith.index_cast %parallel_loop3A_384 : i32 to index
        %parallel_loop3A_457 = tpu.vector_load %arg16[%parallel_loop3A_456] {strides = array<i32>} : memref<48xf32, #tpu.memory_space<vmem>>, vector<16xf32>,
        %parallel_loop3A_458 = arith.mulf %parallel_loop3A_457, %parallel_loop3A_452 : vector<16xf32>
        %parallel_loop3A_459 = arith.addf %parallel_loop3A_449, %parallel_loop3A_458 : vector<16xf32>
        %parallel_loop3A_460 = arith.addf %parallel_loop3A_459, %parallel_loop3A_455 : vector<16xf32>
        %parallel_loop3A_461 = vector.broadcast %scan3A_244 : f32 to vector<16xf32>
        %parallel_loop3A_462 = arith.mulf %parallel_loop3A_460, %parallel_loop3A_461 : vector<16xf32>
        %parallel_loop3A_463 = math.exp %parallel_loop3A_462 : vector<16xf32>
        %parallel_loop3A_464 = arith.index_cast %parallel_loop3A_384 : i32 to index
        %parallel_loop3A_465 = tpu.vector_load %arg27[%parallel_loop3A_464] {strides = array<i32>} : memref<48xf32, #tpu.memory_space<vmem>>, vector<16xf32>,
        tpu.vector_store %arg27[%parallel_loop3A_464], %parallel_loop3A_463 {strides = array<i32>} : memref<48xf32, #tpu.memory_space<vmem>>, vector<16xf32>,
        tpu.vector_store_idx %arg24[%parallel_loop3A_386, %parallel_loop3A_388], %parallel_loop3A_463 : memref<48x16xf32, #tpu.memory_space<vmem>>[vector<16xi32>, vector<16xi32>], vector<16xf32>,
        %parallel_loop3A_466 = arith.constant 1 : i32
        %parallel_loop3A_467 = vector.broadcast %parallel_loop3A_466 : i32 to vector<16xi32>
        %parallel_loop3A_468 = arith.mulf %parallel_loop3A_463, %parallel_loop3A_457 : vector<16xf32>
        tpu.vector_store_idx %arg24[%parallel_loop3A_386, %parallel_loop3A_467], %parallel_loop3A_468 : memref<48x16xf32, #tpu.memory_space<vmem>>[vector<16xi32>, vector<16xi32>], vector<16xf32>,
      } {sc.loop_unroll_factor = 1 : i64, sc.parallel_access}
      %parallel_loop3A_373 = arith.constant 0 : i32
      %parallel_loop3A_374 = arith.constant 48 : i32
      %parallel_loop3A_375 = arith.constant 1 : i32
      scf.for %parallel_loop3A_382 = %parallel_loop3A_373 to %parallel_loop3A_374 step %parallel_loop3A_375  : i32 {
        %parallel_loop3A_383 = arith.constant 0 : i32
        %parallel_loop3A_384 = vector.broadcast %parallel_loop3A_383 : i32 to vector<16xi32>
        %parallel_loop3A_385 = vector.broadcast %parallel_loop3A_382 : i32 to vector<16xi32>
        %parallel_loop3A_386 = arith.addi %parallel_loop3A_384, %parallel_loop3A_385 : vector<16xi32>
        %parallel_loop3A_387 = tpu.vector_load_idx %arg27[%parallel_loop3A_386] : memref<48xf32, #tpu.memory_space<vmem>>[vector<16xi32>], vector<16xf32>,
        %parallel_loop3A_388 = arith.index_cast %parallel_loop3A_382 : i32 to index
        %parallel_loop3A_389 = arith.constant 0 : index
        %parallel_loop3A_390 = tpu.vector_load %arg22[%parallel_loop3A_388, %parallel_loop3A_389] {strides = array<i32>} : memref<48x192xbf16, #tpu.memory_space<vmem>>, vector<32xbf16>,
        %parallel_loop3A_391 = tpu.unpack_subelements %parallel_loop3A_390, 0 {pack_format = #tpu.pack_format<interleaved>} : vector<32xbf16> -> vector<16xf32>
        %parallel_loop3A_392 = tpu.unpack_subelements %parallel_loop3A_390, 1 {pack_format = #tpu.pack_format<interleaved>} : vector<32xbf16> -> vector<16xf32>
        %parallel_loop3A_393 = arith.mulf %parallel_loop3A_391, %parallel_loop3A_387 : vector<16xf32>
        %parallel_loop3A_394 = arith.mulf %parallel_loop3A_392, %parallel_loop3A_387 : vector<16xf32>
        %parallel_loop3A_395 = tpu.pack_subelements %parallel_loop3A_393, %parallel_loop3A_394 {pack_format = #tpu.pack_format<interleaved>, positions = array<i32: 0, 1>} : vector<16xf32>, vector<16xf32> -> vector<32xbf16>
        %parallel_loop3A_396 = arith.index_cast %parallel_loop3A_382 : i32 to index
        %parallel_loop3A_397 = arith.constant 0 : index
        %parallel_loop3A_398 = tpu.vector_load %arg22[%parallel_loop3A_396, %parallel_loop3A_397] {strides = array<i32>} : memref<48x192xbf16, #tpu.memory_space<vmem>>, vector<32xbf16>,
        tpu.vector_store %arg22[%parallel_loop3A_396, %parallel_loop3A_397], %parallel_loop3A_395 {strides = array<i32>} : memref<48x192xbf16, #tpu.memory_space<vmem>>, vector<32xbf16>,
        %parallel_loop3A_399 = arith.index_cast %parallel_loop3A_382 : i32 to index
        %parallel_loop3A_400 = arith.constant 32 : index
        %parallel_loop3A_401 = tpu.vector_load %arg22[%parallel_loop3A_399, %parallel_loop3A_400] {strides = array<i32>} : memref<48x192xbf16, #tpu.memory_space<vmem>>, vector<32xbf16>,
        %parallel_loop3A_402 = tpu.unpack_subelements %parallel_loop3A_401, 0 {pack_format = #tpu.pack_format<interleaved>} : vector<32xbf16> -> vector<16xf32>
        %parallel_loop3A_403 = tpu.unpack_subelements %parallel_loop3A_401, 1 {pack_format = #tpu.pack_format<interleaved>} : vector<32xbf16> -> vector<16xf32>
        %parallel_loop3A_404 = arith.mulf %parallel_loop3A_402, %parallel_loop3A_387 : vector<16xf32>
        %parallel_loop3A_405 = arith.mulf %parallel_loop3A_403, %parallel_loop3A_387 : vector<16xf32>
        %parallel_loop3A_406 = tpu.pack_subelements %parallel_loop3A_404, %parallel_loop3A_405 {pack_format = #tpu.pack_format<interleaved>, positions = array<i32: 0, 1>} : vector<16xf32>, vector<16xf32> -> vector<32xbf16>
        %parallel_loop3A_407 = arith.index_cast %parallel_loop3A_382 : i32 to index
        %parallel_loop3A_408 = arith.constant 32 : index
        %parallel_loop3A_409 = tpu.vector_load %arg22[%parallel_loop3A_407, %parallel_loop3A_408] {strides = array<i32>} : memref<48x192xbf16, #tpu.memory_space<vmem>>, vector<32xbf16>,
        tpu.vector_store %arg22[%parallel_loop3A_407, %parallel_loop3A_408], %parallel_loop3A_406 {strides = array<i32>} : memref<48x192xbf16, #tpu.memory_space<vmem>>, vector<32xbf16>,
        %parallel_loop3A_410 = arith.index_cast %parallel_loop3A_382 : i32 to index
        %parallel_loop3A_411 = arith.constant 64 : index
        %parallel_loop3A_412 = tpu.vector_load %arg22[%parallel_loop3A_410, %parallel_loop3A_411] {strides = array<i32>} : memref<48x192xbf16, #tpu.memory_space<vmem>>, vector<32xbf16>,
        %parallel_loop3A_413 = tpu.unpack_subelements %parallel_loop3A_412, 0 {pack_format = #tpu.pack_format<interleaved>} : vector<32xbf16> -> vector<16xf32>
        %parallel_loop3A_414 = tpu.unpack_subelements %parallel_loop3A_412, 1 {pack_format = #tpu.pack_format<interleaved>} : vector<32xbf16> -> vector<16xf32>
        %parallel_loop3A_415 = arith.mulf %parallel_loop3A_413, %parallel_loop3A_387 : vector<16xf32>
        %parallel_loop3A_416 = arith.mulf %parallel_loop3A_414, %parallel_loop3A_387 : vector<16xf32>
        %parallel_loop3A_417 = tpu.pack_subelements %parallel_loop3A_415, %parallel_loop3A_416 {pack_format = #tpu.pack_format<interleaved>, positions = array<i32: 0, 1>} : vector<16xf32>, vector<16xf32> -> vector<32xbf16>
        %parallel_loop3A_418 = arith.index_cast %parallel_loop3A_382 : i32 to index
        %parallel_loop3A_419 = arith.constant 64 : index
        %parallel_loop3A_420 = tpu.vector_load %arg22[%parallel_loop3A_418, %parallel_loop3A_419] {strides = array<i32>} : memref<48x192xbf16, #tpu.memory_space<vmem>>, vector<32xbf16>,
        tpu.vector_store %arg22[%parallel_loop3A_418, %parallel_loop3A_419], %parallel_loop3A_417 {strides = array<i32>} : memref<48x192xbf16, #tpu.memory_space<vmem>>, vector<32xbf16>,
        %parallel_loop3A_421 = arith.index_cast %parallel_loop3A_382 : i32 to index
        %parallel_loop3A_422 = arith.constant 96 : index
        %parallel_loop3A_423 = tpu.vector_load %arg22[%parallel_loop3A_421, %parallel_loop3A_422] {strides = array<i32>} : memref<48x192xbf16, #tpu.memory_space<vmem>>, vector<32xbf16>,
        %parallel_loop3A_424 = tpu.unpack_subelements %parallel_loop3A_423, 0 {pack_format = #tpu.pack_format<interleaved>} : vector<32xbf16> -> vector<16xf32>
        %parallel_loop3A_425 = tpu.unpack_subelements %parallel_loop3A_423, 1 {pack_format = #tpu.pack_format<interleaved>} : vector<32xbf16> -> vector<16xf32>
        %parallel_loop3A_426 = arith.mulf %parallel_loop3A_424, %parallel_loop3A_387 : vector<16xf32>
        %parallel_loop3A_427 = arith.mulf %parallel_loop3A_425, %parallel_loop3A_387 : vector<16xf32>
        %parallel_loop3A_428 = tpu.pack_subelements %parallel_loop3A_426, %parallel_loop3A_427 {pack_format = #tpu.pack_format<interleaved>, positions = array<i32: 0, 1>} : vector<16xf32>, vector<16xf32> -> vector<32xbf16>
        %parallel_loop3A_429 = arith.index_cast %parallel_loop3A_382 : i32 to index
        %parallel_loop3A_430 = arith.constant 96 : index
        %parallel_loop3A_431 = tpu.vector_load %arg22[%parallel_loop3A_429, %parallel_loop3A_430] {strides = array<i32>} : memref<48x192xbf16, #tpu.memory_space<vmem>>, vector<32xbf16>,
        tpu.vector_store %arg22[%parallel_loop3A_429, %parallel_loop3A_430], %parallel_loop3A_428 {strides = array<i32>} : memref<48x192xbf16, #tpu.memory_space<vmem>>, vector<32xbf16>,
        %parallel_loop3A_432 = arith.index_cast %parallel_loop3A_382 : i32 to index
        %parallel_loop3A_433 = arith.constant 128 : index
        %parallel_loop3A_434 = tpu.vector_load %arg22[%parallel_loop3A_432, %parallel_loop3A_433] {strides = array<i32>} : memref<48x192xbf16, #tpu.memory_space<vmem>>, vector<32xbf16>,
        %parallel_loop3A_435 = tpu.unpack_subelements %parallel_loop3A_434, 0 {pack_format = #tpu.pack_format<interleaved>} : vector<32xbf16> -> vector<16xf32>
        %parallel_loop3A_436 = tpu.unpack_subelements %parallel_loop3A_434, 1 {pack_format = #tpu.pack_format<interleaved>} : vector<32xbf16> -> vector<16xf32>
        %parallel_loop3A_437 = arith.mulf %parallel_loop3A_435, %parallel_loop3A_387 : vector<16xf32>
        %parallel_loop3A_438 = arith.mulf %parallel_loop3A_436, %parallel_loop3A_387 : vector<16xf32>
        %parallel_loop3A_439 = tpu.pack_subelements %parallel_loop3A_437, %parallel_loop3A_438 {pack_format = #tpu.pack_format<interleaved>, positions = array<i32: 0, 1>} : vector<16xf32>, vector<16xf32> -> vector<32xbf16>
        %parallel_loop3A_440 = arith.index_cast %parallel_loop3A_382 : i32 to index
        %parallel_loop3A_441 = arith.constant 128 : index
        %parallel_loop3A_442 = tpu.vector_load %arg22[%parallel_loop3A_440, %parallel_loop3A_441] {strides = array<i32>} : memref<48x192xbf16, #tpu.memory_space<vmem>>, vector<32xbf16>,
        tpu.vector_store %arg22[%parallel_loop3A_440, %parallel_loop3A_441], %parallel_loop3A_439 {strides = array<i32>} : memref<48x192xbf16, #tpu.memory_space<vmem>>, vector<32xbf16>,
        %parallel_loop3A_443 = arith.index_cast %parallel_loop3A_382 : i32 to index
        %parallel_loop3A_444 = arith.constant 160 : index
        %parallel_loop3A_445 = tpu.vector_load %arg22[%parallel_loop3A_443, %parallel_loop3A_444] {strides = array<i32>} : memref<48x192xbf16, #tpu.memory_space<vmem>>, vector<32xbf16>,
        %parallel_loop3A_446 = tpu.unpack_subelements %parallel_loop3A_445, 0 {pack_format = #tpu.pack_format<interleaved>} : vector<32xbf16> -> vector<16xf32>
        %parallel_loop3A_447 = tpu.unpack_subelements %parallel_loop3A_445, 1 {pack_format = #tpu.pack_format<interleaved>} : vector<32xbf16> -> vector<16xf32>
        %parallel_loop3A_448 = arith.mulf %parallel_loop3A_446, %parallel_loop3A_387 : vector<16xf32>
        %parallel_loop3A_449 = arith.mulf %parallel_loop3A_447, %parallel_loop3A_387 : vector<16xf32>
        %parallel_loop3A_450 = tpu.pack_subelements %parallel_loop3A_448, %parallel_loop3A_449 {pack_format = #tpu.pack_format<interleaved>, positions = array<i32: 0, 1>} : vector<16xf32>, vector<16xf32> -> vector<32xbf16>
        %parallel_loop3A_451 = arith.index_cast %parallel_loop3A_382 : i32 to index
        %parallel_loop3A_452 = arith.constant 160 : index
        %parallel_loop3A_453 = tpu.vector_load %arg22[%parallel_loop3A_451, %parallel_loop3A_452] {strides = array<i32>} : memref<48x192xbf16, #tpu.memory_space<vmem>>, vector<32xbf16>,
        tpu.vector_store %arg22[%parallel_loop3A_451, %parallel_loop3A_452], %parallel_loop3A_450 {strides = array<i32>} : memref<48x192xbf16, #tpu.memory_space<vmem>>, vector<32xbf16>,
      } {sc.loop_unroll_factor = 2 : i64, sc.parallel_access}
      %dma_start3A_376 = arith.constant 0 : i32
      %dma_start3A_377 = arith.constant 0 : i32
      %dma_start3A_378 = tpu.memref_slice %arg30[%dma_start3A_376, %dma_start3A_377] : memref<10016x192xbf16, #tpu.memory_space<vmem_shared>> -> memref<10016x192xbf16, #tpu.memory_space<vmem_shared>>
      tpu.enqueue_indirect_dma source(%arg22 : memref<48x192xbf16, #tpu.memory_space<vmem>>) target(%dma_start3A_378 : memref<10016x192xbf16, #tpu.memory_space<vmem_shared>>) offsets(%arg10 : memref<48xi32, #tpu.memory_space<vmem>>) semaphore(%arg36 : memref<!tpu.dma_semaphore, #tpu.memory_space<semaphore_mem>>) {add = true}
      %dma_start3A_379 = arith.constant 0 : i32
      %dma_start3A_380 = arith.constant 0 : i32
      %dma_start3A_381 = tpu.memref_slice %arg31[%dma_start3A_379, %dma_start3A_380] : memref<10016x16xf32, #tpu.memory_space<vmem_shared>> -> memref<10016x16xf32, #tpu.memory_space<vmem_shared>>
      tpu.enqueue_indirect_dma source(%arg24 : memref<48x16xf32, #tpu.memory_space<vmem>>) target(%dma_start3A_381 : memref<10016x16xf32, #tpu.memory_space<vmem_shared>>) offsets(%arg10 : memref<48xi32, #tpu.memory_space<vmem>>) semaphore(%arg36 : memref<!tpu.dma_semaphore, #tpu.memory_space<semaphore_mem>>) {add = true}
    }
    %scan3A_249 = arith.constant 104 : i32
    %dma_wait3A_250 = arith.constant 0 : i32
    %dma_wait3A_251 = arith.constant 0 : i32
    %dma_wait3A_252 = tpu.memref_slice %arg6[%dma_wait3A_250, %dma_wait3A_251] : memref<20000x192xbf16, #tpu.memory_space<hbm>> -> memref<48x192xbf16, #tpu.memory_space<hbm>>
    %dma_wait3A_253 = arith.constant 0 : i32
    %dma_wait3A_254 = arith.constant 0 : i32
    %dma_wait3A_255 = tpu.memref_slice %arg6[%dma_wait3A_253, %dma_wait3A_254] : memref<20000x192xbf16, #tpu.memory_space<hbm>> -> memref<48x192xbf16, #tpu.memory_space<hbm>>
    tpu.wait_dma2 semaphore(%arg36 : memref<!tpu.dma_semaphore, #tpu.memory_space<semaphore_mem>>) src(%dma_wait3A_255 : memref<48x192xbf16, #tpu.memory_space<hbm>>) dst(%arg22 : memref<48x192xbf16, #tpu.memory_space<vmem>>)
    %dma_wait3A_256 = arith.constant 0 : i32
    %dma_wait3A_257 = arith.constant 0 : i32
    %dma_wait3A_258 = tpu.memref_slice %arg7[%dma_wait3A_256, %dma_wait3A_257] : memref<20000x16xf32, #tpu.memory_space<hbm>> -> memref<48x16xf32, #tpu.memory_space<hbm>>
    %dma_wait3A_259 = arith.constant 0 : i32
    %dma_wait3A_260 = arith.constant 0 : i32
    %dma_wait3A_261 = tpu.memref_slice %arg7[%dma_wait3A_259, %dma_wait3A_260] : memref<20000x16xf32, #tpu.memory_space<hbm>> -> memref<48x16xf32, #tpu.memory_space<hbm>>
    tpu.wait_dma2 semaphore(%arg36 : memref<!tpu.dma_semaphore, #tpu.memory_space<semaphore_mem>>) src(%dma_wait3A_261 : memref<48x16xf32, #tpu.memory_space<hbm>>) dst(%arg24 : memref<48x16xf32, #tpu.memory_space<vmem>>)
    %dma_wait3A_262 = arith.constant 0 : i32
    %dma_wait3A_263 = arith.constant 0 : i32
    %dma_wait3A_264 = tpu.memref_slice %arg6[%dma_wait3A_262, %dma_wait3A_263] : memref<20000x192xbf16, #tpu.memory_space<hbm>> -> memref<48x192xbf16, #tpu.memory_space<hbm>>
    %dma_wait3A_265 = arith.constant 0 : i32
    %dma_wait3A_266 = arith.constant 0 : i32
    %dma_wait3A_267 = tpu.memref_slice %arg6[%dma_wait3A_265, %dma_wait3A_266] : memref<20000x192xbf16, #tpu.memory_space<hbm>> -> memref<48x192xbf16, #tpu.memory_space<hbm>>
    tpu.wait_dma2 semaphore(%arg37 : memref<!tpu.dma_semaphore, #tpu.memory_space<semaphore_mem>>) src(%dma_wait3A_267 : memref<48x192xbf16, #tpu.memory_space<hbm>>) dst(%arg23 : memref<48x192xbf16, #tpu.memory_space<vmem>>)
    %dma_wait3A_268 = arith.constant 0 : i32
    %dma_wait3A_269 = arith.constant 0 : i32
    %dma_wait3A_270 = tpu.memref_slice %arg7[%dma_wait3A_268, %dma_wait3A_269] : memref<20000x16xf32, #tpu.memory_space<hbm>> -> memref<48x16xf32, #tpu.memory_space<hbm>>
    %dma_wait3A_271 = arith.constant 0 : i32
    %dma_wait3A_272 = arith.constant 0 : i32
    %dma_wait3A_273 = tpu.memref_slice %arg7[%dma_wait3A_271, %dma_wait3A_272] : memref<20000x16xf32, #tpu.memory_space<hbm>> -> memref<48x16xf32, #tpu.memory_space<hbm>>
    tpu.wait_dma2 semaphore(%arg37 : memref<!tpu.dma_semaphore, #tpu.memory_space<semaphore_mem>>) src(%dma_wait3A_273 : memref<48x16xf32, #tpu.memory_space<hbm>>) dst(%arg25 : memref<48x16xf32, #tpu.memory_space<vmem>>)
    %barrier3A_274 = arith.constant 0 : index
    tpu.barrier barrier_id(%barrier3A_274)
    %scan3A_275 = arith.constant 0 : i32
    %scan3A_276 = arith.constant 40 : i32
    %scan3A_277 = arith.addi %scan3A_275, %scan3A_276 : i32
    %scan3A_278 = arith.constant 1 : i32
    scf.for %scan3A_280 = %scan3A_275 to %scan3A_277 step %scan3A_278  : i32 {
      %mul3A_281 = arith.constant 1 : i32
      %mul3A_282 = arith.muli %scan3A_280, %mul3A_281 : i32
      %add3A_283 = arith.constant 0 : i32
      %add3A_284 = arith.addi %add3A_283, %mul3A_282 : i32
      %mul3A_285 = arith.constant 16 : i32
      %mul3A_286 = arith.muli %add3A_284, %mul3A_285 : i32
      %add3A_287 = arith.addi %mul3A_286, %arg1 : i32
      %lt3A = arith.constant 625 : i32
      %lt3A_288 = arith.cmpi slt, %add3A_287, %lt3A : i32
      %convert_element_type3A = arith.extui %lt3A_288 : i1 to i32
      %cond3A = arith.constant 0 : i32
      %cond3A_289 = arith.cmpi ne, %convert_element_type3A, %cond3A : i32
      scf.if %cond3A_289 {
        %mul3A_290 = arith.constant 16 : i32
        %mul3A_291 = arith.muli %add3A_287, %mul3A_290 : i32
        %mul3A_292 = arith.constant 16 : i32
        %mul3A_293 = arith.muli %add3A_287, %mul3A_292 : i32
        %add3A_294 = arith.addi %mul3A_3, %mul3A_293 : i32
        "tpu.region"() ({
          %run_scoped3A = tpu.sem_alloc : memref<!tpu.dma_semaphore, #tpu.memory_space<semaphore_mem>>
          %dma_start3A_300 = arith.constant 0 : i32
          %dma_start3A_301 = tpu.memref_slice %arg6[%add3A_294, %dma_start3A_300] : memref<20000x192xbf16, #tpu.memory_space<hbm>> -> memref<16x192xbf16, #tpu.memory_space<hbm>>
          %dma_start3A_302 = arith.constant 0 : i32
          %dma_start3A_303 = tpu.memref_slice %arg30[%mul3A_291, %dma_start3A_302] : memref<10016x192xbf16, #tpu.memory_space<vmem_shared>> -> memref<16x192xbf16, #tpu.memory_space<vmem_shared>>
          tpu.enqueue_dma source(%dma_start3A_303 : memref<16x192xbf16, #tpu.memory_space<vmem_shared>>) target(%dma_start3A_301 : memref<16x192xbf16, #tpu.memory_space<hbm>>) target_semaphore(%run_scoped3A : memref<!tpu.dma_semaphore, #tpu.memory_space<semaphore_mem>>)
          %dma_wait3A_304 = arith.constant 0 : i32
          %dma_wait3A_305 = tpu.memref_slice %arg6[%add3A_294, %dma_wait3A_304] : memref<20000x192xbf16, #tpu.memory_space<hbm>> -> memref<16x192xbf16, #tpu.memory_space<hbm>>
          %dma_wait3A_306 = arith.constant 0 : i32
          %dma_wait3A_307 = tpu.memref_slice %arg30[%mul3A_291, %dma_wait3A_306] : memref<10016x192xbf16, #tpu.memory_space<vmem_shared>> -> memref<16x192xbf16, #tpu.memory_space<vmem_shared>>
          tpu.wait_dma2 semaphore(%run_scoped3A : memref<!tpu.dma_semaphore, #tpu.memory_space<semaphore_mem>>) src(%dma_wait3A_307 : memref<16x192xbf16, #tpu.memory_space<vmem_shared>>) dst(%dma_wait3A_305 : memref<16x192xbf16, #tpu.memory_space<hbm>>)
          tpu.yield
        }) : () -> ()
        %mul3A_295 = arith.constant 16 : i32
        %mul3A_296 = arith.muli %add3A_287, %mul3A_295 : i32
        %mul3A_297 = arith.constant 16 : i32
        %mul3A_298 = arith.muli %add3A_287, %mul3A_297 : i32
        %add3A_299 = arith.addi %mul3A_3, %mul3A_298 : i32
        "tpu.region"() ({
          %run_scoped3A = tpu.sem_alloc : memref<!tpu.dma_semaphore, #tpu.memory_space<semaphore_mem>>
          %dma_start3A_300 = arith.constant 0 : i32
          %dma_start3A_301 = tpu.memref_slice %arg7[%add3A_299, %dma_start3A_300] : memref<20000x16xf32, #tpu.memory_space<hbm>> -> memref<16x16xf32, #tpu.memory_space<hbm>>
          %dma_start3A_302 = arith.constant 0 : i32
          %dma_start3A_303 = tpu.memref_slice %arg31[%mul3A_296, %dma_start3A_302] : memref<10016x16xf32, #tpu.memory_space<vmem_shared>> -> memref<16x16xf32, #tpu.memory_space<vmem_shared>>
          tpu.enqueue_dma source(%dma_start3A_303 : memref<16x16xf32, #tpu.memory_space<vmem_shared>>) target(%dma_start3A_301 : memref<16x16xf32, #tpu.memory_space<hbm>>) target_semaphore(%run_scoped3A : memref<!tpu.dma_semaphore, #tpu.memory_space<semaphore_mem>>)
          %dma_wait3A_304 = arith.constant 0 : i32
          %dma_wait3A_305 = tpu.memref_slice %arg7[%add3A_299, %dma_wait3A_304] : memref<20000x16xf32, #tpu.memory_space<hbm>> -> memref<16x16xf32, #tpu.memory_space<hbm>>
          %dma_wait3A_306 = arith.constant 0 : i32
          %dma_wait3A_307 = tpu.memref_slice %arg31[%mul3A_296, %dma_wait3A_306] : memref<10016x16xf32, #tpu.memory_space<vmem_shared>> -> memref<16x16xf32, #tpu.memory_space<vmem_shared>>
          tpu.wait_dma2 semaphore(%run_scoped3A : memref<!tpu.dma_semaphore, #tpu.memory_space<semaphore_mem>>) src(%dma_wait3A_307 : memref<16x16xf32, #tpu.memory_space<vmem_shared>>) dst(%dma_wait3A_305 : memref<16x16xf32, #tpu.memory_space<hbm>>)
          tpu.yield
        }) : () -> ()
      } else {
      }
    }
    %scan3A_279 = arith.constant 40 : i32
    return
  }
}

module attributes {stable_mosaic.version = 14 : i64} {
  func.func @_qkv_body(%arg0: i32, %arg1: memref<400x384xf32, #tpu.memory_space<vmem>>, %arg2: memref<384x384xf32, #tpu.memory_space<vmem>>, %arg3: memref<1x384xf32, #tpu.memory_space<vmem>>, %arg4: memref<384x384xf32, #tpu.memory_space<vmem>>, %arg5: memref<1x384xf32, #tpu.memory_space<vmem>>, %arg6: memref<384x384xf32, #tpu.memory_space<vmem>>, %arg7: memref<1x384xf32, #tpu.memory_space<vmem>>, %arg8: memref<1x384xf32, #tpu.memory_space<vmem>>, %arg9: memref<1x384xf32, #tpu.memory_space<vmem>>, %arg10: memref<2x400x208xf32, #tpu.memory_space<vmem>>, %arg11: memref<2x400x192xf32, #tpu.memory_space<vmem>>, %arg12: memref<2x400x192xbf16, #tpu.memory_space<vmem>>) attributes {dimension_semantics = [#tpu.dimension_semantics<arbitrary>], iteration_bounds = array<i64: 25>, scalar_prefetch = 0 : i64, scratch_operands = 0 : i64, tpu.core_type = #tpu.core_type<tc>, window_params = [{transform_indices = @transform_0, window_bounds = array<i64: 400, 384>}, {pipeline_mode = #tpu.pipeline_mode<synchronous>, transform_indices = @transform_1, window_bounds = array<i64: 384, 384>}, {pipeline_mode = #tpu.pipeline_mode<synchronous>, transform_indices = @transform_2, window_bounds = array<i64: 1, 384>}, {pipeline_mode = #tpu.pipeline_mode<synchronous>, transform_indices = @transform_3, window_bounds = array<i64: 384, 384>}, {pipeline_mode = #tpu.pipeline_mode<synchronous>, transform_indices = @transform_4, window_bounds = array<i64: 1, 384>}, {pipeline_mode = #tpu.pipeline_mode<synchronous>, transform_indices = @transform_5, window_bounds = array<i64: 384, 384>}, {pipeline_mode = #tpu.pipeline_mode<synchronous>, transform_indices = @transform_6, window_bounds = array<i64: 1, 384>}, {pipeline_mode = #tpu.pipeline_mode<synchronous>, transform_indices = @transform_7, window_bounds = array<i64: 1, 384>}, {pipeline_mode = #tpu.pipeline_mode<synchronous>, transform_indices = @transform_8, window_bounds = array<i64: 1, 384>}, {transform_indices = @transform_9, window_bounds = array<i64: 2, 400, 208>}, {transform_indices = @transform_10, window_bounds = array<i64: 2, 400, 192>}, {transform_indices = @transform_11, window_bounds = array<i64: 2, 400, 192>}]} {
    %get3A = arith.constant 0 : index
    %get3A_0 = arith.constant 0 : index
    %get3A_1 = vector.load %arg1[%get3A, %get3A_0] : memref<400x384xf32, #tpu.memory_space<vmem>>, vector<400x384xf32>
    %get3A_2 = arith.constant 0 : index
    %get3A_3 = arith.constant 0 : index
    %get3A_4 = vector.load %arg2[%get3A_2, %get3A_3] : memref<384x384xf32, #tpu.memory_space<vmem>>, vector<384x384xf32>
    %convert_element_type3A = arith.truncf %get3A_1 : vector<400x384xf32> to vector<400x384xbf16>
    %convert_element_type3A_5 = arith.extf %convert_element_type3A : vector<400x384xbf16> to vector<400x384xf32>
    %sub3A = arith.subf %get3A_1, %convert_element_type3A_5 : vector<400x384xf32>
    %convert_element_type3A_6 = arith.truncf %sub3A : vector<400x384xf32> to vector<400x384xbf16>
    %convert_element_type3A_7 = arith.truncf %get3A_4 : vector<384x384xf32> to vector<384x384xbf16>
    %convert_element_type3A_8 = arith.extf %convert_element_type3A_7 : vector<384x384xbf16> to vector<384x384xf32>
    %sub3A_9 = arith.subf %get3A_4, %convert_element_type3A_8 : vector<384x384xf32>
    %convert_element_type3A_10 = arith.truncf %sub3A_9 : vector<384x384xf32> to vector<384x384xbf16>
    %dot_general3A = arith.constant dense<0.000000e+00> : vector<400x384xf32>
    %dot_general3A_11 = tpu.matmul %convert_element_type3A, %convert_element_type3A_7, %dot_general3A {dimension_numbers = #tpu.dot_dimension_numbers<[1], [0], [0], [1], [0, 0, 1, 1], [], []>, transpose_lhs_hint = false} : vector<400x384xbf16>, vector<384x384xbf16>, vector<400x384xf32> -> vector<400x384xf32>
    %dot_general3A_12 = arith.constant dense<0.000000e+00> : vector<400x384xf32>
    %dot_general3A_13 = tpu.matmul %convert_element_type3A, %convert_element_type3A_10, %dot_general3A_12 {dimension_numbers = #tpu.dot_dimension_numbers<[1], [0], [0], [1], [0, 0, 1, 1], [], []>, transpose_lhs_hint = false} : vector<400x384xbf16>, vector<384x384xbf16>, vector<400x384xf32> -> vector<400x384xf32>
    %dot_general3A_14 = arith.constant dense<0.000000e+00> : vector<400x384xf32>
    %dot_general3A_15 = tpu.matmul %convert_element_type3A_6, %convert_element_type3A_7, %dot_general3A_14 {dimension_numbers = #tpu.dot_dimension_numbers<[1], [0], [0], [1], [0, 0, 1, 1], [], []>, transpose_lhs_hint = false} : vector<400x384xbf16>, vector<384x384xbf16>, vector<400x384xf32> -> vector<400x384xf32>
    %add3A = arith.addf %dot_general3A_13, %dot_general3A_15 : vector<400x384xf32>
    %add3A_16 = arith.addf %dot_general3A_11, %add3A : vector<400x384xf32>
    %get3A_17 = arith.constant 0 : index
    %get3A_18 = arith.constant 0 : index
    %get3A_19 = vector.load %arg3[%get3A_17, %get3A_18] : memref<1x384xf32, #tpu.memory_space<vmem>>, vector<1x384xf32>
    %add3A_20 = vector.broadcast %get3A_19 : vector<1x384xf32> to vector<400x384xf32>
    %add3A_21 = arith.addf %add3A_16, %add3A_20 : vector<400x384xf32>
    %get3A_22 = arith.constant 0 : index
    %get3A_23 = arith.constant 0 : index
    %get3A_24 = vector.load %arg4[%get3A_22, %get3A_23] : memref<384x384xf32, #tpu.memory_space<vmem>>, vector<384x384xf32>
    %convert_element_type3A_25 = arith.truncf %get3A_1 : vector<400x384xf32> to vector<400x384xbf16>
    %convert_element_type3A_26 = arith.extf %convert_element_type3A_25 : vector<400x384xbf16> to vector<400x384xf32>
    %sub3A_27 = arith.subf %get3A_1, %convert_element_type3A_26 : vector<400x384xf32>
    %convert_element_type3A_28 = arith.truncf %sub3A_27 : vector<400x384xf32> to vector<400x384xbf16>
    %convert_element_type3A_29 = arith.truncf %get3A_24 : vector<384x384xf32> to vector<384x384xbf16>
    %convert_element_type3A_30 = arith.extf %convert_element_type3A_29 : vector<384x384xbf16> to vector<384x384xf32>
    %sub3A_31 = arith.subf %get3A_24, %convert_element_type3A_30 : vector<384x384xf32>
    %convert_element_type3A_32 = arith.truncf %sub3A_31 : vector<384x384xf32> to vector<384x384xbf16>
    %dot_general3A_33 = arith.constant dense<0.000000e+00> : vector<400x384xf32>
    %dot_general3A_34 = tpu.matmul %convert_element_type3A_25, %convert_element_type3A_29, %dot_general3A_33 {dimension_numbers = #tpu.dot_dimension_numbers<[1], [0], [0], [1], [0, 0, 1, 1], [], []>, transpose_lhs_hint = false} : vector<400x384xbf16>, vector<384x384xbf16>, vector<400x384xf32> -> vector<400x384xf32>
    %dot_general3A_35 = arith.constant dense<0.000000e+00> : vector<400x384xf32>
    %dot_general3A_36 = tpu.matmul %convert_element_type3A_25, %convert_element_type3A_32, %dot_general3A_35 {dimension_numbers = #tpu.dot_dimension_numbers<[1], [0], [0], [1], [0, 0, 1, 1], [], []>, transpose_lhs_hint = false} : vector<400x384xbf16>, vector<384x384xbf16>, vector<400x384xf32> -> vector<400x384xf32>
    %dot_general3A_37 = arith.constant dense<0.000000e+00> : vector<400x384xf32>
    %dot_general3A_38 = tpu.matmul %convert_element_type3A_28, %convert_element_type3A_29, %dot_general3A_37 {dimension_numbers = #tpu.dot_dimension_numbers<[1], [0], [0], [1], [0, 0, 1, 1], [], []>, transpose_lhs_hint = false} : vector<400x384xbf16>, vector<384x384xbf16>, vector<400x384xf32> -> vector<400x384xf32>
    %add3A_39 = arith.addf %dot_general3A_36, %dot_general3A_38 : vector<400x384xf32>
    %add3A_40 = arith.addf %dot_general3A_34, %add3A_39 : vector<400x384xf32>
    %get3A_41 = arith.constant 0 : index
    %get3A_42 = arith.constant 0 : index
    %get3A_43 = vector.load %arg5[%get3A_41, %get3A_42] : memref<1x384xf32, #tpu.memory_space<vmem>>, vector<1x384xf32>
    %add3A_44 = vector.broadcast %get3A_43 : vector<1x384xf32> to vector<400x384xf32>
    %add3A_45 = arith.addf %add3A_40, %add3A_44 : vector<400x384xf32>
    %get3A_46 = arith.constant 0 : index
    %get3A_47 = arith.constant 0 : index
    %get3A_48 = vector.load %arg6[%get3A_46, %get3A_47] : memref<384x384xf32, #tpu.memory_space<vmem>>, vector<384x384xf32>
    %convert_element_type3A_49 = arith.truncf %get3A_1 : vector<400x384xf32> to vector<400x384xbf16>
    %convert_element_type3A_50 = arith.extf %convert_element_type3A_49 : vector<400x384xbf16> to vector<400x384xf32>
    %sub3A_51 = arith.subf %get3A_1, %convert_element_type3A_50 : vector<400x384xf32>
    %convert_element_type3A_52 = arith.truncf %sub3A_51 : vector<400x384xf32> to vector<400x384xbf16>
    %convert_element_type3A_53 = arith.truncf %get3A_48 : vector<384x384xf32> to vector<384x384xbf16>
    %convert_element_type3A_54 = arith.extf %convert_element_type3A_53 : vector<384x384xbf16> to vector<384x384xf32>
    %sub3A_55 = arith.subf %get3A_48, %convert_element_type3A_54 : vector<384x384xf32>
    %convert_element_type3A_56 = arith.truncf %sub3A_55 : vector<384x384xf32> to vector<384x384xbf16>
    %dot_general3A_57 = arith.constant dense<0.000000e+00> : vector<400x384xf32>
    %dot_general3A_58 = tpu.matmul %convert_element_type3A_49, %convert_element_type3A_53, %dot_general3A_57 {dimension_numbers = #tpu.dot_dimension_numbers<[1], [0], [0], [1], [0, 0, 1, 1], [], []>, transpose_lhs_hint = false} : vector<400x384xbf16>, vector<384x384xbf16>, vector<400x384xf32> -> vector<400x384xf32>
    %dot_general3A_59 = arith.constant dense<0.000000e+00> : vector<400x384xf32>
    %dot_general3A_60 = tpu.matmul %convert_element_type3A_49, %convert_element_type3A_56, %dot_general3A_59 {dimension_numbers = #tpu.dot_dimension_numbers<[1], [0], [0], [1], [0, 0, 1, 1], [], []>, transpose_lhs_hint = false} : vector<400x384xbf16>, vector<384x384xbf16>, vector<400x384xf32> -> vector<400x384xf32>
    %dot_general3A_61 = arith.constant dense<0.000000e+00> : vector<400x384xf32>
    %dot_general3A_62 = tpu.matmul %convert_element_type3A_52, %convert_element_type3A_53, %dot_general3A_61 {dimension_numbers = #tpu.dot_dimension_numbers<[1], [0], [0], [1], [0, 0, 1, 1], [], []>, transpose_lhs_hint = false} : vector<400x384xbf16>, vector<384x384xbf16>, vector<400x384xf32> -> vector<400x384xf32>
    %add3A_63 = arith.addf %dot_general3A_60, %dot_general3A_62 : vector<400x384xf32>
    %add3A_64 = arith.addf %dot_general3A_58, %add3A_63 : vector<400x384xf32>
    %get3A_65 = arith.constant 0 : index
    %get3A_66 = arith.constant 0 : index
    %get3A_67 = vector.load %arg7[%get3A_65, %get3A_66] : memref<1x384xf32, #tpu.memory_space<vmem>>, vector<1x384xf32>
    %add3A_68 = vector.broadcast %get3A_67 : vector<1x384xf32> to vector<400x384xf32>
    %add3A_69 = arith.addf %add3A_64, %add3A_68 : vector<400x384xf32>
    %get3A_70 = arith.constant 0 : index
    %get3A_71 = arith.constant 0 : index
    %get3A_72 = vector.load %arg8[%get3A_70, %get3A_71] : memref<1x384xf32, #tpu.memory_space<vmem>>, vector<1x384xf32>
    %get3A_73 = arith.constant 0 : index
    %get3A_74 = arith.constant 0 : index
    %get3A_75 = vector.load %arg9[%get3A_73, %get3A_74] : memref<1x384xf32, #tpu.memory_space<vmem>>, vector<1x384xf32>
    %slice3A = vector.extract_strided_slice %add3A_21 {offsets = [0, 0], sizes = [400, 192], strides = [1, 1]} : vector<400x384xf32> to vector<400x192xf32>
    %slice3A_76 = vector.extract_strided_slice %get3A_72 {offsets = [0, 0], sizes = [1, 192], strides = [1, 1]} : vector<1x384xf32> to vector<1x192xf32>
    %mul3A = vector.broadcast %slice3A_76 : vector<1x192xf32> to vector<400x192xf32>
    %mul3A_77 = arith.mulf %slice3A, %mul3A : vector<400x192xf32>
    %reduce_sum3A = arith.constant dense<0.000000e+00> : vector<400xf32>
    %reduce_sum3A_78 = vector.multi_reduction <add>, %mul3A_77, %reduce_sum3A [1] : vector<400x192xf32> to vector<400xf32>
    %broadcast_in_dim3A = vector.shape_cast %reduce_sum3A_78 : vector<400xf32> to vector<400x1xf32>
    %slice3A_79 = vector.extract_strided_slice %get3A_75 {offsets = [0, 0], sizes = [1, 192], strides = [1, 1]} : vector<1x384xf32> to vector<1x192xf32>
    %mul3A_80 = vector.broadcast %slice3A_79 : vector<1x192xf32> to vector<400x192xf32>
    %mul3A_81 = arith.mulf %slice3A, %mul3A_80 : vector<400x192xf32>
    %reduce_sum3A_82 = arith.constant dense<0.000000e+00> : vector<400xf32>
    %reduce_sum3A_83 = vector.multi_reduction <add>, %mul3A_81, %reduce_sum3A_82 [1] : vector<400x192xf32> to vector<400xf32>
    %broadcast_in_dim3A_84 = vector.shape_cast %reduce_sum3A_83 : vector<400xf32> to vector<400x1xf32>
    %broadcast_in_dim3A_85 = arith.constant 0.000000e+00 : f32
    %broadcast_in_dim3A_86 = vector.broadcast %broadcast_in_dim3A_85 : f32 to vector<400x14xf32>
    %concatenate3A = tpu.concatenate %slice3A, %broadcast_in_dim3A, %broadcast_in_dim3A_84, %broadcast_in_dim3A_86 in 1 : vector<400x192xf32>, vector<400x1xf32>, vector<400x1xf32>, vector<400x14xf32> -> vector<400x208xf32>
    %swap3A = arith.constant 0 : index
    %swap3A_87 = arith.constant 0 : index
    %swap3A_88 = arith.constant 0 : index
    %swap3A_89 = vector.load %arg10[%swap3A, %swap3A_87, %swap3A_88] : memref<2x400x208xf32, #tpu.memory_space<vmem>>, vector<1x400x208xf32>
    %swap3A_90 = vector.shape_cast %swap3A_89 : vector<1x400x208xf32> to vector<400x208xf32>
    %swap3A_91 = vector.shape_cast %concatenate3A : vector<400x208xf32> to vector<1x400x208xf32>
    tpu.vector_store %arg10[%swap3A, %swap3A_87, %swap3A_88], %swap3A_91 {strides = array<i32>} : memref<2x400x208xf32, #tpu.memory_space<vmem>>, vector<1x400x208xf32>,
    %slice3A_92 = vector.extract_strided_slice %add3A_45 {offsets = [0, 0], sizes = [400, 192], strides = [1, 1]} : vector<400x384xf32> to vector<400x192xf32>
    %swap3A_93 = arith.constant 0 : index
    %swap3A_94 = arith.constant 0 : index
    %swap3A_95 = arith.constant 0 : index
    %swap3A_96 = vector.load %arg11[%swap3A_93, %swap3A_94, %swap3A_95] : memref<2x400x192xf32, #tpu.memory_space<vmem>>, vector<1x400x192xf32>
    %swap3A_97 = vector.shape_cast %swap3A_96 : vector<1x400x192xf32> to vector<400x192xf32>
    %swap3A_98 = vector.shape_cast %slice3A_92 : vector<400x192xf32> to vector<1x400x192xf32>
    tpu.vector_store %arg11[%swap3A_93, %swap3A_94, %swap3A_95], %swap3A_98 {strides = array<i32>} : memref<2x400x192xf32, #tpu.memory_space<vmem>>, vector<1x400x192xf32>,
    %slice3A_99 = vector.extract_strided_slice %add3A_69 {offsets = [0, 0], sizes = [400, 192], strides = [1, 1]} : vector<400x384xf32> to vector<400x192xf32>
    %convert_element_type3A_100 = arith.truncf %slice3A_99 : vector<400x192xf32> to vector<400x192xbf16>
    %swap3A_101 = arith.constant 0 : index
    %swap3A_102 = arith.constant 0 : index
    %swap3A_103 = arith.constant 0 : index
    %swap3A_104 = vector.load %arg12[%swap3A_101, %swap3A_102, %swap3A_103] : memref<2x400x192xbf16, #tpu.memory_space<vmem>>, vector<1x400x192xbf16>
    %swap3A_105 = vector.shape_cast %swap3A_104 : vector<1x400x192xbf16> to vector<400x192xbf16>
    %swap3A_106 = vector.shape_cast %convert_element_type3A_100 : vector<400x192xbf16> to vector<1x400x192xbf16>
    tpu.vector_store %arg12[%swap3A_101, %swap3A_102, %swap3A_103], %swap3A_106 {strides = array<i32>} : memref<2x400x192xbf16, #tpu.memory_space<vmem>>, vector<1x400x192xbf16>,
    %slice3A_107 = vector.extract_strided_slice %add3A_21 {offsets = [0, 192], sizes = [400, 192], strides = [1, 1]} : vector<400x384xf32> to vector<400x192xf32>
    %slice3A_108 = vector.extract_strided_slice %get3A_72 {offsets = [0, 192], sizes = [1, 192], strides = [1, 1]} : vector<1x384xf32> to vector<1x192xf32>
    %mul3A_109 = vector.broadcast %slice3A_108 : vector<1x192xf32> to vector<400x192xf32>
    %mul3A_110 = arith.mulf %slice3A_107, %mul3A_109 : vector<400x192xf32>
    %reduce_sum3A_111 = arith.constant dense<0.000000e+00> : vector<400xf32>
    %reduce_sum3A_112 = vector.multi_reduction <add>, %mul3A_110, %reduce_sum3A_111 [1] : vector<400x192xf32> to vector<400xf32>
    %broadcast_in_dim3A_113 = vector.shape_cast %reduce_sum3A_112 : vector<400xf32> to vector<400x1xf32>
    %slice3A_114 = vector.extract_strided_slice %get3A_75 {offsets = [0, 192], sizes = [1, 192], strides = [1, 1]} : vector<1x384xf32> to vector<1x192xf32>
    %mul3A_115 = vector.broadcast %slice3A_114 : vector<1x192xf32> to vector<400x192xf32>
    %mul3A_116 = arith.mulf %slice3A_107, %mul3A_115 : vector<400x192xf32>
    %reduce_sum3A_117 = arith.constant dense<0.000000e+00> : vector<400xf32>
    %reduce_sum3A_118 = vector.multi_reduction <add>, %mul3A_116, %reduce_sum3A_117 [1] : vector<400x192xf32> to vector<400xf32>
    %broadcast_in_dim3A_119 = vector.shape_cast %reduce_sum3A_118 : vector<400xf32> to vector<400x1xf32>
    %broadcast_in_dim3A_120 = arith.constant 0.000000e+00 : f32
    %broadcast_in_dim3A_121 = vector.broadcast %broadcast_in_dim3A_120 : f32 to vector<400x14xf32>
    %concatenate3A_122 = tpu.concatenate %slice3A_107, %broadcast_in_dim3A_113, %broadcast_in_dim3A_119, %broadcast_in_dim3A_121 in 1 : vector<400x192xf32>, vector<400x1xf32>, vector<400x1xf32>, vector<400x14xf32> -> vector<400x208xf32>
    %swap3A_123 = arith.constant 1 : index
    %swap3A_124 = arith.constant 0 : index
    %swap3A_125 = arith.constant 0 : index
    %swap3A_126 = vector.load %arg10[%swap3A_123, %swap3A_124, %swap3A_125] : memref<2x400x208xf32, #tpu.memory_space<vmem>>, vector<1x400x208xf32>
    %swap3A_127 = vector.shape_cast %swap3A_126 : vector<1x400x208xf32> to vector<400x208xf32>
    %swap3A_128 = vector.shape_cast %concatenate3A_122 : vector<400x208xf32> to vector<1x400x208xf32>
    tpu.vector_store %arg10[%swap3A_123, %swap3A_124, %swap3A_125], %swap3A_128 {strides = array<i32>} : memref<2x400x208xf32, #tpu.memory_space<vmem>>, vector<1x400x208xf32>,
    %slice3A_129 = vector.extract_strided_slice %add3A_45 {offsets = [0, 192], sizes = [400, 192], strides = [1, 1]} : vector<400x384xf32> to vector<400x192xf32>
    %swap3A_130 = arith.constant 1 : index
    %swap3A_131 = arith.constant 0 : index
    %swap3A_132 = arith.constant 0 : index
    %swap3A_133 = vector.load %arg11[%swap3A_130, %swap3A_131, %swap3A_132] : memref<2x400x192xf32, #tpu.memory_space<vmem>>, vector<1x400x192xf32>
    %swap3A_134 = vector.shape_cast %swap3A_133 : vector<1x400x192xf32> to vector<400x192xf32>
    %swap3A_135 = vector.shape_cast %slice3A_129 : vector<400x192xf32> to vector<1x400x192xf32>
    tpu.vector_store %arg11[%swap3A_130, %swap3A_131, %swap3A_132], %swap3A_135 {strides = array<i32>} : memref<2x400x192xf32, #tpu.memory_space<vmem>>, vector<1x400x192xf32>,
    %slice3A_136 = vector.extract_strided_slice %add3A_69 {offsets = [0, 192], sizes = [400, 192], strides = [1, 1]} : vector<400x384xf32> to vector<400x192xf32>
    %convert_element_type3A_137 = arith.truncf %slice3A_136 : vector<400x192xf32> to vector<400x192xbf16>
    %swap3A_138 = arith.constant 1 : index
    %swap3A_139 = arith.constant 0 : index
    %swap3A_140 = arith.constant 0 : index
    %swap3A_141 = vector.load %arg12[%swap3A_138, %swap3A_139, %swap3A_140] : memref<2x400x192xbf16, #tpu.memory_space<vmem>>, vector<1x400x192xbf16>
    %swap3A_142 = vector.shape_cast %swap3A_141 : vector<1x400x192xbf16> to vector<400x192xbf16>
    %swap3A_143 = vector.shape_cast %convert_element_type3A_137 : vector<400x192xbf16> to vector<1x400x192xbf16>
    tpu.vector_store %arg12[%swap3A_138, %swap3A_139, %swap3A_140], %swap3A_143 {strides = array<i32>} : memref<2x400x192xbf16, #tpu.memory_space<vmem>>, vector<1x400x192xbf16>,
    return
  }
  func.func @transform_0(%arg0: i32) -> (i32, i32) {
    %c0_i32 = arith.constant 0 : i32
    %c0_i32_0 = arith.constant 0 : i32
    return %arg0, %c0_i32 : i32, i32
  }
  func.func @transform_1(%arg0: i32) -> (i32, i32) {
    %c0_i32 = arith.constant 0 : i32
    %c0_i32_0 = arith.constant 0 : i32
    %c0_i32_1 = arith.constant 0 : i32
    return %c0_i32, %c0_i32_0 : i32, i32
  }
  func.func @transform_2(%arg0: i32) -> (i32, i32) {
    %c0_i32 = arith.constant 0 : i32
    %c0_i32_0 = arith.constant 0 : i32
    %c0_i32_1 = arith.constant 0 : i32
    return %c0_i32, %c0_i32_0 : i32, i32
  }
  func.func @transform_3(%arg0: i32) -> (i32, i32) {
    %c0_i32 = arith.constant 0 : i32
    %c0_i32_0 = arith.constant 0 : i32
    %c0_i32_1 = arith.constant 0 : i32
    return %c0_i32, %c0_i32_0 : i32, i32
  }
  func.func @transform_4(%arg0: i32) -> (i32, i32) {
    %c0_i32 = arith.constant 0 : i32
    %c0_i32_0 = arith.constant 0 : i32
    %c0_i32_1 = arith.constant 0 : i32
    return %c0_i32, %c0_i32_0 : i32, i32
  }
  func.func @transform_5(%arg0: i32) -> (i32, i32) {
    %c0_i32 = arith.constant 0 : i32
    %c0_i32_0 = arith.constant 0 : i32
    %c0_i32_1 = arith.constant 0 : i32
    return %c0_i32, %c0_i32_0 : i32, i32
  }
  func.func @transform_6(%arg0: i32) -> (i32, i32) {
    %c0_i32 = arith.constant 0 : i32
    %c0_i32_0 = arith.constant 0 : i32
    %c0_i32_1 = arith.constant 0 : i32
    return %c0_i32, %c0_i32_0 : i32, i32
  }
  func.func @transform_7(%arg0: i32) -> (i32, i32) {
    %c0_i32 = arith.constant 0 : i32
    %c0_i32_0 = arith.constant 0 : i32
    %c0_i32_1 = arith.constant 0 : i32
    return %c0_i32, %c0_i32_0 : i32, i32
  }
  func.func @transform_8(%arg0: i32) -> (i32, i32) {
    %c0_i32 = arith.constant 0 : i32
    %c0_i32_0 = arith.constant 0 : i32
    %c0_i32_1 = arith.constant 0 : i32
    return %c0_i32, %c0_i32_0 : i32, i32
  }
  func.func @transform_9(%arg0: i32) -> (i32, i32, i32) {
    %c0_i32 = arith.constant 0 : i32
    %c0_i32_0 = arith.constant 0 : i32
    %c0_i32_1 = arith.constant 0 : i32
    return %c0_i32, %arg0, %c0_i32_0 : i32, i32, i32
  }
  func.func @transform_10(%arg0: i32) -> (i32, i32, i32) {
    %c0_i32 = arith.constant 0 : i32
    %c0_i32_0 = arith.constant 0 : i32
    %c0_i32_1 = arith.constant 0 : i32
    return %c0_i32, %arg0, %c0_i32_0 : i32, i32, i32
  }
  func.func @transform_11(%arg0: i32) -> (i32, i32, i32) {
    %c0_i32 = arith.constant 0 : i32
    %c0_i32_0 = arith.constant 0 : i32
    %c0_i32_1 = arith.constant 0 : i32
    return %c0_i32, %arg0, %c0_i32_0 : i32, i32, i32
  }
}

module attributes {stable_mosaic.version = 14 : i64} {
  func.func @_epi_body(%arg0: i32, %arg1: memref<2x400x192xbf16, #tpu.memory_space<vmem>>, %arg2: memref<2x400x16xf32, #tpu.memory_space<vmem>>, %arg3: memref<400x384xf32, #tpu.memory_space<vmem>>, %arg4: memref<1x384xf32, #tpu.memory_space<vmem>>, %arg5: memref<1x384xf32, #tpu.memory_space<vmem>>, %arg6: memref<384x384xf32, #tpu.memory_space<vmem>>, %arg7: memref<1x384xf32, #tpu.memory_space<vmem>>, %arg8: memref<1x384xf32, #tpu.memory_space<vmem>>, %arg9: memref<1x384xf32, #tpu.memory_space<vmem>>, %arg10: memref<384x768xf32, #tpu.memory_space<vmem>>, %arg11: memref<1x768xf32, #tpu.memory_space<vmem>>, %arg12: memref<768x384xf32, #tpu.memory_space<vmem>>, %arg13: memref<1x384xf32, #tpu.memory_space<vmem>>, %arg14: memref<1x384xf32, #tpu.memory_space<vmem>>, %arg15: memref<1x384xf32, #tpu.memory_space<vmem>>, %arg16: memref<400x384xf32, #tpu.memory_space<vmem>>) attributes {dimension_semantics = [#tpu.dimension_semantics<arbitrary>], iteration_bounds = array<i64: 25>, scalar_prefetch = 0 : i64, scratch_operands = 0 : i64, tpu.core_type = #tpu.core_type<tc>, window_params = [{transform_indices = @transform_0, window_bounds = array<i64: 2, 400, 192>}, {transform_indices = @transform_1, window_bounds = array<i64: 2, 400, 16>}, {transform_indices = @transform_2, window_bounds = array<i64: 400, 384>}, {pipeline_mode = #tpu.pipeline_mode<synchronous>, transform_indices = @transform_3, window_bounds = array<i64: 1, 384>}, {pipeline_mode = #tpu.pipeline_mode<synchronous>, transform_indices = @transform_4, window_bounds = array<i64: 1, 384>}, {pipeline_mode = #tpu.pipeline_mode<synchronous>, transform_indices = @transform_5, window_bounds = array<i64: 384, 384>}, {pipeline_mode = #tpu.pipeline_mode<synchronous>, transform_indices = @transform_6, window_bounds = array<i64: 1, 384>}, {pipeline_mode = #tpu.pipeline_mode<synchronous>, transform_indices = @transform_7, window_bounds = array<i64: 1, 384>}, {pipeline_mode = #tpu.pipeline_mode<synchronous>, transform_indices = @transform_8, window_bounds = array<i64: 1, 384>}, {pipeline_mode = #tpu.pipeline_mode<synchronous>, transform_indices = @transform_9, window_bounds = array<i64: 384, 768>}, {pipeline_mode = #tpu.pipeline_mode<synchronous>, transform_indices = @transform_10, window_bounds = array<i64: 1, 768>}, {pipeline_mode = #tpu.pipeline_mode<synchronous>, transform_indices = @transform_11, window_bounds = array<i64: 768, 384>}, {pipeline_mode = #tpu.pipeline_mode<synchronous>, transform_indices = @transform_12, window_bounds = array<i64: 1, 384>}, {pipeline_mode = #tpu.pipeline_mode<synchronous>, transform_indices = @transform_13, window_bounds = array<i64: 1, 384>}, {pipeline_mode = #tpu.pipeline_mode<synchronous>, transform_indices = @transform_14, window_bounds = array<i64: 1, 384>}, {transform_indices = @transform_15, window_bounds = array<i64: 400, 384>}]} {
    %get3A = arith.constant 0 : index
    %get3A_0 = arith.constant 0 : index
    %get3A_1 = vector.load %arg4[%get3A, %get3A_0] : memref<1x384xf32, #tpu.memory_space<vmem>>, vector<1x384xf32>
    %get3A_2 = arith.constant 0 : index
    %get3A_3 = arith.constant 0 : index
    %get3A_4 = vector.load %arg5[%get3A_2, %get3A_3] : memref<1x384xf32, #tpu.memory_space<vmem>>, vector<1x384xf32>
    %get3A_5 = arith.constant 0 : index
    %get3A_6 = arith.constant 0 : index
    %get3A_7 = arith.constant 0 : index
    %get3A_8 = vector.load %arg2[%get3A_5, %get3A_6, %get3A_7] : memref<2x400x16xf32, #tpu.memory_space<vmem>>, vector<1x400x16xf32>
    %get3A_9 = vector.shape_cast %get3A_8 : vector<1x400x16xf32> to vector<400x16xf32>
    %slice3A = vector.extract_strided_slice %get3A_9 {offsets = [0, 0], sizes = [400, 1], strides = [1, 1]} : vector<400x16xf32> to vector<400x1xf32>
    %get3A_10 = arith.constant 0 : index
    %get3A_11 = arith.constant 0 : index
    %get3A_12 = arith.constant 0 : index
    %get3A_13 = vector.load %arg2[%get3A_10, %get3A_11, %get3A_12] : memref<2x400x16xf32, #tpu.memory_space<vmem>>, vector<1x400x16xf32>
    %get3A_14 = vector.shape_cast %get3A_13 : vector<1x400x16xf32> to vector<400x16xf32>
    %slice3A_15 = vector.extract_strided_slice %get3A_14 {offsets = [0, 1], sizes = [400, 1], strides = [1, 1]} : vector<400x16xf32> to vector<400x1xf32>
    %get3A_16 = arith.constant 0 : index
    %get3A_17 = arith.constant 0 : index
    %get3A_18 = arith.constant 0 : index
    %get3A_19 = vector.load %arg1[%get3A_16, %get3A_17, %get3A_18] : memref<2x400x192xbf16, #tpu.memory_space<vmem>>, vector<1x400x192xbf16>
    %get3A_20 = vector.shape_cast %get3A_19 : vector<1x400x192xbf16> to vector<400x192xbf16>
    %convert_element_type3A = arith.extf %get3A_20 : vector<400x192xbf16> to vector<400x192xf32>
    %slice3A_21 = vector.extract_strided_slice %get3A_1 {offsets = [0, 0], sizes = [1, 192], strides = [1, 1]} : vector<1x384xf32> to vector<1x192xf32>
    %mul3A = vector.broadcast %slice3A_15 : vector<400x1xf32> to vector<400x192xf32>
    %mul3A_22 = vector.broadcast %slice3A_21 : vector<1x192xf32> to vector<400x192xf32>
    %mul3A_23 = arith.mulf %mul3A, %mul3A_22 : vector<400x192xf32>
    %add3A = arith.addf %convert_element_type3A, %mul3A_23 : vector<400x192xf32>
    %slice3A_24 = vector.extract_strided_slice %get3A_4 {offsets = [0, 0], sizes = [1, 192], strides = [1, 1]} : vector<1x384xf32> to vector<1x192xf32>
    %mul3A_25 = vector.broadcast %slice3A : vector<400x1xf32> to vector<400x192xf32>
    %mul3A_26 = vector.broadcast %slice3A_24 : vector<1x192xf32> to vector<400x192xf32>
    %mul3A_27 = arith.mulf %mul3A_25, %mul3A_26 : vector<400x192xf32>
    %add3A_28 = arith.addf %add3A, %mul3A_27 : vector<400x192xf32>
    %add3A_29 = arith.constant 1.000000e-16 : f32
    %add3A_30 = vector.broadcast %add3A_29 : f32 to vector<400x1xf32>
    %add3A_31 = arith.addf %slice3A, %add3A_30 : vector<400x1xf32>
    %div3A = vector.broadcast %add3A_31 : vector<400x1xf32> to vector<400x192xf32>
    %div3A_32 = arith.divf %add3A_28, %div3A : vector<400x192xf32>
    %get3A_33 = arith.constant 1 : index
    %get3A_34 = arith.constant 0 : index
    %get3A_35 = arith.constant 0 : index
    %get3A_36 = vector.load %arg2[%get3A_33, %get3A_34, %get3A_35] : memref<2x400x16xf32, #tpu.memory_space<vmem>>, vector<1x400x16xf32>
    %get3A_37 = vector.shape_cast %get3A_36 : vector<1x400x16xf32> to vector<400x16xf32>
    %slice3A_38 = vector.extract_strided_slice %get3A_37 {offsets = [0, 0], sizes = [400, 1], strides = [1, 1]} : vector<400x16xf32> to vector<400x1xf32>
    %get3A_39 = arith.constant 1 : index
    %get3A_40 = arith.constant 0 : index
    %get3A_41 = arith.constant 0 : index
    %get3A_42 = vector.load %arg2[%get3A_39, %get3A_40, %get3A_41] : memref<2x400x16xf32, #tpu.memory_space<vmem>>, vector<1x400x16xf32>
    %get3A_43 = vector.shape_cast %get3A_42 : vector<1x400x16xf32> to vector<400x16xf32>
    %slice3A_44 = vector.extract_strided_slice %get3A_43 {offsets = [0, 1], sizes = [400, 1], strides = [1, 1]} : vector<400x16xf32> to vector<400x1xf32>
    %get3A_45 = arith.constant 1 : index
    %get3A_46 = arith.constant 0 : index
    %get3A_47 = arith.constant 0 : index
    %get3A_48 = vector.load %arg1[%get3A_45, %get3A_46, %get3A_47] : memref<2x400x192xbf16, #tpu.memory_space<vmem>>, vector<1x400x192xbf16>
    %get3A_49 = vector.shape_cast %get3A_48 : vector<1x400x192xbf16> to vector<400x192xbf16>
    %convert_element_type3A_50 = arith.extf %get3A_49 : vector<400x192xbf16> to vector<400x192xf32>
    %slice3A_51 = vector.extract_strided_slice %get3A_1 {offsets = [0, 192], sizes = [1, 192], strides = [1, 1]} : vector<1x384xf32> to vector<1x192xf32>
    %mul3A_52 = vector.broadcast %slice3A_44 : vector<400x1xf32> to vector<400x192xf32>
    %mul3A_53 = vector.broadcast %slice3A_51 : vector<1x192xf32> to vector<400x192xf32>
    %mul3A_54 = arith.mulf %mul3A_52, %mul3A_53 : vector<400x192xf32>
    %add3A_55 = arith.addf %convert_element_type3A_50, %mul3A_54 : vector<400x192xf32>
    %slice3A_56 = vector.extract_strided_slice %get3A_4 {offsets = [0, 192], sizes = [1, 192], strides = [1, 1]} : vector<1x384xf32> to vector<1x192xf32>
    %mul3A_57 = vector.broadcast %slice3A_38 : vector<400x1xf32> to vector<400x192xf32>
    %mul3A_58 = vector.broadcast %slice3A_56 : vector<1x192xf32> to vector<400x192xf32>
    %mul3A_59 = arith.mulf %mul3A_57, %mul3A_58 : vector<400x192xf32>
    %add3A_60 = arith.addf %add3A_55, %mul3A_59 : vector<400x192xf32>
    %add3A_61 = arith.constant 1.000000e-16 : f32
    %add3A_62 = vector.broadcast %add3A_61 : f32 to vector<400x1xf32>
    %add3A_63 = arith.addf %slice3A_38, %add3A_62 : vector<400x1xf32>
    %div3A_64 = vector.broadcast %add3A_63 : vector<400x1xf32> to vector<400x192xf32>
    %div3A_65 = arith.divf %add3A_60, %div3A_64 : vector<400x192xf32>
    %concatenate3A = tpu.concatenate %div3A_32, %div3A_65 in 1 : vector<400x192xf32>, vector<400x192xf32> -> vector<400x384xf32>
    %get3A_66 = arith.constant 0 : index
    %get3A_67 = arith.constant 0 : index
    %get3A_68 = vector.load %arg3[%get3A_66, %get3A_67] : memref<400x384xf32, #tpu.memory_space<vmem>>, vector<400x384xf32>
    %get3A_69 = arith.constant 0 : index
    %get3A_70 = arith.constant 0 : index
    %get3A_71 = vector.load %arg6[%get3A_69, %get3A_70] : memref<384x384xf32, #tpu.memory_space<vmem>>, vector<384x384xf32>
    %convert_element_type3A_72 = arith.truncf %concatenate3A : vector<400x384xf32> to vector<400x384xbf16>
    %convert_element_type3A_73 = arith.extf %convert_element_type3A_72 : vector<400x384xbf16> to vector<400x384xf32>
    %sub3A = arith.subf %concatenate3A, %convert_element_type3A_73 : vector<400x384xf32>
    %convert_element_type3A_74 = arith.truncf %sub3A : vector<400x384xf32> to vector<400x384xbf16>
    %convert_element_type3A_75 = arith.truncf %get3A_71 : vector<384x384xf32> to vector<384x384xbf16>
    %convert_element_type3A_76 = arith.extf %convert_element_type3A_75 : vector<384x384xbf16> to vector<384x384xf32>
    %sub3A_77 = arith.subf %get3A_71, %convert_element_type3A_76 : vector<384x384xf32>
    %convert_element_type3A_78 = arith.truncf %sub3A_77 : vector<384x384xf32> to vector<384x384xbf16>
    %dot_general3A = arith.constant dense<0.000000e+00> : vector<400x384xf32>
    %dot_general3A_79 = tpu.matmul %convert_element_type3A_72, %convert_element_type3A_75, %dot_general3A {dimension_numbers = #tpu.dot_dimension_numbers<[1], [0], [0], [1], [0, 0, 1, 1], [], []>, transpose_lhs_hint = false} : vector<400x384xbf16>, vector<384x384xbf16>, vector<400x384xf32> -> vector<400x384xf32>
    %dot_general3A_80 = arith.constant dense<0.000000e+00> : vector<400x384xf32>
    %dot_general3A_81 = tpu.matmul %convert_element_type3A_72, %convert_element_type3A_78, %dot_general3A_80 {dimension_numbers = #tpu.dot_dimension_numbers<[1], [0], [0], [1], [0, 0, 1, 1], [], []>, transpose_lhs_hint = false} : vector<400x384xbf16>, vector<384x384xbf16>, vector<400x384xf32> -> vector<400x384xf32>
    %dot_general3A_82 = arith.constant dense<0.000000e+00> : vector<400x384xf32>
    %dot_general3A_83 = tpu.matmul %convert_element_type3A_74, %convert_element_type3A_75, %dot_general3A_82 {dimension_numbers = #tpu.dot_dimension_numbers<[1], [0], [0], [1], [0, 0, 1, 1], [], []>, transpose_lhs_hint = false} : vector<400x384xbf16>, vector<384x384xbf16>, vector<400x384xf32> -> vector<400x384xf32>
    %add3A_84 = arith.addf %dot_general3A_81, %dot_general3A_83 : vector<400x384xf32>
    %add3A_85 = arith.addf %dot_general3A_79, %add3A_84 : vector<400x384xf32>
    %add3A_86 = arith.addf %get3A_68, %add3A_85 : vector<400x384xf32>
    %get3A_87 = arith.constant 0 : index
    %get3A_88 = arith.constant 0 : index
    %get3A_89 = vector.load %arg7[%get3A_87, %get3A_88] : memref<1x384xf32, #tpu.memory_space<vmem>>, vector<1x384xf32>
    %add3A_90 = vector.broadcast %get3A_89 : vector<1x384xf32> to vector<400x384xf32>
    %add3A_91 = arith.addf %add3A_86, %add3A_90 : vector<400x384xf32>
    %get3A_92 = arith.constant 0 : index
    %get3A_93 = arith.constant 0 : index
    %get3A_94 = vector.load %arg8[%get3A_92, %get3A_93] : memref<1x384xf32, #tpu.memory_space<vmem>>, vector<1x384xf32>
    %get3A_95 = arith.constant 0 : index
    %get3A_96 = arith.constant 0 : index
    %get3A_97 = vector.load %arg9[%get3A_95, %get3A_96] : memref<1x384xf32, #tpu.memory_space<vmem>>, vector<1x384xf32>
    %reduce_sum3A = arith.constant dense<0.000000e+00> : vector<400xf32>
    %reduce_sum3A_98 = vector.multi_reduction <add>, %add3A_91, %reduce_sum3A [1] : vector<400x384xf32> to vector<400xf32>
    %broadcast_in_dim3A = vector.shape_cast %reduce_sum3A_98 : vector<400xf32> to vector<400x1xf32>
    %div3A_99 = arith.constant 3.840000e+02 : f32
    %div3A_100 = vector.broadcast %div3A_99 : f32 to vector<400x1xf32>
    %div3A_101 = arith.divf %broadcast_in_dim3A, %div3A_100 : vector<400x1xf32>
    %sub3A_102 = vector.broadcast %div3A_101 : vector<400x1xf32> to vector<400x384xf32>
    %sub3A_103 = arith.subf %add3A_91, %sub3A_102 : vector<400x384xf32>
    %integer_pow3A = arith.mulf %sub3A_103, %sub3A_103 : vector<400x384xf32>
    %reduce_sum3A_104 = arith.constant dense<0.000000e+00> : vector<400xf32>
    %reduce_sum3A_105 = vector.multi_reduction <add>, %integer_pow3A, %reduce_sum3A_104 [1] : vector<400x384xf32> to vector<400xf32>
    %broadcast_in_dim3A_106 = vector.shape_cast %reduce_sum3A_105 : vector<400xf32> to vector<400x1xf32>
    %div3A_107 = arith.constant 3.840000e+02 : f32
    %div3A_108 = vector.broadcast %div3A_107 : f32 to vector<400x1xf32>
    %div3A_109 = arith.divf %broadcast_in_dim3A_106, %div3A_108 : vector<400x1xf32>
    %sub3A_110 = vector.broadcast %div3A_101 : vector<400x1xf32> to vector<400x384xf32>
    %sub3A_111 = arith.subf %add3A_91, %sub3A_110 : vector<400x384xf32>
    %mul3A_112 = vector.broadcast %get3A_94 : vector<1x384xf32> to vector<400x384xf32>
    %mul3A_113 = arith.mulf %mul3A_112, %sub3A_111 : vector<400x384xf32>
    %add3A_114 = arith.constant 9.99999974E-6 : f32
    %add3A_115 = vector.broadcast %add3A_114 : f32 to vector<400x1xf32>
    %add3A_116 = arith.addf %div3A_109, %add3A_115 : vector<400x1xf32>
    %sqrt3A = math.sqrt %add3A_116 : vector<400x1xf32>
    %div3A_117 = vector.broadcast %sqrt3A : vector<400x1xf32> to vector<400x384xf32>
    %div3A_118 = arith.divf %mul3A_113, %div3A_117 : vector<400x384xf32>
    %add3A_119 = vector.broadcast %get3A_97 : vector<1x384xf32> to vector<400x384xf32>
    %add3A_120 = arith.addf %div3A_118, %add3A_119 : vector<400x384xf32>
    %get3A_121 = arith.constant 0 : index
    %get3A_122 = arith.constant 0 : index
    %get3A_123 = vector.load %arg10[%get3A_121, %get3A_122] : memref<384x768xf32, #tpu.memory_space<vmem>>, vector<384x768xf32>
    %convert_element_type3A_124 = arith.truncf %add3A_120 : vector<400x384xf32> to vector<400x384xbf16>
    %convert_element_type3A_125 = arith.extf %convert_element_type3A_124 : vector<400x384xbf16> to vector<400x384xf32>
    %sub3A_126 = arith.subf %add3A_120, %convert_element_type3A_125 : vector<400x384xf32>
    %convert_element_type3A_127 = arith.truncf %sub3A_126 : vector<400x384xf32> to vector<400x384xbf16>
    %convert_element_type3A_128 = arith.truncf %get3A_123 : vector<384x768xf32> to vector<384x768xbf16>
    %convert_element_type3A_129 = arith.extf %convert_element_type3A_128 : vector<384x768xbf16> to vector<384x768xf32>
    %sub3A_130 = arith.subf %get3A_123, %convert_element_type3A_129 : vector<384x768xf32>
    %convert_element_type3A_131 = arith.truncf %sub3A_130 : vector<384x768xf32> to vector<384x768xbf16>
    %dot_general3A_132 = arith.constant dense<0.000000e+00> : vector<400x768xf32>
    %dot_general3A_133 = tpu.matmul %convert_element_type3A_124, %convert_element_type3A_128, %dot_general3A_132 {dimension_numbers = #tpu.dot_dimension_numbers<[1], [0], [0], [1], [0, 0, 1, 1], [], []>, transpose_lhs_hint = false} : vector<400x384xbf16>, vector<384x768xbf16>, vector<400x768xf32> -> vector<400x768xf32>
    %dot_general3A_134 = arith.constant dense<0.000000e+00> : vector<400x768xf32>
    %dot_general3A_135 = tpu.matmul %convert_element_type3A_124, %convert_element_type3A_131, %dot_general3A_134 {dimension_numbers = #tpu.dot_dimension_numbers<[1], [0], [0], [1], [0, 0, 1, 1], [], []>, transpose_lhs_hint = false} : vector<400x384xbf16>, vector<384x768xbf16>, vector<400x768xf32> -> vector<400x768xf32>
    %dot_general3A_136 = arith.constant dense<0.000000e+00> : vector<400x768xf32>
    %dot_general3A_137 = tpu.matmul %convert_element_type3A_127, %convert_element_type3A_128, %dot_general3A_136 {dimension_numbers = #tpu.dot_dimension_numbers<[1], [0], [0], [1], [0, 0, 1, 1], [], []>, transpose_lhs_hint = false} : vector<400x384xbf16>, vector<384x768xbf16>, vector<400x768xf32> -> vector<400x768xf32>
    %add3A_138 = arith.addf %dot_general3A_135, %dot_general3A_137 : vector<400x768xf32>
    %add3A_139 = arith.addf %dot_general3A_133, %add3A_138 : vector<400x768xf32>
    %get3A_140 = arith.constant 0 : index
    %get3A_141 = arith.constant 0 : index
    %get3A_142 = vector.load %arg11[%get3A_140, %get3A_141] : memref<1x768xf32, #tpu.memory_space<vmem>>, vector<1x768xf32>
    %add3A_143 = vector.broadcast %get3A_142 : vector<1x768xf32> to vector<400x768xf32>
    %add3A_144 = arith.addf %add3A_139, %add3A_143 : vector<400x768xf32>
    %max3A = arith.constant 0.000000e+00 : f32
    %max3A_145 = vector.broadcast %max3A : f32 to vector<400x768xf32>
    %max3A_146 = arith.maximumf %add3A_144, %max3A_145 : vector<400x768xf32>
    %get3A_147 = arith.constant 0 : index
    %get3A_148 = arith.constant 0 : index
    %get3A_149 = vector.load %arg12[%get3A_147, %get3A_148] : memref<768x384xf32, #tpu.memory_space<vmem>>, vector<768x384xf32>
    %convert_element_type3A_150 = arith.truncf %max3A_146 : vector<400x768xf32> to vector<400x768xbf16>
    %convert_element_type3A_151 = arith.extf %convert_element_type3A_150 : vector<400x768xbf16> to vector<400x768xf32>
    %sub3A_152 = arith.subf %max3A_146, %convert_element_type3A_151 : vector<400x768xf32>
    %convert_element_type3A_153 = arith.truncf %sub3A_152 : vector<400x768xf32> to vector<400x768xbf16>
    %convert_element_type3A_154 = arith.truncf %get3A_149 : vector<768x384xf32> to vector<768x384xbf16>
    %convert_element_type3A_155 = arith.extf %convert_element_type3A_154 : vector<768x384xbf16> to vector<768x384xf32>
    %sub3A_156 = arith.subf %get3A_149, %convert_element_type3A_155 : vector<768x384xf32>
    %convert_element_type3A_157 = arith.truncf %sub3A_156 : vector<768x384xf32> to vector<768x384xbf16>
    %dot_general3A_158 = arith.constant dense<0.000000e+00> : vector<400x384xf32>
    %dot_general3A_159 = tpu.matmul %convert_element_type3A_150, %convert_element_type3A_154, %dot_general3A_158 {dimension_numbers = #tpu.dot_dimension_numbers<[1], [0], [0], [1], [0, 0, 1, 1], [], []>, transpose_lhs_hint = false} : vector<400x768xbf16>, vector<768x384xbf16>, vector<400x384xf32> -> vector<400x384xf32>
    %dot_general3A_160 = arith.constant dense<0.000000e+00> : vector<400x384xf32>
    %dot_general3A_161 = tpu.matmul %convert_element_type3A_150, %convert_element_type3A_157, %dot_general3A_160 {dimension_numbers = #tpu.dot_dimension_numbers<[1], [0], [0], [1], [0, 0, 1, 1], [], []>, transpose_lhs_hint = false} : vector<400x768xbf16>, vector<768x384xbf16>, vector<400x384xf32> -> vector<400x384xf32>
    %dot_general3A_162 = arith.constant dense<0.000000e+00> : vector<400x384xf32>
    %dot_general3A_163 = tpu.matmul %convert_element_type3A_153, %convert_element_type3A_154, %dot_general3A_162 {dimension_numbers = #tpu.dot_dimension_numbers<[1], [0], [0], [1], [0, 0, 1, 1], [], []>, transpose_lhs_hint = false} : vector<400x768xbf16>, vector<768x384xbf16>, vector<400x384xf32> -> vector<400x384xf32>
    %add3A_164 = arith.addf %dot_general3A_161, %dot_general3A_163 : vector<400x384xf32>
    %add3A_165 = arith.addf %dot_general3A_159, %add3A_164 : vector<400x384xf32>
    %get3A_166 = arith.constant 0 : index
    %get3A_167 = arith.constant 0 : index
    %get3A_168 = vector.load %arg13[%get3A_166, %get3A_167] : memref<1x384xf32, #tpu.memory_space<vmem>>, vector<1x384xf32>
    %add3A_169 = vector.broadcast %get3A_168 : vector<1x384xf32> to vector<400x384xf32>
    %add3A_170 = arith.addf %add3A_165, %add3A_169 : vector<400x384xf32>
    %add3A_171 = arith.addf %add3A_120, %add3A_170 : vector<400x384xf32>
    %get3A_172 = arith.constant 0 : index
    %get3A_173 = arith.constant 0 : index
    %get3A_174 = vector.load %arg14[%get3A_172, %get3A_173] : memref<1x384xf32, #tpu.memory_space<vmem>>, vector<1x384xf32>
    %get3A_175 = arith.constant 0 : index
    %get3A_176 = arith.constant 0 : index
    %get3A_177 = vector.load %arg15[%get3A_175, %get3A_176] : memref<1x384xf32, #tpu.memory_space<vmem>>, vector<1x384xf32>
    %reduce_sum3A_178 = arith.constant dense<0.000000e+00> : vector<400xf32>
    %reduce_sum3A_179 = vector.multi_reduction <add>, %add3A_171, %reduce_sum3A_178 [1] : vector<400x384xf32> to vector<400xf32>
    %broadcast_in_dim3A_180 = vector.shape_cast %reduce_sum3A_179 : vector<400xf32> to vector<400x1xf32>
    %div3A_181 = arith.constant 3.840000e+02 : f32
    %div3A_182 = vector.broadcast %div3A_181 : f32 to vector<400x1xf32>
    %div3A_183 = arith.divf %broadcast_in_dim3A_180, %div3A_182 : vector<400x1xf32>
    %sub3A_184 = vector.broadcast %div3A_183 : vector<400x1xf32> to vector<400x384xf32>
    %sub3A_185 = arith.subf %add3A_171, %sub3A_184 : vector<400x384xf32>
    %integer_pow3A_186 = arith.mulf %sub3A_185, %sub3A_185 : vector<400x384xf32>
    %reduce_sum3A_187 = arith.constant dense<0.000000e+00> : vector<400xf32>
    %reduce_sum3A_188 = vector.multi_reduction <add>, %integer_pow3A_186, %reduce_sum3A_187 [1] : vector<400x384xf32> to vector<400xf32>
    %broadcast_in_dim3A_189 = vector.shape_cast %reduce_sum3A_188 : vector<400xf32> to vector<400x1xf32>
    %div3A_190 = arith.constant 3.840000e+02 : f32
    %div3A_191 = vector.broadcast %div3A_190 : f32 to vector<400x1xf32>
    %div3A_192 = arith.divf %broadcast_in_dim3A_189, %div3A_191 : vector<400x1xf32>
    %sub3A_193 = vector.broadcast %div3A_183 : vector<400x1xf32> to vector<400x384xf32>
    %sub3A_194 = arith.subf %add3A_171, %sub3A_193 : vector<400x384xf32>
    %mul3A_195 = vector.broadcast %get3A_174 : vector<1x384xf32> to vector<400x384xf32>
    %mul3A_196 = arith.mulf %mul3A_195, %sub3A_194 : vector<400x384xf32>
    %add3A_197 = arith.constant 9.99999974E-6 : f32
    %add3A_198 = vector.broadcast %add3A_197 : f32 to vector<400x1xf32>
    %add3A_199 = arith.addf %div3A_192, %add3A_198 : vector<400x1xf32>
    %sqrt3A_200 = math.sqrt %add3A_199 : vector<400x1xf32>
    %div3A_201 = vector.broadcast %sqrt3A_200 : vector<400x1xf32> to vector<400x384xf32>
    %div3A_202 = arith.divf %mul3A_196, %div3A_201 : vector<400x384xf32>
    %add3A_203 = vector.broadcast %get3A_177 : vector<1x384xf32> to vector<400x384xf32>
    %add3A_204 = arith.addf %div3A_202, %add3A_203 : vector<400x384xf32>
    %swap3A = arith.constant 0 : index
    %swap3A_205 = arith.constant 0 : index
    %swap3A_206 = vector.load %arg16[%swap3A, %swap3A_205] : memref<400x384xf32, #tpu.memory_space<vmem>>, vector<400x384xf32>
    tpu.vector_store %arg16[%swap3A, %swap3A_205], %add3A_204 {strides = array<i32>} : memref<400x384xf32, #tpu.memory_space<vmem>>, vector<400x384xf32>,
    return
  }
  func.func @transform_0(%arg0: i32) -> (i32, i32, i32) {
    %c0_i32 = arith.constant 0 : i32
    %c0_i32_0 = arith.constant 0 : i32
    %c0_i32_1 = arith.constant 0 : i32
    return %c0_i32, %arg0, %c0_i32_0 : i32, i32, i32
  }
  func.func @transform_1(%arg0: i32) -> (i32, i32, i32) {
    %c0_i32 = arith.constant 0 : i32
    %c0_i32_0 = arith.constant 0 : i32
    %c0_i32_1 = arith.constant 0 : i32
    return %c0_i32, %arg0, %c0_i32_0 : i32, i32, i32
  }
  func.func @transform_2(%arg0: i32) -> (i32, i32) {
    %c0_i32 = arith.constant 0 : i32
    %c0_i32_0 = arith.constant 0 : i32
    return %arg0, %c0_i32 : i32, i32
  }
  func.func @transform_3(%arg0: i32) -> (i32, i32) {
    %c0_i32 = arith.constant 0 : i32
    %c0_i32_0 = arith.constant 0 : i32
    %c0_i32_1 = arith.constant 0 : i32
    return %c0_i32, %c0_i32_0 : i32, i32
  }
  func.func @transform_4(%arg0: i32) -> (i32, i32) {
    %c0_i32 = arith.constant 0 : i32
    %c0_i32_0 = arith.constant 0 : i32
    %c0_i32_1 = arith.constant 0 : i32
    return %c0_i32, %c0_i32_0 : i32, i32
  }
  func.func @transform_5(%arg0: i32) -> (i32, i32) {
    %c0_i32 = arith.constant 0 : i32
    %c0_i32_0 = arith.constant 0 : i32
    %c0_i32_1 = arith.constant 0 : i32
    return %c0_i32, %c0_i32_0 : i32, i32
  }
  func.func @transform_6(%arg0: i32) -> (i32, i32) {
    %c0_i32 = arith.constant 0 : i32
    %c0_i32_0 = arith.constant 0 : i32
    %c0_i32_1 = arith.constant 0 : i32
    return %c0_i32, %c0_i32_0 : i32, i32
  }
  func.func @transform_7(%arg0: i32) -> (i32, i32) {
    %c0_i32 = arith.constant 0 : i32
    %c0_i32_0 = arith.constant 0 : i32
    %c0_i32_1 = arith.constant 0 : i32
    return %c0_i32, %c0_i32_0 : i32, i32
  }
  func.func @transform_8(%arg0: i32) -> (i32, i32) {
    %c0_i32 = arith.constant 0 : i32
    %c0_i32_0 = arith.constant 0 : i32
    %c0_i32_1 = arith.constant 0 : i32
    return %c0_i32, %c0_i32_0 : i32, i32
  }
  func.func @transform_9(%arg0: i32) -> (i32, i32) {
    %c0_i32 = arith.constant 0 : i32
    %c0_i32_0 = arith.constant 0 : i32
    %c0_i32_1 = arith.constant 0 : i32
    return %c0_i32, %c0_i32_0 : i32, i32
  }
  func.func @transform_10(%arg0: i32) -> (i32, i32) {
    %c0_i32 = arith.constant 0 : i32
    %c0_i32_0 = arith.constant 0 : i32
    %c0_i32_1 = arith.constant 0 : i32
    return %c0_i32, %c0_i32_0 : i32, i32
  }
  func.func @transform_11(%arg0: i32) -> (i32, i32) {
    %c0_i32 = arith.constant 0 : i32
    %c0_i32_0 = arith.constant 0 : i32
    %c0_i32_1 = arith.constant 0 : i32
    return %c0_i32, %c0_i32_0 : i32, i32
  }
  func.func @transform_12(%arg0: i32) -> (i32, i32) {
    %c0_i32 = arith.constant 0 : i32
    %c0_i32_0 = arith.constant 0 : i32
    %c0_i32_1 = arith.constant 0 : i32
    return %c0_i32, %c0_i32_0 : i32, i32
  }
  func.func @transform_13(%arg0: i32) -> (i32, i32) {
    %c0_i32 = arith.constant 0 : i32
    %c0_i32_0 = arith.constant 0 : i32
    %c0_i32_1 = arith.constant 0 : i32
    return %c0_i32, %c0_i32_0 : i32, i32
  }
  func.func @transform_14(%arg0: i32) -> (i32, i32) {
    %c0_i32 = arith.constant 0 : i32
    %c0_i32_0 = arith.constant 0 : i32
    %c0_i32_1 = arith.constant 0 : i32
    return %c0_i32, %c0_i32_0 : i32, i32
  }
  func.func @transform_15(%arg0: i32) -> (i32, i32) {
    %c0_i32 = arith.constant 0 : i32
    %c0_i32_0 = arith.constant 0 : i32
    return %arg0, %c0_i32 : i32, i32
  }
}

</mosaic_0001>

<sc_bundles>
// kernel: kernel.5.cloned.1.call-start
scs
__scs_entry_jumppad:
0x0: {  	(pc) =	sbr.rel $0x88, $3  }
0x1: {  	(tag) =	ssettag $0x0;
	lr =	simm.s32 $0x1  }
0x2: {  	[smem:$0x3F8C] =	sst lr;
	_ =	strace $0xD0000000  }
0x3: {  	_ = 	snop  }
0x4: {  	_ = 	snop  }
0x5: {  	_ = 	snop  }
0x6: {  	_ = 	snop  }
0x7: {  	_ = 	snop  }
__scs_overlays_trampoline_lowered:
0x8: {  	[smem:$0x3F9B] =	sst s0  }
0x9: {  	[smem:$0x3F9C] =	sst s1  }
0xa: {  	[smem:$0x3F9D] =	sst s2  }
0xb: {  	[smem:$0x3F9E] =	sst s3  }
0xc: {  	[smem:$0x3F9F] =	sst s4  }
0xd: {  	[smem:$0x3FA0] =	sst s5  }
0xe: {  	[smem:$0x3FA1] =	sst s6  }
0xf: {  	[smem:$0x3FA2] =	sst s7  }
0x10: {  	[smem:$0x3FA3] =	sst s8  }
0x11: {  	[smem:$0x3FA4] =	sst s9;
	s0 =	simm.s32 @!p0 $0x0  }
0x12: {  	s1 =	sld [smem:$0x3F8A];
	s0 =	simm.s32 @p0 $0x1  }
0x13: {  	[smem:$0x3FA5] =	sst s0;
	s0 =	simm.s32 @!p1 $0x0  }
0x14: {  	s2 =	sld [smem:$0x3F89];
	s0 =	simm.s32 @p1 $0x1  }
0x15: {  	[smem:$0x3FA6] =	sst s0;
	s0 =	simm.s32 @!p2 $0x0  }
0x16: {  	s3 =	sld [smem:$0x3FDB];
	s0 =	simm.s32 @p2 $0x1  }
0x17: {  	s4 =	simm.s32 $0x1BF5;
	[smem:$0x3FA8] =	sst s0  }
0x18: {  	s0 =	sld [smem:$0x3F8B];
	_ =	swait.ge [sflag:s4], $0x0  }
0x19: {  	s7 =	sld [smem:$0x3F8C]  }
0x1a: {  	s8 =	sadd.s32 $0xFFFFE003, lr  }
0x1b: {  	s9 =	sadd.s32 $0xFFFFFEF7, lr;
	s5 =	simm.s32 $0xFFFFFFFF;
	p2 =	slt.u32 s8, $0xFFFFF086  }
0x1c: {  	p1 =	slt.u32 s9, $0xF7A;
	s5 =	simm.s32 @!p2 $0x0  }
0x1d: {  	s5 =	simm.s32 @p1 $0x1;
	p0 =	seq.s32 s7, s2  }
0x1e: {  	s7 =	smul.u32 @!p0 $0xF7A, s2;
	p2 =	seq.s32 @!p0 s5, $0x0  }
0x1f: {  	s9 =	smul.u32 $0xF7A, s1;
	s8 =	simm.s32 @!p0 $0x1BF5;
	p2 =	por !p2, p0  }
0x20: {  	[sflag:s8] =	ssyncset.s32 @!p0 $0xFFFFF086;
	s6 =	sadd.s32 @!p0 s3, s7;
	s7 =	simm.s32 @!p0 $0x108  }
0x21: {  	s3 =	sadd.s32 s3, s9;
	s6 =	sadd.s32 @!p0 $0x88, s6;
	s7 =	simm.s32 @p2 $0x1082  }
0x22: {  	[simem:s7], [sflag:s8] =	dma.local @!p0 [hbm:s6], $0xF7A  }
0x23: {  	s9 =	sor.u32 $0xD0000000, s2;
	s6 =	simm.s32 $0x108;
	_ =	swait.ge @!p0 [sflag:s8], $0x0  }
0x24: {  	s3 =	sadd.s32 $0x88, s3;
	s6 =	simm.s32 @!p1 $0x1082;
	[sflag:s4] =	ssyncset.s32 $0xFFFFF086  }
0x25: {  	[simem:s6], [sflag:s4] =	dma.local [hbm:s3], $0xF7A  }
0x26: {  	[smem:$0x3F8C] =	sst s1;
	(tag) =	ssettag s2;
	_ =	strace s9  }
0x27: {  	s1 =	sld [smem:$0x3F9C]  }
0x28: {  	s2 =	sld [smem:$0x3F9D]  }
0x29: {  	s4 =	sld [smem:$0x3F9F]  }
0x2a: {  	p0 =	seq.s32 s5, $0x0;
	s5 =	sld [smem:$0x3FA0]  }
0x2b: {  	s6 =	sld [smem:$0x3FA1]  }
0x2c: {  	s7 =	sld [smem:$0x3FA2]  }
0x2d: {  	s3 =	simm.s32 $0x108;
	s8 =	sld [smem:$0x3FA3]  }
0x2e: {  	s3 =	simm.s32 @!p0 $0x1082;
	s9 =	sld [smem:$0x3FA4]  }
0x2f: {  	lr =	sadd.s32 s0, s3;
	s0 =	sld [smem:$0x3F9B]  }
0x30: {  	s3 =	sld [smem:$0x3F9E]  }
0x31: {  	[smem:$0x3FA7] =	sst s10  }
0x32: {  	s10 =	sld [smem:$0x3FA5];
	_ =	sdelay $0x3  }
0x33: {  	p0 =	seq.s32 s10, $0x1;
	s10 =	sld [smem:$0x3FA7];
	_ =	sdelay $0x3  }
0x34: {  	[smem:$0x3FA7] =	sst s10  }
0x35: {  	s10 =	sld [smem:$0x3FA6];
	_ =	sdelay $0x3  }
0x36: {  	p1 =	seq.s32 s10, $0x1;
	s10 =	sld [smem:$0x3FA7];
	_ =	sdelay $0x3  }
0x37: {  	[smem:$0x3FA7] =	sst s10  }
0x38: {  	s10 =	sld [smem:$0x3FA8]  }
0x39: {  	_ = 	snop;
	(pc) =	sbr.ind lr, $3  }
0x3a: {  	_ = 	snop  }
0x3b: {  	_ = 	snop  }
0x3c: {  	p2 =	seq.s32 s10, $0x1;
	s10 =	sld [smem:$0x3FA7]  }
0x3d: {  	_ =	shalt  }
0x3e: {  	_ =	shalt  }
0x3f: {  	_ =	shalt  }
0x40: {  	_ =	shalt  }
0x41: {  	_ =	shalt  }
0x42: {  	_ =	shalt  }
0x43: {  	_ =	shalt  }
0x44: {  	_ =	shalt  }
0x45: {  	_ =	shalt  }
0x46: {  	_ =	shalt  }
0x47: {  	_ =	shalt  }
0x48: {  	_ =	shalt  }
0x49: {  	_ =	shalt  }
0x4a: {  	_ =	shalt  }
0x4b: {  	_ =	shalt  }
0x4c: {  	_ =	shalt  }
0x4d: {  	_ =	shalt  }
0x4e: {  	_ =	shalt  }
0x4f: {  	_ =	shalt  }
0x50: {  	_ =	shalt  }
0x51: {  	_ =	shalt  }
0x52: {  	_ =	shalt  }
0x53: {  	_ =	shalt  }
0x54: {  	_ =	shalt  }
0x55: {  	_ =	shalt  }
0x56: {  	_ =	shalt  }
0x57: {  	_ =	shalt  }
0x58: {  	_ =	shalt  }
0x59: {  	_ =	shalt  }
0x5a: {  	_ =	shalt  }
0x5b: {  	_ =	shalt  }
0x5c: {  	_ =	shalt  }
0x5d: {  	_ =	shalt  }
0x5e: {  	_ =	shalt  }
0x5f: {  	_ =	shalt  }
0x60: {  	_ =	shalt  }
0x61: {  	_ =	shalt  }
0x62: {  	_ =	shalt  }
0x63: {  	_ =	shalt  }
0x64: {  	_ =	shalt  }
0x65: {  	_ =	shalt  }
0x66: {  	_ =	shalt  }
0x67: {  	_ =	shalt  }
0x68: {  	_ =	shalt  }
0x69: {  	_ =	shalt  }
0x6a: {  	_ =	shalt  }
0x6b: {  	_ =	shalt  }
0x6c: {  	_ =	shalt  }
0x6d: {  	_ =	shalt  }
0x6e: {  	_ =	shalt  }
0x6f: {  	_ =	shalt  }
0x70: {  	_ =	shalt  }
0x71: {  	_ =	shalt  }
0x72: {  	_ =	shalt  }
0x73: {  	_ =	shalt  }
0x74: {  	_ =	shalt  }
0x75: {  	_ =	shalt  }
0x76: {  	_ =	shalt  }
0x77: {  	_ =	shalt  }
0x78: {  	_ =	shalt  }
0x79: {  	_ =	shalt  }
0x7a: {  	_ =	shalt  }
0x7b: {  	_ =	shalt  }
0x7c: {  	_ =	shalt  }
0x7d: {  	_ =	shalt  }
0x7e: {  	_ =	shalt  }
0x7f: {  	_ =	shalt  }
0x80: {  	_ =	shalt  }
0x81: {  	_ =	shalt  }
0x82: {  	_ =	shalt  }
0x83: {  	_ =	shalt  }
0x84: {  	_ =	shalt  }
0x85: {  	_ =	shalt  }
0x86: {  	_ =	shalt  }
0x87: {  	_ =	shalt  }
.Lfunc_end0:
.L_simem_size_0:
called_computation_lowered:
.L_overlay_start_0:
0x88: {  	s2 =	sld [smem:$0x3FD9]  }
0x89: {  	s3 =	sld [smem:$0x3FFE];
	_ =	sdelay $0x1  }
0x8a: {  	s1 =	srdreg.scid  }
0x8b: {  	s0 =	sand.u32 $0x1, s1  }
0x8c: {  	s17 =	sshll.u32 s0, $0xA;
	s2 =	sadd.s32 s3, s2  }
0x8d: {  	s2 =	sadd.s32 s2, s17  }
0x8e: {  	[smem:$0x3FB3] =	sst s2  }
0x8f: {  	_ = 	snop  }
0x90: {  	s2 =	sld [smem:$0x3FD0];
	(tm) =	ssettm $0x1  }
0x91: {  	s18 =	sld [smem:$0x3FFB];
	_ =	sdelay $0x3  }
0x92: {  	_ =	strace s18  }
0x93: {  	s3 =	sld [smem:$0x3FFC];
	_ =	sdelay $0x3  }
0x94: {  	_ =	strace s3  }
0x95: {  	s3 =	sld [smem:$0x3FFD];
	_ =	sdelay $0x3  }
0x96: {  	_ =	strace s3  }
0x97: {  	_ =	strace $0x8FFFFFFF  }
0x98: {  	s19 =	sld [smem:$0x3FDB];
	_ =	sdelay $0x1  }
0x99: {  	s4 =	simm.s32 $_scs_section_size  }
0x9a: {  	s5 =	simm.s32 $_size__tile_overlayer_lowered;
	s6 =	simm.s32 $_tile_overlayer_lowered  }
0x9b: {  	s22 =	simm.s32 $0x1BFF;
	s21 =	sshll.u32 s6, $0x1;
	s3 =	sadd.s32 s4, s19  }
0x9c: {  	s7 =	simm.s32 $0x0;
	s20 =	sshll.u32 s5, $0x1;
	s5 =	sadd.s32 s21, s3  }
0x9d: {  	[timem:s7], [sflag:s22] =	dma.local [hbm:s5], s20  }
0x9e: {  	_ =	swait.ge [sflag:s22], s20  }
0x9f: {  	s4 =	ssub.s32 $0x0, s20;
	[sflag:s22] =	ssyncset.done $0x0  }
0xa0: {  	[sflag:s22] =	ssyncadd.s32 s4;
	_ =	sdelay $0x1  }
0xa1: {  	s23 =	simm.s32 $0x1B8B  }
0xa2: {  	_ =	swait.ge [sflag:s23], $0x1  }
0xa3: {  	[sflag:s23] =	ssyncset.done $0x0  }
0xa4: {  	s25 =	simm.s32 $0x1B8E;
	s24 =	sld [smem:$0x3FFE];
	[sflag:s23] =	ssyncadd.s32 $0xFFFFFFFF  }
0xa5: {  	s26 =	simm.s32 $execute0_lowered;
	[smem:$0x3FD2] =	sst s25  }
0xa6: {  	s5 =	sshll.u32 s26, $0x1;
	_ =	strace $0x80000046;
	[dreg:$0x1] =	wrdreg $0xFFFFFFFF  }
0xa7: {  	s28 =	simm.s32 $_size_execute0_lowered;
	s3 =	sadd.s32 s3, s5;
	[dreg:$0x0] =	wrdreg $0x0  }
0xa8: {  	s5 =	sshll.u32 s28, $0x1;
	[dreg:$0x2] =	wrdreg s3  }
0xa9: {  	[dreg:$0x3] =	wrdreg s5  }
0xaa: {  	[dreg:$0x4] =	wrdreg $0xC0  }
0xab: {  	_ =	task [dreg:s7], $0x5FFFF  }
0xac: {  	[dreg:$0x1] =	wrdreg $0xFFFFFFFF  }
0xad: {  	[dreg:$0x0] =	wrdreg $0x60  }
0xae: {  	[dreg:$0x2] =	wrdreg s24  }
0xaf: {  	[dreg:$0x3] =	wrdreg s2  }
0xb0: {  	[dreg:$0x4] =	wrdreg $0xCCD00  }
0xb1: {  	[dreg:$0x5] =	wrdreg $0x1B7900  }
0xb2: {  	[dreg:$0x6] =	wrdreg $0x9  }
0xb3: {  	_ =	task.clear_ibuf [dreg:s7], $0x7FFFF;
	_ =	strace $0x90000046  }
0xb4: {  	s29 =	simm.s32 $0x9;
	_ =	strace $0x80000048  }
0xb5: {  	_ =	swait.ge [sflag:s29], $0x1  }
0xb6: {  	[sflag:s29] =	ssyncadd.s32 $0xFFFFFFFF  }
0xb7: {  	_ =	strace $0x90000048  }
0xb8: {  	_ =	sfence  }
0xb9: {  	s30 =	sld [smem:$0x0];
	_ =	sdelay $0x2  }
0xba: {  	s31 =	sshll.u32 s1, $0xD;
	s1 =	sshrl.u32 s1, $0x2  }
0xbb: {  	s3 =	sand.u32 $0x4000, s31;
	s1 =	sadd.s32 s1, s30  }
0xbc: {  	s0 =	sor.u32 s3, s0;
	s1 =	sshll.u32 s1, $0x11  }
0xbd: {  	s0 =	sor.u32 s1, s0  }
0xbe: {  	s0 =	sadd.s32 $0x8F2B, s0  }
0xbf: {  	[sflag:s0] =	ssyncadd.remote.s32 $0x1  }
0xc0: {  	_ =	sfence.sel $0xFFFF  }
0xc1: {  	[dreg:$0x0] =	wrdreg $0xFFFFFFFF;
	(pc) =	sbr.abs _section_cstart, $3  }
0xc2: {  	[dreg:$0x1] =	wrdreg $0xFFFFFFFF  }
0xc3: {  	_ =	task.clear_ibuf [dreg:s7], $0x2FFFF;
	_ =	strace $0x9FFFFFFF  }
0xc4: {  	(tm) =	ssettm $0x7FFFFFFF  }
0xc5: {  	_ =	shalt  }
tec
execute0_lowered:
.L_overlay_start_1:
0x0: {  	(tag) =	ssettag $0x1  }
0x1: {  	s0 =	rddreg [dreg:$0x0]  }
0x2: {  	s1 =	rddreg [dreg:$0x1]  }
0x3: {  	s2 =	rddreg [dreg:$0x2];
	s4 =	srdreg.scid  }
0x4: {  	s3 =	rddreg [dreg:$0x3];
	s5 =	simm.s32 $0x0;
	s4 =	sand.u32 $0x1, s4  }
0x5: {  	[smem:$0x7FF] =	sst s5;
	s9 =	smul.u32 $0x1D4C0, s4  }
0x6: {  	s5 =	stileid.u32;
	s10 =	smul.u32 $0x4E20, s4  }
0x7: {  	s28 =	simm.s32 $0x1E0;
	s29 =	simm.s32 $0x98A0;
	s11 =	smul.u32 $0x7590, s5  }
0x8: {  	s30 =	simm.s32 $0xBFA0;
	s16 =	ssub.s32 $0x2, s4;
	s4 =	smul.u32 $0x2710, s4  }
0x9: {  	s14 =	simm.s32 $0xC5A0;
	s31 =	simm.s32 $0x5;
	s13 =	smul.u32 $0xEB2, s5  }
0xa: {  	s6 =	sadd.s32 $0x3400, s0;
	s7 =	sadd.s32 $0x13BC00, s0;
	s17 =	smul.u32 $0xD1, s5  }
0xb: {  	s8 =	sadd.s32 $0x82400, s0;
	_ =	strace $0x80000047;
	s19 =	smul.u32 $0x1800, s5  }
0xc: {  	s21 =	smul.u32 $0xC0, s5;
	s22 =	sshll.u32 s5, $0x8;
	s24 =	sshll.u32 s5, $0x5  }
0xd: {  	s12 =	sshrl.u32 s16, $0x1;
	s9 =	sadd.s32 s9, s0;
	s0 =	sadd.s32 s10, s0  }
0xe: {  	s11 =	sshrl.u32 s11, $0x3;
	s10 =	ssub.s32 s16, s12;
	s13 =	sadd.s32 s8, s13  }
0xf: {  	s23 =	sadd.s32 $0x3, s17;
	s25 =	sadd.s32 $0x4, s17;
	s20 =	sshrl.u32 s19, $0x2  }
0x10: {  	s19 =	simm.s32 $0x3;
	s17 =	simm.s32 $0x2;
	s12 =	simm.s32 $0x0  }
0x11: {  	s11 =	sadd.s32 s8, s11;
	[dreg:$0x5] =	wrdreg s13;
	s10 =	smax.u32 s10, $0x1  }
0x12: {  	s0 =	sadd.s32 s24, s0;
	s18 =	sadd.s32 $0x12, s11;
	[dreg:$0x8] =	wrdreg s10  }
0x13: {  	s9 =	sadd.s32 s21, s9;
	s11 =	sadd.s32 $0x24, s11;
	[dreg:$0x6] =	wrdreg s18  }
0x14: {  	s10 =	sadd.s32 s20, s2;
	s0 =	sadd.s32 $0xCBA00, s0;
	[dreg:$0x7] =	wrdreg s11  }
0x15: {  	s26 =	sadd.s32 $0x91000, s9;
	s20 =	simm.s32 $0x30;
	[dreg:$0x9] =	wrdreg s10  }
0x16: {  	s9 =	simm.s32 $0x1;
	s10 =	sadd.s32 s22, s3;
	[dreg:$0xb] =	wrdreg s0  }
0x17: {  	v1 =	vimm.bf16 $0.0e+00;
	v2 =	vimm.f32 $0.0e+00;
	[dreg:$0xc] =	wrdreg s26;
	s22 =	simm.s32 $0x2A0;
	s26 =	simm.s32 $0x29A0  }
0x18: {  	v3 =	vimm.s32 $0x0;
	v4 =	vlaneseq.u32;
	v0 =	vmov s4;
	s11 =	simm.s32 $0xBCA0;
	[dreg:$0xa] =	wrdreg s10;
	s10 =	simm.s32 $0xC2A0  }
.LBB2_1:
0x19: {  	s0 =	simm.s32 $0xC600  }
0x1a: {  	[tilespmem:s0+$0xFFFFFFE0] =	vst v1  }
0x1b: {  	[tilespmem:s0+$0xFFFFFFF0] =	vst v1  }
0x1c: {  	[tilespmem:s0+$0x0] =	vst v1  }
0x1d: {  	[tilespmem:s0+$0x10] =	vst v1  }
0x1e: {  	[tilespmem:s0+$0x20] =	vst v1  }
0x1f: {  	[dreg:$0xd] =	wrdreg s12;
	s13 =	simm.s32 $0x0;
	s12 =	simm.s32 $0x40;
	[tilespmem:s0+$0xFFFFFFD0] =	vst v1  }
.LBB2_2:
0x20: {  	p0 =	sne.s32 s12, $0x3C0;
	[tilespmem:s13+$0xCBD0] =	vst v2;
	s0 =	sadd.s32 $0x60, s0  }
0x21: {  	[tilespmem:s0+$0xFFFFFFE0] =	vst v1  }
.Ltmp0:
0x22: {  	[tilespmem:s0+$0xFFFFFFF0] =	vst v1;
	(pc) =	sbr.rel @p0 .LBB2_2-.Ltmp0, $4  }
0x23: {  	[tilespmem:s0+$0x0] =	vst v1  }
0x24: {  	[tilespmem:s0+$0x10] =	vst v1  }
0x25: {  	[tilespmem:s0+$0x20] =	vst v1  }
0x26: {  	s13 =	sshra.s32 s12, $0x2;
	s12 =	sadd.s32 $0x40, s12;
	[tilespmem:s0+$0xFFFFFFD0] =	vst v1  }
0x27: {  	[tilespmem:s13+$0xCBD0] =	vst v2;
	s12 =	simm.s32 $0x0  }
0x28: {  	[tilespmem:s12+$0xBCA0] =	vst v2  }
0x29: {  	s0 =	simm.s32 $0xAAD0;
	[tilespmem:s12+$0xBFA0] =	vst v2;
	s12 =	simm.s32 $0x40  }
.LBB2_4:
0x2a: {  	p0 =	sne.s32 s12, $0xBC0;
	[tilespmem:s0+$0xFFFFFFE0] =	vst v1  }
0x2b: {  	[tilespmem:s0+$0xFFFFFFD0] =	vst v1  }
0x2c: {  	[tilespmem:s0+$0xFFFFFFF0] =	vst v1  }
.Ltmp1:
0x2d: {  	[tilespmem:s0+$0x0] =	vst v1;
	(pc) =	sbr.rel @p0 .LBB2_4-.Ltmp1, $4  }
0x2e: {  	[tilespmem:s0+$0x10] =	vst v1  }
0x2f: {  	s13 =	sshra.s32 s12, $0x2;
	[tilespmem:s0+$0x20] =	vst v1  }
0x30: {  	[tilespmem:s13+$0xBCA0] =	vst v2  }
0x31: {  	s12 =	sadd.s32 $0x40, s12;
	s0 =	sadd.s32 $0x60, s0;
	[tilespmem:s13+$0xBFA0] =	vst v2  }
0x32: {  	[tilespmem:s0+$0xFFFFFFE0] =	vst v1  }
0x33: {  	[tilespmem:s0+$0xFFFFFFD0] =	vst v1  }
0x34: {  	[tilespmem:s0+$0xFFFFFFF0] =	vst v1  }
0x35: {  	[tilespmem:s0+$0x0] =	vst v1  }
0x36: {  	[tilespmem:s0+$0x10] =	vst v1  }
0x37: {  	[tilespmem:s0+$0x20] =	vst v1  }
0x38: {  	s21 =	sadd.s32 $0x0, s5;
	[tilespmem:$0x150] =	vst v3  }
0x39: {  	s4 =	rddreg [dreg:$0x9];
	[tilespmem:$0x160] =	vst v3;
	p0 =	sgt.u32 s21, $0x271  }
0x3a: {  	[tilespmem:$0x170] =	vst v3;
	s0 =	simm.s32 @!p0 $0xC5D0;
	s13 =	simm.s32 @!p0 $0x8;
	p0 =	por p0, p0  }
0x3b: {  	[spmem:s4] =	stream.linear.scatter @!p0 [tilespmem:s0], [sflag:$0x8], $0x600, $0x38;
	[tilespmem:$0x1DEB0] =	vst v63  }
0x3c: {  	_ =	swait.ge @!p0 [sflag:s13], $0x600  }
0x3d: {  	s24 =	sadd.s32 $0x10, s5;
	s0 =	simm.s32 @!p0 $0xCBD0;
	[sflag:s13] =	ssyncset.done @!p0 $0x0  }
0x3e: {  	s15 =	simm.s32 @!p0 $0x7;
	s16 =	rddreg [dreg:$0xa];
	[sflag:s13] =	ssyncadd.s32 @!p0 $0xFFFFFA00  }
0x3f: {  	[spmem:s16] =	stream.linear.scatter @!p0 [tilespmem:s0], [sflag:$0x7], $0x100, $0x38;
	[tilespmem:$0x1DEB0] =	vst v63  }
0x40: {  	s12 =	simm.s32 $0x20;
	p1 =	sgt.u32 s24, $0x271;
	_ =	swait.ge @!p0 [sflag:s15], $0x100  }
0x41: {  	s13 =	sadd.s32 $0x6000, s4;
	s0 =	sadd.s32 $0x1000, s16;
	[sflag:s15] =	ssyncset.done @!p0 $0x0  }
.LBB2_6:
0x42: {  	s16 =	simm.s32 @!p1 $0xC5D0;
	s18 =	simm.s32 @!p1 $0x8;
	[sflag:s15] =	ssyncadd.s32 @!p0 $0xFFFFFF00  }
0x43: {  	s21 =	smov.u32 s12;
	p0 =	por p1, p1;
	s12 =	sadd.s32 $0x10, s12  }
0x44: {  	[spmem:s13] =	stream.linear.scatter @!p0 [tilespmem:s16], [sflag:$0x8], $0x600, $0x38;
	[tilespmem:$0x1DEB0] =	vst v63  }
0x45: {  	p2 =	sne.s32 s12, $0x280;
	_ =	swait.ge @!p0 [sflag:s18], $0x600  }
.Ltmp2:
0x46: {  	[sflag:s18] =	ssyncset.done @!p0 $0x0;
	(pc) =	sbr.rel @p2 .LBB2_6-.Ltmp2, $4  }
0x47: {  	s16 =	simm.s32 @!p0 $0xCBD0;
	s15 =	simm.s32 @!p0 $0x7;
	[sflag:s18] =	ssyncadd.s32 @!p0 $0xFFFFFA00  }
0x48: {  	[spmem:s0] =	stream.linear.scatter @!p0 [tilespmem:s16], [sflag:$0x7], $0x100, $0x38;
	[tilespmem:$0x1DEB0] =	vst v63  }
0x49: {  	s16 =	sadd.s32 s21, s5;
	s0 =	sadd.s32 $0x1000, s0;
	_ =	swait.ge @!p0 [sflag:s15], $0x100  }
0x4a: {  	s13 =	sadd.s32 $0x6000, s13;
	p1 =	sgt.u32 s16, $0x271;
	[sflag:s15] =	ssyncset.done @!p0 $0x0  }
0x4b: {  	s12 =	simm.s32 @!p1 $0xC5D0  }
0x4c: {  	s16 =	simm.s32 @!p1 $0x8;
	[sflag:s15] =	ssyncadd.s32 @!p0 $0xFFFFFF00;
	p0 =	por p1, p1  }
0x4d: {  	[spmem:s13] =	stream.linear.scatter @!p0 [tilespmem:s12], [sflag:$0x8], $0x600, $0x38;
	[tilespmem:$0x1DEB0] =	vst v63  }
0x4e: {  	_ =	swait.ge @!p0 [sflag:s16], $0x600  }
0x4f: {  	[sflag:s16] =	ssyncset.done @!p0 $0x0  }
0x50: {  	s12 =	simm.s32 @!p0 $0xCBD0;
	s13 =	simm.s32 @!p0 $0x7;
	[sflag:s16] =	ssyncadd.s32 @!p0 $0xFFFFFA00  }
0x51: {  	[spmem:s0] =	stream.linear.scatter @!p0 [tilespmem:s12], [sflag:$0x7], $0x100, $0x38;
	[tilespmem:$0x1DEB0] =	vst v63  }
0x52: {  	_ =	swait.ge @!p0 [sflag:s13], $0x100  }
0x53: {  	[sflag:s13] =	ssyncset.done @!p0 $0x0  }
0x54: {  	s0 =	simm.s32 $0x0;
	s4 =	rddreg [dreg:$0x5];
	[sflag:s13] =	ssyncadd.s32 @!p0 $0xFFFFFF00  }
0x55: {  	[tilespmem:s0], [sflag:$0x3] =	stream.linear.gather [hbm4b:s4+s0], $0x90, $0x38;
	[tilespmem:$0x1DEB0] =	vst v63  }
0x56: {  	_ =	swait.ge [sflag:s19], $0x90  }
0x57: {  	[sflag:s19] =	ssyncset.done $0x0  }
0x58: {  	[sflag:s19] =	ssyncadd.s32 $0xFFFFFF70  }
0x59: {  	v5 =	vld [tilespmem:$0x0]  }
0x5a: {  	v6 =	vld [tilespmem:$0x30]  }
0x5b: {  	v7 =	vld [tilespmem:$0x60]  }
0x5c: {  	v8 =	vld [tilespmem:$0x10]  }
0x5d: {  	v9 =	vld [tilespmem:$0x40];
	_ =	sdelay $0x1  }
0x5e: {  	[tilespmem:$0x120] =	vst v6  }
0x5f: {  	v5 =	vadd.s32 v0, v5;
	vm0 =	vlt.s32 v6, $0x270F;
	[tilespmem:$0x240] =	vst v7  }
0x60: {  	v10 =	vld [tilespmem:$0x70];
	v7 =	vadd.s32 v0, v8;
	[tilespmem:$0x180] =	vst v5;
	v5 =	vnsel vm0, $0x270F, v6  }
0x61: {  	vm11 =	vlt.s32 v9, $0x270F;
	v6 =	vld [tilespmem:$0x20];
	[tilespmem:$0x190] =	vst v7;
	v5 =	vadd.s32 v0, v5  }
0x62: {  	v7 =	vnsel vm11, $0x270F, v9;
	[tilespmem:$0x1E0] =	vst v5;
	v5 =	vld [tilespmem:$0x50]  }
0x63: {  	v7 =	vadd.s32 v0, v7  }
0x64: {  	[tilespmem:$0x1F0] =	vst v7;
	v7 =	vld [tilespmem:$0x80]  }
0x65: {  	[tilespmem:$0x130] =	vst v9  }
0x66: {  	[tilespmem:$0x250] =	vst v10;
	v6 =	vadd.s32 v0, v6  }
0x67: {  	[tilespmem:$0x1A0] =	vst v6;
	vm12 =	vlt.s32 v5, $0x270F  }
0x68: {  	[tilespmem:$0x140] =	vst v5;
	v6 =	vnsel vm12, $0x270F, v5  }
0x69: {  	[tilespmem:$0x260] =	vst v7;
	v5 =	vadd.s32 v0, v6  }
0x6a: {  	[tilespmem:$0x200] =	vst v5  }
0x6b: {  	[tilespmem:s22], [sflag:$0x1] =	stream.indirect.gather [hbm4b:s6+s20], $0xD0, s28, s20, $0xb8;
	[tilespmem:$0x1DEB0] =	vst v63  }
0x6c: {  	s13 =	simm.s32 $0x50A0;
	s4 =	simm.s32 $0x180  }
0x6d: {  	[tilespmem:s13], [sflag:$0x1] =	stream.indirect.gather [hbm4b:s1+s20], $0xC0, s4, s20, $0xb8;
	[tilespmem:$0x1DEB0] =	vst v63  }
0x6e: {  	_ = 	snop  }
0x6f: {  	[tilespmem:s29], [sflag:$0x1] =	stream.indirect.gather [hbm4b:s7+s20], $0x60, s4, s20, $0xb8;
	[tilespmem:$0x1DEB0] =	vst v63  }
0x70: {  	s16 =	simm.s32 $0x90;
	s15 =	rddreg [dreg:$0x6]  }
0x71: {  	[tilespmem:s16], [sflag:$0x4] =	stream.linear.gather [hbm4b:s15+s0], $0x90, $0x38;
	[tilespmem:$0x1DEB0] =	vst v63  }
0x72: {  	s18 =	simm.s32 $0x150;
	s13 =	simm.s32 $0xAAA0  }
0x73: {  	[spmem:s2] =	stream.indirect.scatter.add.bf16 [tilespmem:s13], [sflag:$0x6], $0x60, s18, s20, $0xb8;
	[tilespmem:$0x1DEB0] =	vst v63  }
0x74: {  	_ = 	snop  }
0x75: {  	[spmem:s3] =	stream.indirect.scatter.add.f32 [tilespmem:s30], [sflag:$0x6], $0x10, s18, s20, $0xb8;
	[tilespmem:$0x1DEB0] =	vst v63  }
0x76: {  	s21 =	simm.s32 $0x4;
	[bflag:$0x0] =	sbarrier.arrive $0xFFFF  }
0x77: {  	_ =	swait.ge [sflag:s21], $0x90  }
0x78: {  	[sflag:s21] =	ssyncset.done $0x0  }
0x79: {  	s24 =	simm.s32 $0x6;
	[sflag:s21] =	ssyncadd.s32 $0xFFFFFF70  }
0x7a: {  	_ =	swait.ge [sflag:s24], $0x1200  }
0x7b: {  	[sflag:s24] =	ssyncset.done $0x0  }
0x7c: {  	[sflag:s24] =	ssyncadd.s32 $0xFFFFEE00  }
0x7d: {  	_ =	swait.ge [sflag:s24], $0x300  }
0x7e: {  	[sflag:s24] =	ssyncset.done $0x0  }
0x7f: {  	[sflag:s24] =	ssyncadd.s32 $0xFFFFFD00  }
0x80: {  	v5 =	vld [tilespmem:$0x90]  }
0x81: {  	v6 =	vld [tilespmem:$0xC0]  }
0x82: {  	v7 =	vld [tilespmem:$0xF0]  }
0x83: {  	v8 =	vld [tilespmem:$0xA0]  }
0x84: {  	v9 =	vld [tilespmem:$0xD0];
	_ =	sdelay $0x1  }
0x85: {  	[tilespmem:$0x150] =	vst v6  }
0x86: {  	v5 =	vadd.s32 v0, v5;
	vm13 =	vlt.s32 v6, $0x270F;
	[tilespmem:$0x270] =	vst v7  }
0x87: {  	v10 =	vld [tilespmem:$0x100];
	v7 =	vadd.s32 v0, v8;
	[tilespmem:$0x1B0] =	vst v5;
	v5 =	vnsel vm13, $0x270F, v6  }
0x88: {  	vm14 =	vlt.s32 v9, $0x270F;
	v6 =	vld [tilespmem:$0xB0];
	[tilespmem:$0x1C0] =	vst v7;
	v5 =	vadd.s32 v0, v5  }
0x89: {  	v7 =	vnsel vm14, $0x270F, v9;
	[tilespmem:$0x210] =	vst v5;
	v5 =	vld [tilespmem:$0xE0]  }
0x8a: {  	v7 =	vadd.s32 v0, v7  }
0x8b: {  	[tilespmem:$0x220] =	vst v7;
	v7 =	vld [tilespmem:$0x110]  }
0x8c: {  	[tilespmem:$0x160] =	vst v9  }
0x8d: {  	[tilespmem:$0x280] =	vst v10;
	v6 =	vadd.s32 v0, v6  }
0x8e: {  	[tilespmem:$0x1D0] =	vst v6;
	vm15 =	vlt.s32 v5, $0x270F  }
0x8f: {  	[tilespmem:$0x170] =	vst v5;
	v6 =	vnsel vm15, $0x270F, v5  }
0x90: {  	[tilespmem:$0x290] =	vst v7;
	v5 =	vadd.s32 v0, v6  }
0x91: {  	s15 =	simm.s32 $0x210;
	[tilespmem:$0x230] =	vst v5  }
0x92: {  	[tilespmem:s26], [sflag:$0x2] =	stream.indirect.gather [hbm4b:s6+s20], $0xD0, s15, s20, $0xb8;
	[tilespmem:$0x1DEB0] =	vst v63  }
0x93: {  	s16 =	simm.s32 $0x1B0;
	s18 =	simm.s32 $0x74A0  }
0x94: {  	[tilespmem:s18], [sflag:$0x2] =	stream.indirect.gather [hbm4b:s1+s20], $0xC0, s16, s20, $0xb8;
	[tilespmem:$0x1DEB0] =	vst v63  }
0x95: {  	_ = 	snop  }
0x96: {  	[tilespmem:s13], [sflag:$0x2] =	stream.indirect.gather [hbm4b:s7+s20], $0x60, s16, s20, $0xb8;
	[tilespmem:$0x1DEB0] =	vst v63  }
0x97: {  	s21 =	rddreg [dreg:$0x7]  }
0x98: {  	[tilespmem:s0], [sflag:$0x3] =	stream.linear.gather [hbm4b:s21+s0], $0x90, $0x38;
	[tilespmem:$0x1DEB0] =	vst v63  }
0x99: {  	_ =	swait.ge [sflag:s9], $0x2700  }
0x9a: {  	[sflag:s9] =	ssyncset.done $0x0  }
0x9b: {  	[sflag:s9] =	ssyncadd.s32 $0xFFFFD900  }
0x9c: {  	_ =	swait.ge [sflag:s9], $0x2400  }
0x9d: {  	[sflag:s9] =	ssyncset.done $0x0  }
0x9e: {  	[sflag:s9] =	ssyncadd.s32 $0xFFFFDC00  }
0x9f: {  	_ =	swait.ge [sflag:s9], $0x1200  }
0xa0: {  	[sflag:s9] =	ssyncset.done $0x0  }
0xa1: {  	s24 =	simm.s32 $0x370;
	[sflag:s9] =	ssyncadd.s32 $0xFFFFEE00  }
0xa2: {  	s15 =	simm.s32 $0x5160;
	v5 =	vld [tilespmem:s24+$0x0]  }
0xa3: {  	v6 =	vld [tilespmem:s15+$0x0]  }
0xa4: {  	v7 =	vld [tilespmem:s24+$0x10]  }
0xa5: {  	v8 =	vld [tilespmem:s15+$0x10]  }
0xa6: {  	v9 =	vld [tilespmem:s24+$0x20]  }
0xa7: {  	v10 =	vld [tilespmem:s15+$0x20]  }
0xa8: {  	v11 =	vld [tilespmem:s24+$0x30]  }
0xa9: {  	v12 =	vld [tilespmem:s15+$0x30]  }
0xaa: {  	v13 =	vld [tilespmem:s24+$0x40]  }
0xab: {  	v14 =	vld [tilespmem:s15+$0x40]  }
0xac: {  	v15 =	vld [tilespmem:s24+$0x50]  }
0xad: {  	v16 =	vld [tilespmem:s15+$0x50]  }
0xae: {  	v17 =	vld [tilespmem:s24+$0x60]  }
0xaf: {  	v18 =	vld [tilespmem:s15+$0x60]  }
0xb0: {  	v19 =	vld [tilespmem:s24+$0x70]  }
0xb1: {  	v20 =	vld [tilespmem:s15+$0x70]  }
0xb2: {  	v21 =	vld [tilespmem:s24+$0x80]  }
0xb3: {  	v22 =	vld [tilespmem:s15+$0x80]  }
0xb4: {  	v23 =	vld [tilespmem:s24+$0x90]  }
0xb5: {  	v24 =	vld [tilespmem:s15+$0x90]  }
0xb6: {  	v25 =	vld [tilespmem:s24+$0xA0]  }
0xb7: {  	v26 =	vld [tilespmem:s15+$0xA0]  }
0xb8: {  	v60 =	vld [tilespmem:s15+$0xFFFFFF70];
	v5 =	vmul.f32 v6, v5;
	v6 =	vmul.f32 v8, v7  }
0xb9: {  	v61 =	vld [tilespmem:s24+$0xFFFFFF70]  }
0xba: {  	v5 =	vadd.f32 v6, v5;
	v6 =	vmul.f32 v10, v9;
	v9 =	vld [tilespmem:s15+$0xFFFFFF40]  }
0xbb: {  	v10 =	vld [tilespmem:s24+$0xFFFFFF40]  }
0xbc: {  	v5 =	vadd.f32 v6, v5;
	v6 =	vmul.f32 v12, v11;
	v11 =	vld [tilespmem:s15+$0xFFFFFF50]  }
0xbd: {  	v12 =	vld [tilespmem:s24+$0xFFFFFF30]  }
0xbe: {  	v5 =	vadd.f32 v6, v5;
	v6 =	vmul.f32 v14, v13;
	v13 =	vld [tilespmem:s24+$0xFFFFFF50]  }
0xbf: {  	v14 =	vld [tilespmem:s15+$0xFFFFFF60]  }
0xc0: {  	v7 =	vld [tilespmem:s24+$0xB0]  }
0xc1: {  	v5 =	vadd.f32 v6, v5;
	v6 =	vmul.f32 v16, v15;
	v15 =	vld [tilespmem:s24+$0xFFFFFF60]  }
0xc2: {  	v8 =	vld [tilespmem:s15+$0xB0];
	v10 =	vmul.f32 v11, v10;
	v9 =	vmul.f32 v9, v12  }
0xc3: {  	v11 =	vld [tilespmem:s15+$0xFFFFFF80];
	v5 =	vadd.f32 v6, v5;
	v6 =	vmul.f32 v18, v17  }
0xc4: {  	v12 =	vld [tilespmem:s24+$0xFFFFFF80];
	v9 =	vadd.f32 v10, v9;
	v10 =	vmul.f32 v14, v13  }
0xc5: {  	v13 =	vld [tilespmem:s15+$0xFFFFFF90];
	v5 =	vadd.f32 v6, v5;
	v6 =	vmul.f32 v20, v19  }
0xc6: {  	v14 =	vld [tilespmem:s24+$0xFFFFFF90];
	v9 =	vadd.f32 v10, v9;
	v10 =	vmul.f32 v60, v15  }
0xc7: {  	v15 =	vld [tilespmem:s15+$0xFFFFFFA0];
	v5 =	vadd.f32 v6, v5;
	v6 =	vmul.f32 v22, v21  }
0xc8: {  	v62 =	vld [tilespmem:s24+$0xFFFFFFA0];
	v9 =	vadd.f32 v10, v9;
	v10 =	vmul.f32 v11, v61  }
0xc9: {  	v11 =	vld [tilespmem:s15+$0xFFFFFFB0];
	v5 =	vadd.f32 v6, v5;
	v6 =	vmul.f32 v24, v23  }
0xca: {  	v63 =	vld [tilespmem:s24+$0xFFFFFFB0];
	v9 =	vadd.f32 v10, v9;
	v10 =	vmul.f32 v13, v12  }
0xcb: {  	v12 =	vld [tilespmem:s15+$0xFFFFFFC0];
	v5 =	vadd.f32 v6, v5;
	v6 =	vmul.f32 v26, v25  }
0xcc: {  	v7 =	vmul.f32 v8, v7;
	v8 =	vld [tilespmem:s15+$0xFFFFFFD0];
	v9 =	vadd.f32 v10, v9;
	v10 =	vmul.f32 v15, v14  }
0xcd: {  	v13 =	vadd.f32 v6, v5;
	v5 =	vld [tilespmem:s24+$0xFFFFFFC0]  }
0xce: {  	v6 =	vld [tilespmem:s24+$0xFFFFFFD0];
	v11 =	vmul.f32 v11, v62;
	v10 =	vadd.f32 v10, v9  }
0xcf: {  	v9 =	vld [tilespmem:s15+$0xFFFFFFE0];
	v13 =	vadd.f32 v7, v13  }
0xd0: {  	s16 =	simm.s32 $0xC2B0;
	v7 =	vld [tilespmem:s24+$0xFFFFFFE0];
	v12 =	vmul.f32 v12, v63;
	v11 =	vadd.f32 v11, v10  }
0xd1: {  	s18 =	simm.s32 $0x0;
	s0 =	simm.s32 $0x240;
	s21 =	simm.s32 $0x510;
	v10 =	vld [tilespmem:s15+$0xFFFFFFF0];
	[tilespmem:s16+$0x0] =	vst v13  }
.LBB2_8:
0xd2: {  	v13 =	vld [tilespmem:s21+$0x0];
	v11 =	vadd.f32 v12, v11;
	v5 =	vmul.f32 v8, v5;
	s15 =	sadd.s32 $0x180, s15  }
0xd3: {  	v8 =	vld [tilespmem:s15+$0x0]  }
0xd4: {  	v12 =	vld [tilespmem:s21+$0x10];
	v5 =	vadd.f32 v5, v11;
	v6 =	vmul.f32 v9, v6  }
0xd5: {  	s18 =	sadd.s32 $0x2, s18;
	v9 =	vld [tilespmem:s15+$0x10]  }
0xd6: {  	p0 =	slt.u32 s18, $0x2E;
	v11 =	vld [tilespmem:s21+$0x20];
	v5 =	vadd.f32 v6, v5;
	v6 =	vmul.f32 v10, v7  }
0xd7: {  	v7 =	vld [tilespmem:s15+$0x20]  }
0xd8: {  	v10 =	vld [tilespmem:s21+$0x30];
	v5 =	vadd.f32 v6, v5  }
0xd9: {  	v6 =	vld [tilespmem:s15+$0x30]  }
0xda: {  	v8 =	vmul.f32 v8, v13;
	v9 =	vmul.f32 v9, v12;
	v12 =	vld [tilespmem:s21+$0x40];
	[tilespmem:s16+$0xFFFFFFF0] =	vst v5  }
0xdb: {  	v5 =	vld [tilespmem:s15+$0x40]  }
0xdc: {  	v8 =	vadd.f32 v9, v8;
	v7 =	vmul.f32 v7, v11;
	v9 =	vld [tilespmem:s21+$0x50]  }
0xdd: {  	v11 =	vld [tilespmem:s15+$0x50]  }
0xde: {  	v7 =	vadd.f32 v7, v8;
	v6 =	vmul.f32 v6, v10;
	v8 =	vld [tilespmem:s21+$0x60]  }
0xdf: {  	v10 =	vld [tilespmem:s15+$0x60]  }
0xe0: {  	v6 =	vadd.f32 v6, v7;
	v5 =	vmul.f32 v5, v12;
	v7 =	vld [tilespmem:s21+$0x70]  }
0xe1: {  	v12 =	vld [tilespmem:s15+$0x70]  }
0xe2: {  	v5 =	vadd.f32 v5, v6;
	v6 =	vmul.f32 v11, v9;
	v9 =	vld [tilespmem:s21+$0x80]  }
0xe3: {  	v11 =	vld [tilespmem:s15+$0x80]  }
0xe4: {  	v5 =	vadd.f32 v6, v5;
	v6 =	vmul.f32 v10, v8;
	v8 =	vld [tilespmem:s21+$0x90]  }
0xe5: {  	v10 =	vld [tilespmem:s15+$0x90]  }
0xe6: {  	v5 =	vadd.f32 v6, v5;
	v6 =	vmul.f32 v12, v7;
	v7 =	vld [tilespmem:s21+$0xA0]  }
0xe7: {  	v12 =	vld [tilespmem:s15+$0xA0]  }
0xe8: {  	v5 =	vadd.f32 v6, v5;
	v6 =	vmul.f32 v11, v9;
	v9 =	vld [tilespmem:s21+$0xB0]  }
0xe9: {  	v11 =	vld [tilespmem:s15+$0xB0]  }
0xea: {  	v13 =	vld [tilespmem:s15+$0xFFFFFF40];
	v5 =	vadd.f32 v6, v5;
	v6 =	vmul.f32 v10, v8  }
0xeb: {  	v8 =	vld [tilespmem:s21+$0xFFFFFF40]  }
0xec: {  	v10 =	vld [tilespmem:s15+$0xFFFFFF50];
	v5 =	vadd.f32 v6, v5;
	v6 =	vmul.f32 v12, v7  }
0xed: {  	v7 =	vld [tilespmem:s21+$0xFFFFFF30]  }
0xee: {  	v12 =	vld [tilespmem:s21+$0xFFFFFF50];
	v5 =	vadd.f32 v6, v5;
	v6 =	vmul.f32 v11, v9  }
0xef: {  	v9 =	vld [tilespmem:s15+$0xFFFFFF60]  }
0xf0: {  	v11 =	vld [tilespmem:s21+$0xFFFFFF60];
	v5 =	vadd.f32 v6, v5  }
0xf1: {  	s16 =	sadd.s32 $0x20, s16;
	v6 =	vmul.f32 v10, v8;
	v8 =	vld [tilespmem:s15+$0xFFFFFF70]  }
0xf2: {  	s24 =	simm.s32 $0x0;
	s12 =	simm.s32 $0xC5A0;
	v7 =	vmul.f32 v13, v7;
	v10 =	vld [tilespmem:s21+$0xFFFFFF70];
	[tilespmem:s16+$0x0] =	vst v5  }
0xf3: {  	v5 =	vld [tilespmem:s15+$0xFFFFFF80]  }
0xf4: {  	v6 =	vadd.f32 v6, v7;
	v7 =	vmul.f32 v9, v12;
	v9 =	vld [tilespmem:s21+$0xFFFFFF80]  }
0xf5: {  	v12 =	vld [tilespmem:s15+$0xFFFFFF90]  }
0xf6: {  	v6 =	vadd.f32 v7, v6;
	v7 =	vmul.f32 v8, v11;
	v8 =	vld [tilespmem:s21+$0xFFFFFF90]  }
0xf7: {  	v11 =	vld [tilespmem:s15+$0xFFFFFFA0]  }
0xf8: {  	v6 =	vadd.f32 v7, v6;
	v5 =	vmul.f32 v5, v10;
	v7 =	vld [tilespmem:s21+$0xFFFFFFA0]  }
0xf9: {  	v10 =	vld [tilespmem:s15+$0xFFFFFFB0]  }
0xfa: {  	v5 =	vadd.f32 v5, v6;
	v6 =	vmul.f32 v12, v9;
	v12 =	vld [tilespmem:s21+$0xFFFFFFB0]  }
0xfb: {  	v13 =	vld [tilespmem:s15+$0xFFFFFFC0]  }
0xfc: {  	v6 =	vadd.f32 v6, v5;
	v9 =	vmul.f32 v11, v8;
	v5 =	vld [tilespmem:s21+$0xFFFFFFC0]  }
.Ltmp3:
0xfd: {  	v8 =	vld [tilespmem:s15+$0xFFFFFFD0];
	(pc) =	sbr.rel @p0 .LBB2_8-.Ltmp3, $4  }
0xfe: {  	v11 =	vadd.f32 v9, v6;
	v7 =	vmul.f32 v10, v7;
	v6 =	vld [tilespmem:s21+$0xFFFFFFD0]  }
0xff: {  	v9 =	vld [tilespmem:s15+$0xFFFFFFE0]  }
0x100: {  	v11 =	vadd.f32 v7, v11;
	v12 =	vmul.f32 v13, v12;
	v7 =	vld [tilespmem:s21+$0xFFFFFFE0]  }
0x101: {  	s21 =	sadd.s32 $0x1A0, s21;
	v10 =	vld [tilespmem:s15+$0xFFFFFFF0]  }
0x102: {  	v11 =	vadd.f32 v12, v11;
	v5 =	vmul.f32 v8, v5;
	_ =	sdelay $0x1  }
0x103: {  	v5 =	vadd.f32 v5, v11;
	v6 =	vmul.f32 v9, v6;
	_ =	sdelay $0x1  }
0x104: {  	v5 =	vadd.f32 v6, v5;
	v6 =	vmul.f32 v10, v7;
	_ =	sdelay $0x1  }
0x105: {  	v5 =	vadd.f32 v6, v5;
	_ =	sdelay $0x1  }
0x106: {  	s13 =	simm.s32 $0x0;
	[tilespmem:s16+$0xFFFFFFF0] =	vst v5  }
.LBB2_10:
0x107: {  	v5 =	vor.u32 s13, v4  }
0x108: {  	v6 =	vshll.u32 v5, $0x4  }
0x109: {  	v7 =	vor.u32 $0x1, v6;
	_ =	sdelay $0x1  }
0x10a: {  	v8 =	vor.u32 $0x2, v6;
	_ =	sdelay $0x1  }
0x10b: {  	v10 =	vor.u32 $0x3, v6;
	v9 =	vld.idx.msk [tilespmem:v6+s10+$0x0], $0xffff  }
0x10c: {  	v11 =	vld.idx.msk [tilespmem:v7+s10+$0x0], $0xffff  }
0x10d: {  	v12 =	vor.u32 $0x4, v6  }
0x10e: {  	v8 =	vld.idx.msk [tilespmem:v8+s10+$0x0], $0xffff  }
0x10f: {  	v13 =	vor.u32 $0x5, v6  }
0x110: {  	v10 =	vld.idx.msk [tilespmem:v10+s10+$0x0], $0xffff  }
0x111: {  	v51 =	vor.u32 $0x6, v6;
	v9 =	vadd.f32 v11, v9  }
0x112: {  	v12 =	vld.idx.msk [tilespmem:v12+s10+$0x0], $0xffff  }
0x113: {  	v52 =	vor.u32 $0x7, v6;
	v8 =	vadd.f32 v8, v9  }
0x114: {  	v13 =	vld.idx.msk [tilespmem:v13+s10+$0x0], $0xffff  }
0x115: {  	v53 =	vor.u32 $0x8, v6;
	v8 =	vadd.f32 v10, v8  }
0x116: {  	v11 =	vld.idx.msk [tilespmem:v51+s10+$0x0], $0xffff  }
0x117: {  	v54 =	vor.u32 $0x9, v6;
	v8 =	vadd.f32 v12, v8  }
0x118: {  	v9 =	vld.idx.msk [tilespmem:v52+s10+$0x0], $0xffff  }
0x119: {  	v55 =	vor.u32 $0xA, v6;
	v8 =	vadd.f32 v13, v8  }
0x11a: {  	v10 =	vld.idx.msk [tilespmem:v53+s10+$0x0], $0xffff  }
0x11b: {  	v56 =	vor.u32 $0xB, v6;
	v8 =	vadd.f32 v11, v8  }
0x11c: {  	v12 =	vld.idx.msk [tilespmem:v54+s10+$0x0], $0xffff  }
0x11d: {  	v57 =	vor.u32 $0xC, v6;
	v8 =	vadd.f32 v9, v8  }
0x11e: {  	v13 =	vld.idx.msk [tilespmem:v55+s10+$0x0], $0xffff  }
0x11f: {  	v58 =	vor.u32 $0xD, v6;
	v8 =	vadd.f32 v10, v8  }
0x120: {  	v5 =	vmul.u32 $0xD0, v5;
	v11 =	vld.idx.msk [tilespmem:v56+s10+$0x0], $0xffff  }
0x121: {  	v14 =	vor.u32 $0xE, v6;
	v8 =	vadd.f32 v12, v8  }
0x122: {  	v15 =	vadd.s32 $0xC0, v5;
	v9 =	vld.idx.msk [tilespmem:v57+s10+$0x0], $0xffff  }
0x123: {  	v59 =	vor.u32 $0xF, v6;
	v8 =	vadd.f32 v13, v8  }
0x124: {  	v10 =	vld.idx.msk [tilespmem:v58+s10+$0x0], $0xffff  }
0x125: {  	v62 =	vld [tilespmem:s0+$0x0];
	v8 =	vadd.f32 v11, v8  }
0x126: {  	v60 =	vld.idx.msk [tilespmem:v14+s10+$0x0], $0xffff  }
0x127: {  	v5 =	vadd.s32 $0xC1, v5;
	v61 =	vld.idx.msk [tilespmem:v15+s22+$0x0], $0xffff;
	v8 =	vadd.f32 v9, v8  }
0x128: {  	v12 =	vld.idx.msk [tilespmem:v59+s10+$0x0], $0xffff  }
0x129: {  	v8 =	vadd.f32 v10, v8;
	_ =	sdelay $0x1  }
0x12a: {  	v8 =	vadd.f32 v60, v8  }
0x12b: {  	v5 =	vld.idx.msk [tilespmem:v5+s22+$0x0], $0xffff  }
0x12c: {  	v9 =	vmul.f32 v62, v61;
	v8 =	vadd.f32 v12, v8;
	_ =	sdelay $0x1  }
0x12d: {  	v8 =	vadd.f32 v9, v8;
	_ =	sdelay $0x1  }
0x12e: {  	v5 =	vadd.f32 v8, v5;
	_ =	sdelay $0x1  }
0x12f: {  	v5 =	vmul.f32 $7.216878240e-02, v5;
	_ =	sdelay $0x1  }
0x130: {  	v5 =	vmul.f32 $1.442695020e+00, v5;
	_ =	sdelay $0x1  }
0x131: {  	(erf) = vpow2.f32 v5;
	_ =	sdelay $0x6  }
0x132: {  	p0 =	sne.s32 s13, $0x20  }
.Ltmp4:
0x133: {  	_ = 	snop;
	(pc) =	sbr.rel @p0 .LBB2_10-.Ltmp4, $4  }
0x134: {  	v5 =	vpop (erf)  }
0x135: {  	[tilespmem:s12+$0x0] =	vst v5;
	v63 =	vmul.f32 v5, v62  }
0x136: {  	[tilespmem:v6+s11+$0x0] =	vst.idx.msk $0xffff, v5  }
0x137: {  	s0 =	sadd.s32 $0x10, s0;
	s13 =	sadd.s32 $0x10, s13;
	s12 =	sadd.s32 $0x10, s12;
	[tilespmem:v7+s11+$0x0] =	vst.idx.msk $0xffff, v63  }
0x138: {  	v5 =	vmov s24  }
0x139: {  	v5 =	vand.u32 $0xFFFFFFFE, v5  }
0x13a: {  	s0 =	simm.s32 $0x9900;
	v5 =	vbroadcast v5, $0x0  }
0x13b: {  	v6 =	vld [tilespmem:s0+$0xFFFFFFF0]  }
0x13c: {  	v7 =	vld [tilespmem:s0+$0xFFFFFFA0]  }
0x13d: {  	v8 =	vld [tilespmem:s0+$0xFFFFFFB0]  }
0x13e: {  	v9 =	vld [tilespmem:s0+$0xFFFFFFC0]  }
0x13f: {  	v10 =	vld [tilespmem:s0+$0xFFFFFFD0]  }
0x140: {  	v5 =	vld.idx.msk [tilespmem:v5+s14+$0x0], $0xffff  }
0x141: {  	s12 =	simm.s32 $0x1;
	v14 =	vld [tilespmem:s0+$0xFFFFFFE0]  }
0x142: {  	v11 =	vmov s12;
	v12 =	vunpack.i.u.bf16.f32 v6;
	v6 =	vunpack.i.l.bf16.f32 v6  }
0x143: {  	v23 =	vld [tilespmem:s0+$0x10];
	v13 =	vunpack.i.u.bf16.f32 v7;
	v7 =	vunpack.i.l.bf16.f32 v7;
	v16 =	vunpack.i.u.bf16.f32 v8  }
0x144: {  	v27 =	vld [tilespmem:s0+$0x20];
	v18 =	vunpack.i.l.bf16.f32 v8;
	v8 =	vunpack.i.u.bf16.f32 v9;
	v9 =	vunpack.i.l.bf16.f32 v9  }
0x145: {  	v28 =	vld [tilespmem:s0+$0x30];
	v20 =	vunpack.i.l.bf16.f32 v10;
	v6 =	vmul.f32 v6, v5;
	v12 =	vmul.f32 v12, v5  }
0x146: {  	v15 =	vld [tilespmem:s0+$0x0];
	v17 =	vunpack.i.l.bf16.f32 v14;
	v19 =	vmul.f32 v7, v5;
	v22 =	vmul.f32 v13, v5  }
0x147: {  	v25 =	vld [tilespmem:s0+$0x40];
	v13 =	vunpack.i.u.bf16.f32 v14;
	v21 =	vmul.f32 v18, v5;
	v24 =	vmul.f32 v16, v5  }
0x148: {  	s16 =	simm.s32 $0x2;
	v26 =	vld [tilespmem:s0+$0x50];
	v7 =	vunpack.i.u.bf16.f32 v23;
	v16 =	vunpack.i.l.bf16.f32 v23;
	v23 =	vmul.f32 v9, v5  }
0x149: {  	v9 =	vunpack.i.u.bf16.f32 v27;
	v14 =	vunpack.i.l.bf16.f32 v27;
	v27 =	vmov s16  }
0x14a: {  	v18 =	vunpack.i.l.bf16.f32 v28;
	v6 =	vpack.i.f32.bf16 v12, v6;
	v12 =	vunpack.i.u.bf16.f32 v10  }
0x14b: {  	s15 =	simm.s32 $0x9900;
	s12 =	simm.s32 $0x4;
	v10 =	vunpack.i.u.bf16.f32 v15;
	v15 =	vunpack.i.l.bf16.f32 v15;
	[tilespmem:s0+$0xFFFFFFF0] =	vst v6;
	v6 =	vld.idx.msk [tilespmem:v11+s14+$0x0], $0xffff;
	v11 =	vunpack.i.u.bf16.f32 v28  }
.LBB2_12:
0x14c: {  	p0 =	slt.u32 s12, $0x2E;
	v27 =	vand.u32 $0xFFFFFFFE, v27;
	v28 =	vunpack.i.u.bf16.f32 v25;
	v25 =	vunpack.i.l.bf16.f32 v25  }
0x14d: {  	v27 =	vbroadcast v27, $0x0;
	v29 =	vunpack.i.u.bf16.f32 v26;
	v26 =	vunpack.i.l.bf16.f32 v26  }
0x14e: {  	v19 =	vpack.i.f32.bf16 v22, v19;
	v8 =	vmul.f32 v8, v5;
	v20 =	vmul.f32 v20, v5  }
0x14f: {  	v12 =	vmul.f32 v12, v5;
	v17 =	vmul.f32 v17, v5;
	[tilespmem:s0+$0xFFFFFFA0] =	vst v19;
	v19 =	vpack.i.f32.bf16 v24, v21  }
0x150: {  	v5 =	vmul.f32 v13, v5;
	v8 =	vpack.i.f32.bf16 v8, v23;
	v13 =	vmul.f32 v15, v6;
	[tilespmem:s0+$0xFFFFFFB0] =	vst v19  }
0x151: {  	v10 =	vmul.f32 v10, v6;
	s0 =	sadd.s32 $0xC0, s0;
	[tilespmem:s15+$0xFFFFFFC0] =	vst v8;
	v8 =	vpack.i.f32.bf16 v12, v20;
	v12 =	vmul.f32 v16, v6  }
0x152: {  	v7 =	vmul.f32 v7, v6;
	v14 =	vmul.f32 v14, v6;
	v15 =	vld [tilespmem:s0+$0xFFFFFFF0];
	[tilespmem:s15+$0xFFFFFFD0] =	vst v8;
	v8 =	vpack.i.f32.bf16 v5, v17  }
0x153: {  	v9 =	vmul.f32 v9, v6;
	v10 =	vpack.i.f32.bf16 v10, v13;
	v13 =	vmul.f32 v18, v6;
	v5 =	vld.idx.msk [tilespmem:v27+s14+$0x0], $0xffff  }
0x154: {  	v7 =	vpack.i.f32.bf16 v7, v12;
	v16 =	vld [tilespmem:s0+$0xFFFFFFA0];
	[tilespmem:s15+$0xFFFFFFE0] =	vst v8;
	v8 =	vmul.f32 v11, v6;
	v11 =	vmul.f32 v25, v6  }
0x155: {  	v9 =	vpack.i.f32.bf16 v9, v14;
	v14 =	vmul.f32 v26, v6;
	v12 =	vld [tilespmem:s0+$0xFFFFFFB0];
	[tilespmem:s15+$0x0] =	vst v10;
	v10 =	vmul.f32 v28, v6  }
0x156: {  	s13 =	sadd.s32 $0x1, s16;
	s16 =	smov.u32 s12;
	v6 =	vmul.f32 v29, v6;
	v17 =	vld [tilespmem:s0+$0xFFFFFFC0];
	[tilespmem:s15+$0x10] =	vst v7;
	v7 =	vpack.i.f32.bf16 v8, v13  }
0x157: {  	v18 =	vmov s13;
	v13 =	vld [tilespmem:s0+$0xFFFFFFD0];
	[tilespmem:s15+$0x20] =	vst v9;
	v8 =	vpack.i.f32.bf16 v10, v11  }
0x158: {  	v10 =	vunpack.i.u.bf16.f32 v15;
	v11 =	vunpack.i.l.bf16.f32 v15;
	v6 =	vpack.i.f32.bf16 v6, v14;
	v9 =	vld [tilespmem:s0+$0xFFFFFFE0];
	[tilespmem:s15+$0x30] =	vst v7  }
0x159: {  	v11 =	vmul.f32 v11, v5;
	v10 =	vmul.f32 v10, v5;
	v7 =	vunpack.i.u.bf16.f32 v16;
	v14 =	vld [tilespmem:s0+$0x0];
	[tilespmem:s15+$0x40] =	vst v8  }
0x15a: {  	v15 =	vunpack.i.l.bf16.f32 v16;
	v16 =	vunpack.i.u.bf16.f32 v12;
	v21 =	vunpack.i.l.bf16.f32 v12;
	v23 =	vld [tilespmem:s0+$0x10];
	[tilespmem:s15+$0x50] =	vst v6;
	s15 =	smov.u32 s0  }
0x15b: {  	v10 =	vpack.i.f32.bf16 v10, v11;
	v8 =	vunpack.i.u.bf16.f32 v17;
	v6 =	vunpack.i.l.bf16.f32 v17;
	v11 =	vld [tilespmem:s0+$0x20]  }
0x15c: {  	v19 =	vmul.f32 v15, v5;
	v12 =	vunpack.i.u.bf16.f32 v13;
	v20 =	vunpack.i.l.bf16.f32 v13;
	[tilespmem:s0+$0xFFFFFFF0] =	vst v10;
	v28 =	vld [tilespmem:s0+$0x30]  }
.Ltmp5:
0x15d: {  	v22 =	vmul.f32 v7, v5;
	v13 =	vunpack.i.u.bf16.f32 v9;
	v17 =	vunpack.i.l.bf16.f32 v9;
	v25 =	vld [tilespmem:s0+$0x40];
	(pc) =	sbr.rel @p0 .LBB2_12-.Ltmp5, $4  }
0x15e: {  	v21 =	vmul.f32 v21, v5;
	v10 =	vunpack.i.u.bf16.f32 v14;
	v15 =	vunpack.i.l.bf16.f32 v14;
	v26 =	vld [tilespmem:s0+$0x50]  }
0x15f: {  	v24 =	vmul.f32 v16, v5;
	v7 =	vunpack.i.u.bf16.f32 v23;
	v16 =	vunpack.i.l.bf16.f32 v23  }
0x160: {  	v23 =	vmul.f32 v6, v5;
	v6 =	vld.idx.msk [tilespmem:v18+s14+$0x0], $0xffff;
	v9 =	vunpack.i.u.bf16.f32 v11;
	v14 =	vunpack.i.l.bf16.f32 v11  }
0x161: {  	s12 =	sadd.s32 $0x2, s12;
	v27 =	vmov s16;
	v11 =	vunpack.i.u.bf16.f32 v28;
	v18 =	vunpack.i.l.bf16.f32 v28  }
0x162: {  	v27 =	vand.u32 $0xFFFFFFFE, v27;
	v28 =	vunpack.i.u.bf16.f32 v25;
	v48 =	vunpack.i.l.bf16.f32 v25  }
0x163: {  	v19 =	vpack.i.f32.bf16 v22, v19;
	v8 =	vmul.f32 v8, v5;
	v20 =	vmul.f32 v20, v5;
	s21 =	sadd.s32 $0xC0, s0  }
0x164: {  	v21 =	vpack.i.f32.bf16 v24, v21;
	v12 =	vmul.f32 v12, v5;
	v17 =	vmul.f32 v17, v5;
	v51 =	vld [tilespmem:s21+$0xFFFFFFF0]  }
0x165: {  	v5 =	vmul.f32 v13, v5;
	v27 =	vbroadcast v27, $0x0;
	v29 =	vunpack.i.u.bf16.f32 v26;
	v52 =	vld [tilespmem:s21+$0xFFFFFFA0]  }
0x166: {  	s12 =	sadd.s32 $0x1, s16;
	v49 =	vunpack.i.l.bf16.f32 v26;
	v53 =	vld [tilespmem:s21+$0xFFFFFFB0];
	v15 =	vmul.f32 v15, v6;
	v10 =	vmul.f32 v10, v6  }
0x167: {  	v50 =	vmov s12;
	v54 =	vld [tilespmem:s21+$0xFFFFFFC0];
	v16 =	vmul.f32 v16, v6;
	v7 =	vmul.f32 v7, v6  }
0x168: {  	v57 =	vld [tilespmem:s21+$0xFFFFFFD0];
	v8 =	vpack.i.f32.bf16 v8, v23;
	v14 =	vmul.f32 v14, v6;
	v9 =	vmul.f32 v9, v6  }
0x169: {  	v59 =	vld [tilespmem:s21+$0xFFFFFFE0];
	v12 =	vpack.i.f32.bf16 v12, v20;
	v18 =	vmul.f32 v18, v6;
	v11 =	vmul.f32 v11, v6  }
0x16a: {  	v61 =	vld [tilespmem:s21+$0x0];
	v5 =	vpack.i.f32.bf16 v5, v17;
	v55 =	vmul.f32 v48, v6;
	v56 =	vmul.f32 v28, v6  }
0x16b: {  	v63 =	vld [tilespmem:s21+$0x10];
	v58 =	vmul.f32 v49, v6;
	v6 =	vmul.f32 v29, v6;
	v10 =	vpack.i.f32.bf16 v10, v15  }
0x16c: {  	v33 =	vld [tilespmem:s21+$0x20];
	v7 =	vpack.i.f32.bf16 v7, v16;
	v9 =	vpack.i.f32.bf16 v9, v14;
	v11 =	vpack.i.f32.bf16 v11, v18  }
0x16d: {  	[tilespmem:s0+$0xFFFFFFA0] =	vst v19;
	v36 =	vld [tilespmem:s21+$0x30];
	v14 =	vpack.i.f32.bf16 v56, v55;
	v6 =	vpack.i.f32.bf16 v6, v58;
	v60 =	vunpack.i.u.bf16.f32 v51  }
0x16e: {  	[tilespmem:s0+$0xFFFFFFB0] =	vst v21;
	v39 =	vld [tilespmem:s21+$0x40];
	v13 =	vunpack.i.l.bf16.f32 v51;
	v62 =	vunpack.i.u.bf16.f32 v52;
	v17 =	vunpack.i.l.bf16.f32 v52  }
0x16f: {  	[tilespmem:s15+$0xFFFFFFC0] =	vst v8;
	v32 =	vunpack.i.u.bf16.f32 v53;
	v34 =	vunpack.i.l.bf16.f32 v53;
	v35 =	vunpack.i.u.bf16.f32 v54;
	v48 =	vld.idx.msk [tilespmem:v50+s14+$0x0], $0xffff  }
0x170: {  	v42 =	vld [tilespmem:s21+$0x50];
	[tilespmem:s15+$0xFFFFFFD0] =	vst v12;
	v16 =	vunpack.i.l.bf16.f32 v54;
	v38 =	vunpack.i.u.bf16.f32 v57;
	v40 =	vunpack.i.l.bf16.f32 v57  }
0x171: {  	v41 =	vunpack.i.u.bf16.f32 v59;
	[tilespmem:s15+$0x10] =	vst v7;
	v7 =	vunpack.i.l.bf16.f32 v59;
	v43 =	vunpack.i.u.bf16.f32 v61;
	v20 =	vld.idx.msk [tilespmem:v27+s14+$0x0], $0xffff  }
0x172: {  	[tilespmem:s15+$0xFFFFFFE0] =	vst v5;
	v44 =	vunpack.i.l.bf16.f32 v61;
	v45 =	vunpack.i.u.bf16.f32 v63;
	v46 =	vunpack.i.l.bf16.f32 v63  }
0x173: {  	[tilespmem:s15+$0x20] =	vst v9;
	v47 =	vunpack.i.u.bf16.f32 v33;
	v49 =	vunpack.i.l.bf16.f32 v33;
	v50 =	vunpack.i.u.bf16.f32 v36  }
0x174: {  	[tilespmem:s15+$0x50] =	vst v6;
	v6 =	vunpack.i.u.bf16.f32 v39;
	v9 =	vmul.f32 v44, v48;
	v57 =	vmul.f32 v43, v48  }
0x175: {  	[tilespmem:s15+$0x30] =	vst v11;
	v51 =	vunpack.i.u.bf16.f32 v42;
	v11 =	vmul.f32 v46, v48;
	v58 =	vmul.f32 v45, v48  }
0x176: {  	[tilespmem:s15+$0x0] =	vst v10;
	v27 =	vunpack.i.l.bf16.f32 v36;
	v13 =	vmul.f32 v13, v20;
	v31 =	vmul.f32 v60, v20  }
0x177: {  	[tilespmem:s15+$0x40] =	vst v14;
	v37 =	vmul.f32 v17, v20;
	v21 =	vmul.f32 v62, v20;
	v9 =	vpack.i.f32.bf16 v57, v9  }
0x178: {  	v12 =	vmul.f32 v34, v20;
	v19 =	vmul.f32 v32, v20;
	v5 =	vpack.i.f32.bf16 v31, v13;
	[tilespmem:s21+$0x0] =	vst v9  }
0x179: {  	v16 =	vmul.f32 v16, v20;
	v15 =	vmul.f32 v35, v20;
	v8 =	vpack.i.f32.bf16 v21, v37;
	[tilespmem:s21+$0xFFFFFFF0] =	vst v5  }
0x17a: {  	v10 =	vmul.f32 v40, v20;
	v53 =	vmul.f32 v38, v20;
	v52 =	vpack.i.f32.bf16 v19, v12;
	[tilespmem:s21+$0xFFFFFFA0] =	vst v8  }
0x17b: {  	v7 =	vmul.f32 v7, v20;
	v55 =	vmul.f32 v41, v20;
	v54 =	vpack.i.f32.bf16 v15, v16;
	[tilespmem:s21+$0xFFFFFFB0] =	vst v52  }
0x17c: {  	v59 =	vmul.f32 v49, v48;
	v60 =	vmul.f32 v47, v48;
	v56 =	vpack.i.f32.bf16 v53, v10;
	[tilespmem:s21+$0xFFFFFFC0] =	vst v54  }
0x17d: {  	v61 =	vmul.f32 v50, v48;
	v17 =	vunpack.i.l.bf16.f32 v39;
	v7 =	vpack.i.f32.bf16 v55, v7;
	[tilespmem:s21+$0xFFFFFFD0] =	vst v56  }
0x17e: {  	v6 =	vmul.f32 v6, v48;
	v62 =	vmul.f32 v17, v48;
	v10 =	vpack.i.f32.bf16 v60, v59;
	[tilespmem:s21+$0xFFFFFFE0] =	vst v7  }
0x17f: {  	v5 =	vunpack.i.l.bf16.f32 v42;
	v7 =	vmul.f32 v27, v48;
	v8 =	vpack.i.f32.bf16 v58, v11;
	[tilespmem:s21+$0x20] =	vst v10  }
0x180: {  	v63 =	vmul.f32 v51, v48;
	v6 =	vpack.i.f32.bf16 v6, v62;
	[tilespmem:s21+$0x10] =	vst v8;
	v5 =	vmul.f32 v5, v48  }
0x181: {  	[tilespmem:s21+$0x40] =	vst v6;
	v7 =	vpack.i.f32.bf16 v61, v7  }
0x182: {  	[tilespmem:s21+$0x30] =	vst v7;
	v5 =	vpack.i.f32.bf16 v63, v5  }
0x183: {  	s24 =	simm.s32 $0x120;
	[tilespmem:s21+$0x50] =	vst v5  }
0x184: {  	[spmem:s2] =	stream.indirect.scatter.add.bf16 [tilespmem:s29], [sflag:$0x5], $0x60, s24, s20, $0xb8;
	[tilespmem:$0x1DEB0] =	vst v63  }
0x185: {  	s15 =	simm.s32 $0x0  }
0x186: {  	[spmem:s3] =	stream.indirect.scatter.add.f32 [tilespmem:s11], [sflag:$0x5], $0x10, s24, s20, $0xb8;
	[tilespmem:$0x1DEB0] =	vst v63  }
.LBB2_14:
0x187: {  	_ =	swait.ge [sflag:s19], $0x90  }
0x188: {  	[sflag:s19] =	ssyncset.done $0x0  }
0x189: {  	[sflag:s19] =	ssyncadd.s32 $0xFFFFFF70  }
0x18a: {  	_ =	swait.ge [sflag:s31], $0x1200  }
0x18b: {  	[sflag:s31] =	ssyncset.done $0x0  }
0x18c: {  	[sflag:s31] =	ssyncadd.s32 $0xFFFFEE00  }
0x18d: {  	_ =	swait.ge [sflag:s31], $0x300  }
0x18e: {  	[sflag:s31] =	ssyncset.done $0x0  }
0x18f: {  	[sflag:s31] =	ssyncadd.s32 $0xFFFFFD00  }
0x190: {  	v5 =	vld [tilespmem:$0x0]  }
0x191: {  	v6 =	vld [tilespmem:$0x30]  }
0x192: {  	v7 =	vld [tilespmem:$0x60]  }
0x193: {  	v8 =	vld [tilespmem:$0x10]  }
0x194: {  	v9 =	vld [tilespmem:$0x40];
	_ =	sdelay $0x1  }
0x195: {  	[tilespmem:$0x120] =	vst v6  }
0x196: {  	v5 =	vadd.s32 v0, v5;
	vm0 =	vlt.s32 v6, $0x270F;
	[tilespmem:$0x240] =	vst v7  }
0x197: {  	v10 =	vld [tilespmem:$0x70];
	v7 =	vadd.s32 v0, v8;
	[tilespmem:$0x180] =	vst v5;
	v5 =	vnsel vm0, $0x270F, v6  }
0x198: {  	vm14 =	vlt.s32 v9, $0x270F;
	v6 =	vld [tilespmem:$0x20];
	[tilespmem:$0x190] =	vst v7;
	v5 =	vadd.s32 v0, v5  }
0x199: {  	v7 =	vnsel vm14, $0x270F, v9;
	[tilespmem:$0x1E0] =	vst v5;
	v5 =	vld [tilespmem:$0x50]  }
0x19a: {  	v7 =	vadd.s32 v0, v7  }
0x19b: {  	[tilespmem:$0x1F0] =	vst v7;
	v7 =	vld [tilespmem:$0x80]  }
0x19c: {  	[tilespmem:$0x130] =	vst v9  }
0x19d: {  	[tilespmem:$0x250] =	vst v10;
	v6 =	vadd.s32 v0, v6  }
0x19e: {  	[tilespmem:$0x1A0] =	vst v6;
	vm15 =	vlt.s32 v5, $0x270F  }
0x19f: {  	[tilespmem:$0x140] =	vst v5;
	v6 =	vnsel vm15, $0x270F, v5  }
0x1a0: {  	[tilespmem:$0x260] =	vst v7;
	v5 =	vadd.s32 v0, v6  }
0x1a1: {  	[tilespmem:$0x200] =	vst v5  }
0x1a2: {  	[tilespmem:s22], [sflag:$0x1] =	stream.indirect.gather [hbm4b:s6+s20], $0xD0, s28, s20, $0xb8;
	[tilespmem:$0x1DEB0] =	vst v63  }
0x1a3: {  	s0 =	simm.s32 $0x50A0;
	s16 =	sshll.u32 s15, $0x1;
	p0 =	seq.s32 s15, $0x67  }
0x1a4: {  	[tilespmem:s0], [sflag:$0x1] =	stream.indirect.gather [hbm4b:s1+s20], $0xC0, s4, s20, $0xb8;
	[tilespmem:$0x1DEB0] =	vst v63  }
0x1a5: {  	s0 =	sadd.s32 @!p0 s16, s23  }
0x1a6: {  	s0 =	smul.u32 @!p0 $0x12, s0  }
0x1a7: {  	[tilespmem:s29], [sflag:$0x1] =	stream.indirect.gather [hbm4b:s7+s20], $0x60, s4, s20, $0xb8;
	[tilespmem:$0x1DEB0] =	vst v63  }
0x1a8: {  	s12 =	simm.s32 @!p0 $0x0;
	s13 =	simm.s32 @!p0 $0x90;
	s0 =	sadd.s32 @!p0 s8, s0  }
0x1a9: {  	[tilespmem:s13], [sflag:$0x4] =	stream.linear.gather @!p0 [hbm4b:s0+s12], $0x90, $0x38;
	[tilespmem:$0x1DEB0] =	vst v63  }
0x1aa: {  	_ =	swait.ge [sflag:s17], $0x2700  }
0x1ab: {  	[sflag:s17] =	ssyncset.done $0x0  }
0x1ac: {  	[sflag:s17] =	ssyncadd.s32 $0xFFFFD900  }
0x1ad: {  	_ =	swait.ge [sflag:s17], $0x2400  }
0x1ae: {  	[sflag:s17] =	ssyncset.done $0x0  }
0x1af: {  	[sflag:s17] =	ssyncadd.s32 $0xFFFFDC00  }
0x1b0: {  	_ =	swait.ge [sflag:s17], $0x1200  }
0x1b1: {  	[sflag:s17] =	ssyncset.done $0x0  }
0x1b2: {  	s24 =	simm.s32 $0x2A70;
	[sflag:s17] =	ssyncadd.s32 $0xFFFFEE00  }
0x1b3: {  	s0 =	simm.s32 $0x7560;
	v5 =	vld [tilespmem:s24+$0x0]  }
0x1b4: {  	v6 =	vld [tilespmem:s0+$0x0]  }
0x1b5: {  	v7 =	vld [tilespmem:s24+$0x10]  }
0x1b6: {  	v8 =	vld [tilespmem:s0+$0x10]  }
0x1b7: {  	v9 =	vld [tilespmem:s24+$0x20]  }
0x1b8: {  	v10 =	vld [tilespmem:s0+$0x20]  }
0x1b9: {  	v11 =	vld [tilespmem:s24+$0x30]  }
0x1ba: {  	v12 =	vld [tilespmem:s0+$0x30]  }
0x1bb: {  	v13 =	vld [tilespmem:s24+$0x40]  }
0x1bc: {  	v14 =	vld [tilespmem:s0+$0x40]  }
0x1bd: {  	v15 =	vld [tilespmem:s24+$0x50]  }
0x1be: {  	v16 =	vld [tilespmem:s0+$0x50]  }
0x1bf: {  	v17 =	vld [tilespmem:s24+$0x60]  }
0x1c0: {  	v18 =	vld [tilespmem:s0+$0x60]  }
0x1c1: {  	v19 =	vld [tilespmem:s24+$0x70]  }
0x1c2: {  	v20 =	vld [tilespmem:s0+$0x70]  }
0x1c3: {  	v21 =	vld [tilespmem:s24+$0x80]  }
0x1c4: {  	v22 =	vld [tilespmem:s0+$0x80]  }
0x1c5: {  	v23 =	vld [tilespmem:s24+$0x90]  }
0x1c6: {  	v24 =	vld [tilespmem:s0+$0x90]  }
0x1c7: {  	v25 =	vld [tilespmem:s24+$0xA0]  }
0x1c8: {  	v26 =	vld [tilespmem:s0+$0xA0]  }
0x1c9: {  	v60 =	vld [tilespmem:s0+$0xFFFFFF70];
	v5 =	vmul.f32 v6, v5;
	v6 =	vmul.f32 v8, v7  }
0x1ca: {  	v61 =	vld [tilespmem:s24+$0xFFFFFF70]  }
0x1cb: {  	v5 =	vadd.f32 v6, v5;
	v6 =	vmul.f32 v10, v9;
	v9 =	vld [tilespmem:s0+$0xFFFFFF40]  }
0x1cc: {  	v10 =	vld [tilespmem:s24+$0xFFFFFF40]  }
0x1cd: {  	v5 =	vadd.f32 v6, v5;
	v6 =	vmul.f32 v12, v11;
	v11 =	vld [tilespmem:s0+$0xFFFFFF50]  }
0x1ce: {  	v12 =	vld [tilespmem:s24+$0xFFFFFF30]  }
0x1cf: {  	v5 =	vadd.f32 v6, v5;
	v6 =	vmul.f32 v14, v13;
	v13 =	vld [tilespmem:s24+$0xFFFFFF50]  }
0x1d0: {  	v14 =	vld [tilespmem:s0+$0xFFFFFF60]  }
0x1d1: {  	v7 =	vld [tilespmem:s24+$0xB0]  }
0x1d2: {  	v5 =	vadd.f32 v6, v5;
	v6 =	vmul.f32 v16, v15;
	v15 =	vld [tilespmem:s24+$0xFFFFFF60]  }
0x1d3: {  	v8 =	vld [tilespmem:s0+$0xB0];
	v10 =	vmul.f32 v11, v10;
	v9 =	vmul.f32 v9, v12  }
0x1d4: {  	v11 =	vld [tilespmem:s0+$0xFFFFFF80];
	v5 =	vadd.f32 v6, v5;
	v6 =	vmul.f32 v18, v17  }
0x1d5: {  	v12 =	vld [tilespmem:s24+$0xFFFFFF80];
	v9 =	vadd.f32 v10, v9;
	v10 =	vmul.f32 v14, v13  }
0x1d6: {  	v13 =	vld [tilespmem:s0+$0xFFFFFF90];
	v5 =	vadd.f32 v6, v5;
	v6 =	vmul.f32 v20, v19  }
0x1d7: {  	v14 =	vld [tilespmem:s24+$0xFFFFFF90];
	v9 =	vadd.f32 v10, v9;
	v10 =	vmul.f32 v60, v15  }
0x1d8: {  	v15 =	vld [tilespmem:s0+$0xFFFFFFA0];
	v5 =	vadd.f32 v6, v5;
	v6 =	vmul.f32 v22, v21  }
0x1d9: {  	v62 =	vld [tilespmem:s24+$0xFFFFFFA0];
	v9 =	vadd.f32 v10, v9;
	v10 =	vmul.f32 v11, v61  }
0x1da: {  	v11 =	vld [tilespmem:s0+$0xFFFFFFB0];
	v5 =	vadd.f32 v6, v5;
	v6 =	vmul.f32 v24, v23  }
0x1db: {  	v63 =	vld [tilespmem:s24+$0xFFFFFFB0];
	v9 =	vadd.f32 v10, v9;
	v10 =	vmul.f32 v13, v12  }
0x1dc: {  	v12 =	vld [tilespmem:s0+$0xFFFFFFC0];
	v5 =	vadd.f32 v6, v5;
	v6 =	vmul.f32 v26, v25  }
0x1dd: {  	v7 =	vmul.f32 v8, v7;
	v8 =	vld [tilespmem:s0+$0xFFFFFFD0];
	v9 =	vadd.f32 v10, v9;
	v10 =	vmul.f32 v15, v14  }
0x1de: {  	v13 =	vadd.f32 v6, v5;
	v5 =	vld [tilespmem:s24+$0xFFFFFFC0]  }
0x1df: {  	v6 =	vld [tilespmem:s24+$0xFFFFFFD0];
	v11 =	vmul.f32 v11, v62;
	v10 =	vadd.f32 v10, v9  }
0x1e0: {  	v9 =	vld [tilespmem:s0+$0xFFFFFFE0];
	v13 =	vadd.f32 v7, v13  }
0x1e1: {  	s21 =	simm.s32 $0xC2B0;
	v7 =	vld [tilespmem:s24+$0xFFFFFFE0];
	v12 =	vmul.f32 v12, v63;
	v11 =	vadd.f32 v11, v10  }
0x1e2: {  	s18 =	simm.s32 $0x270;
	s29 =	simm.s32 $0x2C10;
	s24 =	simm.s32 $0x0;
	v10 =	vld [tilespmem:s0+$0xFFFFFFF0];
	[tilespmem:s21+$0x0] =	vst v13  }
.LBB2_15:
0x1e3: {  	v13 =	vld [tilespmem:s29+$0x0];
	v11 =	vadd.f32 v12, v11;
	v5 =	vmul.f32 v8, v5;
	s0 =	sadd.s32 $0x180, s0  }
0x1e4: {  	v8 =	vld [tilespmem:s0+$0x0]  }
0x1e5: {  	v12 =	vld [tilespmem:s29+$0x10];
	v5 =	vadd.f32 v5, v11;
	v6 =	vmul.f32 v9, v6  }
0x1e6: {  	s24 =	sadd.s32 $0x2, s24;
	v9 =	vld [tilespmem:s0+$0x10]  }
0x1e7: {  	p1 =	slt.u32 s24, $0x2E;
	v11 =	vld [tilespmem:s29+$0x20];
	v5 =	vadd.f32 v6, v5;
	v6 =	vmul.f32 v10, v7  }
0x1e8: {  	v7 =	vld [tilespmem:s0+$0x20]  }
0x1e9: {  	v10 =	vld [tilespmem:s29+$0x30];
	v5 =	vadd.f32 v6, v5  }
0x1ea: {  	v6 =	vld [tilespmem:s0+$0x30]  }
0x1eb: {  	v8 =	vmul.f32 v8, v13;
	v9 =	vmul.f32 v9, v12;
	v12 =	vld [tilespmem:s29+$0x40];
	[tilespmem:s21+$0xFFFFFFF0] =	vst v5  }
0x1ec: {  	v5 =	vld [tilespmem:s0+$0x40]  }
0x1ed: {  	v8 =	vadd.f32 v9, v8;
	v7 =	vmul.f32 v7, v11;
	v9 =	vld [tilespmem:s29+$0x50]  }
0x1ee: {  	v11 =	vld [tilespmem:s0+$0x50]  }
0x1ef: {  	v7 =	vadd.f32 v7, v8;
	v6 =	vmul.f32 v6, v10;
	v8 =	vld [tilespmem:s29+$0x60]  }
0x1f0: {  	v10 =	vld [tilespmem:s0+$0x60]  }
0x1f1: {  	v6 =	vadd.f32 v6, v7;
	v5 =	vmul.f32 v5, v12;
	v7 =	vld [tilespmem:s29+$0x70]  }
0x1f2: {  	v12 =	vld [tilespmem:s0+$0x70]  }
0x1f3: {  	v5 =	vadd.f32 v5, v6;
	v6 =	vmul.f32 v11, v9;
	v9 =	vld [tilespmem:s29+$0x80]  }
0x1f4: {  	v11 =	vld [tilespmem:s0+$0x80]  }
0x1f5: {  	v5 =	vadd.f32 v6, v5;
	v6 =	vmul.f32 v10, v8;
	v8 =	vld [tilespmem:s29+$0x90]  }
0x1f6: {  	v10 =	vld [tilespmem:s0+$0x90]  }
0x1f7: {  	v5 =	vadd.f32 v6, v5;
	v6 =	vmul.f32 v12, v7;
	v7 =	vld [tilespmem:s29+$0xA0]  }
0x1f8: {  	v12 =	vld [tilespmem:s0+$0xA0]  }
0x1f9: {  	v5 =	vadd.f32 v6, v5;
	v6 =	vmul.f32 v11, v9;
	v9 =	vld [tilespmem:s29+$0xB0]  }
0x1fa: {  	v11 =	vld [tilespmem:s0+$0xB0]  }
0x1fb: {  	v13 =	vld [tilespmem:s0+$0xFFFFFF40];
	v5 =	vadd.f32 v6, v5;
	v6 =	vmul.f32 v10, v8  }
0x1fc: {  	v8 =	vld [tilespmem:s29+$0xFFFFFF40]  }
0x1fd: {  	v10 =	vld [tilespmem:s0+$0xFFFFFF50];
	v5 =	vadd.f32 v6, v5;
	v6 =	vmul.f32 v12, v7  }
0x1fe: {  	v7 =	vld [tilespmem:s29+$0xFFFFFF30]  }
0x1ff: {  	v12 =	vld [tilespmem:s29+$0xFFFFFF50];
	v5 =	vadd.f32 v6, v5;
	v6 =	vmul.f32 v11, v9  }
0x200: {  	v9 =	vld [tilespmem:s0+$0xFFFFFF60]  }
0x201: {  	v11 =	vld [tilespmem:s29+$0xFFFFFF60];
	v5 =	vadd.f32 v6, v5  }
0x202: {  	s21 =	sadd.s32 $0x20, s21;
	v6 =	vmul.f32 v10, v8;
	v8 =	vld [tilespmem:s0+$0xFFFFFF70]  }
0x203: {  	s12 =	simm.s32 $0x0;
	s13 =	simm.s32 $0xC5A0;
	v7 =	vmul.f32 v13, v7;
	v10 =	vld [tilespmem:s29+$0xFFFFFF70];
	[tilespmem:s21+$0x0] =	vst v5  }
0x204: {  	v5 =	vld [tilespmem:s0+$0xFFFFFF80]  }
0x205: {  	v6 =	vadd.f32 v6, v7;
	v7 =	vmul.f32 v9, v12;
	v9 =	vld [tilespmem:s29+$0xFFFFFF80]  }
0x206: {  	v12 =	vld [tilespmem:s0+$0xFFFFFF90]  }
0x207: {  	v6 =	vadd.f32 v7, v6;
	v7 =	vmul.f32 v8, v11;
	v8 =	vld [tilespmem:s29+$0xFFFFFF90]  }
0x208: {  	v11 =	vld [tilespmem:s0+$0xFFFFFFA0]  }
0x209: {  	v6 =	vadd.f32 v7, v6;
	v5 =	vmul.f32 v5, v10;
	v7 =	vld [tilespmem:s29+$0xFFFFFFA0]  }
0x20a: {  	v10 =	vld [tilespmem:s0+$0xFFFFFFB0]  }
0x20b: {  	v5 =	vadd.f32 v5, v6;
	v6 =	vmul.f32 v12, v9;
	v12 =	vld [tilespmem:s29+$0xFFFFFFB0]  }
0x20c: {  	v13 =	vld [tilespmem:s0+$0xFFFFFFC0]  }
0x20d: {  	v6 =	vadd.f32 v6, v5;
	v9 =	vmul.f32 v11, v8;
	v5 =	vld [tilespmem:s29+$0xFFFFFFC0]  }
.Ltmp6:
0x20e: {  	v8 =	vld [tilespmem:s0+$0xFFFFFFD0];
	(pc) =	sbr.rel @p1 .LBB2_15-.Ltmp6, $4  }
0x20f: {  	v11 =	vadd.f32 v9, v6;
	v7 =	vmul.f32 v10, v7;
	v6 =	vld [tilespmem:s29+$0xFFFFFFD0]  }
0x210: {  	v9 =	vld [tilespmem:s0+$0xFFFFFFE0]  }
0x211: {  	v11 =	vadd.f32 v7, v11;
	v12 =	vmul.f32 v13, v12;
	v7 =	vld [tilespmem:s29+$0xFFFFFFE0]  }
0x212: {  	s29 =	sadd.s32 $0x1A0, s29;
	v10 =	vld [tilespmem:s0+$0xFFFFFFF0]  }
0x213: {  	v11 =	vadd.f32 v12, v11;
	v5 =	vmul.f32 v8, v5;
	_ =	sdelay $0x1  }
0x214: {  	v5 =	vadd.f32 v5, v11;
	v6 =	vmul.f32 v9, v6;
	_ =	sdelay $0x1  }
0x215: {  	v5 =	vadd.f32 v6, v5;
	v6 =	vmul.f32 v10, v7;
	_ =	sdelay $0x1  }
0x216: {  	v5 =	vadd.f32 v6, v5;
	_ =	sdelay $0x1  }
0x217: {  	s0 =	simm.s32 $0x0;
	[tilespmem:s21+$0xFFFFFFF0] =	vst v5  }
.LBB2_17:
0x218: {  	v5 =	vor.u32 s0, v4  }
0x219: {  	v6 =	vshll.u32 v5, $0x4  }
0x21a: {  	v7 =	vor.u32 $0x1, v6;
	_ =	sdelay $0x1  }
0x21b: {  	v8 =	vor.u32 $0x2, v6;
	_ =	sdelay $0x1  }
0x21c: {  	v10 =	vor.u32 $0x3, v6;
	v9 =	vld.idx.msk [tilespmem:v6+s10+$0x0], $0xffff  }
0x21d: {  	v11 =	vld.idx.msk [tilespmem:v7+s10+$0x0], $0xffff  }
0x21e: {  	v12 =	vor.u32 $0x4, v6  }
0x21f: {  	v8 =	vld.idx.msk [tilespmem:v8+s10+$0x0], $0xffff  }
0x220: {  	v13 =	vor.u32 $0x5, v6  }
0x221: {  	v10 =	vld.idx.msk [tilespmem:v10+s10+$0x0], $0xffff  }
0x222: {  	v51 =	vor.u32 $0x6, v6;
	v9 =	vadd.f32 v11, v9  }
0x223: {  	v12 =	vld.idx.msk [tilespmem:v12+s10+$0x0], $0xffff  }
0x224: {  	v52 =	vor.u32 $0x7, v6;
	v8 =	vadd.f32 v8, v9  }
0x225: {  	v13 =	vld.idx.msk [tilespmem:v13+s10+$0x0], $0xffff  }
0x226: {  	v53 =	vor.u32 $0x8, v6;
	v8 =	vadd.f32 v10, v8  }
0x227: {  	v11 =	vld.idx.msk [tilespmem:v51+s10+$0x0], $0xffff  }
0x228: {  	v54 =	vor.u32 $0x9, v6;
	v8 =	vadd.f32 v12, v8  }
0x229: {  	v9 =	vld.idx.msk [tilespmem:v52+s10+$0x0], $0xffff  }
0x22a: {  	v55 =	vor.u32 $0xA, v6;
	v8 =	vadd.f32 v13, v8  }
0x22b: {  	v10 =	vld.idx.msk [tilespmem:v53+s10+$0x0], $0xffff  }
0x22c: {  	v56 =	vor.u32 $0xB, v6;
	v8 =	vadd.f32 v11, v8  }
0x22d: {  	v12 =	vld.idx.msk [tilespmem:v54+s10+$0x0], $0xffff  }
0x22e: {  	v57 =	vor.u32 $0xC, v6;
	v8 =	vadd.f32 v9, v8  }
0x22f: {  	v13 =	vld.idx.msk [tilespmem:v55+s10+$0x0], $0xffff  }
0x230: {  	v58 =	vor.u32 $0xD, v6;
	v8 =	vadd.f32 v10, v8  }
0x231: {  	v5 =	vmul.u32 $0xD0, v5;
	v11 =	vld.idx.msk [tilespmem:v56+s10+$0x0], $0xffff  }
0x232: {  	v14 =	vor.u32 $0xE, v6;
	v8 =	vadd.f32 v12, v8  }
0x233: {  	v15 =	vadd.s32 $0xC0, v5;
	v9 =	vld.idx.msk [tilespmem:v57+s10+$0x0], $0xffff  }
0x234: {  	v59 =	vor.u32 $0xF, v6;
	v8 =	vadd.f32 v13, v8  }
0x235: {  	v10 =	vld.idx.msk [tilespmem:v58+s10+$0x0], $0xffff  }
0x236: {  	v62 =	vld [tilespmem:s18+$0x0];
	v8 =	vadd.f32 v11, v8  }
0x237: {  	v60 =	vld.idx.msk [tilespmem:v14+s10+$0x0], $0xffff  }
0x238: {  	v5 =	vadd.s32 $0xC1, v5;
	v61 =	vld.idx.msk [tilespmem:v15+s26+$0x0], $0xffff;
	v8 =	vadd.f32 v9, v8  }
0x239: {  	v12 =	vld.idx.msk [tilespmem:v59+s10+$0x0], $0xffff  }
0x23a: {  	v8 =	vadd.f32 v10, v8;
	_ =	sdelay $0x1  }
0x23b: {  	v8 =	vadd.f32 v60, v8  }
0x23c: {  	v5 =	vld.idx.msk [tilespmem:v5+s26+$0x0], $0xffff  }
0x23d: {  	v9 =	vmul.f32 v62, v61;
	v8 =	vadd.f32 v12, v8;
	_ =	sdelay $0x1  }
0x23e: {  	v8 =	vadd.f32 v9, v8;
	_ =	sdelay $0x1  }
0x23f: {  	v5 =	vadd.f32 v8, v5;
	_ =	sdelay $0x1  }
0x240: {  	v5 =	vmul.f32 $7.216878240e-02, v5;
	_ =	sdelay $0x1  }
0x241: {  	v5 =	vmul.f32 $1.442695020e+00, v5;
	_ =	sdelay $0x1  }
0x242: {  	(erf) = vpow2.f32 v5;
	_ =	sdelay $0x6  }
0x243: {  	p1 =	sne.s32 s0, $0x20  }
.Ltmp7:
0x244: {  	_ = 	snop;
	(pc) =	sbr.rel @p1 .LBB2_17-.Ltmp7, $4  }
0x245: {  	v5 =	vpop (erf)  }
0x246: {  	[tilespmem:s13+$0x0] =	vst v5;
	v63 =	vmul.f32 v5, v62  }
0x247: {  	[tilespmem:v6+s30+$0x0] =	vst.idx.msk $0xffff, v5  }
0x248: {  	s18 =	sadd.s32 $0x10, s18;
	s0 =	sadd.s32 $0x10, s0;
	s13 =	sadd.s32 $0x10, s13;
	[tilespmem:v7+s30+$0x0] =	vst.idx.msk $0xffff, v63  }
0x249: {  	v5 =	vmov s12  }
0x24a: {  	v5 =	vand.u32 $0xFFFFFFFE, v5  }
0x24b: {  	s0 =	simm.s32 $0xAB00;
	v5 =	vbroadcast v5, $0x0  }
0x24c: {  	v6 =	vld [tilespmem:s0+$0xFFFFFFF0]  }
0x24d: {  	v7 =	vld [tilespmem:s0+$0xFFFFFFA0]  }
0x24e: {  	v8 =	vld [tilespmem:s0+$0xFFFFFFB0]  }
0x24f: {  	v9 =	vld [tilespmem:s0+$0xFFFFFFC0]  }
0x250: {  	v10 =	vld [tilespmem:s0+$0xFFFFFFD0]  }
0x251: {  	v5 =	vld.idx.msk [tilespmem:v5+s14+$0x0], $0xffff  }
0x252: {  	s24 =	simm.s32 $0x1;
	v14 =	vld [tilespmem:s0+$0xFFFFFFE0]  }
0x253: {  	v11 =	vmov s24;
	v12 =	vunpack.i.u.bf16.f32 v6;
	v6 =	vunpack.i.l.bf16.f32 v6  }
0x254: {  	v23 =	vld [tilespmem:s0+$0x10];
	v13 =	vunpack.i.u.bf16.f32 v7;
	v7 =	vunpack.i.l.bf16.f32 v7;
	v16 =	vunpack.i.u.bf16.f32 v8  }
0x255: {  	v27 =	vld [tilespmem:s0+$0x20];
	v18 =	vunpack.i.l.bf16.f32 v8;
	v8 =	vunpack.i.u.bf16.f32 v9;
	v9 =	vunpack.i.l.bf16.f32 v9  }
0x256: {  	v28 =	vld [tilespmem:s0+$0x30];
	v20 =	vunpack.i.l.bf16.f32 v10;
	v6 =	vmul.f32 v6, v5;
	v12 =	vmul.f32 v12, v5  }
0x257: {  	v15 =	vld [tilespmem:s0+$0x0];
	v17 =	vunpack.i.l.bf16.f32 v14;
	v19 =	vmul.f32 v7, v5;
	v22 =	vmul.f32 v13, v5  }
0x258: {  	v25 =	vld [tilespmem:s0+$0x40];
	v13 =	vunpack.i.u.bf16.f32 v14;
	v21 =	vmul.f32 v18, v5;
	v24 =	vmul.f32 v16, v5  }
0x259: {  	s21 =	simm.s32 $0x2;
	v26 =	vld [tilespmem:s0+$0x50];
	v7 =	vunpack.i.u.bf16.f32 v23;
	v16 =	vunpack.i.l.bf16.f32 v23;
	v23 =	vmul.f32 v9, v5  }
0x25a: {  	v9 =	vunpack.i.u.bf16.f32 v27;
	v14 =	vunpack.i.l.bf16.f32 v27;
	v27 =	vmov s21  }
0x25b: {  	v18 =	vunpack.i.l.bf16.f32 v28;
	v6 =	vpack.i.f32.bf16 v12, v6;
	v12 =	vunpack.i.u.bf16.f32 v10  }
0x25c: {  	s12 =	simm.s32 $0x4;
	s18 =	simm.s32 $0xAB00;
	s29 =	simm.s32 $0x98A0;
	v10 =	vunpack.i.u.bf16.f32 v15;
	v15 =	vunpack.i.l.bf16.f32 v15;
	[tilespmem:s0+$0xFFFFFFF0] =	vst v6;
	v6 =	vld.idx.msk [tilespmem:v11+s14+$0x0], $0xffff;
	v11 =	vunpack.i.u.bf16.f32 v28  }
.LBB2_19:
0x25d: {  	p1 =	slt.u32 s12, $0x2E;
	v27 =	vand.u32 $0xFFFFFFFE, v27;
	v28 =	vunpack.i.u.bf16.f32 v25;
	v25 =	vunpack.i.l.bf16.f32 v25  }
0x25e: {  	v27 =	vbroadcast v27, $0x0;
	v29 =	vunpack.i.u.bf16.f32 v26;
	v26 =	vunpack.i.l.bf16.f32 v26  }
0x25f: {  	v19 =	vpack.i.f32.bf16 v22, v19;
	v8 =	vmul.f32 v8, v5;
	v20 =	vmul.f32 v20, v5  }
0x260: {  	v12 =	vmul.f32 v12, v5;
	v17 =	vmul.f32 v17, v5;
	[tilespmem:s0+$0xFFFFFFA0] =	vst v19;
	v19 =	vpack.i.f32.bf16 v24, v21  }
0x261: {  	v5 =	vmul.f32 v13, v5;
	v8 =	vpack.i.f32.bf16 v8, v23;
	v13 =	vmul.f32 v15, v6;
	[tilespmem:s0+$0xFFFFFFB0] =	vst v19  }
0x262: {  	v10 =	vmul.f32 v10, v6;
	s0 =	sadd.s32 $0xC0, s0;
	[tilespmem:s18+$0xFFFFFFC0] =	vst v8;
	v8 =	vpack.i.f32.bf16 v12, v20;
	v12 =	vmul.f32 v16, v6  }
0x263: {  	v7 =	vmul.f32 v7, v6;
	v14 =	vmul.f32 v14, v6;
	v15 =	vld [tilespmem:s0+$0xFFFFFFF0];
	[tilespmem:s18+$0xFFFFFFD0] =	vst v8;
	v8 =	vpack.i.f32.bf16 v5, v17  }
0x264: {  	v9 =	vmul.f32 v9, v6;
	v10 =	vpack.i.f32.bf16 v10, v13;
	v13 =	vmul.f32 v18, v6;
	v5 =	vld.idx.msk [tilespmem:v27+s14+$0x0], $0xffff  }
0x265: {  	v7 =	vpack.i.f32.bf16 v7, v12;
	v16 =	vld [tilespmem:s0+$0xFFFFFFA0];
	[tilespmem:s18+$0xFFFFFFE0] =	vst v8;
	v8 =	vmul.f32 v11, v6;
	v11 =	vmul.f32 v25, v6  }
0x266: {  	v9 =	vpack.i.f32.bf16 v9, v14;
	v14 =	vmul.f32 v26, v6;
	v12 =	vld [tilespmem:s0+$0xFFFFFFB0];
	[tilespmem:s18+$0x0] =	vst v10;
	v10 =	vmul.f32 v28, v6  }
0x267: {  	s13 =	sadd.s32 $0x1, s21;
	s21 =	smov.u32 s12;
	v6 =	vmul.f32 v29, v6;
	v17 =	vld [tilespmem:s0+$0xFFFFFFC0];
	[tilespmem:s18+$0x10] =	vst v7;
	v7 =	vpack.i.f32.bf16 v8, v13  }
0x268: {  	v18 =	vmov s13;
	v13 =	vld [tilespmem:s0+$0xFFFFFFD0];
	[tilespmem:s18+$0x20] =	vst v9;
	v8 =	vpack.i.f32.bf16 v10, v11  }
0x269: {  	v10 =	vunpack.i.u.bf16.f32 v15;
	v11 =	vunpack.i.l.bf16.f32 v15;
	v6 =	vpack.i.f32.bf16 v6, v14;
	v9 =	vld [tilespmem:s0+$0xFFFFFFE0];
	[tilespmem:s18+$0x30] =	vst v7  }
0x26a: {  	v11 =	vmul.f32 v11, v5;
	v10 =	vmul.f32 v10, v5;
	v7 =	vunpack.i.u.bf16.f32 v16;
	v14 =	vld [tilespmem:s0+$0x0];
	[tilespmem:s18+$0x40] =	vst v8  }
0x26b: {  	v15 =	vunpack.i.l.bf16.f32 v16;
	v16 =	vunpack.i.u.bf16.f32 v12;
	v21 =	vunpack.i.l.bf16.f32 v12;
	v23 =	vld [tilespmem:s0+$0x10];
	[tilespmem:s18+$0x50] =	vst v6;
	s18 =	smov.u32 s0  }
0x26c: {  	v10 =	vpack.i.f32.bf16 v10, v11;
	v8 =	vunpack.i.u.bf16.f32 v17;
	v6 =	vunpack.i.l.bf16.f32 v17;
	v11 =	vld [tilespmem:s0+$0x20]  }
0x26d: {  	v19 =	vmul.f32 v15, v5;
	v12 =	vunpack.i.u.bf16.f32 v13;
	v20 =	vunpack.i.l.bf16.f32 v13;
	[tilespmem:s0+$0xFFFFFFF0] =	vst v10;
	v28 =	vld [tilespmem:s0+$0x30]  }
.Ltmp8:
0x26e: {  	v22 =	vmul.f32 v7, v5;
	v13 =	vunpack.i.u.bf16.f32 v9;
	v17 =	vunpack.i.l.bf16.f32 v9;
	v25 =	vld [tilespmem:s0+$0x40];
	(pc) =	sbr.rel @p1 .LBB2_19-.Ltmp8, $4  }
0x26f: {  	v21 =	vmul.f32 v21, v5;
	v10 =	vunpack.i.u.bf16.f32 v14;
	v15 =	vunpack.i.l.bf16.f32 v14;
	v26 =	vld [tilespmem:s0+$0x50]  }
0x270: {  	v24 =	vmul.f32 v16, v5;
	v7 =	vunpack.i.u.bf16.f32 v23;
	v16 =	vunpack.i.l.bf16.f32 v23  }
0x271: {  	v23 =	vmul.f32 v6, v5;
	v6 =	vld.idx.msk [tilespmem:v18+s14+$0x0], $0xffff;
	v9 =	vunpack.i.u.bf16.f32 v11;
	v14 =	vunpack.i.l.bf16.f32 v11  }
0x272: {  	s12 =	sadd.s32 $0x2, s12;
	v27 =	vmov s21;
	v11 =	vunpack.i.u.bf16.f32 v28;
	v18 =	vunpack.i.l.bf16.f32 v28  }
0x273: {  	v8 =	vmul.f32 v8, v5  }
0x274: {  	v20 =	vmul.f32 v20, v5;
	v12 =	vmul.f32 v12, v5;
	s13 =	sadd.s32 $0xC0, s0  }
0x275: {  	v27 =	vand.u32 $0xFFFFFFFE, v27;
	v17 =	vmul.f32 v17, v5;
	v5 =	vmul.f32 v13, v5;
	v13 =	vld [tilespmem:s13+$0xFFFFFFF0]  }
0x276: {  	v28 =	vunpack.i.u.bf16.f32 v25;
	v57 =	vunpack.i.l.bf16.f32 v25;
	v19 =	vpack.i.f32.bf16 v22, v19;
	v61 =	vld [tilespmem:s13+$0xFFFFFFA0]  }
0x277: {  	v21 =	vpack.i.f32.bf16 v24, v21;
	v27 =	vbroadcast v27, $0x0;
	v29 =	vunpack.i.u.bf16.f32 v26;
	v62 =	vld [tilespmem:s13+$0xFFFFFFC0]  }
0x278: {  	s12 =	sadd.s32 $0x1, s21;
	v58 =	vunpack.i.l.bf16.f32 v26;
	v30 =	vld [tilespmem:s13+$0xFFFFFFD0];
	v15 =	vmul.f32 v15, v6;
	v10 =	vmul.f32 v10, v6  }
0x279: {  	v59 =	vmov s12;
	v32 =	vld [tilespmem:s13+$0xFFFFFFE0];
	v16 =	vmul.f32 v16, v6;
	v7 =	vmul.f32 v7, v6  }
0x27a: {  	v34 =	vld [tilespmem:s13+$0x0];
	v8 =	vpack.i.f32.bf16 v8, v23;
	v14 =	vmul.f32 v14, v6;
	v9 =	vmul.f32 v9, v6  }
0x27b: {  	v36 =	vld [tilespmem:s13+$0x10];
	v12 =	vpack.i.f32.bf16 v12, v20;
	v18 =	vmul.f32 v18, v6;
	v11 =	vmul.f32 v11, v6  }
0x27c: {  	v38 =	vld [tilespmem:s13+$0x20];
	v5 =	vpack.i.f32.bf16 v5, v17;
	v63 =	vmul.f32 v57, v6;
	v31 =	vmul.f32 v58, v6  }
0x27d: {  	v39 =	vld [tilespmem:s13+$0x30];
	v10 =	vpack.i.f32.bf16 v10, v15;
	v7 =	vpack.i.f32.bf16 v7, v16;
	v9 =	vpack.i.f32.bf16 v9, v14  }
0x27e: {  	[tilespmem:s0+$0xFFFFFFA0] =	vst v19;
	v42 =	vld [tilespmem:s13+$0x50];
	v14 =	vmul.f32 v28, v6;
	v11 =	vpack.i.f32.bf16 v11, v18;
	v6 =	vmul.f32 v29, v6  }
0x27f: {  	v15 =	vld [tilespmem:s13+$0xFFFFFFB0];
	v33 =	vunpack.i.u.bf16.f32 v13;
	v13 =	vunpack.i.l.bf16.f32 v13;
	v35 =	vunpack.i.u.bf16.f32 v61;
	[tilespmem:s18+$0x0] =	vst v10  }
0x280: {  	v17 =	vunpack.i.l.bf16.f32 v61;
	v16 =	vunpack.i.l.bf16.f32 v62;
	v10 =	vunpack.i.l.bf16.f32 v30;
	[tilespmem:s18+$0x10] =	vst v7;
	v60 =	vld.idx.msk [tilespmem:v27+s14+$0x0], $0xffff  }
0x281: {  	v41 =	vunpack.i.u.bf16.f32 v32;
	v7 =	vunpack.i.l.bf16.f32 v32;
	v43 =	vunpack.i.u.bf16.f32 v34;
	[tilespmem:s18+$0x20] =	vst v9  }
0x282: {  	v9 =	vunpack.i.l.bf16.f32 v34;
	v44 =	vunpack.i.u.bf16.f32 v36;
	[tilespmem:s18+$0x30] =	vst v11;
	v11 =	vunpack.i.l.bf16.f32 v36  }
0x283: {  	[tilespmem:s0+$0xFFFFFFB0] =	vst v21;
	v45 =	vunpack.i.u.bf16.f32 v38;
	v46 =	vunpack.i.l.bf16.f32 v38;
	v47 =	vunpack.i.u.bf16.f32 v39  }
0x284: {  	v40 =	vld [tilespmem:s13+$0x40];
	[tilespmem:s18+$0xFFFFFFC0] =	vst v8;
	v48 =	vunpack.i.u.bf16.f32 v42;
	v14 =	vpack.i.f32.bf16 v14, v63;
	v6 =	vpack.i.f32.bf16 v6, v31  }
0x285: {  	[tilespmem:s18+$0xFFFFFFD0] =	vst v12;
	v27 =	vunpack.i.l.bf16.f32 v39;
	v37 =	vunpack.i.u.bf16.f32 v15;
	v13 =	vmul.f32 v13, v60  }
0x286: {  	[tilespmem:s18+$0x40] =	vst v14;
	v14 =	vld.idx.msk [tilespmem:v59+s14+$0x0], $0xffff;
	v12 =	vunpack.i.l.bf16.f32 v15;
	v8 =	vmul.f32 v33, v60;
	v21 =	vmul.f32 v35, v60  }
0x287: {  	v15 =	vunpack.i.u.bf16.f32 v62;
	v12 =	vmul.f32 v12, v60;
	v19 =	vmul.f32 v37, v60  }
0x288: {  	[tilespmem:s18+$0xFFFFFFE0] =	vst v5;
	v16 =	vmul.f32 v16, v60;
	v5 =	vpack.i.f32.bf16 v8, v13;
	v8 =	vmul.f32 v17, v60  }
0x289: {  	[tilespmem:s18+$0x50] =	vst v6;
	v6 =	vunpack.i.u.bf16.f32 v40;
	v15 =	vmul.f32 v15, v60;
	v10 =	vmul.f32 v10, v60  }
0x28a: {  	v7 =	vmul.f32 v7, v60;
	v13 =	vunpack.i.u.bf16.f32 v30;
	[tilespmem:s13+$0xFFFFFFF0] =	vst v5;
	v8 =	vpack.i.f32.bf16 v21, v8  }
0x28b: {  	v9 =	vmul.f32 v9, v14;
	[tilespmem:s13+$0xFFFFFFA0] =	vst v8;
	v8 =	vpack.i.f32.bf16 v19, v12;
	v12 =	vmul.f32 v13, v60  }
0x28c: {  	v11 =	vmul.f32 v11, v14;
	v13 =	vmul.f32 v41, v60;
	[tilespmem:s13+$0xFFFFFFB0] =	vst v8;
	v8 =	vpack.i.f32.bf16 v15, v16  }
0x28d: {  	v6 =	vmul.f32 v6, v14;
	[tilespmem:s13+$0xFFFFFFC0] =	vst v8;
	v8 =	vpack.i.f32.bf16 v12, v10;
	v10 =	vmul.f32 v43, v14  }
0x28e: {  	v17 =	vunpack.i.l.bf16.f32 v40;
	v7 =	vpack.i.f32.bf16 v13, v7;
	[tilespmem:s13+$0xFFFFFFD0] =	vst v8;
	v8 =	vmul.f32 v44, v14  }
0x28f: {  	v12 =	vmul.f32 v46, v14;
	[tilespmem:s13+$0xFFFFFFE0] =	vst v7;
	v9 =	vpack.i.f32.bf16 v10, v9;
	v10 =	vmul.f32 v45, v14  }
0x290: {  	v7 =	vmul.f32 v27, v14;
	v8 =	vpack.i.f32.bf16 v8, v11;
	v11 =	vmul.f32 v47, v14;
	[tilespmem:s13+$0x0] =	vst v9  }
0x291: {  	v5 =	vunpack.i.l.bf16.f32 v42;
	v9 =	vmul.f32 v17, v14;
	v10 =	vpack.i.f32.bf16 v10, v12;
	[tilespmem:s13+$0x10] =	vst v8  }
0x292: {  	v5 =	vmul.f32 v5, v14;
	v8 =	vmul.f32 v48, v14;
	v7 =	vpack.i.f32.bf16 v11, v7;
	[tilespmem:s13+$0x20] =	vst v10  }
0x293: {  	v6 =	vpack.i.f32.bf16 v6, v9;
	[tilespmem:s13+$0x30] =	vst v7  }
0x294: {  	v5 =	vpack.i.f32.bf16 v8, v5;
	[tilespmem:s13+$0x40] =	vst v6  }
0x295: {  	s21 =	simm.s32 $0xAAA0;
	s18 =	simm.s32 $0x150;
	[tilespmem:s13+$0x50] =	vst v5  }
0x296: {  	[spmem:s2] =	stream.indirect.scatter.add.bf16 [tilespmem:s21], [sflag:$0x6], $0x60, s18, s20, $0xb8;
	[tilespmem:$0x1DEB0] =	vst v63  }
0x297: {  	s0 =	simm.s32 @!p0 $0x4  }
0x298: {  	[spmem:s3] =	stream.indirect.scatter.add.f32 [tilespmem:s30], [sflag:$0x6], $0x10, s18, s20, $0xb8;
	[tilespmem:$0x1DEB0] =	vst v63  }
0x299: {  	_ =	swait.ge @!p0 [sflag:s0], $0x90  }
0x29a: {  	[sflag:s0] =	ssyncset.done @!p0 $0x0  }
0x29b: {  	[sflag:s0] =	ssyncadd.s32 @!p0 $0xFFFFFF70;
	s0 =	simm.s32 @!p0 $0x6  }
0x29c: {  	_ =	swait.ge @!p0 [sflag:s0], $0x1200  }
0x29d: {  	[sflag:s0] =	ssyncset.done @!p0 $0x0  }
0x29e: {  	[sflag:s0] =	ssyncadd.s32 @!p0 $0xFFFFEE00  }
0x29f: {  	_ =	swait.ge @!p0 [sflag:s0], $0x300  }
0x2a0: {  	[sflag:s0] =	ssyncset.done @!p0 $0x0  }
0x2a1: {  	[sflag:s0] =	ssyncadd.s32 @!p0 $0xFFFFFD00  }
0x2a2: {  	v5 =	vld @!p0 [tilespmem:$0x90]  }
0x2a3: {  	v6 =	vld @!p0 [tilespmem:$0xC0]  }
0x2a4: {  	v7 =	vld @!p0 [tilespmem:$0xF0]  }
0x2a5: {  	v8 =	vld @!p0 [tilespmem:$0xA0]  }
0x2a6: {  	v9 =	vld @!p0 [tilespmem:$0xD0];
	_ =	sdelay $0x1  }
0x2a7: {  	[tilespmem:$0x150] =	vst @!p0 v6  }
0x2a8: {  	v5 =	vadd.s32 @!p0 v0, v5;
	vm0 =	vlt.s32 @!p0 v6, $0x270F;
	[tilespmem:$0x270] =	vst @!p0 v7  }
0x2a9: {  	v10 =	vld @!p0 [tilespmem:$0x100];
	v7 =	vadd.s32 @!p0 v0, v8;
	[tilespmem:$0x1B0] =	vst @!p0 v5;
	v5 =	vnsel @!p0 vm0, $0x270F, v6  }
0x2aa: {  	v6 =	vld @!p0 [tilespmem:$0xB0];
	vm0 =	vlt.s32 @!p0 v9, $0x270F;
	[tilespmem:$0x1C0] =	vst @!p0 v7;
	v5 =	vadd.s32 @!p0 v0, v5  }
0x2ab: {  	v7 =	vnsel @!p0 vm0, $0x270F, v9;
	[tilespmem:$0x210] =	vst @!p0 v5;
	v5 =	vld @!p0 [tilespmem:$0xE0]  }
0x2ac: {  	v7 =	vadd.s32 @!p0 v0, v7  }
0x2ad: {  	[tilespmem:$0x220] =	vst @!p0 v7;
	v7 =	vld @!p0 [tilespmem:$0x110]  }
0x2ae: {  	[tilespmem:$0x160] =	vst @!p0 v9  }
0x2af: {  	[tilespmem:$0x280] =	vst @!p0 v10;
	v6 =	vadd.s32 @!p0 v0, v6  }
0x2b0: {  	[tilespmem:$0x1D0] =	vst @!p0 v6;
	vm0 =	vlt.s32 @!p0 v5, $0x270F  }
0x2b1: {  	[tilespmem:$0x170] =	vst @!p0 v5;
	v6 =	vnsel @!p0 vm0, $0x270F, v5  }
0x2b2: {  	[tilespmem:$0x290] =	vst @!p0 v7;
	v5 =	vadd.s32 @!p0 v0, v6  }
0x2b3: {  	s12 =	simm.s32 @!p0 $0x210;
	s13 =	simm.s32 @!p0 $0x29A0;
	s0 =	simm.s32 @!p0 $0x30;
	[tilespmem:$0x230] =	vst @!p0 v5  }
0x2b4: {  	[tilespmem:s13], [sflag:$0x2] =	stream.indirect.gather @!p0 [hbm4b:s6+s0], $0xD0, s12, s0, $0xb8;
	[tilespmem:$0x1DEB0] =	vst v63  }
0x2b5: {  	s12 =	simm.s32 @!p0 $0x1B0;
	s13 =	simm.s32 @!p0 $0x74A0  }
0x2b6: {  	[tilespmem:s13], [sflag:$0x2] =	stream.indirect.gather @!p0 [hbm4b:s1+s0], $0xC0, s12, s0, $0xb8;
	[tilespmem:$0x1DEB0] =	vst v63  }
0x2b7: {  	s13 =	sadd.s32 @!p0 s16, s25  }
0x2b8: {  	s16 =	simm.s32 @!p0 $0xAAA0;
	s13 =	smul.u32 @!p0 $0x12, s13  }
0x2b9: {  	[tilespmem:s16], [sflag:$0x2] =	stream.indirect.gather @!p0 [hbm4b:s7+s0], $0x60, s12, s0, $0xb8;
	[tilespmem:$0x1DEB0] =	vst v63  }
0x2ba: {  	s12 =	simm.s32 @!p0 $0x0;
	s0 =	sadd.s32 @!p0 s8, s13  }
0x2bb: {  	[tilespmem:s12], [sflag:$0x3] =	stream.linear.gather @!p0 [hbm4b:s0+s12], $0x90, $0x38;
	[tilespmem:$0x1DEB0] =	vst v63  }
0x2bc: {  	_ =	swait.ge [sflag:s9], $0x2700  }
0x2bd: {  	[sflag:s9] =	ssyncset.done $0x0  }
0x2be: {  	[sflag:s9] =	ssyncadd.s32 $0xFFFFD900  }
0x2bf: {  	_ =	swait.ge [sflag:s9], $0x2400  }
0x2c0: {  	[sflag:s9] =	ssyncset.done $0x0  }
0x2c1: {  	[sflag:s9] =	ssyncadd.s32 $0xFFFFDC00  }
0x2c2: {  	_ =	swait.ge [sflag:s9], $0x1200  }
0x2c3: {  	[sflag:s9] =	ssyncset.done $0x0  }
0x2c4: {  	s24 =	simm.s32 $0x370;
	[sflag:s9] =	ssyncadd.s32 $0xFFFFEE00  }
0x2c5: {  	s0 =	simm.s32 $0x5160;
	v5 =	vld [tilespmem:s24+$0x0]  }
0x2c6: {  	v6 =	vld [tilespmem:s0+$0x0]  }
0x2c7: {  	v7 =	vld [tilespmem:s24+$0x10]  }
0x2c8: {  	v8 =	vld [tilespmem:s0+$0x10]  }
0x2c9: {  	v9 =	vld [tilespmem:s24+$0x20]  }
0x2ca: {  	v10 =	vld [tilespmem:s0+$0x20]  }
0x2cb: {  	v11 =	vld [tilespmem:s24+$0x30]  }
0x2cc: {  	v12 =	vld [tilespmem:s0+$0x30]  }
0x2cd: {  	v13 =	vld [tilespmem:s24+$0x40]  }
0x2ce: {  	v14 =	vld [tilespmem:s0+$0x40]  }
0x2cf: {  	v15 =	vld [tilespmem:s24+$0x50]  }
0x2d0: {  	v49 =	vld [tilespmem:s0+$0x50]  }
0x2d1: {  	v50 =	vld [tilespmem:s24+$0x60]  }
0x2d2: {  	v51 =	vld [tilespmem:s0+$0x60]  }
0x2d3: {  	v52 =	vld [tilespmem:s24+$0x70]  }
0x2d4: {  	v53 =	vld [tilespmem:s0+$0x70]  }
0x2d5: {  	v54 =	vld [tilespmem:s24+$0x80]  }
0x2d6: {  	v55 =	vld [tilespmem:s0+$0x80]  }
0x2d7: {  	v56 =	vld [tilespmem:s24+$0x90]  }
0x2d8: {  	v57 =	vld [tilespmem:s0+$0x90]  }
0x2d9: {  	v58 =	vld [tilespmem:s24+$0xA0]  }
0x2da: {  	v59 =	vld [tilespmem:s0+$0xA0]  }
0x2db: {  	v60 =	vld [tilespmem:s0+$0xFFFFFF70];
	v5 =	vmul.f32 v6, v5;
	v6 =	vmul.f32 v8, v7  }
0x2dc: {  	v61 =	vld [tilespmem:s24+$0xFFFFFF70]  }
0x2dd: {  	v5 =	vadd.f32 v6, v5;
	v6 =	vmul.f32 v10, v9;
	v9 =	vld [tilespmem:s0+$0xFFFFFF40]  }
0x2de: {  	v10 =	vld [tilespmem:s24+$0xFFFFFF40]  }
0x2df: {  	v5 =	vadd.f32 v6, v5;
	v6 =	vmul.f32 v12, v11;
	v11 =	vld [tilespmem:s0+$0xFFFFFF50]  }
0x2e0: {  	v12 =	vld [tilespmem:s24+$0xFFFFFF30]  }
0x2e1: {  	v5 =	vadd.f32 v6, v5;
	v6 =	vmul.f32 v14, v13;
	v13 =	vld [tilespmem:s24+$0xFFFFFF50]  }
0x2e2: {  	v14 =	vld [tilespmem:s0+$0xFFFFFF60]  }
0x2e3: {  	v7 =	vld [tilespmem:s24+$0xB0]  }
0x2e4: {  	v5 =	vadd.f32 v6, v5;
	v6 =	vmul.f32 v49, v15;
	v15 =	vld [tilespmem:s24+$0xFFFFFF60]  }
0x2e5: {  	v8 =	vld [tilespmem:s0+$0xB0];
	v10 =	vmul.f32 v11, v10;
	v9 =	vmul.f32 v9, v12  }
0x2e6: {  	v11 =	vld [tilespmem:s0+$0xFFFFFF80];
	v5 =	vadd.f32 v6, v5;
	v6 =	vmul.f32 v51, v50  }
0x2e7: {  	v12 =	vld [tilespmem:s24+$0xFFFFFF80];
	v9 =	vadd.f32 v10, v9;
	v10 =	vmul.f32 v14, v13  }
0x2e8: {  	v13 =	vld [tilespmem:s0+$0xFFFFFF90];
	v5 =	vadd.f32 v6, v5;
	v6 =	vmul.f32 v53, v52  }
0x2e9: {  	v14 =	vld [tilespmem:s24+$0xFFFFFF90];
	v9 =	vadd.f32 v10, v9;
	v10 =	vmul.f32 v60, v15  }
0x2ea: {  	v15 =	vld [tilespmem:s0+$0xFFFFFFA0];
	v5 =	vadd.f32 v6, v5;
	v6 =	vmul.f32 v55, v54  }
0x2eb: {  	v62 =	vld [tilespmem:s24+$0xFFFFFFA0];
	v9 =	vadd.f32 v10, v9;
	v10 =	vmul.f32 v11, v61  }
0x2ec: {  	v11 =	vld [tilespmem:s0+$0xFFFFFFB0];
	v5 =	vadd.f32 v6, v5;
	v6 =	vmul.f32 v57, v56  }
0x2ed: {  	v63 =	vld [tilespmem:s24+$0xFFFFFFB0];
	v9 =	vadd.f32 v10, v9;
	v10 =	vmul.f32 v13, v12  }
0x2ee: {  	v12 =	vld [tilespmem:s0+$0xFFFFFFC0];
	v5 =	vadd.f32 v6, v5;
	v6 =	vmul.f32 v59, v58  }
0x2ef: {  	v7 =	vmul.f32 v8, v7;
	v8 =	vld [tilespmem:s0+$0xFFFFFFD0];
	v9 =	vadd.f32 v10, v9;
	v10 =	vmul.f32 v15, v14  }
0x2f0: {  	v13 =	vadd.f32 v6, v5;
	v5 =	vld [tilespmem:s24+$0xFFFFFFC0]  }
0x2f1: {  	v6 =	vld [tilespmem:s24+$0xFFFFFFD0];
	v11 =	vmul.f32 v11, v62;
	v10 =	vadd.f32 v10, v9  }
0x2f2: {  	v9 =	vld [tilespmem:s0+$0xFFFFFFE0];
	v13 =	vadd.f32 v7, v13  }
0x2f3: {  	s16 =	simm.s32 $0xC2B0;
	v7 =	vld [tilespmem:s24+$0xFFFFFFE0];
	v12 =	vmul.f32 v12, v63;
	v11 =	vadd.f32 v11, v10  }
0x2f4: {  	s21 =	simm.s32 $0x510;
	s18 =	simm.s32 $0x0;
	v10 =	vld [tilespmem:s0+$0xFFFFFFF0];
	[tilespmem:s16+$0x0] =	vst v13  }
.LBB2_21:
0x2f5: {  	v13 =	vld [tilespmem:s21+$0x0];
	v11 =	vadd.f32 v12, v11;
	v5 =	vmul.f32 v8, v5;
	s0 =	sadd.s32 $0x180, s0  }
0x2f6: {  	v8 =	vld [tilespmem:s0+$0x0]  }
0x2f7: {  	v12 =	vld [tilespmem:s21+$0x10];
	v5 =	vadd.f32 v5, v11;
	v6 =	vmul.f32 v9, v6  }
0x2f8: {  	s18 =	sadd.s32 $0x2, s18;
	v9 =	vld [tilespmem:s0+$0x10]  }
0x2f9: {  	p0 =	slt.u32 s18, $0x2E;
	v11 =	vld [tilespmem:s21+$0x20];
	v5 =	vadd.f32 v6, v5;
	v6 =	vmul.f32 v10, v7  }
0x2fa: {  	v7 =	vld [tilespmem:s0+$0x20]  }
0x2fb: {  	v10 =	vld [tilespmem:s21+$0x30];
	v5 =	vadd.f32 v6, v5  }
0x2fc: {  	v6 =	vld [tilespmem:s0+$0x30]  }
0x2fd: {  	v8 =	vmul.f32 v8, v13;
	v9 =	vmul.f32 v9, v12;
	v12 =	vld [tilespmem:s21+$0x40];
	[tilespmem:s16+$0xFFFFFFF0] =	vst v5  }
0x2fe: {  	v5 =	vld [tilespmem:s0+$0x40]  }
0x2ff: {  	v8 =	vadd.f32 v9, v8;
	v7 =	vmul.f32 v7, v11;
	v9 =	vld [tilespmem:s21+$0x50]  }
0x300: {  	v11 =	vld [tilespmem:s0+$0x50]  }
0x301: {  	v7 =	vadd.f32 v7, v8;
	v6 =	vmul.f32 v6, v10;
	v8 =	vld [tilespmem:s21+$0x60]  }
0x302: {  	v10 =	vld [tilespmem:s0+$0x60]  }
0x303: {  	v6 =	vadd.f32 v6, v7;
	v5 =	vmul.f32 v5, v12;
	v7 =	vld [tilespmem:s21+$0x70]  }
0x304: {  	v12 =	vld [tilespmem:s0+$0x70]  }
0x305: {  	v5 =	vadd.f32 v5, v6;
	v6 =	vmul.f32 v11, v9;
	v9 =	vld [tilespmem:s21+$0x80]  }
0x306: {  	v11 =	vld [tilespmem:s0+$0x80]  }
0x307: {  	v5 =	vadd.f32 v6, v5;
	v6 =	vmul.f32 v10, v8;
	v8 =	vld [tilespmem:s21+$0x90]  }
0x308: {  	v10 =	vld [tilespmem:s0+$0x90]  }
0x309: {  	v5 =	vadd.f32 v6, v5;
	v6 =	vmul.f32 v12, v7;
	v7 =	vld [tilespmem:s21+$0xA0]  }
0x30a: {  	v12 =	vld [tilespmem:s0+$0xA0]  }
0x30b: {  	v5 =	vadd.f32 v6, v5;
	v6 =	vmul.f32 v11, v9;
	v9 =	vld [tilespmem:s21+$0xB0]  }
0x30c: {  	v11 =	vld [tilespmem:s0+$0xB0]  }
0x30d: {  	v13 =	vld [tilespmem:s0+$0xFFFFFF40];
	v5 =	vadd.f32 v6, v5;
	v6 =	vmul.f32 v10, v8  }
0x30e: {  	v8 =	vld [tilespmem:s21+$0xFFFFFF40]  }
0x30f: {  	v10 =	vld [tilespmem:s0+$0xFFFFFF50];
	v5 =	vadd.f32 v6, v5;
	v6 =	vmul.f32 v12, v7  }
0x310: {  	v7 =	vld [tilespmem:s21+$0xFFFFFF30]  }
0x311: {  	v12 =	vld [tilespmem:s21+$0xFFFFFF50];
	v5 =	vadd.f32 v6, v5;
	v6 =	vmul.f32 v11, v9  }
0x312: {  	v9 =	vld [tilespmem:s0+$0xFFFFFF60]  }
0x313: {  	v11 =	vld [tilespmem:s21+$0xFFFFFF60];
	v5 =	vadd.f32 v6, v5  }
0x314: {  	s16 =	sadd.s32 $0x20, s16;
	v6 =	vmul.f32 v10, v8;
	v8 =	vld [tilespmem:s0+$0xFFFFFF70]  }
0x315: {  	s24 =	simm.s32 $0x0;
	s12 =	simm.s32 $0x240;
	s13 =	simm.s32 $0xC5A0;
	v7 =	vmul.f32 v13, v7;
	v10 =	vld [tilespmem:s21+$0xFFFFFF70];
	[tilespmem:s16+$0x0] =	vst v5  }
0x316: {  	v5 =	vld [tilespmem:s0+$0xFFFFFF80]  }
0x317: {  	v6 =	vadd.f32 v6, v7;
	v7 =	vmul.f32 v9, v12;
	v9 =	vld [tilespmem:s21+$0xFFFFFF80]  }
0x318: {  	v12 =	vld [tilespmem:s0+$0xFFFFFF90]  }
0x319: {  	v6 =	vadd.f32 v7, v6;
	v7 =	vmul.f32 v8, v11;
	v8 =	vld [tilespmem:s21+$0xFFFFFF90]  }
0x31a: {  	v11 =	vld [tilespmem:s0+$0xFFFFFFA0]  }
0x31b: {  	v6 =	vadd.f32 v7, v6;
	v5 =	vmul.f32 v5, v10;
	v7 =	vld [tilespmem:s21+$0xFFFFFFA0]  }
0x31c: {  	v10 =	vld [tilespmem:s0+$0xFFFFFFB0]  }
0x31d: {  	v5 =	vadd.f32 v5, v6;
	v6 =	vmul.f32 v12, v9;
	v12 =	vld [tilespmem:s21+$0xFFFFFFB0]  }
0x31e: {  	v13 =	vld [tilespmem:s0+$0xFFFFFFC0]  }
0x31f: {  	v6 =	vadd.f32 v6, v5;
	v9 =	vmul.f32 v11, v8;
	v5 =	vld [tilespmem:s21+$0xFFFFFFC0]  }
.Ltmp9:
0x320: {  	v8 =	vld [tilespmem:s0+$0xFFFFFFD0];
	(pc) =	sbr.rel @p0 .LBB2_21-.Ltmp9, $4  }
0x321: {  	v11 =	vadd.f32 v9, v6;
	v7 =	vmul.f32 v10, v7;
	v6 =	vld [tilespmem:s21+$0xFFFFFFD0]  }
0x322: {  	v9 =	vld [tilespmem:s0+$0xFFFFFFE0]  }
0x323: {  	v11 =	vadd.f32 v7, v11;
	v12 =	vmul.f32 v13, v12;
	v7 =	vld [tilespmem:s21+$0xFFFFFFE0]  }
0x324: {  	s21 =	sadd.s32 $0x1A0, s21;
	v10 =	vld [tilespmem:s0+$0xFFFFFFF0]  }
0x325: {  	v11 =	vadd.f32 v12, v11;
	v5 =	vmul.f32 v8, v5;
	_ =	sdelay $0x1  }
0x326: {  	v5 =	vadd.f32 v5, v11;
	v6 =	vmul.f32 v9, v6;
	_ =	sdelay $0x1  }
0x327: {  	v5 =	vadd.f32 v6, v5;
	v6 =	vmul.f32 v10, v7;
	_ =	sdelay $0x1  }
0x328: {  	v5 =	vadd.f32 v6, v5;
	_ =	sdelay $0x1  }
0x329: {  	s0 =	simm.s32 $0x0;
	[tilespmem:s16+$0xFFFFFFF0] =	vst v5  }
.LBB2_23:
0x32a: {  	v5 =	vor.u32 s0, v4  }
0x32b: {  	v6 =	vshll.u32 v5, $0x4  }
0x32c: {  	v7 =	vor.u32 $0x1, v6;
	_ =	sdelay $0x1  }
0x32d: {  	v8 =	vor.u32 $0x2, v6;
	_ =	sdelay $0x1  }
0x32e: {  	v10 =	vor.u32 $0x3, v6;
	v9 =	vld.idx.msk [tilespmem:v6+s10+$0x0], $0xffff  }
0x32f: {  	v11 =	vld.idx.msk [tilespmem:v7+s10+$0x0], $0xffff  }
0x330: {  	v12 =	vor.u32 $0x4, v6  }
0x331: {  	v8 =	vld.idx.msk [tilespmem:v8+s10+$0x0], $0xffff  }
0x332: {  	v13 =	vor.u32 $0x5, v6  }
0x333: {  	v10 =	vld.idx.msk [tilespmem:v10+s10+$0x0], $0xffff  }
0x334: {  	v51 =	vor.u32 $0x6, v6;
	v9 =	vadd.f32 v11, v9  }
0x335: {  	v12 =	vld.idx.msk [tilespmem:v12+s10+$0x0], $0xffff  }
0x336: {  	v52 =	vor.u32 $0x7, v6;
	v8 =	vadd.f32 v8, v9  }
0x337: {  	v13 =	vld.idx.msk [tilespmem:v13+s10+$0x0], $0xffff  }
0x338: {  	v53 =	vor.u32 $0x8, v6;
	v8 =	vadd.f32 v10, v8  }
0x339: {  	v11 =	vld.idx.msk [tilespmem:v51+s10+$0x0], $0xffff  }
0x33a: {  	v54 =	vor.u32 $0x9, v6;
	v8 =	vadd.f32 v12, v8  }
0x33b: {  	v9 =	vld.idx.msk [tilespmem:v52+s10+$0x0], $0xffff  }
0x33c: {  	v55 =	vor.u32 $0xA, v6;
	v8 =	vadd.f32 v13, v8  }
0x33d: {  	v10 =	vld.idx.msk [tilespmem:v53+s10+$0x0], $0xffff  }
0x33e: {  	v56 =	vor.u32 $0xB, v6;
	v8 =	vadd.f32 v11, v8  }
0x33f: {  	v12 =	vld.idx.msk [tilespmem:v54+s10+$0x0], $0xffff  }
0x340: {  	v57 =	vor.u32 $0xC, v6;
	v8 =	vadd.f32 v9, v8  }
0x341: {  	v13 =	vld.idx.msk [tilespmem:v55+s10+$0x0], $0xffff  }
0x342: {  	v58 =	vor.u32 $0xD, v6;
	v8 =	vadd.f32 v10, v8  }
0x343: {  	v5 =	vmul.u32 $0xD0, v5;
	v11 =	vld.idx.msk [tilespmem:v56+s10+$0x0], $0xffff  }
0x344: {  	v14 =	vor.u32 $0xE, v6;
	v8 =	vadd.f32 v12, v8  }
0x345: {  	v15 =	vadd.s32 $0xC0, v5;
	v9 =	vld.idx.msk [tilespmem:v57+s10+$0x0], $0xffff  }
0x346: {  	v59 =	vor.u32 $0xF, v6;
	v8 =	vadd.f32 v13, v8  }
0x347: {  	v10 =	vld.idx.msk [tilespmem:v58+s10+$0x0], $0xffff  }
0x348: {  	v62 =	vld [tilespmem:s12+$0x0];
	v8 =	vadd.f32 v11, v8  }
0x349: {  	v60 =	vld.idx.msk [tilespmem:v14+s10+$0x0], $0xffff  }
0x34a: {  	v5 =	vadd.s32 $0xC1, v5;
	v61 =	vld.idx.msk [tilespmem:v15+s22+$0x0], $0xffff;
	v8 =	vadd.f32 v9, v8  }
0x34b: {  	v12 =	vld.idx.msk [tilespmem:v59+s10+$0x0], $0xffff  }
0x34c: {  	v8 =	vadd.f32 v10, v8;
	_ =	sdelay $0x1  }
0x34d: {  	v8 =	vadd.f32 v60, v8  }
0x34e: {  	v5 =	vld.idx.msk [tilespmem:v5+s22+$0x0], $0xffff  }
0x34f: {  	v9 =	vmul.f32 v62, v61;
	v8 =	vadd.f32 v12, v8;
	_ =	sdelay $0x1  }
0x350: {  	v8 =	vadd.f32 v9, v8;
	_ =	sdelay $0x1  }
0x351: {  	v5 =	vadd.f32 v8, v5;
	_ =	sdelay $0x1  }
0x352: {  	v5 =	vmul.f32 $7.216878240e-02, v5;
	_ =	sdelay $0x1  }
0x353: {  	v5 =	vmul.f32 $1.442695020e+00, v5;
	_ =	sdelay $0x1  }
0x354: {  	(erf) = vpow2.f32 v5;
	_ =	sdelay $0x6  }
0x355: {  	p0 =	sne.s32 s0, $0x20  }
.Ltmp10:
0x356: {  	_ = 	snop;
	(pc) =	sbr.rel @p0 .LBB2_23-.Ltmp10, $4  }
0x357: {  	v5 =	vpop (erf)  }
0x358: {  	[tilespmem:s13+$0x0] =	vst v5;
	v63 =	vmul.f32 v5, v62  }
0x359: {  	[tilespmem:v6+s11+$0x0] =	vst.idx.msk $0xffff, v5  }
0x35a: {  	s12 =	sadd.s32 $0x10, s12;
	s0 =	sadd.s32 $0x10, s0;
	s13 =	sadd.s32 $0x10, s13;
	[tilespmem:v7+s11+$0x0] =	vst.idx.msk $0xffff, v63  }
0x35b: {  	v5 =	vmov s24  }
0x35c: {  	v5 =	vand.u32 $0xFFFFFFFE, v5  }
0x35d: {  	s0 =	simm.s32 $0x9900;
	v5 =	vbroadcast v5, $0x0  }
0x35e: {  	v6 =	vld [tilespmem:s0+$0xFFFFFFF0]  }
0x35f: {  	v7 =	vld [tilespmem:s0+$0xFFFFFFA0]  }
0x360: {  	v8 =	vld [tilespmem:s0+$0xFFFFFFB0]  }
0x361: {  	v9 =	vld [tilespmem:s0+$0xFFFFFFC0]  }
0x362: {  	v10 =	vld [tilespmem:s0+$0xFFFFFFD0]  }
0x363: {  	v5 =	vld.idx.msk [tilespmem:v5+s14+$0x0], $0xffff  }
0x364: {  	s12 =	simm.s32 $0x1;
	v14 =	vld [tilespmem:s0+$0xFFFFFFE0]  }
0x365: {  	v11 =	vmov s12;
	v12 =	vunpack.i.u.bf16.f32 v6;
	v6 =	vunpack.i.l.bf16.f32 v6  }
0x366: {  	v23 =	vld [tilespmem:s0+$0x10];
	v13 =	vunpack.i.u.bf16.f32 v7;
	v7 =	vunpack.i.l.bf16.f32 v7;
	v16 =	vunpack.i.u.bf16.f32 v8  }
0x367: {  	v27 =	vld [tilespmem:s0+$0x20];
	v18 =	vunpack.i.l.bf16.f32 v8;
	v8 =	vunpack.i.u.bf16.f32 v9;
	v9 =	vunpack.i.l.bf16.f32 v9  }
0x368: {  	v28 =	vld [tilespmem:s0+$0x30];
	v20 =	vunpack.i.l.bf16.f32 v10;
	v6 =	vmul.f32 v6, v5;
	v12 =	vmul.f32 v12, v5  }
0x369: {  	v15 =	vld [tilespmem:s0+$0x0];
	v17 =	vunpack.i.l.bf16.f32 v14;
	v19 =	vmul.f32 v7, v5;
	v22 =	vmul.f32 v13, v5  }
0x36a: {  	v25 =	vld [tilespmem:s0+$0x40];
	v13 =	vunpack.i.u.bf16.f32 v14;
	v21 =	vmul.f32 v18, v5;
	v24 =	vmul.f32 v16, v5  }
0x36b: {  	s18 =	simm.s32 $0x2;
	v26 =	vld [tilespmem:s0+$0x50];
	v7 =	vunpack.i.u.bf16.f32 v23;
	v16 =	vunpack.i.l.bf16.f32 v23;
	v23 =	vmul.f32 v9, v5  }
0x36c: {  	v9 =	vunpack.i.u.bf16.f32 v27;
	v14 =	vunpack.i.l.bf16.f32 v27;
	v27 =	vmov s18  }
0x36d: {  	v18 =	vunpack.i.l.bf16.f32 v28;
	v6 =	vpack.i.f32.bf16 v12, v6;
	v12 =	vunpack.i.u.bf16.f32 v10  }
0x36e: {  	s16 =	simm.s32 $0x9900;
	s12 =	simm.s32 $0x4;
	v10 =	vunpack.i.u.bf16.f32 v15;
	v15 =	vunpack.i.l.bf16.f32 v15;
	[tilespmem:s0+$0xFFFFFFF0] =	vst v6;
	v6 =	vld.idx.msk [tilespmem:v11+s14+$0x0], $0xffff;
	v11 =	vunpack.i.u.bf16.f32 v28  }
.LBB2_25:
0x36f: {  	p0 =	slt.u32 s12, $0x2E;
	v27 =	vand.u32 $0xFFFFFFFE, v27;
	v28 =	vunpack.i.u.bf16.f32 v25;
	v25 =	vunpack.i.l.bf16.f32 v25  }
0x370: {  	v27 =	vbroadcast v27, $0x0;
	v29 =	vunpack.i.u.bf16.f32 v26;
	v26 =	vunpack.i.l.bf16.f32 v26  }
0x371: {  	v19 =	vpack.i.f32.bf16 v22, v19;
	v8 =	vmul.f32 v8, v5;
	v20 =	vmul.f32 v20, v5  }
0x372: {  	v12 =	vmul.f32 v12, v5;
	v17 =	vmul.f32 v17, v5;
	[tilespmem:s0+$0xFFFFFFA0] =	vst v19;
	v19 =	vpack.i.f32.bf16 v24, v21  }
0x373: {  	v5 =	vmul.f32 v13, v5;
	v8 =	vpack.i.f32.bf16 v8, v23;
	v13 =	vmul.f32 v15, v6;
	[tilespmem:s0+$0xFFFFFFB0] =	vst v19  }
0x374: {  	v10 =	vmul.f32 v10, v6;
	s0 =	sadd.s32 $0xC0, s0;
	[tilespmem:s16+$0xFFFFFFC0] =	vst v8;
	v8 =	vpack.i.f32.bf16 v12, v20;
	v12 =	vmul.f32 v16, v6  }
0x375: {  	v7 =	vmul.f32 v7, v6;
	v14 =	vmul.f32 v14, v6;
	v15 =	vld [tilespmem:s0+$0xFFFFFFF0];
	[tilespmem:s16+$0xFFFFFFD0] =	vst v8;
	v8 =	vpack.i.f32.bf16 v5, v17  }
0x376: {  	v9 =	vmul.f32 v9, v6;
	v10 =	vpack.i.f32.bf16 v10, v13;
	v13 =	vmul.f32 v18, v6;
	v5 =	vld.idx.msk [tilespmem:v27+s14+$0x0], $0xffff  }
0x377: {  	v7 =	vpack.i.f32.bf16 v7, v12;
	v16 =	vld [tilespmem:s0+$0xFFFFFFA0];
	[tilespmem:s16+$0xFFFFFFE0] =	vst v8;
	v8 =	vmul.f32 v11, v6;
	v11 =	vmul.f32 v25, v6  }
0x378: {  	v9 =	vpack.i.f32.bf16 v9, v14;
	v14 =	vmul.f32 v26, v6;
	v12 =	vld [tilespmem:s0+$0xFFFFFFB0];
	[tilespmem:s16+$0x0] =	vst v10;
	v10 =	vmul.f32 v28, v6  }
0x379: {  	s13 =	sadd.s32 $0x1, s18;
	s18 =	smov.u32 s12;
	v6 =	vmul.f32 v29, v6;
	v17 =	vld [tilespmem:s0+$0xFFFFFFC0];
	[tilespmem:s16+$0x10] =	vst v7;
	v7 =	vpack.i.f32.bf16 v8, v13  }
0x37a: {  	v18 =	vmov s13;
	v13 =	vld [tilespmem:s0+$0xFFFFFFD0];
	[tilespmem:s16+$0x20] =	vst v9;
	v8 =	vpack.i.f32.bf16 v10, v11  }
0x37b: {  	v10 =	vunpack.i.u.bf16.f32 v15;
	v11 =	vunpack.i.l.bf16.f32 v15;
	v6 =	vpack.i.f32.bf16 v6, v14;
	v9 =	vld [tilespmem:s0+$0xFFFFFFE0];
	[tilespmem:s16+$0x30] =	vst v7  }
0x37c: {  	v11 =	vmul.f32 v11, v5;
	v10 =	vmul.f32 v10, v5;
	v7 =	vunpack.i.u.bf16.f32 v16;
	v14 =	vld [tilespmem:s0+$0x0];
	[tilespmem:s16+$0x40] =	vst v8  }
0x37d: {  	v15 =	vunpack.i.l.bf16.f32 v16;
	v16 =	vunpack.i.u.bf16.f32 v12;
	v21 =	vunpack.i.l.bf16.f32 v12;
	v23 =	vld [tilespmem:s0+$0x10];
	[tilespmem:s16+$0x50] =	vst v6;
	s16 =	smov.u32 s0  }
0x37e: {  	v10 =	vpack.i.f32.bf16 v10, v11;
	v8 =	vunpack.i.u.bf16.f32 v17;
	v6 =	vunpack.i.l.bf16.f32 v17;
	v11 =	vld [tilespmem:s0+$0x20]  }
0x37f: {  	v19 =	vmul.f32 v15, v5;
	v12 =	vunpack.i.u.bf16.f32 v13;
	v20 =	vunpack.i.l.bf16.f32 v13;
	[tilespmem:s0+$0xFFFFFFF0] =	vst v10;
	v28 =	vld [tilespmem:s0+$0x30]  }
.Ltmp11:
0x380: {  	v22 =	vmul.f32 v7, v5;
	v13 =	vunpack.i.u.bf16.f32 v9;
	v17 =	vunpack.i.l.bf16.f32 v9;
	v25 =	vld [tilespmem:s0+$0x40];
	(pc) =	sbr.rel @p0 .LBB2_25-.Ltmp11, $4  }
0x381: {  	v21 =	vmul.f32 v21, v5;
	v10 =	vunpack.i.u.bf16.f32 v14;
	v15 =	vunpack.i.l.bf16.f32 v14;
	v26 =	vld [tilespmem:s0+$0x50]  }
0x382: {  	v24 =	vmul.f32 v16, v5;
	v7 =	vunpack.i.u.bf16.f32 v23;
	v16 =	vunpack.i.l.bf16.f32 v23  }
0x383: {  	v23 =	vmul.f32 v6, v5;
	v6 =	vld.idx.msk [tilespmem:v18+s14+$0x0], $0xffff;
	v9 =	vunpack.i.u.bf16.f32 v11;
	v14 =	vunpack.i.l.bf16.f32 v11  }
0x384: {  	s12 =	sadd.s32 $0x2, s12;
	v27 =	vmov s18;
	v11 =	vunpack.i.u.bf16.f32 v28;
	v18 =	vunpack.i.l.bf16.f32 v28  }
0x385: {  	v27 =	vand.u32 $0xFFFFFFFE, v27;
	v28 =	vunpack.i.u.bf16.f32 v25;
	v48 =	vunpack.i.l.bf16.f32 v25  }
0x386: {  	v19 =	vpack.i.f32.bf16 v22, v19;
	v8 =	vmul.f32 v8, v5;
	v20 =	vmul.f32 v20, v5;
	s21 =	sadd.s32 $0xC0, s0  }
0x387: {  	v21 =	vpack.i.f32.bf16 v24, v21;
	v12 =	vmul.f32 v12, v5;
	v17 =	vmul.f32 v17, v5;
	v51 =	vld [tilespmem:s21+$0xFFFFFFF0]  }
0x388: {  	v5 =	vmul.f32 v13, v5;
	v27 =	vbroadcast v27, $0x0;
	v29 =	vunpack.i.u.bf16.f32 v26;
	v52 =	vld [tilespmem:s21+$0xFFFFFFA0]  }
0x389: {  	s12 =	sadd.s32 $0x1, s18;
	v49 =	vunpack.i.l.bf16.f32 v26;
	v53 =	vld [tilespmem:s21+$0xFFFFFFB0];
	v15 =	vmul.f32 v15, v6;
	v10 =	vmul.f32 v10, v6  }
0x38a: {  	v50 =	vmov s12;
	v54 =	vld [tilespmem:s21+$0xFFFFFFC0];
	v16 =	vmul.f32 v16, v6;
	v7 =	vmul.f32 v7, v6  }
0x38b: {  	v57 =	vld [tilespmem:s21+$0xFFFFFFD0];
	v8 =	vpack.i.f32.bf16 v8, v23;
	v14 =	vmul.f32 v14, v6;
	v9 =	vmul.f32 v9, v6  }
0x38c: {  	v59 =	vld [tilespmem:s21+$0xFFFFFFE0];
	v12 =	vpack.i.f32.bf16 v12, v20;
	v18 =	vmul.f32 v18, v6;
	v11 =	vmul.f32 v11, v6  }
0x38d: {  	v61 =	vld [tilespmem:s21+$0x0];
	v5 =	vpack.i.f32.bf16 v5, v17;
	v55 =	vmul.f32 v48, v6;
	v56 =	vmul.f32 v28, v6  }
0x38e: {  	v63 =	vld [tilespmem:s21+$0x10];
	v58 =	vmul.f32 v49, v6;
	v6 =	vmul.f32 v29, v6;
	v10 =	vpack.i.f32.bf16 v10, v15  }
0x38f: {  	v33 =	vld [tilespmem:s21+$0x20];
	v7 =	vpack.i.f32.bf16 v7, v16;
	v9 =	vpack.i.f32.bf16 v9, v14;
	v11 =	vpack.i.f32.bf16 v11, v18  }
0x390: {  	[tilespmem:s0+$0xFFFFFFA0] =	vst v19;
	v36 =	vld [tilespmem:s21+$0x30];
	v14 =	vpack.i.f32.bf16 v56, v55;
	v6 =	vpack.i.f32.bf16 v6, v58;
	v60 =	vunpack.i.u.bf16.f32 v51  }
0x391: {  	[tilespmem:s0+$0xFFFFFFB0] =	vst v21;
	v39 =	vld [tilespmem:s21+$0x40];
	v13 =	vunpack.i.l.bf16.f32 v51;
	v62 =	vunpack.i.u.bf16.f32 v52;
	v17 =	vunpack.i.l.bf16.f32 v52  }
0x392: {  	[tilespmem:s16+$0xFFFFFFC0] =	vst v8;
	v32 =	vunpack.i.u.bf16.f32 v53;
	v34 =	vunpack.i.l.bf16.f32 v53;
	v35 =	vunpack.i.u.bf16.f32 v54;
	v48 =	vld.idx.msk [tilespmem:v50+s14+$0x0], $0xffff  }
0x393: {  	v42 =	vld [tilespmem:s21+$0x50];
	[tilespmem:s16+$0xFFFFFFD0] =	vst v12;
	v16 =	vunpack.i.l.bf16.f32 v54;
	v38 =	vunpack.i.u.bf16.f32 v57;
	v40 =	vunpack.i.l.bf16.f32 v57  }
0x394: {  	v41 =	vunpack.i.u.bf16.f32 v59;
	[tilespmem:s16+$0x10] =	vst v7;
	v7 =	vunpack.i.l.bf16.f32 v59;
	v43 =	vunpack.i.u.bf16.f32 v61;
	v20 =	vld.idx.msk [tilespmem:v27+s14+$0x0], $0xffff  }
0x395: {  	[tilespmem:s16+$0xFFFFFFE0] =	vst v5;
	v44 =	vunpack.i.l.bf16.f32 v61;
	v45 =	vunpack.i.u.bf16.f32 v63;
	v46 =	vunpack.i.l.bf16.f32 v63  }
0x396: {  	[tilespmem:s16+$0x20] =	vst v9;
	v47 =	vunpack.i.u.bf16.f32 v33;
	v49 =	vunpack.i.l.bf16.f32 v33;
	v50 =	vunpack.i.u.bf16.f32 v36  }
0x397: {  	[tilespmem:s16+$0x50] =	vst v6;
	v6 =	vunpack.i.u.bf16.f32 v39;
	v9 =	vmul.f32 v44, v48;
	v57 =	vmul.f32 v43, v48  }
0x398: {  	[tilespmem:s16+$0x30] =	vst v11;
	v51 =	vunpack.i.u.bf16.f32 v42;
	v11 =	vmul.f32 v46, v48;
	v58 =	vmul.f32 v45, v48  }
0x399: {  	[tilespmem:s16+$0x0] =	vst v10;
	v27 =	vunpack.i.l.bf16.f32 v36;
	v13 =	vmul.f32 v13, v20;
	v31 =	vmul.f32 v60, v20  }
0x39a: {  	[tilespmem:s16+$0x40] =	vst v14;
	v37 =	vmul.f32 v17, v20;
	v21 =	vmul.f32 v62, v20;
	v9 =	vpack.i.f32.bf16 v57, v9  }
0x39b: {  	v12 =	vmul.f32 v34, v20;
	v19 =	vmul.f32 v32, v20;
	v5 =	vpack.i.f32.bf16 v31, v13;
	[tilespmem:s21+$0x0] =	vst v9  }
0x39c: {  	v16 =	vmul.f32 v16, v20;
	v15 =	vmul.f32 v35, v20;
	v8 =	vpack.i.f32.bf16 v21, v37;
	[tilespmem:s21+$0xFFFFFFF0] =	vst v5  }
0x39d: {  	v10 =	vmul.f32 v40, v20;
	v53 =	vmul.f32 v38, v20;
	v52 =	vpack.i.f32.bf16 v19, v12;
	[tilespmem:s21+$0xFFFFFFA0] =	vst v8  }
0x39e: {  	v7 =	vmul.f32 v7, v20;
	v55 =	vmul.f32 v41, v20;
	v54 =	vpack.i.f32.bf16 v15, v16;
	[tilespmem:s21+$0xFFFFFFB0] =	vst v52  }
0x39f: {  	v59 =	vmul.f32 v49, v48;
	v60 =	vmul.f32 v47, v48;
	v56 =	vpack.i.f32.bf16 v53, v10;
	[tilespmem:s21+$0xFFFFFFC0] =	vst v54  }
0x3a0: {  	v61 =	vmul.f32 v50, v48;
	v17 =	vunpack.i.l.bf16.f32 v39;
	v7 =	vpack.i.f32.bf16 v55, v7;
	[tilespmem:s21+$0xFFFFFFD0] =	vst v56  }
0x3a1: {  	v6 =	vmul.f32 v6, v48;
	v62 =	vmul.f32 v17, v48;
	v10 =	vpack.i.f32.bf16 v60, v59;
	[tilespmem:s21+$0xFFFFFFE0] =	vst v7  }
0x3a2: {  	v5 =	vunpack.i.l.bf16.f32 v42;
	v7 =	vmul.f32 v27, v48;
	v8 =	vpack.i.f32.bf16 v58, v11;
	[tilespmem:s21+$0x20] =	vst v10  }
0x3a3: {  	s15 =	sadd.s32 $0x1, s15;
	v63 =	vmul.f32 v51, v48;
	v6 =	vpack.i.f32.bf16 v6, v62;
	[tilespmem:s21+$0x10] =	vst v8;
	v5 =	vmul.f32 v5, v48  }
0x3a4: {  	p0 =	sne.s32 s15, $0x68;
	[tilespmem:s21+$0x40] =	vst v6;
	v7 =	vpack.i.f32.bf16 v61, v7  }
.Ltmp12:
0x3a5: {  	[tilespmem:s21+$0x30] =	vst v7;
	v5 =	vpack.i.f32.bf16 v63, v5;
	(pc) =	sbr.rel @p0 .LBB2_14-.Ltmp12, $4  }
0x3a6: {  	s24 =	simm.s32 $0x120;
	[tilespmem:s21+$0x50] =	vst v5  }
0x3a7: {  	[spmem:s2] =	stream.indirect.scatter.add.bf16 [tilespmem:s29], [sflag:$0x5], $0x60, s24, s20, $0xb8;
	[tilespmem:$0x1DEB0] =	vst v63  }
0x3a8: {  	_ = 	snop  }
0x3a9: {  	[spmem:s3] =	stream.indirect.scatter.add.f32 [tilespmem:s11], [sflag:$0x5], $0x10, s24, s20, $0xb8;
	[tilespmem:$0x1DEB0] =	vst v63  }
0x3aa: {  	_ =	swait.ge [sflag:s31], $0x1200  }
0x3ab: {  	[sflag:s31] =	ssyncset.done $0x0  }
0x3ac: {  	[sflag:s31] =	ssyncadd.s32 $0xFFFFEE00  }
0x3ad: {  	_ =	swait.ge [sflag:s31], $0x300  }
0x3ae: {  	[sflag:s31] =	ssyncset.done $0x0  }
0x3af: {  	s29 =	simm.s32 $0x6;
	[sflag:s31] =	ssyncadd.s32 $0xFFFFFD00  }
0x3b0: {  	_ =	swait.ge [sflag:s29], $0x1200  }
0x3b1: {  	[sflag:s29] =	ssyncset.done $0x0  }
0x3b2: {  	[sflag:s29] =	ssyncadd.s32 $0xFFFFEE00  }
0x3b3: {  	_ =	swait.ge [sflag:s29], $0x300  }
0x3b4: {  	s4 =	smov.u32 s25;
	[sflag:s29] =	ssyncset.done $0x0  }
0x3b5: {  	s25 =	smov.u32 s3;
	s0 =	sadd.s32 $0x0, s5;
	[sflag:s29] =	ssyncadd.s32 $0xFFFFFD00  }
0x3b6: {  	s3 =	smov.u32 s1;
	p0 =	sgt.u32 s0, $0x270;
	[bflag:$0x0] =	sbarrier.arrive $0xFFFF  }
0x3b7: {  	s0 =	sshll.u32 @!p0 s5, $0x6;
	s15 =	simm.s32 @!p0 $0x8;
	s1 =	rddreg [dreg:$0x9]  }
0x3b8: {  	s12 =	sor.u32 @!p0 $0x1C08, s0;
	s16 =	rddreg [dreg:$0xc];
	s13 =	sshrl.u32 @!p0 s1, $0x3  }
0x3b9: {  	[hbm:s16], [sflag:s12] =	dma.local @!p0 [spmem:s13], $0xC0  }
0x3ba: {  	s28 =	smov.u32 s23;
	s23 =	smov.u32 s2;
	_ =	swait.ge @!p0 [sflag:s15], $0xC0  }
0x3bb: {  	s21 =	sadd.s32 $0x10, s5;
	s18 =	simm.s32 @!p0 $0x7;
	s2 =	rddreg [dreg:$0xa]  }
0x3bc: {  	s12 =	sor.u32 @!p0 $0x1C07, s0;
	[sflag:s15] =	ssyncset.done @!p0 $0x0;
	s0 =	sadd.s32 $0x1000, s2  }
0x3bd: {  	[sflag:s15] =	ssyncadd.s32 @!p0 $0xFFFFFF40;
	s15 =	sshrl.u32 @!p0 s2, $0x3;
	s2 =	rddreg [dreg:$0xb]  }
0x3be: {  	[hbm:s2], [sflag:s12] =	dma.local @!p0 [spmem:s15], $0x20  }
0x3bf: {  	s13 =	simm.s32 $0x20;
	s15 =	sadd.s32 $0xC00, s16;
	_ =	swait.ge @!p0 [sflag:s18], $0x20  }
0x3c0: {  	s16 =	sadd.s32 $0x6000, s1;
	s12 =	sadd.s32 $0x200, s2;
	[sflag:s18] =	ssyncset.done @!p0 $0x0  }
.LBB2_28:
0x3c1: {  	[sflag:s18] =	ssyncadd.s32 @!p0 $0xFFFFFFE0;
	p0 =	sgt.u32 s21, $0x270  }
0x3c2: {  	s21 =	smov.u32 s13;
	s13 =	sadd.s32 $0x10, s13;
	s18 =	smov.u32 s0  }
0x3c3: {  	p1 =	sne.s32 s13, $0x280;
	s24 =	sshll.u32 @!p0 s5, $0x6  }
0x3c4: {  	s1 =	sshrl.u32 @!p0 s16, $0x3;
	s2 =	simm.s32 @!p0 $0x8;
	s29 =	sor.u32 @!p0 $0x1C08, s24  }
0x3c5: {  	[hbm:s15], [sflag:s29] =	dma.local @!p0 [spmem:s1], $0xC0  }
0x3c6: {  	s1 =	sor.u32 @!p0 $0x1C07, s24;
	_ =	swait.ge @!p0 [sflag:s2], $0xC0  }
.Ltmp13:
0x3c7: {  	s0 =	sadd.s32 $0x1000, s0;
	[sflag:s2] =	ssyncset.done @!p0 $0x0;
	(pc) =	sbr.rel @p1 .LBB2_28-.Ltmp13, $4  }
0x3c8: {  	[sflag:s2] =	ssyncadd.s32 @!p0 $0xFFFFFF40;
	s2 =	sshrl.u32 @!p0 s18, $0x3;
	s18 =	simm.s32 @!p0 $0x7  }
0x3c9: {  	[hbm:s12], [sflag:s1] =	dma.local @!p0 [spmem:s2], $0x20  }
0x3ca: {  	s16 =	sadd.s32 $0x6000, s16;
	s15 =	sadd.s32 $0xC00, s15;
	_ =	swait.ge @!p0 [sflag:s18], $0x20  }
0x3cb: {  	s21 =	sadd.s32 s21, s5;
	s12 =	sadd.s32 $0x200, s12;
	[sflag:s18] =	ssyncset.done @!p0 $0x0  }
0x3cc: {  	p1 =	sgt.u32 s21, $0x270  }
0x3cd: {  	[sflag:s18] =	ssyncadd.s32 @!p0 $0xFFFFFFE0;
	s1 =	sshll.u32 @!p1 s5, $0x6  }
0x3ce: {  	s13 =	sshrl.u32 @!p1 s16, $0x3;
	s16 =	simm.s32 @!p1 $0x8;
	s2 =	sor.u32 @!p1 $0x1C08, s1  }
0x3cf: {  	[hbm:s15], [sflag:s2] =	dma.local @!p1 [spmem:s13], $0xC0  }
0x3d0: {  	_ =	swait.ge @!p1 [sflag:s16], $0xC0  }
0x3d1: {  	s0 =	sshrl.u32 @!p1 s0, $0x3;
	[sflag:s16] =	ssyncset.done @!p1 $0x0  }
0x3d2: {  	s1 =	sor.u32 @!p1 $0x1C07, s1;
	s2 =	simm.s32 @!p1 $0x7;
	[sflag:s16] =	ssyncadd.s32 @!p1 $0xFFFFFF40  }
0x3d3: {  	[hbm:s12], [sflag:s1] =	dma.local @!p1 [spmem:s0], $0x20  }
0x3d4: {  	_ =	swait.ge @!p1 [sflag:s2], $0x20  }
0x3d5: {  	s21 =	rddreg [dreg:$0xd]  }
0x3d6: {  	s24 =	rddreg [dreg:$0x8];
	s12 =	sadd.s32 $0x1, s21  }
0x3d7: {  	p0 =	sne.s32 s12, s24  }
.Ltmp14:
0x3d8: {  	_ = 	snop;
	(pc) =	sbr.rel @p0 .LBB2_1-.Ltmp14, $4  }
0x3d9: {  	_ = 	snop  }
0x3da: {  	s29 =	simm.s32 $0x98A0;
	s1 =	smov.u32 s3;
	[sflag:s2] =	ssyncset.done @!p1 $0x0  }
0x3db: {  	s3 =	smov.u32 s25;
	s25 =	smov.u32 s4;
	[sflag:s2] =	ssyncadd.s32 @!p1 $0xFFFFFFE0  }
0x3dc: {  	s2 =	smov.u32 s23;
	s23 =	smov.u32 s28;
	s28 =	simm.s32 $0x1E0  }
0x3dd: {  	_ =	sfence.sel $0x180000  }
0x3de: {  	[bflag:$0x0] =	sbarrier.arrive $0xFFFF  }
0x3df: {  	_ =	strace $0x90000047  }
0x3e0: {  	[bflag:$0x2] =	sbarrier.arrive $0xFFFF  }
0x3e1: {  	p0 =	sne.s32 s5, $0x0;
	s0 =	rddreg [dreg:$0x4]  }
0x3e2: {  	s0 =	sadd.s32 @!p0 $0x100000, s0  }
0x3e3: {  	[sflag:s0] =	ssyncadd.tile.s32 @!p0 $0x1;
	_ =	shalt  }
.Lfunc_end2:
_tile_overlayer_lowered:
.L_overlay_start_2:
0x3e4: {  	(tag) =	ssettag $0x2  }
0x3e5: {  	s0 =	rddreg [dreg:$0x0];
	s2 =	stileid.u32  }
0x3e6: {  	s1 =	rddreg [dreg:$0x1];
	p0 =	sne.s32 s2, $0x0  }
0x3e7: {  	s3 =	rddreg [dreg:$0x2];
	[bflag:$0x3] =	sbarrier.arrive $0xFFFF;
	s2 =	simm.s32 @!p0 $0x1C07  }
0x3e8: {  	[timem:s3], [sflag:s2] =	dma.local @!p0 [hbm:s0], s1  }
0x3e9: {  	s0 =	simm.s32 @!p0 $0x7  }
0x3ea: {  	_ =	swait.ge @!p0 [sflag:s0], s1  }
0x3eb: {  	s1 =	ssub.s32 @!p0 $0x0, s1;
	[sflag:s0] =	ssyncset.done @!p0 $0x0  }
0x3ec: {  	[sflag:s0] =	ssyncadd.s32 @!p0 s1  }
0x3ed: {  	[bflag:$0x3] =	sbarrier.arrive $0xFFFF  }
0x3ee: {  	_ =	shalt  }

</sc_bundles>
